<compile_context>
chip_gen: v7x
topology: tpu7x:2x2x1
jax: 0.10.2.dev20260603
libtpu: 0.0.44.dev20260713+nightly
codegen_flags: <defaults>
</compile_context>

<pallas_src>
import jax
import jax.numpy as jnp
from jax import lax
from jax.experimental import pallas as pl
from jax.experimental.pallas import tpu as pltpu
from jax.experimental.pallas import tpu_sc as plsc

N = 10000
D = 256
EL = 4096
NC = 2
NS = 16
CHUNK = 128
ROWS_ACC = 10112
TPR = ROWS_ACC // NS
EPT = 10240
EPAD = NS * EPT
NCHUNK = EPT // CHUNK
NCHP = NCHUNK + 2
SPW = NCHP * CHUNK
RB = 1000


def _sc_mesh():
    return plsc.VectorSubcoreMesh(core_axis_name="c", subcore_axis_name="s",
                                  num_cores=NC, num_subcores=NS)


def _mm_body(x_ref, w_ref, yt_ref, r_ref):
    t = jnp.dot(x_ref[...], w_ref[...], preferred_element_type=jnp.float32)
    yt_ref[0] = t[:, :128]
    yt_ref[1] = t[:, 128:256]
    r_ref[...] = t[:, 256:]


def _mm(x, w):
    return pl.pallas_call(
        _mm_body,
        grid=(N // RB,),
        in_specs=[
            pl.BlockSpec((RB, D), lambda i: (i, 0)),
            pl.BlockSpec((D, 2 * D), lambda i: (0, 0)),
        ],
        out_specs=[
            pl.BlockSpec((2, RB, 128), lambda i: (0, i, 0)),
            pl.BlockSpec((RB, D), lambda i: (i, 0)),
        ],
        out_shape=[
            jax.ShapeDtypeStruct((2, N, 128), jnp.float32),
            jax.ShapeDtypeStruct((N, D), jnp.float32),
        ],
    )(x, w)


def _comb_body(s_ref, c_ref, r_ref, b_ref, h_ref):
    s = jnp.concatenate([s_ref[0], s_ref[1]], axis=1)
    inv = 1.0 / jnp.maximum(c_ref[:, 0:1], 1.0)
    h_ref[...] = s * inv + r_ref[...] + b_ref[0:1, :]


def _combine(summed, cnt, r, b8):
    return pl.pallas_call(
        _comb_body,
        grid=(N // RB,),
        in_specs=[
            pl.BlockSpec((2, RB, 128), lambda i: (0, i, 0)),
            pl.BlockSpec((RB, 128), lambda i: (i, 0)),
            pl.BlockSpec((RB, D), lambda i: (i, 0)),
            pl.BlockSpec((8, D), lambda i: (0, 0)),
        ],
        out_specs=pl.BlockSpec((RB, D), lambda i: (i, 0)),
        out_shape=jax.ShapeDtypeStruct((N, D), jnp.float32),
    )(summed, cnt, r, b8)


def _agg_body(yt_hbm, src2_hbm, dst_hbm, zeros_hbm, out_hbm,
              idx_s, dst_a, dst_b, rows_a, rows_b, acc,
              sem_ar, sem_ad, sem_br, sem_bd):
    c = lax.axis_index("c")
    s = lax.axis_index("s")
    pltpu.sync_copy(src2_hbm.at[c, s], idx_s)
    pltpu.sync_copy(zeros_hbm.at[pl.ds(s * TPR, TPR)],
                    acc.at[pl.ds(s * TPR, TPR)])
    plsc.subcore_barrier()
    base = s * SPW

    pltpu.async_copy(dst_hbm.at[pl.ds(base, CHUNK)], dst_a, sem_ad)
    pltpu.async_copy(dst_hbm.at[pl.ds(base + CHUNK, CHUNK)], dst_b, sem_bd)
    pltpu.async_copy(yt_hbm.at[idx_s.at[0]], rows_a, sem_ar)
    pltpu.async_copy(yt_hbm.at[idx_s.at[1]], rows_b, sem_br)

    def body(i, carry):
        pltpu.make_async_copy(zeros_hbm.at[pl.ds(0, CHUNK)], rows_a, sem_ar).wait()
        pltpu.make_async_copy(dst_hbm.at[pl.ds(0, CHUNK)], dst_a, sem_ad).wait()
        pltpu.sync_copy(rows_a, acc.at[dst_a], add=True)
        pltpu.async_copy(yt_hbm.at[idx_s.at[2 * i + 2]], rows_a, sem_ar)
        pltpu.async_copy(dst_hbm.at[pl.ds(base + (2 * i + 2) * CHUNK, CHUNK)],
                         dst_a, sem_ad)
        pltpu.make_async_copy(zeros_hbm.at[pl.ds(0, CHUNK)], rows_b, sem_br).wait()
        pltpu.make_async_copy(dst_hbm.at[pl.ds(0, CHUNK)], dst_b, sem_bd).wait()
        pltpu.sync_copy(rows_b, acc.at[dst_b], add=True)
        pltpu.async_copy(yt_hbm.at[idx_s.at[2 * i + 3]], rows_b, sem_br)
        pltpu.async_copy(dst_hbm.at[pl.ds(base + (2 * i + 3) * CHUNK, CHUNK)],
                         dst_b, sem_bd)
        return carry

    lax.fori_loop(0, NCHUNK // 2, body, 0)
    pltpu.make_async_copy(zeros_hbm.at[pl.ds(0, CHUNK)], rows_a, sem_ar).wait()
    pltpu.make_async_copy(zeros_hbm.at[pl.ds(0, CHUNK)], rows_b, sem_br).wait()
    pltpu.make_async_copy(dst_hbm.at[pl.ds(0, CHUNK)], dst_a, sem_ad).wait()
    pltpu.make_async_copy(dst_hbm.at[pl.ds(0, CHUNK)], dst_b, sem_bd).wait()
    plsc.subcore_barrier()
    pltpu.sync_copy(acc.at[pl.ds(s * TPR, TPR)],
                    out_hbm.at[c, pl.ds(s * TPR, TPR)])


def _agg(yt_flat, src2, dst3, zeros):
    f = pl.kernel(
        _agg_body,
        out_type=jax.ShapeDtypeStruct((NC, ROWS_ACC, 128), jnp.float32),
        mesh=_sc_mesh(),
        scratch_types=[
            pltpu.VMEM((NCHP, CHUNK), jnp.int32),
            pltpu.VMEM((CHUNK,), jnp.int32),
            pltpu.VMEM((CHUNK,), jnp.int32),
            pltpu.VMEM((CHUNK, 128), jnp.float32),
            pltpu.VMEM((CHUNK, 128), jnp.float32),
            pltpu.VMEM_SHARED((ROWS_ACC, 128), jnp.float32),
            pltpu.SemaphoreType.DMA,
            pltpu.SemaphoreType.DMA,
            pltpu.SemaphoreType.DMA,
            pltpu.SemaphoreType.DMA,
        ],
    )
    return f(yt_flat, src2, dst3, zeros)


def _cnt_body(dst_hbm, ones_hbm, zeros_hbm, out_hbm, idx_d, ones_v, acc):
    c = lax.axis_index("c")
    s = lax.axis_index("s")

    @pl.when(c == 0)
    def _():
        pltpu.sync_copy(ones_hbm, ones_v)
        pltpu.sync_copy(zeros_hbm.at[pl.ds(s * TPR, TPR)],
                        acc.at[pl.ds(s * TPR, TPR)])
        plsc.subcore_barrier()
        base = s * SPW

        def body(i, carry):
            pltpu.sync_copy(dst_hbm.at[pl.ds(base + i * CHUNK, CHUNK)], idx_d)
            pltpu.sync_copy(ones_v, acc.at[idx_d], add=True)
            return carry

        lax.fori_loop(0, NCHUNK, body, 0)
        plsc.subcore_barrier()
        pltpu.sync_copy(acc.at[pl.ds(s * TPR, TPR)],
                        out_hbm.at[pl.ds(s * TPR, TPR)])


def _cnt(dst_flat, ones128, zeros):
    f = pl.kernel(
        _cnt_body,
        out_type=jax.ShapeDtypeStruct((ROWS_ACC, 128), jnp.float32),
        mesh=_sc_mesh(),
        scratch_types=[
            pltpu.VMEM((CHUNK,), jnp.int32),
            pltpu.VMEM((CHUNK, 128), jnp.float32),
            pltpu.VMEM_SHARED((ROWS_ACC, 128), jnp.float32),
        ],
    )
    return f(dst_flat, ones128, zeros)


_ELT = EL // (NC * NS)


def _link_gather_body(hu_hbm, hi_hbm, el_hbm, gu_hbm, gi_hbm,
                      idx_u, idx_v, gu, gi, sem):
    c = lax.axis_index("c")
    s = lax.axis_index("s")
    wid = s * NC + c
    base = wid * _ELT
    pltpu.sync_copy(el_hbm.at[0, pl.ds(base, _ELT)], idx_u)
    pltpu.sync_copy(el_hbm.at[1, pl.ds(base, _ELT)], idx_v)
    pltpu.async_copy(hu_hbm.at[idx_u], gu, sem).wait()
    pltpu.async_copy(hi_hbm.at[idx_v], gi, sem).wait()
    pltpu.sync_copy(gu, gu_hbm.at[pl.ds(base, _ELT)])
    pltpu.sync_copy(gi, gi_hbm.at[pl.ds(base, _ELT)])


def _dot_body(gu_ref, gi_ref, o_ref):
    s = jnp.sum(gu_ref[...] * gi_ref[...], axis=1)
    o_ref[...] = jnp.broadcast_to(s[:, None], o_ref.shape)


def _link(hu, hi, el):
    f = pl.kernel(
        _link_gather_body,
        out_type=[
            jax.ShapeDtypeStruct((EL, D), jnp.float32),
            jax.ShapeDtypeStruct((EL, D), jnp.float32),
        ],
        mesh=_sc_mesh(),
        scratch_types=[
            pltpu.VMEM((_ELT,), jnp.int32),
            pltpu.VMEM((_ELT,), jnp.int32),
            pltpu.VMEM((_ELT, D), jnp.float32),
            pltpu.VMEM((_ELT, D), jnp.float32),
            pltpu.SemaphoreType.DMA,
        ],
    )
    gu, gi = f(hu, hi, el)
    pw = pl.pallas_call(
        _dot_body,
        grid=(EL // 512,),
        in_specs=[
            pl.BlockSpec((512, D), lambda i: (i, 0)),
            pl.BlockSpec((512, D), lambda i: (i, 0)),
        ],
        out_specs=pl.BlockSpec((512, 8), lambda i: (i, 0)),
        out_shape=jax.ShapeDtypeStruct((EL, 8), jnp.float32),
    )(gu, gi)
    return pw[:, 0]


def _prep_edges(ei):
    e = ei.shape[1]
    pad = EPAD - e
    src = jnp.concatenate([ei[0], jnp.zeros((pad,), jnp.int32)])
    dst = jnp.concatenate([ei[1], jnp.full((pad,), N, jnp.int32)])
    src3 = src.reshape(NS, NCHUNK, CHUNK)
    src3 = jnp.pad(src3, ((0, 0), (0, 2), (0, 0)))
    src2 = jnp.stack([src3, src3 + N]).reshape(NC, NS, NCHP, CHUNK)
    dst3 = dst.reshape(NS, NCHUNK, CHUNK)
    dst_flat = jnp.pad(dst3, ((0, 0), (0, 2), (0, 0)),
                       constant_values=N).reshape(NS * SPW)
    return src2, dst_flat


def kernel(x_user, x_item, edge_index_u2i, edge_index_i2u, edge_label_index, params):
    src2_ui, dst_ui = _prep_edges(edge_index_u2i)
    src2_iu, dst_iu = _prep_edges(edge_index_i2u)
    zeros = jnp.zeros((ROWS_ACC, 128), jnp.float32)
    ones128 = jnp.ones((CHUNK, 128), jnp.float32)

    cnt_i = _cnt(dst_ui, ones128, zeros)
    cnt_u = _cnt(dst_iu, ones128, zeros)

    def layer(hu, hi, lp):
        wu = jnp.concatenate([lp["u2i"]["Wl"], lp["i2u"]["Wr"]], axis=1)
        wi = jnp.concatenate([lp["i2u"]["Wl"], lp["u2i"]["Wr"]], axis=1)
        ytu, ru = _mm(hu, wu)
        yti, ri = _mm(hi, wi)
        sum_i = _agg(ytu.reshape(2 * N, 128), src2_ui, dst_ui, zeros)
        sum_u = _agg(yti.reshape(2 * N, 128), src2_iu, dst_iu, zeros)
        b_ui = jnp.broadcast_to(lp["u2i"]["bl"], (8, D))
        b_iu = jnp.broadcast_to(lp["i2u"]["bl"], (8, D))
        hi_new = _combine(sum_i, cnt_i, ri, b_ui)
        hu_new = _combine(sum_u, cnt_u, ru, b_iu)
        return hu_new, hi_new

    hu, hi = x_user, x_item
    for name in ["enc0", "enc1"]:
        hu, hi = layer(hu, hi, params[name])
    fu, fi = hu, hi
    for name in ["dec0", "decL"]:
        fu, fi = layer(fu, fi, params[name])
    pred = _link(hu, hi, edge_label_index)
    return (hu, hi, fu, fi, pred)

# --- scband reference (transcript-rebuilt; emitter-appended) ---
"""Pipeline reference for scband-graph-bean-35871566856987 (READ-ONLY COPY).

The authoritative reference and input builder live on the scoring server;
editing this copy changes nothing except your own understanding.
"""

import jax, jax.numpy as jnp
import numpy as np

N_USER = 10000
N_ITEM = 10000
E = 160000
D = 256
H = 256
OUT = 256
EL = 4096


def _sage_params(key, din_src, din_dst, dout):
    k1, k2 = jax.random.split(key)
    return {
        "Wl": jax.random.normal(k1, (din_src, dout), dtype=jnp.float32) * 0.05,
        "bl": jnp.zeros((dout,), dtype=jnp.float32),
        "Wr": jax.random.normal(k2, (din_dst, dout), dtype=jnp.float32) * 0.05,
    }


def setup_inputs(seed: int = 0) -> dict:
    key = jax.random.key(seed)
    ks = jax.random.split(key, 16)
    x_user = jax.random.normal(ks[0], (N_USER, D), dtype=jnp.float32)
    x_item = jax.random.normal(ks[1], (N_ITEM, D), dtype=jnp.float32)
    edge_index_u2i = jnp.stack([
        jax.random.randint(ks[2], (E,), 0, N_USER),
        jax.random.randint(ks[3], (E,), 0, N_ITEM),
    ]).astype(jnp.int32)
    edge_index_i2u = jnp.stack([
        jax.random.randint(ks[4], (E,), 0, N_ITEM),
        jax.random.randint(ks[5], (E,), 0, N_USER),
    ]).astype(jnp.int32)
    edge_label_index = jnp.stack([
        jax.random.randint(ks[6], (EL,), 0, N_USER),
        jax.random.randint(ks[7], (EL,), 0, N_ITEM),
    ]).astype(jnp.int32)
    params = {
        "enc0": {"u2i": _sage_params(ks[8], D, D, H), "i2u": _sage_params(ks[9], D, D, H)},
        "enc1": {"u2i": _sage_params(ks[10], H, H, H), "i2u": _sage_params(ks[11], H, H, H)},
        "dec0": {"u2i": _sage_params(ks[12], H, H, H), "i2u": _sage_params(ks[13], H, H, H)},
        "decL": {"u2i": _sage_params(ks[14], H, H, OUT), "i2u": _sage_params(ks[15], H, H, OUT)},
    }
    return {
        "x_user": x_user,
        "x_item": x_item,
        "edge_index_u2i": edge_index_u2i,
        "edge_index_i2u": edge_index_i2u,
        "edge_label_index": edge_label_index,
        "params": params,
    }


def _sage_conv(x_src, x_dst, edge_index, p):
    # PyG SAGEConv: out = lin_l(mean_{j in N(i)} x_j) + lin_r(x_i); lin_l has bias, lin_r does not
    src = edge_index[0]
    dst = edge_index[1]
    msgs = x_src[src]
    num_dst = x_dst.shape[0]
    summed = jax.ops.segment_sum(msgs, dst, num_segments=num_dst)
    cnt = jax.ops.segment_sum(jnp.ones((edge_index.shape[1], 1), jnp.float32), dst, num_segments=num_dst)
    mean = summed / jnp.maximum(cnt, 1.0)
    return mean @ p["Wl"] + p["bl"] + x_dst @ p["Wr"]


def _hetero_layer(h_user, h_item, e_u2i, e_i2u, lp):
    # HeteroConv(aggr='sum'): each dst node type has exactly one incoming edge type here
    new_item = _sage_conv(h_user, h_item, e_u2i, lp["u2i"])
    new_user = _sage_conv(h_item, h_user, e_i2u, lp["i2u"])
    return new_user, new_item


def reference(x_user, x_item, edge_index_u2i, edge_index_i2u, edge_label_index, params):
    hu, hi = x_user, x_item
    for name in ["enc0", "enc1"]:
        hu, hi = _hetero_layer(hu, hi, edge_index_u2i, edge_index_i2u, params[name])
    fu, fi = hu, hi
    for name in ["dec0", "decL"]:
        fu, fi = _hetero_layer(fu, fi, edge_index_u2i, edge_index_i2u, params[name])
    # LinkClassifier on encoder hidden representation
    pred = (hu[edge_label_index[0]] * hi[edge_label_index[1]]).sum(axis=-1)
    return (hu, hi, fu, fi, pred)

if __name__ == "__main__":
    import jax
    _d = setup_inputs()
    print(jax.jit(kernel)(*tuple(_d.values())))

</pallas_src>

<mosaic_0001>
#map = affine_map<(d0, d1) -> (0, 0)>
#map1 = affine_map<(d0, d1) -> (0, 0, 0, 0)>
#map2 = affine_map<(d0, d1) -> (0)>
#map3 = affine_map<(d0, d1) -> (0, 0, 0)>
module attributes {stable_mosaic.version = 14 : i64} {
  func.func @_agg_body(%arg0: i32, %arg1: i32, %arg2: memref<20000x128xf32, #tpu.memory_space<hbm>>, %arg3: memref<2x16x82x128xi32, #tpu.memory_space<hbm>>, %arg4: memref<167936xi32, #tpu.memory_space<hbm>>, %arg5: memref<10112x128xf32, #tpu.memory_space<hbm>>, %arg6: memref<2x10112x128xf32, #tpu.memory_space<hbm>>, %arg7: memref<82x128xi32, #tpu.memory_space<vmem>>, %arg8: memref<128xi32, #tpu.memory_space<vmem>>, %arg9: memref<128xi32, #tpu.memory_space<vmem>>, %arg10: memref<128x128xf32, #tpu.memory_space<vmem>>, %arg11: memref<128x128xf32, #tpu.memory_space<vmem>>, %arg12: memref<10112x128xf32, #tpu.memory_space<vmem_shared>>, %arg13: memref<!tpu.dma_semaphore, #tpu.memory_space<semaphore_mem>>, %arg14: memref<!tpu.dma_semaphore, #tpu.memory_space<semaphore_mem>>, %arg15: memref<!tpu.dma_semaphore, #tpu.memory_space<semaphore_mem>>, %arg16: memref<!tpu.dma_semaphore, #tpu.memory_space<semaphore_mem>>) attributes {dimension_semantics = [#tpu.dimension_semantics<core_parallel>, #tpu.dimension_semantics<subcore_parallel>], iteration_bounds = array<i64: 2, 16>, scalar_prefetch = 0 : i64, scratch_operands = 10 : i64, tpu.core_type = #tpu.core_type<sc_vector_subcore>, window_params = [{transform_indices = #map}, {transform_indices = #map1}, {transform_indices = #map2}, {transform_indices = #map}, {transform_indices = #map3}]} {
    "tpu.region"() ({
      %run_scoped3A = tpu.sem_alloc : memref<!tpu.dma_semaphore, #tpu.memory_space<semaphore_mem>>
      %dma_start3A_52 = arith.constant 0 : i32
      %dma_start3A_53 = arith.constant 0 : i32
      %dma_start3A_54 = tpu.memref_slice %arg3[%arg0, %arg1, %dma_start3A_52, %dma_start3A_53] : memref<2x16x82x128xi32, #tpu.memory_space<hbm>> -> memref<1x1x82x128xi32, #tpu.memory_space<hbm>>
      %dma_start3A_55 = tpu.memref_squeeze %dma_start3A_54 : memref<1x1x82x128xi32, #tpu.memory_space<hbm>> -> memref<82x128xi32, #tpu.memory_space<hbm>>
      %dma_start3A_56 = arith.constant 0 : i32
      %dma_start3A_57 = arith.constant 0 : i32
      %dma_start3A_58 = tpu.memref_slice %arg3[%arg0, %arg1, %dma_start3A_56, %dma_start3A_57] : memref<2x16x82x128xi32, #tpu.memory_space<hbm>> -> memref<1x1x82x128xi32, #tpu.memory_space<hbm>>
      %dma_start3A_59 = tpu.memref_squeeze %dma_start3A_58 : memref<1x1x82x128xi32, #tpu.memory_space<hbm>> -> memref<82x128xi32, #tpu.memory_space<hbm>>
      tpu.enqueue_dma source(%dma_start3A_59 : memref<82x128xi32, #tpu.memory_space<hbm>>) target(%arg7 : memref<82x128xi32, #tpu.memory_space<vmem>>) target_semaphore(%run_scoped3A : memref<!tpu.dma_semaphore, #tpu.memory_space<semaphore_mem>>)
      %dma_wait3A_60 = arith.constant 0 : i32
      %dma_wait3A_61 = arith.constant 0 : i32
      %dma_wait3A_62 = tpu.memref_slice %arg3[%arg0, %arg1, %dma_wait3A_60, %dma_wait3A_61] : memref<2x16x82x128xi32, #tpu.memory_space<hbm>> -> memref<1x1x82x128xi32, #tpu.memory_space<hbm>>
      %dma_wait3A_63 = tpu.memref_squeeze %dma_wait3A_62 : memref<1x1x82x128xi32, #tpu.memory_space<hbm>> -> memref<82x128xi32, #tpu.memory_space<hbm>>
      %dma_wait3A_64 = arith.constant 0 : i32
      %dma_wait3A_65 = arith.constant 0 : i32
      %dma_wait3A_66 = tpu.memref_slice %arg3[%arg0, %arg1, %dma_wait3A_64, %dma_wait3A_65] : memref<2x16x82x128xi32, #tpu.memory_space<hbm>> -> memref<1x1x82x128xi32, #tpu.memory_space<hbm>>
      %dma_wait3A_67 = tpu.memref_squeeze %dma_wait3A_66 : memref<1x1x82x128xi32, #tpu.memory_space<hbm>> -> memref<82x128xi32, #tpu.memory_space<hbm>>
      tpu.wait_dma2 semaphore(%run_scoped3A : memref<!tpu.dma_semaphore, #tpu.memory_space<semaphore_mem>>) src(%dma_wait3A_67 : memref<82x128xi32, #tpu.memory_space<hbm>>) dst(%arg7 : memref<82x128xi32, #tpu.memory_space<vmem>>)
      tpu.yield
    }) : () -> ()
    %mul3A = arith.constant 632 : i32
    %mul3A_0 = arith.muli %arg1, %mul3A : i32
    %mul3A_1 = arith.constant 632 : i32
    %mul3A_2 = arith.muli %arg1, %mul3A_1 : i32
    "tpu.region"() ({
      %run_scoped3A = tpu.sem_alloc : memref<!tpu.dma_semaphore, #tpu.memory_space<semaphore_mem>>
      %dma_start3A_52 = arith.constant 0 : i32
      %dma_start3A_53 = tpu.memref_slice %arg12[%mul3A_2, %dma_start3A_52] : memref<10112x128xf32, #tpu.memory_space<vmem_shared>> -> memref<632x128xf32, #tpu.memory_space<vmem_shared>>
      %dma_start3A_54 = arith.constant 0 : i32
      %dma_start3A_55 = tpu.memref_slice %arg5[%mul3A_0, %dma_start3A_54] : memref<10112x128xf32, #tpu.memory_space<hbm>> -> memref<632x128xf32, #tpu.memory_space<hbm>>
      tpu.enqueue_dma source(%dma_start3A_55 : memref<632x128xf32, #tpu.memory_space<hbm>>) target(%dma_start3A_53 : memref<632x128xf32, #tpu.memory_space<vmem_shared>>) target_semaphore(%run_scoped3A : memref<!tpu.dma_semaphore, #tpu.memory_space<semaphore_mem>>)
      %dma_wait3A_56 = arith.constant 0 : i32
      %dma_wait3A_57 = tpu.memref_slice %arg12[%mul3A_2, %dma_wait3A_56] : memref<10112x128xf32, #tpu.memory_space<vmem_shared>> -> memref<632x128xf32, #tpu.memory_space<vmem_shared>>
      %dma_wait3A_58 = arith.constant 0 : i32
      %dma_wait3A_59 = tpu.memref_slice %arg5[%mul3A_0, %dma_wait3A_58] : memref<10112x128xf32, #tpu.memory_space<hbm>> -> memref<632x128xf32, #tpu.memory_space<hbm>>
      tpu.wait_dma2 semaphore(%run_scoped3A : memref<!tpu.dma_semaphore, #tpu.memory_space<semaphore_mem>>) src(%dma_wait3A_59 : memref<632x128xf32, #tpu.memory_space<hbm>>) dst(%dma_wait3A_57 : memref<632x128xf32, #tpu.memory_space<vmem_shared>>)
      tpu.yield
    }) : () -> ()
    %barrier3A = arith.constant 0 : index
    tpu.barrier barrier_id(%barrier3A)
    %mul3A_3 = arith.constant 10496 : i32
    %mul3A_4 = arith.muli %arg1, %mul3A_3 : i32
    %dma_start3A = tpu.memref_slice %arg4[%mul3A_4] : memref<167936xi32, #tpu.memory_space<hbm>> -> memref<128xi32, #tpu.memory_space<hbm>>
    %dma_start3A_5 = tpu.memref_slice %arg4[%mul3A_4] : memref<167936xi32, #tpu.memory_space<hbm>> -> memref<128xi32, #tpu.memory_space<hbm>>
    tpu.enqueue_dma source(%dma_start3A_5 : memref<128xi32, #tpu.memory_space<hbm>>) target(%arg8 : memref<128xi32, #tpu.memory_space<vmem>>) target_semaphore(%arg14 : memref<!tpu.dma_semaphore, #tpu.memory_space<semaphore_mem>>)
    %add3A = arith.constant 128 : i32
    %add3A_6 = arith.addi %mul3A_4, %add3A : i32
    %dma_start3A_7 = tpu.memref_slice %arg4[%add3A_6] : memref<167936xi32, #tpu.memory_space<hbm>> -> memref<128xi32, #tpu.memory_space<hbm>>
    %dma_start3A_8 = tpu.memref_slice %arg4[%add3A_6] : memref<167936xi32, #tpu.memory_space<hbm>> -> memref<128xi32, #tpu.memory_space<hbm>>
    tpu.enqueue_dma source(%dma_start3A_8 : memref<128xi32, #tpu.memory_space<hbm>>) target(%arg9 : memref<128xi32, #tpu.memory_space<vmem>>) target_semaphore(%arg16 : memref<!tpu.dma_semaphore, #tpu.memory_space<semaphore_mem>>)
    %dma_start3A_9 = arith.constant 0 : i32
    %dma_start3A_10 = arith.constant 0 : i32
    %dma_start3A_11 = tpu.memref_slice %arg7[%dma_start3A_9, %dma_start3A_10] : memref<82x128xi32, #tpu.memory_space<vmem>> -> memref<1x128xi32, #tpu.memory_space<vmem>>
    %dma_start3A_12 = tpu.memref_squeeze %dma_start3A_11 : memref<1x128xi32, #tpu.memory_space<vmem>> -> memref<128xi32, #tpu.memory_space<vmem>>
    %dma_start3A_13 = arith.constant 0 : i32
    %dma_start3A_14 = arith.constant 0 : i32
    %dma_start3A_15 = tpu.memref_slice %arg2[%dma_start3A_13, %dma_start3A_14] : memref<20000x128xf32, #tpu.memory_space<hbm>> -> memref<20000x128xf32, #tpu.memory_space<hbm>>
    tpu.enqueue_indirect_dma source(%dma_start3A_15 : memref<20000x128xf32, #tpu.memory_space<hbm>>) target(%arg10 : memref<128x128xf32, #tpu.memory_space<vmem>>) offsets(%dma_start3A_12 : memref<128xi32, #tpu.memory_space<vmem>>) semaphore(%arg13 : memref<!tpu.dma_semaphore, #tpu.memory_space<semaphore_mem>>)
    %dma_start3A_16 = arith.constant 1 : i32
    %dma_start3A_17 = arith.constant 0 : i32
    %dma_start3A_18 = tpu.memref_slice %arg7[%dma_start3A_16, %dma_start3A_17] : memref<82x128xi32, #tpu.memory_space<vmem>> -> memref<1x128xi32, #tpu.memory_space<vmem>>
    %dma_start3A_19 = tpu.memref_squeeze %dma_start3A_18 : memref<1x128xi32, #tpu.memory_space<vmem>> -> memref<128xi32, #tpu.memory_space<vmem>>
    %dma_start3A_20 = arith.constant 0 : i32
    %dma_start3A_21 = arith.constant 0 : i32
    %dma_start3A_22 = tpu.memref_slice %arg2[%dma_start3A_20, %dma_start3A_21] : memref<20000x128xf32, #tpu.memory_space<hbm>> -> memref<20000x128xf32, #tpu.memory_space<hbm>>
    tpu.enqueue_indirect_dma source(%dma_start3A_22 : memref<20000x128xf32, #tpu.memory_space<hbm>>) target(%arg11 : memref<128x128xf32, #tpu.memory_space<vmem>>) offsets(%dma_start3A_19 : memref<128xi32, #tpu.memory_space<vmem>>) semaphore(%arg15 : memref<!tpu.dma_semaphore, #tpu.memory_space<semaphore_mem>>)
    %scan3A = arith.constant 0 : i32
    %scan3A_23 = arith.constant 0 : i32
    %scan3A_24 = arith.constant 40 : i32
    %scan3A_25 = arith.addi %scan3A_23, %scan3A_24 : i32
    %scan3A_26 = arith.constant 1 : i32
    scf.for %scan3A_52 = %scan3A_23 to %scan3A_25 step %scan3A_26  : i32 {
      %dma_wait3A_53 = arith.constant 0 : i32
      %dma_wait3A_54 = arith.constant 0 : i32
      %dma_wait3A_55 = tpu.memref_slice %arg5[%dma_wait3A_53, %dma_wait3A_54] : memref<10112x128xf32, #tpu.memory_space<hbm>> -> memref<128x128xf32, #tpu.memory_space<hbm>>
      %dma_wait3A_56 = arith.constant 0 : i32
      %dma_wait3A_57 = arith.constant 0 : i32
      %dma_wait3A_58 = tpu.memref_slice %arg5[%dma_wait3A_56, %dma_wait3A_57] : memref<10112x128xf32, #tpu.memory_space<hbm>> -> memref<128x128xf32, #tpu.memory_space<hbm>>
      tpu.wait_dma2 semaphore(%arg13 : memref<!tpu.dma_semaphore, #tpu.memory_space<semaphore_mem>>) src(%dma_wait3A_58 : memref<128x128xf32, #tpu.memory_space<hbm>>) dst(%arg10 : memref<128x128xf32, #tpu.memory_space<vmem>>)
      %dma_wait3A_59 = arith.constant 0 : i32
      %dma_wait3A_60 = tpu.memref_slice %arg4[%dma_wait3A_59] : memref<167936xi32, #tpu.memory_space<hbm>> -> memref<128xi32, #tpu.memory_space<hbm>>
      %dma_wait3A_61 = arith.constant 0 : i32
      %dma_wait3A_62 = tpu.memref_slice %arg4[%dma_wait3A_61] : memref<167936xi32, #tpu.memory_space<hbm>> -> memref<128xi32, #tpu.memory_space<hbm>>
      tpu.wait_dma2 semaphore(%arg14 : memref<!tpu.dma_semaphore, #tpu.memory_space<semaphore_mem>>) src(%dma_wait3A_62 : memref<128xi32, #tpu.memory_space<hbm>>) dst(%arg8 : memref<128xi32, #tpu.memory_space<vmem>>)
      "tpu.region"() ({
        %run_scoped3A = tpu.sem_alloc : memref<!tpu.dma_semaphore, #tpu.memory_space<semaphore_mem>>
        %dma_start3A_111 = arith.constant 0 : i32
        %dma_start3A_112 = arith.constant 0 : i32
        %dma_start3A_113 = tpu.memref_slice %arg12[%dma_start3A_111, %dma_start3A_112] : memref<10112x128xf32, #tpu.memory_space<vmem_shared>> -> memref<10112x128xf32, #tpu.memory_space<vmem_shared>>
        tpu.enqueue_indirect_dma source(%arg10 : memref<128x128xf32, #tpu.memory_space<vmem>>) target(%dma_start3A_113 : memref<10112x128xf32, #tpu.memory_space<vmem_shared>>) offsets(%arg8 : memref<128xi32, #tpu.memory_space<vmem>>) semaphore(%run_scoped3A : memref<!tpu.dma_semaphore, #tpu.memory_space<semaphore_mem>>) {add = true}
        %dma_wait3A_114 = arith.constant 0 : i32
        %dma_wait3A_115 = arith.constant 0 : i32
        %dma_wait3A_116 = tpu.memref_slice %arg12[%dma_wait3A_114, %dma_wait3A_115] : memref<10112x128xf32, #tpu.memory_space<vmem_shared>> -> memref<10112x128xf32, #tpu.memory_space<vmem_shared>>
        tpu.wait_indirect_dma semaphore(%run_scoped3A : memref<!tpu.dma_semaphore, #tpu.memory_space<semaphore_mem>>) src(%arg10 : memref<128x128xf32, #tpu.memory_space<vmem>>) dst(%dma_wait3A_116 : memref<10112x128xf32, #tpu.memory_space<vmem_shared>>)
        tpu.yield
      }) : () -> ()
      %mul3A_63 = arith.constant 2 : i32
      %mul3A_64 = arith.muli %mul3A_63, %scan3A_52 : i32
      %add3A_65 = arith.constant 2 : i32
      %add3A_66 = arith.addi %mul3A_64, %add3A_65 : i32
      %dma_start3A_67 = arith.constant 0 : i32
      %dma_start3A_68 = tpu.memref_slice %arg7[%add3A_66, %dma_start3A_67] : memref<82x128xi32, #tpu.memory_space<vmem>> -> memref<1x128xi32, #tpu.memory_space<vmem>>
      %dma_start3A_69 = tpu.memref_squeeze %dma_start3A_68 : memref<1x128xi32, #tpu.memory_space<vmem>> -> memref<128xi32, #tpu.memory_space<vmem>>
      %dma_start3A_70 = arith.constant 0 : i32
      %dma_start3A_71 = arith.constant 0 : i32
      %dma_start3A_72 = tpu.memref_slice %arg2[%dma_start3A_70, %dma_start3A_71] : memref<20000x128xf32, #tpu.memory_space<hbm>> -> memref<20000x128xf32, #tpu.memory_space<hbm>>
      tpu.enqueue_indirect_dma source(%dma_start3A_72 : memref<20000x128xf32, #tpu.memory_space<hbm>>) target(%arg10 : memref<128x128xf32, #tpu.memory_space<vmem>>) offsets(%dma_start3A_69 : memref<128xi32, #tpu.memory_space<vmem>>) semaphore(%arg13 : memref<!tpu.dma_semaphore, #tpu.memory_space<semaphore_mem>>)
      %mul3A_73 = arith.constant 2 : i32
      %mul3A_74 = arith.muli %mul3A_73, %scan3A_52 : i32
      %add3A_75 = arith.constant 2 : i32
      %add3A_76 = arith.addi %mul3A_74, %add3A_75 : i32
      %mul3A_77 = arith.constant 128 : i32
      %mul3A_78 = arith.muli %add3A_76, %mul3A_77 : i32
      %add3A_79 = arith.addi %mul3A_4, %mul3A_78 : i32
      %dma_start3A_80 = tpu.memref_slice %arg4[%add3A_79] : memref<167936xi32, #tpu.memory_space<hbm>> -> memref<128xi32, #tpu.memory_space<hbm>>
      %dma_start3A_81 = tpu.memref_slice %arg4[%add3A_79] : memref<167936xi32, #tpu.memory_space<hbm>> -> memref<128xi32, #tpu.memory_space<hbm>>
      tpu.enqueue_dma source(%dma_start3A_81 : memref<128xi32, #tpu.memory_space<hbm>>) target(%arg8 : memref<128xi32, #tpu.memory_space<vmem>>) target_semaphore(%arg14 : memref<!tpu.dma_semaphore, #tpu.memory_space<semaphore_mem>>)
      %dma_wait3A_82 = arith.constant 0 : i32
      %dma_wait3A_83 = arith.constant 0 : i32
      %dma_wait3A_84 = tpu.memref_slice %arg5[%dma_wait3A_82, %dma_wait3A_83] : memref<10112x128xf32, #tpu.memory_space<hbm>> -> memref<128x128xf32, #tpu.memory_space<hbm>>
      %dma_wait3A_85 = arith.constant 0 : i32
      %dma_wait3A_86 = arith.constant 0 : i32
      %dma_wait3A_87 = tpu.memref_slice %arg5[%dma_wait3A_85, %dma_wait3A_86] : memref<10112x128xf32, #tpu.memory_space<hbm>> -> memref<128x128xf32, #tpu.memory_space<hbm>>
      tpu.wait_dma2 semaphore(%arg15 : memref<!tpu.dma_semaphore, #tpu.memory_space<semaphore_mem>>) src(%dma_wait3A_87 : memref<128x128xf32, #tpu.memory_space<hbm>>) dst(%arg11 : memref<128x128xf32, #tpu.memory_space<vmem>>)
      %dma_wait3A_88 = arith.constant 0 : i32
      %dma_wait3A_89 = tpu.memref_slice %arg4[%dma_wait3A_88] : memref<167936xi32, #tpu.memory_space<hbm>> -> memref<128xi32, #tpu.memory_space<hbm>>
      %dma_wait3A_90 = arith.constant 0 : i32
      %dma_wait3A_91 = tpu.memref_slice %arg4[%dma_wait3A_90] : memref<167936xi32, #tpu.memory_space<hbm>> -> memref<128xi32, #tpu.memory_space<hbm>>
      tpu.wait_dma2 semaphore(%arg16 : memref<!tpu.dma_semaphore, #tpu.memory_space<semaphore_mem>>) src(%dma_wait3A_91 : memref<128xi32, #tpu.memory_space<hbm>>) dst(%arg9 : memref<128xi32, #tpu.memory_space<vmem>>)
      "tpu.region"() ({
        %run_scoped3A = tpu.sem_alloc : memref<!tpu.dma_semaphore, #tpu.memory_space<semaphore_mem>>
        %dma_start3A_111 = arith.constant 0 : i32
        %dma_start3A_112 = arith.constant 0 : i32
        %dma_start3A_113 = tpu.memref_slice %arg12[%dma_start3A_111, %dma_start3A_112] : memref<10112x128xf32, #tpu.memory_space<vmem_shared>> -> memref<10112x128xf32, #tpu.memory_space<vmem_shared>>
        tpu.enqueue_indirect_dma source(%arg11 : memref<128x128xf32, #tpu.memory_space<vmem>>) target(%dma_start3A_113 : memref<10112x128xf32, #tpu.memory_space<vmem_shared>>) offsets(%arg9 : memref<128xi32, #tpu.memory_space<vmem>>) semaphore(%run_scoped3A : memref<!tpu.dma_semaphore, #tpu.memory_space<semaphore_mem>>) {add = true}
        %dma_wait3A_114 = arith.constant 0 : i32
        %dma_wait3A_115 = arith.constant 0 : i32
        %dma_wait3A_116 = tpu.memref_slice %arg12[%dma_wait3A_114, %dma_wait3A_115] : memref<10112x128xf32, #tpu.memory_space<vmem_shared>> -> memref<10112x128xf32, #tpu.memory_space<vmem_shared>>
        tpu.wait_indirect_dma semaphore(%run_scoped3A : memref<!tpu.dma_semaphore, #tpu.memory_space<semaphore_mem>>) src(%arg11 : memref<128x128xf32, #tpu.memory_space<vmem>>) dst(%dma_wait3A_116 : memref<10112x128xf32, #tpu.memory_space<vmem_shared>>)
        tpu.yield
      }) : () -> ()
      %mul3A_92 = arith.constant 2 : i32
      %mul3A_93 = arith.muli %mul3A_92, %scan3A_52 : i32
      %add3A_94 = arith.constant 3 : i32
      %add3A_95 = arith.addi %mul3A_93, %add3A_94 : i32
      %dma_start3A_96 = arith.constant 0 : i32
      %dma_start3A_97 = tpu.memref_slice %arg7[%add3A_95, %dma_start3A_96] : memref<82x128xi32, #tpu.memory_space<vmem>> -> memref<1x128xi32, #tpu.memory_space<vmem>>
      %dma_start3A_98 = tpu.memref_squeeze %dma_start3A_97 : memref<1x128xi32, #tpu.memory_space<vmem>> -> memref<128xi32, #tpu.memory_space<vmem>>
      %dma_start3A_99 = arith.constant 0 : i32
      %dma_start3A_100 = arith.constant 0 : i32
      %dma_start3A_101 = tpu.memref_slice %arg2[%dma_start3A_99, %dma_start3A_100] : memref<20000x128xf32, #tpu.memory_space<hbm>> -> memref<20000x128xf32, #tpu.memory_space<hbm>>
      tpu.enqueue_indirect_dma source(%dma_start3A_101 : memref<20000x128xf32, #tpu.memory_space<hbm>>) target(%arg11 : memref<128x128xf32, #tpu.memory_space<vmem>>) offsets(%dma_start3A_98 : memref<128xi32, #tpu.memory_space<vmem>>) semaphore(%arg15 : memref<!tpu.dma_semaphore, #tpu.memory_space<semaphore_mem>>)
      %mul3A_102 = arith.constant 2 : i32
      %mul3A_103 = arith.muli %mul3A_102, %scan3A_52 : i32
      %add3A_104 = arith.constant 3 : i32
      %add3A_105 = arith.addi %mul3A_103, %add3A_104 : i32
      %mul3A_106 = arith.constant 128 : i32
      %mul3A_107 = arith.muli %add3A_105, %mul3A_106 : i32
      %add3A_108 = arith.addi %mul3A_4, %mul3A_107 : i32
      %dma_start3A_109 = tpu.memref_slice %arg4[%add3A_108] : memref<167936xi32, #tpu.memory_space<hbm>> -> memref<128xi32, #tpu.memory_space<hbm>>
      %dma_start3A_110 = tpu.memref_slice %arg4[%add3A_108] : memref<167936xi32, #tpu.memory_space<hbm>> -> memref<128xi32, #tpu.memory_space<hbm>>
      tpu.enqueue_dma source(%dma_start3A_110 : memref<128xi32, #tpu.memory_space<hbm>>) target(%arg9 : memref<128xi32, #tpu.memory_space<vmem>>) target_semaphore(%arg16 : memref<!tpu.dma_semaphore, #tpu.memory_space<semaphore_mem>>)
    }
    %scan3A_27 = arith.constant 40 : i32
    %dma_wait3A = arith.constant 0 : i32
    %dma_wait3A_28 = arith.constant 0 : i32
    %dma_wait3A_29 = tpu.memref_slice %arg5[%dma_wait3A, %dma_wait3A_28] : memref<10112x128xf32, #tpu.memory_space<hbm>> -> memref<128x128xf32, #tpu.memory_space<hbm>>
    %dma_wait3A_30 = arith.constant 0 : i32
    %dma_wait3A_31 = arith.constant 0 : i32
    %dma_wait3A_32 = tpu.memref_slice %arg5[%dma_wait3A_30, %dma_wait3A_31] : memref<10112x128xf32, #tpu.memory_space<hbm>> -> memref<128x128xf32, #tpu.memory_space<hbm>>
    tpu.wait_dma2 semaphore(%arg13 : memref<!tpu.dma_semaphore, #tpu.memory_space<semaphore_mem>>) src(%dma_wait3A_32 : memref<128x128xf32, #tpu.memory_space<hbm>>) dst(%arg10 : memref<128x128xf32, #tpu.memory_space<vmem>>)
    %dma_wait3A_33 = arith.constant 0 : i32
    %dma_wait3A_34 = arith.constant 0 : i32
    %dma_wait3A_35 = tpu.memref_slice %arg5[%dma_wait3A_33, %dma_wait3A_34] : memref<10112x128xf32, #tpu.memory_space<hbm>> -> memref<128x128xf32, #tpu.memory_space<hbm>>
    %dma_wait3A_36 = arith.constant 0 : i32
    %dma_wait3A_37 = arith.constant 0 : i32
    %dma_wait3A_38 = tpu.memref_slice %arg5[%dma_wait3A_36, %dma_wait3A_37] : memref<10112x128xf32, #tpu.memory_space<hbm>> -> memref<128x128xf32, #tpu.memory_space<hbm>>
    tpu.wait_dma2 semaphore(%arg15 : memref<!tpu.dma_semaphore, #tpu.memory_space<semaphore_mem>>) src(%dma_wait3A_38 : memref<128x128xf32, #tpu.memory_space<hbm>>) dst(%arg11 : memref<128x128xf32, #tpu.memory_space<vmem>>)
    %dma_wait3A_39 = arith.constant 0 : i32
    %dma_wait3A_40 = tpu.memref_slice %arg4[%dma_wait3A_39] : memref<167936xi32, #tpu.memory_space<hbm>> -> memref<128xi32, #tpu.memory_space<hbm>>
    %dma_wait3A_41 = arith.constant 0 : i32
    %dma_wait3A_42 = tpu.memref_slice %arg4[%dma_wait3A_41] : memref<167936xi32, #tpu.memory_space<hbm>> -> memref<128xi32, #tpu.memory_space<hbm>>
    tpu.wait_dma2 semaphore(%arg14 : memref<!tpu.dma_semaphore, #tpu.memory_space<semaphore_mem>>) src(%dma_wait3A_42 : memref<128xi32, #tpu.memory_space<hbm>>) dst(%arg8 : memref<128xi32, #tpu.memory_space<vmem>>)
    %dma_wait3A_43 = arith.constant 0 : i32
    %dma_wait3A_44 = tpu.memref_slice %arg4[%dma_wait3A_43] : memref<167936xi32, #tpu.memory_space<hbm>> -> memref<128xi32, #tpu.memory_space<hbm>>
    %dma_wait3A_45 = arith.constant 0 : i32
    %dma_wait3A_46 = tpu.memref_slice %arg4[%dma_wait3A_45] : memref<167936xi32, #tpu.memory_space<hbm>> -> memref<128xi32, #tpu.memory_space<hbm>>
    tpu.wait_dma2 semaphore(%arg16 : memref<!tpu.dma_semaphore, #tpu.memory_space<semaphore_mem>>) src(%dma_wait3A_46 : memref<128xi32, #tpu.memory_space<hbm>>) dst(%arg9 : memref<128xi32, #tpu.memory_space<vmem>>)
    %barrier3A_47 = arith.constant 0 : index
    tpu.barrier barrier_id(%barrier3A_47)
    %mul3A_48 = arith.constant 632 : i32
    %mul3A_49 = arith.muli %arg1, %mul3A_48 : i32
    %mul3A_50 = arith.constant 632 : i32
    %mul3A_51 = arith.muli %arg1, %mul3A_50 : i32
    "tpu.region"() ({
      %run_scoped3A = tpu.sem_alloc : memref<!tpu.dma_semaphore, #tpu.memory_space<semaphore_mem>>
      %dma_start3A_52 = arith.constant 0 : i32
      %dma_start3A_53 = tpu.memref_slice %arg6[%arg0, %mul3A_51, %dma_start3A_52] : memref<2x10112x128xf32, #tpu.memory_space<hbm>> -> memref<1x632x128xf32, #tpu.memory_space<hbm>>
      %dma_start3A_54 = tpu.memref_squeeze %dma_start3A_53 : memref<1x632x128xf32, #tpu.memory_space<hbm>> -> memref<632x128xf32, #tpu.memory_space<hbm>>
      %dma_start3A_55 = arith.constant 0 : i32
      %dma_start3A_56 = tpu.memref_slice %arg12[%mul3A_49, %dma_start3A_55] : memref<10112x128xf32, #tpu.memory_space<vmem_shared>> -> memref<632x128xf32, #tpu.memory_space<vmem_shared>>
      tpu.enqueue_dma source(%dma_start3A_56 : memref<632x128xf32, #tpu.memory_space<vmem_shared>>) target(%dma_start3A_54 : memref<632x128xf32, #tpu.memory_space<hbm>>) target_semaphore(%run_scoped3A : memref<!tpu.dma_semaphore, #tpu.memory_space<semaphore_mem>>)
      %dma_wait3A_57 = arith.constant 0 : i32
      %dma_wait3A_58 = tpu.memref_slice %arg6[%arg0, %mul3A_51, %dma_wait3A_57] : memref<2x10112x128xf32, #tpu.memory_space<hbm>> -> memref<1x632x128xf32, #tpu.memory_space<hbm>>
      %dma_wait3A_59 = tpu.memref_squeeze %dma_wait3A_58 : memref<1x632x128xf32, #tpu.memory_space<hbm>> -> memref<632x128xf32, #tpu.memory_space<hbm>>
      %dma_wait3A_60 = arith.constant 0 : i32
      %dma_wait3A_61 = tpu.memref_slice %arg12[%mul3A_49, %dma_wait3A_60] : memref<10112x128xf32, #tpu.memory_space<vmem_shared>> -> memref<632x128xf32, #tpu.memory_space<vmem_shared>>
      tpu.wait_dma2 semaphore(%run_scoped3A : memref<!tpu.dma_semaphore, #tpu.memory_space<semaphore_mem>>) src(%dma_wait3A_61 : memref<632x128xf32, #tpu.memory_space<vmem_shared>>) dst(%dma_wait3A_59 : memref<632x128xf32, #tpu.memory_space<hbm>>)
      tpu.yield
    }) : () -> ()
    return
  }
}

#map = affine_map<(d0, d1) -> (0)>
#map1 = affine_map<(d0, d1) -> (0, 0)>
module attributes {stable_mosaic.version = 14 : i64} {
  func.func @_cnt_body(%arg0: i32, %arg1: i32, %arg2: memref<167936xi32, #tpu.memory_space<hbm>>, %arg3: memref<128x128xf32, #tpu.memory_space<hbm>>, %arg4: memref<10112x128xf32, #tpu.memory_space<hbm>>, %arg5: memref<10112x128xf32, #tpu.memory_space<hbm>>, %arg6: memref<128xi32, #tpu.memory_space<vmem>>, %arg7: memref<128x128xf32, #tpu.memory_space<vmem>>, %arg8: memref<10112x128xf32, #tpu.memory_space<vmem_shared>>) attributes {dimension_semantics = [#tpu.dimension_semantics<core_parallel>, #tpu.dimension_semantics<subcore_parallel>], iteration_bounds = array<i64: 2, 16>, scalar_prefetch = 0 : i64, scratch_operands = 3 : i64, tpu.core_type = #tpu.core_type<sc_vector_subcore>, window_params = [{transform_indices = #map}, {transform_indices = #map1}, {transform_indices = #map1}, {transform_indices = #map1}]} {
    %eq3A = arith.constant 0 : i32
    %eq3A_0 = arith.cmpi eq, %arg0, %eq3A : i32
    %convert_element_type3A = arith.extui %eq3A_0 : i1 to i32
    %cond3A = arith.constant 0 : i32
    %cond3A_1 = arith.cmpi ne, %convert_element_type3A, %cond3A : i32
    scf.if %cond3A_1 {
      "tpu.region"() ({
        %run_scoped3A = tpu.sem_alloc : memref<!tpu.dma_semaphore, #tpu.memory_space<semaphore_mem>>
        tpu.enqueue_dma source(%arg3 : memref<128x128xf32, #tpu.memory_space<hbm>>) target(%arg7 : memref<128x128xf32, #tpu.memory_space<vmem>>) target_semaphore(%run_scoped3A : memref<!tpu.dma_semaphore, #tpu.memory_space<semaphore_mem>>)
        tpu.wait_dma2 semaphore(%run_scoped3A : memref<!tpu.dma_semaphore, #tpu.memory_space<semaphore_mem>>) src(%arg3 : memref<128x128xf32, #tpu.memory_space<hbm>>) dst(%arg7 : memref<128x128xf32, #tpu.memory_space<vmem>>)
        tpu.yield
      }) : () -> ()
      %mul3A = arith.constant 632 : i32
      %mul3A_2 = arith.muli %arg1, %mul3A : i32
      %mul3A_3 = arith.constant 632 : i32
      %mul3A_4 = arith.muli %arg1, %mul3A_3 : i32
      "tpu.region"() ({
        %run_scoped3A = tpu.sem_alloc : memref<!tpu.dma_semaphore, #tpu.memory_space<semaphore_mem>>
        %dma_start3A = arith.constant 0 : i32
        %dma_start3A_17 = tpu.memref_slice %arg8[%mul3A_4, %dma_start3A] : memref<10112x128xf32, #tpu.memory_space<vmem_shared>> -> memref<632x128xf32, #tpu.memory_space<vmem_shared>>
        %dma_start3A_18 = arith.constant 0 : i32
        %dma_start3A_19 = tpu.memref_slice %arg4[%mul3A_2, %dma_start3A_18] : memref<10112x128xf32, #tpu.memory_space<hbm>> -> memref<632x128xf32, #tpu.memory_space<hbm>>
        tpu.enqueue_dma source(%dma_start3A_19 : memref<632x128xf32, #tpu.memory_space<hbm>>) target(%dma_start3A_17 : memref<632x128xf32, #tpu.memory_space<vmem_shared>>) target_semaphore(%run_scoped3A : memref<!tpu.dma_semaphore, #tpu.memory_space<semaphore_mem>>)
        %dma_wait3A = arith.constant 0 : i32
        %dma_wait3A_20 = tpu.memref_slice %arg8[%mul3A_4, %dma_wait3A] : memref<10112x128xf32, #tpu.memory_space<vmem_shared>> -> memref<632x128xf32, #tpu.memory_space<vmem_shared>>
        %dma_wait3A_21 = arith.constant 0 : i32
        %dma_wait3A_22 = tpu.memref_slice %arg4[%mul3A_2, %dma_wait3A_21] : memref<10112x128xf32, #tpu.memory_space<hbm>> -> memref<632x128xf32, #tpu.memory_space<hbm>>
        tpu.wait_dma2 semaphore(%run_scoped3A : memref<!tpu.dma_semaphore, #tpu.memory_space<semaphore_mem>>) src(%dma_wait3A_22 : memref<632x128xf32, #tpu.memory_space<hbm>>) dst(%dma_wait3A_20 : memref<632x128xf32, #tpu.memory_space<vmem_shared>>)
        tpu.yield
      }) : () -> ()
      %barrier3A = arith.constant 0 : index
      tpu.barrier barrier_id(%barrier3A)
      %mul3A_5 = arith.constant 10496 : i32
      %mul3A_6 = arith.muli %arg1, %mul3A_5 : i32
      %scan3A = arith.constant 0 : i32
      %scan3A_7 = arith.constant 0 : i32
      %scan3A_8 = arith.constant 80 : i32
      %scan3A_9 = arith.addi %scan3A_7, %scan3A_8 : i32
      %scan3A_10 = arith.constant 1 : i32
      scf.for %scan3A_17 = %scan3A_7 to %scan3A_9 step %scan3A_10  : i32 {
        %mul3A_18 = arith.constant 128 : i32
        %mul3A_19 = arith.muli %scan3A_17, %mul3A_18 : i32
        %add3A = arith.addi %mul3A_6, %mul3A_19 : i32
        "tpu.region"() ({
          %run_scoped3A = tpu.sem_alloc : memref<!tpu.dma_semaphore, #tpu.memory_space<semaphore_mem>>
          %dma_start3A = tpu.memref_slice %arg2[%add3A] : memref<167936xi32, #tpu.memory_space<hbm>> -> memref<128xi32, #tpu.memory_space<hbm>>
          %dma_start3A_20 = tpu.memref_slice %arg2[%add3A] : memref<167936xi32, #tpu.memory_space<hbm>> -> memref<128xi32, #tpu.memory_space<hbm>>
          tpu.enqueue_dma source(%dma_start3A_20 : memref<128xi32, #tpu.memory_space<hbm>>) target(%arg6 : memref<128xi32, #tpu.memory_space<vmem>>) target_semaphore(%run_scoped3A : memref<!tpu.dma_semaphore, #tpu.memory_space<semaphore_mem>>)
          %dma_wait3A = tpu.memref_slice %arg2[%add3A] : memref<167936xi32, #tpu.memory_space<hbm>> -> memref<128xi32, #tpu.memory_space<hbm>>
          %dma_wait3A_21 = tpu.memref_slice %arg2[%add3A] : memref<167936xi32, #tpu.memory_space<hbm>> -> memref<128xi32, #tpu.memory_space<hbm>>
          tpu.wait_dma2 semaphore(%run_scoped3A : memref<!tpu.dma_semaphore, #tpu.memory_space<semaphore_mem>>) src(%dma_wait3A_21 : memref<128xi32, #tpu.memory_space<hbm>>) dst(%arg6 : memref<128xi32, #tpu.memory_space<vmem>>)
          tpu.yield
        }) : () -> ()
        "tpu.region"() ({
          %run_scoped3A = tpu.sem_alloc : memref<!tpu.dma_semaphore, #tpu.memory_space<semaphore_mem>>
          %dma_start3A = arith.constant 0 : i32
          %dma_start3A_20 = arith.constant 0 : i32
          %dma_start3A_21 = tpu.memref_slice %arg8[%dma_start3A, %dma_start3A_20] : memref<10112x128xf32, #tpu.memory_space<vmem_shared>> -> memref<10112x128xf32, #tpu.memory_space<vmem_shared>>
          tpu.enqueue_indirect_dma source(%arg7 : memref<128x128xf32, #tpu.memory_space<vmem>>) target(%dma_start3A_21 : memref<10112x128xf32, #tpu.memory_space<vmem_shared>>) offsets(%arg6 : memref<128xi32, #tpu.memory_space<vmem>>) semaphore(%run_scoped3A : memref<!tpu.dma_semaphore, #tpu.memory_space<semaphore_mem>>) {add = true}
          %dma_wait3A = arith.constant 0 : i32
          %dma_wait3A_22 = arith.constant 0 : i32
          %dma_wait3A_23 = tpu.memref_slice %arg8[%dma_wait3A, %dma_wait3A_22] : memref<10112x128xf32, #tpu.memory_space<vmem_shared>> -> memref<10112x128xf32, #tpu.memory_space<vmem_shared>>
          tpu.wait_indirect_dma semaphore(%run_scoped3A : memref<!tpu.dma_semaphore, #tpu.memory_space<semaphore_mem>>) src(%arg7 : memref<128x128xf32, #tpu.memory_space<vmem>>) dst(%dma_wait3A_23 : memref<10112x128xf32, #tpu.memory_space<vmem_shared>>)
          tpu.yield
        }) : () -> ()
      }
      %scan3A_11 = arith.constant 80 : i32
      %barrier3A_12 = arith.constant 0 : index
      tpu.barrier barrier_id(%barrier3A_12)
      %mul3A_13 = arith.constant 632 : i32
      %mul3A_14 = arith.muli %arg1, %mul3A_13 : i32
      %mul3A_15 = arith.constant 632 : i32
      %mul3A_16 = arith.muli %arg1, %mul3A_15 : i32
      "tpu.region"() ({
        %run_scoped3A = tpu.sem_alloc : memref<!tpu.dma_semaphore, #tpu.memory_space<semaphore_mem>>
        %dma_start3A = arith.constant 0 : i32
        %dma_start3A_17 = tpu.memref_slice %arg5[%mul3A_16, %dma_start3A] : memref<10112x128xf32, #tpu.memory_space<hbm>> -> memref<632x128xf32, #tpu.memory_space<hbm>>
        %dma_start3A_18 = arith.constant 0 : i32
        %dma_start3A_19 = tpu.memref_slice %arg8[%mul3A_14, %dma_start3A_18] : memref<10112x128xf32, #tpu.memory_space<vmem_shared>> -> memref<632x128xf32, #tpu.memory_space<vmem_shared>>
        tpu.enqueue_dma source(%dma_start3A_19 : memref<632x128xf32, #tpu.memory_space<vmem_shared>>) target(%dma_start3A_17 : memref<632x128xf32, #tpu.memory_space<hbm>>) target_semaphore(%run_scoped3A : memref<!tpu.dma_semaphore, #tpu.memory_space<semaphore_mem>>)
        %dma_wait3A = arith.constant 0 : i32
        %dma_wait3A_20 = tpu.memref_slice %arg5[%mul3A_16, %dma_wait3A] : memref<10112x128xf32, #tpu.memory_space<hbm>> -> memref<632x128xf32, #tpu.memory_space<hbm>>
        %dma_wait3A_21 = arith.constant 0 : i32
        %dma_wait3A_22 = tpu.memref_slice %arg8[%mul3A_14, %dma_wait3A_21] : memref<10112x128xf32, #tpu.memory_space<vmem_shared>> -> memref<632x128xf32, #tpu.memory_space<vmem_shared>>
        tpu.wait_dma2 semaphore(%run_scoped3A : memref<!tpu.dma_semaphore, #tpu.memory_space<semaphore_mem>>) src(%dma_wait3A_22 : memref<632x128xf32, #tpu.memory_space<vmem_shared>>) dst(%dma_wait3A_20 : memref<632x128xf32, #tpu.memory_space<hbm>>)
        tpu.yield
      }) : () -> ()
    } else {
    }
    return
  }
}

#map = affine_map<(d0, d1) -> (0, 0)>
#map1 = affine_map<(d0, d1) -> (0, 0, 0, 0)>
#map2 = affine_map<(d0, d1) -> (0)>
#map3 = affine_map<(d0, d1) -> (0, 0, 0)>
module attributes {stable_mosaic.version = 14 : i64} {
  func.func @_agg_body(%arg0: i32, %arg1: i32, %arg2: memref<20000x128xf32, #tpu.memory_space<hbm>>, %arg3: memref<2x16x82x128xi32, #tpu.memory_space<hbm>>, %arg4: memref<167936xi32, #tpu.memory_space<hbm>>, %arg5: memref<10112x128xf32, #tpu.memory_space<hbm>>, %arg6: memref<2x10112x128xf32, #tpu.memory_space<hbm>>, %arg7: memref<82x128xi32, #tpu.memory_space<vmem>>, %arg8: memref<128xi32, #tpu.memory_space<vmem>>, %arg9: memref<128xi32, #tpu.memory_space<vmem>>, %arg10: memref<128x128xf32, #tpu.memory_space<vmem>>, %arg11: memref<128x128xf32, #tpu.memory_space<vmem>>, %arg12: memref<10112x128xf32, #tpu.memory_space<vmem_shared>>, %arg13: memref<!tpu.dma_semaphore, #tpu.memory_space<semaphore_mem>>, %arg14: memref<!tpu.dma_semaphore, #tpu.memory_space<semaphore_mem>>, %arg15: memref<!tpu.dma_semaphore, #tpu.memory_space<semaphore_mem>>, %arg16: memref<!tpu.dma_semaphore, #tpu.memory_space<semaphore_mem>>) attributes {dimension_semantics = [#tpu.dimension_semantics<core_parallel>, #tpu.dimension_semantics<subcore_parallel>], iteration_bounds = array<i64: 2, 16>, scalar_prefetch = 0 : i64, scratch_operands = 10 : i64, tpu.core_type = #tpu.core_type<sc_vector_subcore>, window_params = [{transform_indices = #map}, {transform_indices = #map1}, {transform_indices = #map2}, {transform_indices = #map}, {transform_indices = #map3}]} {
    "tpu.region"() ({
      %run_scoped3A = tpu.sem_alloc : memref<!tpu.dma_semaphore, #tpu.memory_space<semaphore_mem>>
      %dma_start3A_52 = arith.constant 0 : i32
      %dma_start3A_53 = arith.constant 0 : i32
      %dma_start3A_54 = tpu.memref_slice %arg3[%arg0, %arg1, %dma_start3A_52, %dma_start3A_53] : memref<2x16x82x128xi32, #tpu.memory_space<hbm>> -> memref<1x1x82x128xi32, #tpu.memory_space<hbm>>
      %dma_start3A_55 = tpu.memref_squeeze %dma_start3A_54 : memref<1x1x82x128xi32, #tpu.memory_space<hbm>> -> memref<82x128xi32, #tpu.memory_space<hbm>>
      %dma_start3A_56 = arith.constant 0 : i32
      %dma_start3A_57 = arith.constant 0 : i32
      %dma_start3A_58 = tpu.memref_slice %arg3[%arg0, %arg1, %dma_start3A_56, %dma_start3A_57] : memref<2x16x82x128xi32, #tpu.memory_space<hbm>> -> memref<1x1x82x128xi32, #tpu.memory_space<hbm>>
      %dma_start3A_59 = tpu.memref_squeeze %dma_start3A_58 : memref<1x1x82x128xi32, #tpu.memory_space<hbm>> -> memref<82x128xi32, #tpu.memory_space<hbm>>
      tpu.enqueue_dma source(%dma_start3A_59 : memref<82x128xi32, #tpu.memory_space<hbm>>) target(%arg7 : memref<82x128xi32, #tpu.memory_space<vmem>>) target_semaphore(%run_scoped3A : memref<!tpu.dma_semaphore, #tpu.memory_space<semaphore_mem>>)
      %dma_wait3A_60 = arith.constant 0 : i32
      %dma_wait3A_61 = arith.constant 0 : i32
      %dma_wait3A_62 = tpu.memref_slice %arg3[%arg0, %arg1, %dma_wait3A_60, %dma_wait3A_61] : memref<2x16x82x128xi32, #tpu.memory_space<hbm>> -> memref<1x1x82x128xi32, #tpu.memory_space<hbm>>
      %dma_wait3A_63 = tpu.memref_squeeze %dma_wait3A_62 : memref<1x1x82x128xi32, #tpu.memory_space<hbm>> -> memref<82x128xi32, #tpu.memory_space<hbm>>
      %dma_wait3A_64 = arith.constant 0 : i32
      %dma_wait3A_65 = arith.constant 0 : i32
      %dma_wait3A_66 = tpu.memref_slice %arg3[%arg0, %arg1, %dma_wait3A_64, %dma_wait3A_65] : memref<2x16x82x128xi32, #tpu.memory_space<hbm>> -> memref<1x1x82x128xi32, #tpu.memory_space<hbm>>
      %dma_wait3A_67 = tpu.memref_squeeze %dma_wait3A_66 : memref<1x1x82x128xi32, #tpu.memory_space<hbm>> -> memref<82x128xi32, #tpu.memory_space<hbm>>
      tpu.wait_dma2 semaphore(%run_scoped3A : memref<!tpu.dma_semaphore, #tpu.memory_space<semaphore_mem>>) src(%dma_wait3A_67 : memref<82x128xi32, #tpu.memory_space<hbm>>) dst(%arg7 : memref<82x128xi32, #tpu.memory_space<vmem>>)
      tpu.yield
    }) : () -> ()
    %mul3A = arith.constant 632 : i32
    %mul3A_0 = arith.muli %arg1, %mul3A : i32
    %mul3A_1 = arith.constant 632 : i32
    %mul3A_2 = arith.muli %arg1, %mul3A_1 : i32
    "tpu.region"() ({
      %run_scoped3A = tpu.sem_alloc : memref<!tpu.dma_semaphore, #tpu.memory_space<semaphore_mem>>
      %dma_start3A_52 = arith.constant 0 : i32
      %dma_start3A_53 = tpu.memref_slice %arg12[%mul3A_2, %dma_start3A_52] : memref<10112x128xf32, #tpu.memory_space<vmem_shared>> -> memref<632x128xf32, #tpu.memory_space<vmem_shared>>
      %dma_start3A_54 = arith.constant 0 : i32
      %dma_start3A_55 = tpu.memref_slice %arg5[%mul3A_0, %dma_start3A_54] : memref<10112x128xf32, #tpu.memory_space<hbm>> -> memref<632x128xf32, #tpu.memory_space<hbm>>
      tpu.enqueue_dma source(%dma_start3A_55 : memref<632x128xf32, #tpu.memory_space<hbm>>) target(%dma_start3A_53 : memref<632x128xf32, #tpu.memory_space<vmem_shared>>) target_semaphore(%run_scoped3A : memref<!tpu.dma_semaphore, #tpu.memory_space<semaphore_mem>>)
      %dma_wait3A_56 = arith.constant 0 : i32
      %dma_wait3A_57 = tpu.memref_slice %arg12[%mul3A_2, %dma_wait3A_56] : memref<10112x128xf32, #tpu.memory_space<vmem_shared>> -> memref<632x128xf32, #tpu.memory_space<vmem_shared>>
      %dma_wait3A_58 = arith.constant 0 : i32
      %dma_wait3A_59 = tpu.memref_slice %arg5[%mul3A_0, %dma_wait3A_58] : memref<10112x128xf32, #tpu.memory_space<hbm>> -> memref<632x128xf32, #tpu.memory_space<hbm>>
      tpu.wait_dma2 semaphore(%run_scoped3A : memref<!tpu.dma_semaphore, #tpu.memory_space<semaphore_mem>>) src(%dma_wait3A_59 : memref<632x128xf32, #tpu.memory_space<hbm>>) dst(%dma_wait3A_57 : memref<632x128xf32, #tpu.memory_space<vmem_shared>>)
      tpu.yield
    }) : () -> ()
    %barrier3A = arith.constant 0 : index
    tpu.barrier barrier_id(%barrier3A)
    %mul3A_3 = arith.constant 10496 : i32
    %mul3A_4 = arith.muli %arg1, %mul3A_3 : i32
    %dma_start3A = tpu.memref_slice %arg4[%mul3A_4] : memref<167936xi32, #tpu.memory_space<hbm>> -> memref<128xi32, #tpu.memory_space<hbm>>
    %dma_start3A_5 = tpu.memref_slice %arg4[%mul3A_4] : memref<167936xi32, #tpu.memory_space<hbm>> -> memref<128xi32, #tpu.memory_space<hbm>>
    tpu.enqueue_dma source(%dma_start3A_5 : memref<128xi32, #tpu.memory_space<hbm>>) target(%arg8 : memref<128xi32, #tpu.memory_space<vmem>>) target_semaphore(%arg14 : memref<!tpu.dma_semaphore, #tpu.memory_space<semaphore_mem>>)
    %add3A = arith.constant 128 : i32
    %add3A_6 = arith.addi %mul3A_4, %add3A : i32
    %dma_start3A_7 = tpu.memref_slice %arg4[%add3A_6] : memref<167936xi32, #tpu.memory_space<hbm>> -> memref<128xi32, #tpu.memory_space<hbm>>
    %dma_start3A_8 = tpu.memref_slice %arg4[%add3A_6] : memref<167936xi32, #tpu.memory_space<hbm>> -> memref<128xi32, #tpu.memory_space<hbm>>
    tpu.enqueue_dma source(%dma_start3A_8 : memref<128xi32, #tpu.memory_space<hbm>>) target(%arg9 : memref<128xi32, #tpu.memory_space<vmem>>) target_semaphore(%arg16 : memref<!tpu.dma_semaphore, #tpu.memory_space<semaphore_mem>>)
    %dma_start3A_9 = arith.constant 0 : i32
    %dma_start3A_10 = arith.constant 0 : i32
    %dma_start3A_11 = tpu.memref_slice %arg7[%dma_start3A_9, %dma_start3A_10] : memref<82x128xi32, #tpu.memory_space<vmem>> -> memref<1x128xi32, #tpu.memory_space<vmem>>
    %dma_start3A_12 = tpu.memref_squeeze %dma_start3A_11 : memref<1x128xi32, #tpu.memory_space<vmem>> -> memref<128xi32, #tpu.memory_space<vmem>>
    %dma_start3A_13 = arith.constant 0 : i32
    %dma_start3A_14 = arith.constant 0 : i32
    %dma_start3A_15 = tpu.memref_slice %arg2[%dma_start3A_13, %dma_start3A_14] : memref<20000x128xf32, #tpu.memory_space<hbm>> -> memref<20000x128xf32, #tpu.memory_space<hbm>>
    tpu.enqueue_indirect_dma source(%dma_start3A_15 : memref<20000x128xf32, #tpu.memory_space<hbm>>) target(%arg10 : memref<128x128xf32, #tpu.memory_space<vmem>>) offsets(%dma_start3A_12 : memref<128xi32, #tpu.memory_space<vmem>>) semaphore(%arg13 : memref<!tpu.dma_semaphore, #tpu.memory_space<semaphore_mem>>)
    %dma_start3A_16 = arith.constant 1 : i32
    %dma_start3A_17 = arith.constant 0 : i32
    %dma_start3A_18 = tpu.memref_slice %arg7[%dma_start3A_16, %dma_start3A_17] : memref<82x128xi32, #tpu.memory_space<vmem>> -> memref<1x128xi32, #tpu.memory_space<vmem>>
    %dma_start3A_19 = tpu.memref_squeeze %dma_start3A_18 : memref<1x128xi32, #tpu.memory_space<vmem>> -> memref<128xi32, #tpu.memory_space<vmem>>
    %dma_start3A_20 = arith.constant 0 : i32
    %dma_start3A_21 = arith.constant 0 : i32
    %dma_start3A_22 = tpu.memref_slice %arg2[%dma_start3A_20, %dma_start3A_21] : memref<20000x128xf32, #tpu.memory_space<hbm>> -> memref<20000x128xf32, #tpu.memory_space<hbm>>
    tpu.enqueue_indirect_dma source(%dma_start3A_22 : memref<20000x128xf32, #tpu.memory_space<hbm>>) target(%arg11 : memref<128x128xf32, #tpu.memory_space<vmem>>) offsets(%dma_start3A_19 : memref<128xi32, #tpu.memory_space<vmem>>) semaphore(%arg15 : memref<!tpu.dma_semaphore, #tpu.memory_space<semaphore_mem>>)
    %scan3A = arith.constant 0 : i32
    %scan3A_23 = arith.constant 0 : i32
    %scan3A_24 = arith.constant 40 : i32
    %scan3A_25 = arith.addi %scan3A_23, %scan3A_24 : i32
    %scan3A_26 = arith.constant 1 : i32
    scf.for %scan3A_52 = %scan3A_23 to %scan3A_25 step %scan3A_26  : i32 {
      %dma_wait3A_53 = arith.constant 0 : i32
      %dma_wait3A_54 = arith.constant 0 : i32
      %dma_wait3A_55 = tpu.memref_slice %arg5[%dma_wait3A_53, %dma_wait3A_54] : memref<10112x128xf32, #tpu.memory_space<hbm>> -> memref<128x128xf32, #tpu.memory_space<hbm>>
      %dma_wait3A_56 = arith.constant 0 : i32
      %dma_wait3A_57 = arith.constant 0 : i32
      %dma_wait3A_58 = tpu.memref_slice %arg5[%dma_wait3A_56, %dma_wait3A_57] : memref<10112x128xf32, #tpu.memory_space<hbm>> -> memref<128x128xf32, #tpu.memory_space<hbm>>
      tpu.wait_dma2 semaphore(%arg13 : memref<!tpu.dma_semaphore, #tpu.memory_space<semaphore_mem>>) src(%dma_wait3A_58 : memref<128x128xf32, #tpu.memory_space<hbm>>) dst(%arg10 : memref<128x128xf32, #tpu.memory_space<vmem>>)
      %dma_wait3A_59 = arith.constant 0 : i32
      %dma_wait3A_60 = tpu.memref_slice %arg4[%dma_wait3A_59] : memref<167936xi32, #tpu.memory_space<hbm>> -> memref<128xi32, #tpu.memory_space<hbm>>
      %dma_wait3A_61 = arith.constant 0 : i32
      %dma_wait3A_62 = tpu.memref_slice %arg4[%dma_wait3A_61] : memref<167936xi32, #tpu.memory_space<hbm>> -> memref<128xi32, #tpu.memory_space<hbm>>
      tpu.wait_dma2 semaphore(%arg14 : memref<!tpu.dma_semaphore, #tpu.memory_space<semaphore_mem>>) src(%dma_wait3A_62 : memref<128xi32, #tpu.memory_space<hbm>>) dst(%arg8 : memref<128xi32, #tpu.memory_space<vmem>>)
      "tpu.region"() ({
        %run_scoped3A = tpu.sem_alloc : memref<!tpu.dma_semaphore, #tpu.memory_space<semaphore_mem>>
        %dma_start3A_111 = arith.constant 0 : i32
        %dma_start3A_112 = arith.constant 0 : i32
        %dma_start3A_113 = tpu.memref_slice %arg12[%dma_start3A_111, %dma_start3A_112] : memref<10112x128xf32, #tpu.memory_space<vmem_shared>> -> memref<10112x128xf32, #tpu.memory_space<vmem_shared>>
        tpu.enqueue_indirect_dma source(%arg10 : memref<128x128xf32, #tpu.memory_space<vmem>>) target(%dma_start3A_113 : memref<10112x128xf32, #tpu.memory_space<vmem_shared>>) offsets(%arg8 : memref<128xi32, #tpu.memory_space<vmem>>) semaphore(%run_scoped3A : memref<!tpu.dma_semaphore, #tpu.memory_space<semaphore_mem>>) {add = true}
        %dma_wait3A_114 = arith.constant 0 : i32
        %dma_wait3A_115 = arith.constant 0 : i32
        %dma_wait3A_116 = tpu.memref_slice %arg12[%dma_wait3A_114, %dma_wait3A_115] : memref<10112x128xf32, #tpu.memory_space<vmem_shared>> -> memref<10112x128xf32, #tpu.memory_space<vmem_shared>>
        tpu.wait_indirect_dma semaphore(%run_scoped3A : memref<!tpu.dma_semaphore, #tpu.memory_space<semaphore_mem>>) src(%arg10 : memref<128x128xf32, #tpu.memory_space<vmem>>) dst(%dma_wait3A_116 : memref<10112x128xf32, #tpu.memory_space<vmem_shared>>)
        tpu.yield
      }) : () -> ()
      %mul3A_63 = arith.constant 2 : i32
      %mul3A_64 = arith.muli %mul3A_63, %scan3A_52 : i32
      %add3A_65 = arith.constant 2 : i32
      %add3A_66 = arith.addi %mul3A_64, %add3A_65 : i32
      %dma_start3A_67 = arith.constant 0 : i32
      %dma_start3A_68 = tpu.memref_slice %arg7[%add3A_66, %dma_start3A_67] : memref<82x128xi32, #tpu.memory_space<vmem>> -> memref<1x128xi32, #tpu.memory_space<vmem>>
      %dma_start3A_69 = tpu.memref_squeeze %dma_start3A_68 : memref<1x128xi32, #tpu.memory_space<vmem>> -> memref<128xi32, #tpu.memory_space<vmem>>
      %dma_start3A_70 = arith.constant 0 : i32
      %dma_start3A_71 = arith.constant 0 : i32
      %dma_start3A_72 = tpu.memref_slice %arg2[%dma_start3A_70, %dma_start3A_71] : memref<20000x128xf32, #tpu.memory_space<hbm>> -> memref<20000x128xf32, #tpu.memory_space<hbm>>
      tpu.enqueue_indirect_dma source(%dma_start3A_72 : memref<20000x128xf32, #tpu.memory_space<hbm>>) target(%arg10 : memref<128x128xf32, #tpu.memory_space<vmem>>) offsets(%dma_start3A_69 : memref<128xi32, #tpu.memory_space<vmem>>) semaphore(%arg13 : memref<!tpu.dma_semaphore, #tpu.memory_space<semaphore_mem>>)
      %mul3A_73 = arith.constant 2 : i32
      %mul3A_74 = arith.muli %mul3A_73, %scan3A_52 : i32
      %add3A_75 = arith.constant 2 : i32
      %add3A_76 = arith.addi %mul3A_74, %add3A_75 : i32
      %mul3A_77 = arith.constant 128 : i32
      %mul3A_78 = arith.muli %add3A_76, %mul3A_77 : i32
      %add3A_79 = arith.addi %mul3A_4, %mul3A_78 : i32
      %dma_start3A_80 = tpu.memref_slice %arg4[%add3A_79] : memref<167936xi32, #tpu.memory_space<hbm>> -> memref<128xi32, #tpu.memory_space<hbm>>
      %dma_start3A_81 = tpu.memref_slice %arg4[%add3A_79] : memref<167936xi32, #tpu.memory_space<hbm>> -> memref<128xi32, #tpu.memory_space<hbm>>
      tpu.enqueue_dma source(%dma_start3A_81 : memref<128xi32, #tpu.memory_space<hbm>>) target(%arg8 : memref<128xi32, #tpu.memory_space<vmem>>) target_semaphore(%arg14 : memref<!tpu.dma_semaphore, #tpu.memory_space<semaphore_mem>>)
      %dma_wait3A_82 = arith.constant 0 : i32
      %dma_wait3A_83 = arith.constant 0 : i32
      %dma_wait3A_84 = tpu.memref_slice %arg5[%dma_wait3A_82, %dma_wait3A_83] : memref<10112x128xf32, #tpu.memory_space<hbm>> -> memref<128x128xf32, #tpu.memory_space<hbm>>
      %dma_wait3A_85 = arith.constant 0 : i32
      %dma_wait3A_86 = arith.constant 0 : i32
      %dma_wait3A_87 = tpu.memref_slice %arg5[%dma_wait3A_85, %dma_wait3A_86] : memref<10112x128xf32, #tpu.memory_space<hbm>> -> memref<128x128xf32, #tpu.memory_space<hbm>>
      tpu.wait_dma2 semaphore(%arg15 : memref<!tpu.dma_semaphore, #tpu.memory_space<semaphore_mem>>) src(%dma_wait3A_87 : memref<128x128xf32, #tpu.memory_space<hbm>>) dst(%arg11 : memref<128x128xf32, #tpu.memory_space<vmem>>)
      %dma_wait3A_88 = arith.constant 0 : i32
      %dma_wait3A_89 = tpu.memref_slice %arg4[%dma_wait3A_88] : memref<167936xi32, #tpu.memory_space<hbm>> -> memref<128xi32, #tpu.memory_space<hbm>>
      %dma_wait3A_90 = arith.constant 0 : i32
      %dma_wait3A_91 = tpu.memref_slice %arg4[%dma_wait3A_90] : memref<167936xi32, #tpu.memory_space<hbm>> -> memref<128xi32, #tpu.memory_space<hbm>>
      tpu.wait_dma2 semaphore(%arg16 : memref<!tpu.dma_semaphore, #tpu.memory_space<semaphore_mem>>) src(%dma_wait3A_91 : memref<128xi32, #tpu.memory_space<hbm>>) dst(%arg9 : memref<128xi32, #tpu.memory_space<vmem>>)
      "tpu.region"() ({
        %run_scoped3A = tpu.sem_alloc : memref<!tpu.dma_semaphore, #tpu.memory_space<semaphore_mem>>
        %dma_start3A_111 = arith.constant 0 : i32
        %dma_start3A_112 = arith.constant 0 : i32
        %dma_start3A_113 = tpu.memref_slice %arg12[%dma_start3A_111, %dma_start3A_112] : memref<10112x128xf32, #tpu.memory_space<vmem_shared>> -> memref<10112x128xf32, #tpu.memory_space<vmem_shared>>
        tpu.enqueue_indirect_dma source(%arg11 : memref<128x128xf32, #tpu.memory_space<vmem>>) target(%dma_start3A_113 : memref<10112x128xf32, #tpu.memory_space<vmem_shared>>) offsets(%arg9 : memref<128xi32, #tpu.memory_space<vmem>>) semaphore(%run_scoped3A : memref<!tpu.dma_semaphore, #tpu.memory_space<semaphore_mem>>) {add = true}
        %dma_wait3A_114 = arith.constant 0 : i32
        %dma_wait3A_115 = arith.constant 0 : i32
        %dma_wait3A_116 = tpu.memref_slice %arg12[%dma_wait3A_114, %dma_wait3A_115] : memref<10112x128xf32, #tpu.memory_space<vmem_shared>> -> memref<10112x128xf32, #tpu.memory_space<vmem_shared>>
        tpu.wait_indirect_dma semaphore(%run_scoped3A : memref<!tpu.dma_semaphore, #tpu.memory_space<semaphore_mem>>) src(%arg11 : memref<128x128xf32, #tpu.memory_space<vmem>>) dst(%dma_wait3A_116 : memref<10112x128xf32, #tpu.memory_space<vmem_shared>>)
        tpu.yield
      }) : () -> ()
      %mul3A_92 = arith.constant 2 : i32
      %mul3A_93 = arith.muli %mul3A_92, %scan3A_52 : i32
      %add3A_94 = arith.constant 3 : i32
      %add3A_95 = arith.addi %mul3A_93, %add3A_94 : i32
      %dma_start3A_96 = arith.constant 0 : i32
      %dma_start3A_97 = tpu.memref_slice %arg7[%add3A_95, %dma_start3A_96] : memref<82x128xi32, #tpu.memory_space<vmem>> -> memref<1x128xi32, #tpu.memory_space<vmem>>
      %dma_start3A_98 = tpu.memref_squeeze %dma_start3A_97 : memref<1x128xi32, #tpu.memory_space<vmem>> -> memref<128xi32, #tpu.memory_space<vmem>>
      %dma_start3A_99 = arith.constant 0 : i32
      %dma_start3A_100 = arith.constant 0 : i32
      %dma_start3A_101 = tpu.memref_slice %arg2[%dma_start3A_99, %dma_start3A_100] : memref<20000x128xf32, #tpu.memory_space<hbm>> -> memref<20000x128xf32, #tpu.memory_space<hbm>>
      tpu.enqueue_indirect_dma source(%dma_start3A_101 : memref<20000x128xf32, #tpu.memory_space<hbm>>) target(%arg11 : memref<128x128xf32, #tpu.memory_space<vmem>>) offsets(%dma_start3A_98 : memref<128xi32, #tpu.memory_space<vmem>>) semaphore(%arg15 : memref<!tpu.dma_semaphore, #tpu.memory_space<semaphore_mem>>)
      %mul3A_102 = arith.constant 2 : i32
      %mul3A_103 = arith.muli %mul3A_102, %scan3A_52 : i32
      %add3A_104 = arith.constant 3 : i32
      %add3A_105 = arith.addi %mul3A_103, %add3A_104 : i32
      %mul3A_106 = arith.constant 128 : i32
      %mul3A_107 = arith.muli %add3A_105, %mul3A_106 : i32
      %add3A_108 = arith.addi %mul3A_4, %mul3A_107 : i32
      %dma_start3A_109 = tpu.memref_slice %arg4[%add3A_108] : memref<167936xi32, #tpu.memory_space<hbm>> -> memref<128xi32, #tpu.memory_space<hbm>>
      %dma_start3A_110 = tpu.memref_slice %arg4[%add3A_108] : memref<167936xi32, #tpu.memory_space<hbm>> -> memref<128xi32, #tpu.memory_space<hbm>>
      tpu.enqueue_dma source(%dma_start3A_110 : memref<128xi32, #tpu.memory_space<hbm>>) target(%arg9 : memref<128xi32, #tpu.memory_space<vmem>>) target_semaphore(%arg16 : memref<!tpu.dma_semaphore, #tpu.memory_space<semaphore_mem>>)
    }
    %scan3A_27 = arith.constant 40 : i32
    %dma_wait3A = arith.constant 0 : i32
    %dma_wait3A_28 = arith.constant 0 : i32
    %dma_wait3A_29 = tpu.memref_slice %arg5[%dma_wait3A, %dma_wait3A_28] : memref<10112x128xf32, #tpu.memory_space<hbm>> -> memref<128x128xf32, #tpu.memory_space<hbm>>
    %dma_wait3A_30 = arith.constant 0 : i32
    %dma_wait3A_31 = arith.constant 0 : i32
    %dma_wait3A_32 = tpu.memref_slice %arg5[%dma_wait3A_30, %dma_wait3A_31] : memref<10112x128xf32, #tpu.memory_space<hbm>> -> memref<128x128xf32, #tpu.memory_space<hbm>>
    tpu.wait_dma2 semaphore(%arg13 : memref<!tpu.dma_semaphore, #tpu.memory_space<semaphore_mem>>) src(%dma_wait3A_32 : memref<128x128xf32, #tpu.memory_space<hbm>>) dst(%arg10 : memref<128x128xf32, #tpu.memory_space<vmem>>)
    %dma_wait3A_33 = arith.constant 0 : i32
    %dma_wait3A_34 = arith.constant 0 : i32
    %dma_wait3A_35 = tpu.memref_slice %arg5[%dma_wait3A_33, %dma_wait3A_34] : memref<10112x128xf32, #tpu.memory_space<hbm>> -> memref<128x128xf32, #tpu.memory_space<hbm>>
    %dma_wait3A_36 = arith.constant 0 : i32
    %dma_wait3A_37 = arith.constant 0 : i32
    %dma_wait3A_38 = tpu.memref_slice %arg5[%dma_wait3A_36, %dma_wait3A_37] : memref<10112x128xf32, #tpu.memory_space<hbm>> -> memref<128x128xf32, #tpu.memory_space<hbm>>
    tpu.wait_dma2 semaphore(%arg15 : memref<!tpu.dma_semaphore, #tpu.memory_space<semaphore_mem>>) src(%dma_wait3A_38 : memref<128x128xf32, #tpu.memory_space<hbm>>) dst(%arg11 : memref<128x128xf32, #tpu.memory_space<vmem>>)
    %dma_wait3A_39 = arith.constant 0 : i32
    %dma_wait3A_40 = tpu.memref_slice %arg4[%dma_wait3A_39] : memref<167936xi32, #tpu.memory_space<hbm>> -> memref<128xi32, #tpu.memory_space<hbm>>
    %dma_wait3A_41 = arith.constant 0 : i32
    %dma_wait3A_42 = tpu.memref_slice %arg4[%dma_wait3A_41] : memref<167936xi32, #tpu.memory_space<hbm>> -> memref<128xi32, #tpu.memory_space<hbm>>
    tpu.wait_dma2 semaphore(%arg14 : memref<!tpu.dma_semaphore, #tpu.memory_space<semaphore_mem>>) src(%dma_wait3A_42 : memref<128xi32, #tpu.memory_space<hbm>>) dst(%arg8 : memref<128xi32, #tpu.memory_space<vmem>>)
    %dma_wait3A_43 = arith.constant 0 : i32
    %dma_wait3A_44 = tpu.memref_slice %arg4[%dma_wait3A_43] : memref<167936xi32, #tpu.memory_space<hbm>> -> memref<128xi32, #tpu.memory_space<hbm>>
    %dma_wait3A_45 = arith.constant 0 : i32
    %dma_wait3A_46 = tpu.memref_slice %arg4[%dma_wait3A_45] : memref<167936xi32, #tpu.memory_space<hbm>> -> memref<128xi32, #tpu.memory_space<hbm>>
    tpu.wait_dma2 semaphore(%arg16 : memref<!tpu.dma_semaphore, #tpu.memory_space<semaphore_mem>>) src(%dma_wait3A_46 : memref<128xi32, #tpu.memory_space<hbm>>) dst(%arg9 : memref<128xi32, #tpu.memory_space<vmem>>)
    %barrier3A_47 = arith.constant 0 : index
    tpu.barrier barrier_id(%barrier3A_47)
    %mul3A_48 = arith.constant 632 : i32
    %mul3A_49 = arith.muli %arg1, %mul3A_48 : i32
    %mul3A_50 = arith.constant 632 : i32
    %mul3A_51 = arith.muli %arg1, %mul3A_50 : i32
    "tpu.region"() ({
      %run_scoped3A = tpu.sem_alloc : memref<!tpu.dma_semaphore, #tpu.memory_space<semaphore_mem>>
      %dma_start3A_52 = arith.constant 0 : i32
      %dma_start3A_53 = tpu.memref_slice %arg6[%arg0, %mul3A_51, %dma_start3A_52] : memref<2x10112x128xf32, #tpu.memory_space<hbm>> -> memref<1x632x128xf32, #tpu.memory_space<hbm>>
      %dma_start3A_54 = tpu.memref_squeeze %dma_start3A_53 : memref<1x632x128xf32, #tpu.memory_space<hbm>> -> memref<632x128xf32, #tpu.memory_space<hbm>>
      %dma_start3A_55 = arith.constant 0 : i32
      %dma_start3A_56 = tpu.memref_slice %arg12[%mul3A_49, %dma_start3A_55] : memref<10112x128xf32, #tpu.memory_space<vmem_shared>> -> memref<632x128xf32, #tpu.memory_space<vmem_shared>>
      tpu.enqueue_dma source(%dma_start3A_56 : memref<632x128xf32, #tpu.memory_space<vmem_shared>>) target(%dma_start3A_54 : memref<632x128xf32, #tpu.memory_space<hbm>>) target_semaphore(%run_scoped3A : memref<!tpu.dma_semaphore, #tpu.memory_space<semaphore_mem>>)
      %dma_wait3A_57 = arith.constant 0 : i32
      %dma_wait3A_58 = tpu.memref_slice %arg6[%arg0, %mul3A_51, %dma_wait3A_57] : memref<2x10112x128xf32, #tpu.memory_space<hbm>> -> memref<1x632x128xf32, #tpu.memory_space<hbm>>
      %dma_wait3A_59 = tpu.memref_squeeze %dma_wait3A_58 : memref<1x632x128xf32, #tpu.memory_space<hbm>> -> memref<632x128xf32, #tpu.memory_space<hbm>>
      %dma_wait3A_60 = arith.constant 0 : i32
      %dma_wait3A_61 = tpu.memref_slice %arg12[%mul3A_49, %dma_wait3A_60] : memref<10112x128xf32, #tpu.memory_space<vmem_shared>> -> memref<632x128xf32, #tpu.memory_space<vmem_shared>>
      tpu.wait_dma2 semaphore(%run_scoped3A : memref<!tpu.dma_semaphore, #tpu.memory_space<semaphore_mem>>) src(%dma_wait3A_61 : memref<632x128xf32, #tpu.memory_space<vmem_shared>>) dst(%dma_wait3A_59 : memref<632x128xf32, #tpu.memory_space<hbm>>)
      tpu.yield
    }) : () -> ()
    return
  }
}

#map = affine_map<(d0, d1) -> (0)>
#map1 = affine_map<(d0, d1) -> (0, 0)>
module attributes {stable_mosaic.version = 14 : i64} {
  func.func @_cnt_body(%arg0: i32, %arg1: i32, %arg2: memref<167936xi32, #tpu.memory_space<hbm>>, %arg3: memref<128x128xf32, #tpu.memory_space<hbm>>, %arg4: memref<10112x128xf32, #tpu.memory_space<hbm>>, %arg5: memref<10112x128xf32, #tpu.memory_space<hbm>>, %arg6: memref<128xi32, #tpu.memory_space<vmem>>, %arg7: memref<128x128xf32, #tpu.memory_space<vmem>>, %arg8: memref<10112x128xf32, #tpu.memory_space<vmem_shared>>) attributes {dimension_semantics = [#tpu.dimension_semantics<core_parallel>, #tpu.dimension_semantics<subcore_parallel>], iteration_bounds = array<i64: 2, 16>, scalar_prefetch = 0 : i64, scratch_operands = 3 : i64, tpu.core_type = #tpu.core_type<sc_vector_subcore>, window_params = [{transform_indices = #map}, {transform_indices = #map1}, {transform_indices = #map1}, {transform_indices = #map1}]} {
    %eq3A = arith.constant 0 : i32
    %eq3A_0 = arith.cmpi eq, %arg0, %eq3A : i32
    %convert_element_type3A = arith.extui %eq3A_0 : i1 to i32
    %cond3A = arith.constant 0 : i32
    %cond3A_1 = arith.cmpi ne, %convert_element_type3A, %cond3A : i32
    scf.if %cond3A_1 {
      "tpu.region"() ({
        %run_scoped3A = tpu.sem_alloc : memref<!tpu.dma_semaphore, #tpu.memory_space<semaphore_mem>>
        tpu.enqueue_dma source(%arg3 : memref<128x128xf32, #tpu.memory_space<hbm>>) target(%arg7 : memref<128x128xf32, #tpu.memory_space<vmem>>) target_semaphore(%run_scoped3A : memref<!tpu.dma_semaphore, #tpu.memory_space<semaphore_mem>>)
        tpu.wait_dma2 semaphore(%run_scoped3A : memref<!tpu.dma_semaphore, #tpu.memory_space<semaphore_mem>>) src(%arg3 : memref<128x128xf32, #tpu.memory_space<hbm>>) dst(%arg7 : memref<128x128xf32, #tpu.memory_space<vmem>>)
        tpu.yield
      }) : () -> ()
      %mul3A = arith.constant 632 : i32
      %mul3A_2 = arith.muli %arg1, %mul3A : i32
      %mul3A_3 = arith.constant 632 : i32
      %mul3A_4 = arith.muli %arg1, %mul3A_3 : i32
      "tpu.region"() ({
        %run_scoped3A = tpu.sem_alloc : memref<!tpu.dma_semaphore, #tpu.memory_space<semaphore_mem>>
        %dma_start3A = arith.constant 0 : i32
        %dma_start3A_17 = tpu.memref_slice %arg8[%mul3A_4, %dma_start3A] : memref<10112x128xf32, #tpu.memory_space<vmem_shared>> -> memref<632x128xf32, #tpu.memory_space<vmem_shared>>
        %dma_start3A_18 = arith.constant 0 : i32
        %dma_start3A_19 = tpu.memref_slice %arg4[%mul3A_2, %dma_start3A_18] : memref<10112x128xf32, #tpu.memory_space<hbm>> -> memref<632x128xf32, #tpu.memory_space<hbm>>
        tpu.enqueue_dma source(%dma_start3A_19 : memref<632x128xf32, #tpu.memory_space<hbm>>) target(%dma_start3A_17 : memref<632x128xf32, #tpu.memory_space<vmem_shared>>) target_semaphore(%run_scoped3A : memref<!tpu.dma_semaphore, #tpu.memory_space<semaphore_mem>>)
        %dma_wait3A = arith.constant 0 : i32
        %dma_wait3A_20 = tpu.memref_slice %arg8[%mul3A_4, %dma_wait3A] : memref<10112x128xf32, #tpu.memory_space<vmem_shared>> -> memref<632x128xf32, #tpu.memory_space<vmem_shared>>
        %dma_wait3A_21 = arith.constant 0 : i32
        %dma_wait3A_22 = tpu.memref_slice %arg4[%mul3A_2, %dma_wait3A_21] : memref<10112x128xf32, #tpu.memory_space<hbm>> -> memref<632x128xf32, #tpu.memory_space<hbm>>
        tpu.wait_dma2 semaphore(%run_scoped3A : memref<!tpu.dma_semaphore, #tpu.memory_space<semaphore_mem>>) src(%dma_wait3A_22 : memref<632x128xf32, #tpu.memory_space<hbm>>) dst(%dma_wait3A_20 : memref<632x128xf32, #tpu.memory_space<vmem_shared>>)
        tpu.yield
      }) : () -> ()
      %barrier3A = arith.constant 0 : index
      tpu.barrier barrier_id(%barrier3A)
      %mul3A_5 = arith.constant 10496 : i32
      %mul3A_6 = arith.muli %arg1, %mul3A_5 : i32
      %scan3A = arith.constant 0 : i32
      %scan3A_7 = arith.constant 0 : i32
      %scan3A_8 = arith.constant 80 : i32
      %scan3A_9 = arith.addi %scan3A_7, %scan3A_8 : i32
      %scan3A_10 = arith.constant 1 : i32
      scf.for %scan3A_17 = %scan3A_7 to %scan3A_9 step %scan3A_10  : i32 {
        %mul3A_18 = arith.constant 128 : i32
        %mul3A_19 = arith.muli %scan3A_17, %mul3A_18 : i32
        %add3A = arith.addi %mul3A_6, %mul3A_19 : i32
        "tpu.region"() ({
          %run_scoped3A = tpu.sem_alloc : memref<!tpu.dma_semaphore, #tpu.memory_space<semaphore_mem>>
          %dma_start3A = tpu.memref_slice %arg2[%add3A] : memref<167936xi32, #tpu.memory_space<hbm>> -> memref<128xi32, #tpu.memory_space<hbm>>
          %dma_start3A_20 = tpu.memref_slice %arg2[%add3A] : memref<167936xi32, #tpu.memory_space<hbm>> -> memref<128xi32, #tpu.memory_space<hbm>>
          tpu.enqueue_dma source(%dma_start3A_20 : memref<128xi32, #tpu.memory_space<hbm>>) target(%arg6 : memref<128xi32, #tpu.memory_space<vmem>>) target_semaphore(%run_scoped3A : memref<!tpu.dma_semaphore, #tpu.memory_space<semaphore_mem>>)
          %dma_wait3A = tpu.memref_slice %arg2[%add3A] : memref<167936xi32, #tpu.memory_space<hbm>> -> memref<128xi32, #tpu.memory_space<hbm>>
          %dma_wait3A_21 = tpu.memref_slice %arg2[%add3A] : memref<167936xi32, #tpu.memory_space<hbm>> -> memref<128xi32, #tpu.memory_space<hbm>>
          tpu.wait_dma2 semaphore(%run_scoped3A : memref<!tpu.dma_semaphore, #tpu.memory_space<semaphore_mem>>) src(%dma_wait3A_21 : memref<128xi32, #tpu.memory_space<hbm>>) dst(%arg6 : memref<128xi32, #tpu.memory_space<vmem>>)
          tpu.yield
        }) : () -> ()
        "tpu.region"() ({
          %run_scoped3A = tpu.sem_alloc : memref<!tpu.dma_semaphore, #tpu.memory_space<semaphore_mem>>
          %dma_start3A = arith.constant 0 : i32
          %dma_start3A_20 = arith.constant 0 : i32
          %dma_start3A_21 = tpu.memref_slice %arg8[%dma_start3A, %dma_start3A_20] : memref<10112x128xf32, #tpu.memory_space<vmem_shared>> -> memref<10112x128xf32, #tpu.memory_space<vmem_shared>>
          tpu.enqueue_indirect_dma source(%arg7 : memref<128x128xf32, #tpu.memory_space<vmem>>) target(%dma_start3A_21 : memref<10112x128xf32, #tpu.memory_space<vmem_shared>>) offsets(%arg6 : memref<128xi32, #tpu.memory_space<vmem>>) semaphore(%run_scoped3A : memref<!tpu.dma_semaphore, #tpu.memory_space<semaphore_mem>>) {add = true}
          %dma_wait3A = arith.constant 0 : i32
          %dma_wait3A_22 = arith.constant 0 : i32
          %dma_wait3A_23 = tpu.memref_slice %arg8[%dma_wait3A, %dma_wait3A_22] : memref<10112x128xf32, #tpu.memory_space<vmem_shared>> -> memref<10112x128xf32, #tpu.memory_space<vmem_shared>>
          tpu.wait_indirect_dma semaphore(%run_scoped3A : memref<!tpu.dma_semaphore, #tpu.memory_space<semaphore_mem>>) src(%arg7 : memref<128x128xf32, #tpu.memory_space<vmem>>) dst(%dma_wait3A_23 : memref<10112x128xf32, #tpu.memory_space<vmem_shared>>)
          tpu.yield
        }) : () -> ()
      }
      %scan3A_11 = arith.constant 80 : i32
      %barrier3A_12 = arith.constant 0 : index
      tpu.barrier barrier_id(%barrier3A_12)
      %mul3A_13 = arith.constant 632 : i32
      %mul3A_14 = arith.muli %arg1, %mul3A_13 : i32
      %mul3A_15 = arith.constant 632 : i32
      %mul3A_16 = arith.muli %arg1, %mul3A_15 : i32
      "tpu.region"() ({
        %run_scoped3A = tpu.sem_alloc : memref<!tpu.dma_semaphore, #tpu.memory_space<semaphore_mem>>
        %dma_start3A = arith.constant 0 : i32
        %dma_start3A_17 = tpu.memref_slice %arg5[%mul3A_16, %dma_start3A] : memref<10112x128xf32, #tpu.memory_space<hbm>> -> memref<632x128xf32, #tpu.memory_space<hbm>>
        %dma_start3A_18 = arith.constant 0 : i32
        %dma_start3A_19 = tpu.memref_slice %arg8[%mul3A_14, %dma_start3A_18] : memref<10112x128xf32, #tpu.memory_space<vmem_shared>> -> memref<632x128xf32, #tpu.memory_space<vmem_shared>>
        tpu.enqueue_dma source(%dma_start3A_19 : memref<632x128xf32, #tpu.memory_space<vmem_shared>>) target(%dma_start3A_17 : memref<632x128xf32, #tpu.memory_space<hbm>>) target_semaphore(%run_scoped3A : memref<!tpu.dma_semaphore, #tpu.memory_space<semaphore_mem>>)
        %dma_wait3A = arith.constant 0 : i32
        %dma_wait3A_20 = tpu.memref_slice %arg5[%mul3A_16, %dma_wait3A] : memref<10112x128xf32, #tpu.memory_space<hbm>> -> memref<632x128xf32, #tpu.memory_space<hbm>>
        %dma_wait3A_21 = arith.constant 0 : i32
        %dma_wait3A_22 = tpu.memref_slice %arg8[%mul3A_14, %dma_wait3A_21] : memref<10112x128xf32, #tpu.memory_space<vmem_shared>> -> memref<632x128xf32, #tpu.memory_space<vmem_shared>>
        tpu.wait_dma2 semaphore(%run_scoped3A : memref<!tpu.dma_semaphore, #tpu.memory_space<semaphore_mem>>) src(%dma_wait3A_22 : memref<632x128xf32, #tpu.memory_space<vmem_shared>>) dst(%dma_wait3A_20 : memref<632x128xf32, #tpu.memory_space<hbm>>)
        tpu.yield
      }) : () -> ()
    } else {
    }
    return
  }
}

#map = affine_map<(d0, d1) -> (0, 0)>
#map1 = affine_map<(d0, d1) -> (0, 0, 0, 0)>
#map2 = affine_map<(d0, d1) -> (0)>
#map3 = affine_map<(d0, d1) -> (0, 0, 0)>
module attributes {stable_mosaic.version = 14 : i64} {
  func.func @_agg_body(%arg0: i32, %arg1: i32, %arg2: memref<20000x128xf32, #tpu.memory_space<hbm>>, %arg3: memref<2x16x82x128xi32, #tpu.memory_space<hbm>>, %arg4: memref<167936xi32, #tpu.memory_space<hbm>>, %arg5: memref<10112x128xf32, #tpu.memory_space<hbm>>, %arg6: memref<2x10112x128xf32, #tpu.memory_space<hbm>>, %arg7: memref<82x128xi32, #tpu.memory_space<vmem>>, %arg8: memref<128xi32, #tpu.memory_space<vmem>>, %arg9: memref<128xi32, #tpu.memory_space<vmem>>, %arg10: memref<128x128xf32, #tpu.memory_space<vmem>>, %arg11: memref<128x128xf32, #tpu.memory_space<vmem>>, %arg12: memref<10112x128xf32, #tpu.memory_space<vmem_shared>>, %arg13: memref<!tpu.dma_semaphore, #tpu.memory_space<semaphore_mem>>, %arg14: memref<!tpu.dma_semaphore, #tpu.memory_space<semaphore_mem>>, %arg15: memref<!tpu.dma_semaphore, #tpu.memory_space<semaphore_mem>>, %arg16: memref<!tpu.dma_semaphore, #tpu.memory_space<semaphore_mem>>) attributes {dimension_semantics = [#tpu.dimension_semantics<core_parallel>, #tpu.dimension_semantics<subcore_parallel>], iteration_bounds = array<i64: 2, 16>, scalar_prefetch = 0 : i64, scratch_operands = 10 : i64, tpu.core_type = #tpu.core_type<sc_vector_subcore>, window_params = [{transform_indices = #map}, {transform_indices = #map1}, {transform_indices = #map2}, {transform_indices = #map}, {transform_indices = #map3}]} {
    "tpu.region"() ({
      %run_scoped3A = tpu.sem_alloc : memref<!tpu.dma_semaphore, #tpu.memory_space<semaphore_mem>>
      %dma_start3A_52 = arith.constant 0 : i32
      %dma_start3A_53 = arith.constant 0 : i32
      %dma_start3A_54 = tpu.memref_slice %arg3[%arg0, %arg1, %dma_start3A_52, %dma_start3A_53] : memref<2x16x82x128xi32, #tpu.memory_space<hbm>> -> memref<1x1x82x128xi32, #tpu.memory_space<hbm>>
      %dma_start3A_55 = tpu.memref_squeeze %dma_start3A_54 : memref<1x1x82x128xi32, #tpu.memory_space<hbm>> -> memref<82x128xi32, #tpu.memory_space<hbm>>
      %dma_start3A_56 = arith.constant 0 : i32
      %dma_start3A_57 = arith.constant 0 : i32
      %dma_start3A_58 = tpu.memref_slice %arg3[%arg0, %arg1, %dma_start3A_56, %dma_start3A_57] : memref<2x16x82x128xi32, #tpu.memory_space<hbm>> -> memref<1x1x82x128xi32, #tpu.memory_space<hbm>>
      %dma_start3A_59 = tpu.memref_squeeze %dma_start3A_58 : memref<1x1x82x128xi32, #tpu.memory_space<hbm>> -> memref<82x128xi32, #tpu.memory_space<hbm>>
      tpu.enqueue_dma source(%dma_start3A_59 : memref<82x128xi32, #tpu.memory_space<hbm>>) target(%arg7 : memref<82x128xi32, #tpu.memory_space<vmem>>) target_semaphore(%run_scoped3A : memref<!tpu.dma_semaphore, #tpu.memory_space<semaphore_mem>>)
      %dma_wait3A_60 = arith.constant 0 : i32
      %dma_wait3A_61 = arith.constant 0 : i32
      %dma_wait3A_62 = tpu.memref_slice %arg3[%arg0, %arg1, %dma_wait3A_60, %dma_wait3A_61] : memref<2x16x82x128xi32, #tpu.memory_space<hbm>> -> memref<1x1x82x128xi32, #tpu.memory_space<hbm>>
      %dma_wait3A_63 = tpu.memref_squeeze %dma_wait3A_62 : memref<1x1x82x128xi32, #tpu.memory_space<hbm>> -> memref<82x128xi32, #tpu.memory_space<hbm>>
      %dma_wait3A_64 = arith.constant 0 : i32
      %dma_wait3A_65 = arith.constant 0 : i32
      %dma_wait3A_66 = tpu.memref_slice %arg3[%arg0, %arg1, %dma_wait3A_64, %dma_wait3A_65] : memref<2x16x82x128xi32, #tpu.memory_space<hbm>> -> memref<1x1x82x128xi32, #tpu.memory_space<hbm>>
      %dma_wait3A_67 = tpu.memref_squeeze %dma_wait3A_66 : memref<1x1x82x128xi32, #tpu.memory_space<hbm>> -> memref<82x128xi32, #tpu.memory_space<hbm>>
      tpu.wait_dma2 semaphore(%run_scoped3A : memref<!tpu.dma_semaphore, #tpu.memory_space<semaphore_mem>>) src(%dma_wait3A_67 : memref<82x128xi32, #tpu.memory_space<hbm>>) dst(%arg7 : memref<82x128xi32, #tpu.memory_space<vmem>>)
      tpu.yield
    }) : () -> ()
    %mul3A = arith.constant 632 : i32
    %mul3A_0 = arith.muli %arg1, %mul3A : i32
    %mul3A_1 = arith.constant 632 : i32
    %mul3A_2 = arith.muli %arg1, %mul3A_1 : i32
    "tpu.region"() ({
      %run_scoped3A = tpu.sem_alloc : memref<!tpu.dma_semaphore, #tpu.memory_space<semaphore_mem>>
      %dma_start3A_52 = arith.constant 0 : i32
      %dma_start3A_53 = tpu.memref_slice %arg12[%mul3A_2, %dma_start3A_52] : memref<10112x128xf32, #tpu.memory_space<vmem_shared>> -> memref<632x128xf32, #tpu.memory_space<vmem_shared>>
      %dma_start3A_54 = arith.constant 0 : i32
      %dma_start3A_55 = tpu.memref_slice %arg5[%mul3A_0, %dma_start3A_54] : memref<10112x128xf32, #tpu.memory_space<hbm>> -> memref<632x128xf32, #tpu.memory_space<hbm>>
      tpu.enqueue_dma source(%dma_start3A_55 : memref<632x128xf32, #tpu.memory_space<hbm>>) target(%dma_start3A_53 : memref<632x128xf32, #tpu.memory_space<vmem_shared>>) target_semaphore(%run_scoped3A : memref<!tpu.dma_semaphore, #tpu.memory_space<semaphore_mem>>)
      %dma_wait3A_56 = arith.constant 0 : i32
      %dma_wait3A_57 = tpu.memref_slice %arg12[%mul3A_2, %dma_wait3A_56] : memref<10112x128xf32, #tpu.memory_space<vmem_shared>> -> memref<632x128xf32, #tpu.memory_space<vmem_shared>>
      %dma_wait3A_58 = arith.constant 0 : i32
      %dma_wait3A_59 = tpu.memref_slice %arg5[%mul3A_0, %dma_wait3A_58] : memref<10112x128xf32, #tpu.memory_space<hbm>> -> memref<632x128xf32, #tpu.memory_space<hbm>>
      tpu.wait_dma2 semaphore(%run_scoped3A : memref<!tpu.dma_semaphore, #tpu.memory_space<semaphore_mem>>) src(%dma_wait3A_59 : memref<632x128xf32, #tpu.memory_space<hbm>>) dst(%dma_wait3A_57 : memref<632x128xf32, #tpu.memory_space<vmem_shared>>)
      tpu.yield
    }) : () -> ()
    %barrier3A = arith.constant 0 : index
    tpu.barrier barrier_id(%barrier3A)
    %mul3A_3 = arith.constant 10496 : i32
    %mul3A_4 = arith.muli %arg1, %mul3A_3 : i32
    %dma_start3A = tpu.memref_slice %arg4[%mul3A_4] : memref<167936xi32, #tpu.memory_space<hbm>> -> memref<128xi32, #tpu.memory_space<hbm>>
    %dma_start3A_5 = tpu.memref_slice %arg4[%mul3A_4] : memref<167936xi32, #tpu.memory_space<hbm>> -> memref<128xi32, #tpu.memory_space<hbm>>
    tpu.enqueue_dma source(%dma_start3A_5 : memref<128xi32, #tpu.memory_space<hbm>>) target(%arg8 : memref<128xi32, #tpu.memory_space<vmem>>) target_semaphore(%arg14 : memref<!tpu.dma_semaphore, #tpu.memory_space<semaphore_mem>>)
    %add3A = arith.constant 128 : i32
    %add3A_6 = arith.addi %mul3A_4, %add3A : i32
    %dma_start3A_7 = tpu.memref_slice %arg4[%add3A_6] : memref<167936xi32, #tpu.memory_space<hbm>> -> memref<128xi32, #tpu.memory_space<hbm>>
    %dma_start3A_8 = tpu.memref_slice %arg4[%add3A_6] : memref<167936xi32, #tpu.memory_space<hbm>> -> memref<128xi32, #tpu.memory_space<hbm>>
    tpu.enqueue_dma source(%dma_start3A_8 : memref<128xi32, #tpu.memory_space<hbm>>) target(%arg9 : memref<128xi32, #tpu.memory_space<vmem>>) target_semaphore(%arg16 : memref<!tpu.dma_semaphore, #tpu.memory_space<semaphore_mem>>)
    %dma_start3A_9 = arith.constant 0 : i32
    %dma_start3A_10 = arith.constant 0 : i32
    %dma_start3A_11 = tpu.memref_slice %arg7[%dma_start3A_9, %dma_start3A_10] : memref<82x128xi32, #tpu.memory_space<vmem>> -> memref<1x128xi32, #tpu.memory_space<vmem>>
    %dma_start3A_12 = tpu.memref_squeeze %dma_start3A_11 : memref<1x128xi32, #tpu.memory_space<vmem>> -> memref<128xi32, #tpu.memory_space<vmem>>
    %dma_start3A_13 = arith.constant 0 : i32
    %dma_start3A_14 = arith.constant 0 : i32
    %dma_start3A_15 = tpu.memref_slice %arg2[%dma_start3A_13, %dma_start3A_14] : memref<20000x128xf32, #tpu.memory_space<hbm>> -> memref<20000x128xf32, #tpu.memory_space<hbm>>
    tpu.enqueue_indirect_dma source(%dma_start3A_15 : memref<20000x128xf32, #tpu.memory_space<hbm>>) target(%arg10 : memref<128x128xf32, #tpu.memory_space<vmem>>) offsets(%dma_start3A_12 : memref<128xi32, #tpu.memory_space<vmem>>) semaphore(%arg13 : memref<!tpu.dma_semaphore, #tpu.memory_space<semaphore_mem>>)
    %dma_start3A_16 = arith.constant 1 : i32
    %dma_start3A_17 = arith.constant 0 : i32
    %dma_start3A_18 = tpu.memref_slice %arg7[%dma_start3A_16, %dma_start3A_17] : memref<82x128xi32, #tpu.memory_space<vmem>> -> memref<1x128xi32, #tpu.memory_space<vmem>>
    %dma_start3A_19 = tpu.memref_squeeze %dma_start3A_18 : memref<1x128xi32, #tpu.memory_space<vmem>> -> memref<128xi32, #tpu.memory_space<vmem>>
    %dma_start3A_20 = arith.constant 0 : i32
    %dma_start3A_21 = arith.constant 0 : i32
    %dma_start3A_22 = tpu.memref_slice %arg2[%dma_start3A_20, %dma_start3A_21] : memref<20000x128xf32, #tpu.memory_space<hbm>> -> memref<20000x128xf32, #tpu.memory_space<hbm>>
    tpu.enqueue_indirect_dma source(%dma_start3A_22 : memref<20000x128xf32, #tpu.memory_space<hbm>>) target(%arg11 : memref<128x128xf32, #tpu.memory_space<vmem>>) offsets(%dma_start3A_19 : memref<128xi32, #tpu.memory_space<vmem>>) semaphore(%arg15 : memref<!tpu.dma_semaphore, #tpu.memory_space<semaphore_mem>>)
    %scan3A = arith.constant 0 : i32
    %scan3A_23 = arith.constant 0 : i32
    %scan3A_24 = arith.constant 40 : i32
    %scan3A_25 = arith.addi %scan3A_23, %scan3A_24 : i32
    %scan3A_26 = arith.constant 1 : i32
    scf.for %scan3A_52 = %scan3A_23 to %scan3A_25 step %scan3A_26  : i32 {
      %dma_wait3A_53 = arith.constant 0 : i32
      %dma_wait3A_54 = arith.constant 0 : i32
      %dma_wait3A_55 = tpu.memref_slice %arg5[%dma_wait3A_53, %dma_wait3A_54] : memref<10112x128xf32, #tpu.memory_space<hbm>> -> memref<128x128xf32, #tpu.memory_space<hbm>>
      %dma_wait3A_56 = arith.constant 0 : i32
      %dma_wait3A_57 = arith.constant 0 : i32
      %dma_wait3A_58 = tpu.memref_slice %arg5[%dma_wait3A_56, %dma_wait3A_57] : memref<10112x128xf32, #tpu.memory_space<hbm>> -> memref<128x128xf32, #tpu.memory_space<hbm>>
      tpu.wait_dma2 semaphore(%arg13 : memref<!tpu.dma_semaphore, #tpu.memory_space<semaphore_mem>>) src(%dma_wait3A_58 : memref<128x128xf32, #tpu.memory_space<hbm>>) dst(%arg10 : memref<128x128xf32, #tpu.memory_space<vmem>>)
      %dma_wait3A_59 = arith.constant 0 : i32
      %dma_wait3A_60 = tpu.memref_slice %arg4[%dma_wait3A_59] : memref<167936xi32, #tpu.memory_space<hbm>> -> memref<128xi32, #tpu.memory_space<hbm>>
      %dma_wait3A_61 = arith.constant 0 : i32
      %dma_wait3A_62 = tpu.memref_slice %arg4[%dma_wait3A_61] : memref<167936xi32, #tpu.memory_space<hbm>> -> memref<128xi32, #tpu.memory_space<hbm>>
      tpu.wait_dma2 semaphore(%arg14 : memref<!tpu.dma_semaphore, #tpu.memory_space<semaphore_mem>>) src(%dma_wait3A_62 : memref<128xi32, #tpu.memory_space<hbm>>) dst(%arg8 : memref<128xi32, #tpu.memory_space<vmem>>)
      "tpu.region"() ({
        %run_scoped3A = tpu.sem_alloc : memref<!tpu.dma_semaphore, #tpu.memory_space<semaphore_mem>>
        %dma_start3A_111 = arith.constant 0 : i32
        %dma_start3A_112 = arith.constant 0 : i32
        %dma_start3A_113 = tpu.memref_slice %arg12[%dma_start3A_111, %dma_start3A_112] : memref<10112x128xf32, #tpu.memory_space<vmem_shared>> -> memref<10112x128xf32, #tpu.memory_space<vmem_shared>>
        tpu.enqueue_indirect_dma source(%arg10 : memref<128x128xf32, #tpu.memory_space<vmem>>) target(%dma_start3A_113 : memref<10112x128xf32, #tpu.memory_space<vmem_shared>>) offsets(%arg8 : memref<128xi32, #tpu.memory_space<vmem>>) semaphore(%run_scoped3A : memref<!tpu.dma_semaphore, #tpu.memory_space<semaphore_mem>>) {add = true}
        %dma_wait3A_114 = arith.constant 0 : i32
        %dma_wait3A_115 = arith.constant 0 : i32
        %dma_wait3A_116 = tpu.memref_slice %arg12[%dma_wait3A_114, %dma_wait3A_115] : memref<10112x128xf32, #tpu.memory_space<vmem_shared>> -> memref<10112x128xf32, #tpu.memory_space<vmem_shared>>
        tpu.wait_indirect_dma semaphore(%run_scoped3A : memref<!tpu.dma_semaphore, #tpu.memory_space<semaphore_mem>>) src(%arg10 : memref<128x128xf32, #tpu.memory_space<vmem>>) dst(%dma_wait3A_116 : memref<10112x128xf32, #tpu.memory_space<vmem_shared>>)
        tpu.yield
      }) : () -> ()
      %mul3A_63 = arith.constant 2 : i32
      %mul3A_64 = arith.muli %mul3A_63, %scan3A_52 : i32
      %add3A_65 = arith.constant 2 : i32
      %add3A_66 = arith.addi %mul3A_64, %add3A_65 : i32
      %dma_start3A_67 = arith.constant 0 : i32
      %dma_start3A_68 = tpu.memref_slice %arg7[%add3A_66, %dma_start3A_67] : memref<82x128xi32, #tpu.memory_space<vmem>> -> memref<1x128xi32, #tpu.memory_space<vmem>>
      %dma_start3A_69 = tpu.memref_squeeze %dma_start3A_68 : memref<1x128xi32, #tpu.memory_space<vmem>> -> memref<128xi32, #tpu.memory_space<vmem>>
      %dma_start3A_70 = arith.constant 0 : i32
      %dma_start3A_71 = arith.constant 0 : i32
      %dma_start3A_72 = tpu.memref_slice %arg2[%dma_start3A_70, %dma_start3A_71] : memref<20000x128xf32, #tpu.memory_space<hbm>> -> memref<20000x128xf32, #tpu.memory_space<hbm>>
      tpu.enqueue_indirect_dma source(%dma_start3A_72 : memref<20000x128xf32, #tpu.memory_space<hbm>>) target(%arg10 : memref<128x128xf32, #tpu.memory_space<vmem>>) offsets(%dma_start3A_69 : memref<128xi32, #tpu.memory_space<vmem>>) semaphore(%arg13 : memref<!tpu.dma_semaphore, #tpu.memory_space<semaphore_mem>>)
      %mul3A_73 = arith.constant 2 : i32
      %mul3A_74 = arith.muli %mul3A_73, %scan3A_52 : i32
      %add3A_75 = arith.constant 2 : i32
      %add3A_76 = arith.addi %mul3A_74, %add3A_75 : i32
      %mul3A_77 = arith.constant 128 : i32
      %mul3A_78 = arith.muli %add3A_76, %mul3A_77 : i32
      %add3A_79 = arith.addi %mul3A_4, %mul3A_78 : i32
      %dma_start3A_80 = tpu.memref_slice %arg4[%add3A_79] : memref<167936xi32, #tpu.memory_space<hbm>> -> memref<128xi32, #tpu.memory_space<hbm>>
      %dma_start3A_81 = tpu.memref_slice %arg4[%add3A_79] : memref<167936xi32, #tpu.memory_space<hbm>> -> memref<128xi32, #tpu.memory_space<hbm>>
      tpu.enqueue_dma source(%dma_start3A_81 : memref<128xi32, #tpu.memory_space<hbm>>) target(%arg8 : memref<128xi32, #tpu.memory_space<vmem>>) target_semaphore(%arg14 : memref<!tpu.dma_semaphore, #tpu.memory_space<semaphore_mem>>)
      %dma_wait3A_82 = arith.constant 0 : i32
      %dma_wait3A_83 = arith.constant 0 : i32
      %dma_wait3A_84 = tpu.memref_slice %arg5[%dma_wait3A_82, %dma_wait3A_83] : memref<10112x128xf32, #tpu.memory_space<hbm>> -> memref<128x128xf32, #tpu.memory_space<hbm>>
      %dma_wait3A_85 = arith.constant 0 : i32
      %dma_wait3A_86 = arith.constant 0 : i32
      %dma_wait3A_87 = tpu.memref_slice %arg5[%dma_wait3A_85, %dma_wait3A_86] : memref<10112x128xf32, #tpu.memory_space<hbm>> -> memref<128x128xf32, #tpu.memory_space<hbm>>
      tpu.wait_dma2 semaphore(%arg15 : memref<!tpu.dma_semaphore, #tpu.memory_space<semaphore_mem>>) src(%dma_wait3A_87 : memref<128x128xf32, #tpu.memory_space<hbm>>) dst(%arg11 : memref<128x128xf32, #tpu.memory_space<vmem>>)
      %dma_wait3A_88 = arith.constant 0 : i32
      %dma_wait3A_89 = tpu.memref_slice %arg4[%dma_wait3A_88] : memref<167936xi32, #tpu.memory_space<hbm>> -> memref<128xi32, #tpu.memory_space<hbm>>
      %dma_wait3A_90 = arith.constant 0 : i32
      %dma_wait3A_91 = tpu.memref_slice %arg4[%dma_wait3A_90] : memref<167936xi32, #tpu.memory_space<hbm>> -> memref<128xi32, #tpu.memory_space<hbm>>
      tpu.wait_dma2 semaphore(%arg16 : memref<!tpu.dma_semaphore, #tpu.memory_space<semaphore_mem>>) src(%dma_wait3A_91 : memref<128xi32, #tpu.memory_space<hbm>>) dst(%arg9 : memref<128xi32, #tpu.memory_space<vmem>>)
      "tpu.region"() ({
        %run_scoped3A = tpu.sem_alloc : memref<!tpu.dma_semaphore, #tpu.memory_space<semaphore_mem>>
        %dma_start3A_111 = arith.constant 0 : i32
        %dma_start3A_112 = arith.constant 0 : i32
        %dma_start3A_113 = tpu.memref_slice %arg12[%dma_start3A_111, %dma_start3A_112] : memref<10112x128xf32, #tpu.memory_space<vmem_shared>> -> memref<10112x128xf32, #tpu.memory_space<vmem_shared>>
        tpu.enqueue_indirect_dma source(%arg11 : memref<128x128xf32, #tpu.memory_space<vmem>>) target(%dma_start3A_113 : memref<10112x128xf32, #tpu.memory_space<vmem_shared>>) offsets(%arg9 : memref<128xi32, #tpu.memory_space<vmem>>) semaphore(%run_scoped3A : memref<!tpu.dma_semaphore, #tpu.memory_space<semaphore_mem>>) {add = true}
        %dma_wait3A_114 = arith.constant 0 : i32
        %dma_wait3A_115 = arith.constant 0 : i32
        %dma_wait3A_116 = tpu.memref_slice %arg12[%dma_wait3A_114, %dma_wait3A_115] : memref<10112x128xf32, #tpu.memory_space<vmem_shared>> -> memref<10112x128xf32, #tpu.memory_space<vmem_shared>>
        tpu.wait_indirect_dma semaphore(%run_scoped3A : memref<!tpu.dma_semaphore, #tpu.memory_space<semaphore_mem>>) src(%arg11 : memref<128x128xf32, #tpu.memory_space<vmem>>) dst(%dma_wait3A_116 : memref<10112x128xf32, #tpu.memory_space<vmem_shared>>)
        tpu.yield
      }) : () -> ()
      %mul3A_92 = arith.constant 2 : i32
      %mul3A_93 = arith.muli %mul3A_92, %scan3A_52 : i32
      %add3A_94 = arith.constant 3 : i32
      %add3A_95 = arith.addi %mul3A_93, %add3A_94 : i32
      %dma_start3A_96 = arith.constant 0 : i32
      %dma_start3A_97 = tpu.memref_slice %arg7[%add3A_95, %dma_start3A_96] : memref<82x128xi32, #tpu.memory_space<vmem>> -> memref<1x128xi32, #tpu.memory_space<vmem>>
      %dma_start3A_98 = tpu.memref_squeeze %dma_start3A_97 : memref<1x128xi32, #tpu.memory_space<vmem>> -> memref<128xi32, #tpu.memory_space<vmem>>
      %dma_start3A_99 = arith.constant 0 : i32
      %dma_start3A_100 = arith.constant 0 : i32
      %dma_start3A_101 = tpu.memref_slice %arg2[%dma_start3A_99, %dma_start3A_100] : memref<20000x128xf32, #tpu.memory_space<hbm>> -> memref<20000x128xf32, #tpu.memory_space<hbm>>
      tpu.enqueue_indirect_dma source(%dma_start3A_101 : memref<20000x128xf32, #tpu.memory_space<hbm>>) target(%arg11 : memref<128x128xf32, #tpu.memory_space<vmem>>) offsets(%dma_start3A_98 : memref<128xi32, #tpu.memory_space<vmem>>) semaphore(%arg15 : memref<!tpu.dma_semaphore, #tpu.memory_space<semaphore_mem>>)
      %mul3A_102 = arith.constant 2 : i32
      %mul3A_103 = arith.muli %mul3A_102, %scan3A_52 : i32
      %add3A_104 = arith.constant 3 : i32
      %add3A_105 = arith.addi %mul3A_103, %add3A_104 : i32
      %mul3A_106 = arith.constant 128 : i32
      %mul3A_107 = arith.muli %add3A_105, %mul3A_106 : i32
      %add3A_108 = arith.addi %mul3A_4, %mul3A_107 : i32
      %dma_start3A_109 = tpu.memref_slice %arg4[%add3A_108] : memref<167936xi32, #tpu.memory_space<hbm>> -> memref<128xi32, #tpu.memory_space<hbm>>
      %dma_start3A_110 = tpu.memref_slice %arg4[%add3A_108] : memref<167936xi32, #tpu.memory_space<hbm>> -> memref<128xi32, #tpu.memory_space<hbm>>
      tpu.enqueue_dma source(%dma_start3A_110 : memref<128xi32, #tpu.memory_space<hbm>>) target(%arg9 : memref<128xi32, #tpu.memory_space<vmem>>) target_semaphore(%arg16 : memref<!tpu.dma_semaphore, #tpu.memory_space<semaphore_mem>>)
    }
    %scan3A_27 = arith.constant 40 : i32
    %dma_wait3A = arith.constant 0 : i32
    %dma_wait3A_28 = arith.constant 0 : i32
    %dma_wait3A_29 = tpu.memref_slice %arg5[%dma_wait3A, %dma_wait3A_28] : memref<10112x128xf32, #tpu.memory_space<hbm>> -> memref<128x128xf32, #tpu.memory_space<hbm>>
    %dma_wait3A_30 = arith.constant 0 : i32
    %dma_wait3A_31 = arith.constant 0 : i32
    %dma_wait3A_32 = tpu.memref_slice %arg5[%dma_wait3A_30, %dma_wait3A_31] : memref<10112x128xf32, #tpu.memory_space<hbm>> -> memref<128x128xf32, #tpu.memory_space<hbm>>
    tpu.wait_dma2 semaphore(%arg13 : memref<!tpu.dma_semaphore, #tpu.memory_space<semaphore_mem>>) src(%dma_wait3A_32 : memref<128x128xf32, #tpu.memory_space<hbm>>) dst(%arg10 : memref<128x128xf32, #tpu.memory_space<vmem>>)
    %dma_wait3A_33 = arith.constant 0 : i32
    %dma_wait3A_34 = arith.constant 0 : i32
    %dma_wait3A_35 = tpu.memref_slice %arg5[%dma_wait3A_33, %dma_wait3A_34] : memref<10112x128xf32, #tpu.memory_space<hbm>> -> memref<128x128xf32, #tpu.memory_space<hbm>>
    %dma_wait3A_36 = arith.constant 0 : i32
    %dma_wait3A_37 = arith.constant 0 : i32
    %dma_wait3A_38 = tpu.memref_slice %arg5[%dma_wait3A_36, %dma_wait3A_37] : memref<10112x128xf32, #tpu.memory_space<hbm>> -> memref<128x128xf32, #tpu.memory_space<hbm>>
    tpu.wait_dma2 semaphore(%arg15 : memref<!tpu.dma_semaphore, #tpu.memory_space<semaphore_mem>>) src(%dma_wait3A_38 : memref<128x128xf32, #tpu.memory_space<hbm>>) dst(%arg11 : memref<128x128xf32, #tpu.memory_space<vmem>>)
    %dma_wait3A_39 = arith.constant 0 : i32
    %dma_wait3A_40 = tpu.memref_slice %arg4[%dma_wait3A_39] : memref<167936xi32, #tpu.memory_space<hbm>> -> memref<128xi32, #tpu.memory_space<hbm>>
    %dma_wait3A_41 = arith.constant 0 : i32
    %dma_wait3A_42 = tpu.memref_slice %arg4[%dma_wait3A_41] : memref<167936xi32, #tpu.memory_space<hbm>> -> memref<128xi32, #tpu.memory_space<hbm>>
    tpu.wait_dma2 semaphore(%arg14 : memref<!tpu.dma_semaphore, #tpu.memory_space<semaphore_mem>>) src(%dma_wait3A_42 : memref<128xi32, #tpu.memory_space<hbm>>) dst(%arg8 : memref<128xi32, #tpu.memory_space<vmem>>)
    %dma_wait3A_43 = arith.constant 0 : i32
    %dma_wait3A_44 = tpu.memref_slice %arg4[%dma_wait3A_43] : memref<167936xi32, #tpu.memory_space<hbm>> -> memref<128xi32, #tpu.memory_space<hbm>>
    %dma_wait3A_45 = arith.constant 0 : i32
    %dma_wait3A_46 = tpu.memref_slice %arg4[%dma_wait3A_45] : memref<167936xi32, #tpu.memory_space<hbm>> -> memref<128xi32, #tpu.memory_space<hbm>>
    tpu.wait_dma2 semaphore(%arg16 : memref<!tpu.dma_semaphore, #tpu.memory_space<semaphore_mem>>) src(%dma_wait3A_46 : memref<128xi32, #tpu.memory_space<hbm>>) dst(%arg9 : memref<128xi32, #tpu.memory_space<vmem>>)
    %barrier3A_47 = arith.constant 0 : index
    tpu.barrier barrier_id(%barrier3A_47)
    %mul3A_48 = arith.constant 632 : i32
    %mul3A_49 = arith.muli %arg1, %mul3A_48 : i32
    %mul3A_50 = arith.constant 632 : i32
    %mul3A_51 = arith.muli %arg1, %mul3A_50 : i32
    "tpu.region"() ({
      %run_scoped3A = tpu.sem_alloc : memref<!tpu.dma_semaphore, #tpu.memory_space<semaphore_mem>>
      %dma_start3A_52 = arith.constant 0 : i32
      %dma_start3A_53 = tpu.memref_slice %arg6[%arg0, %mul3A_51, %dma_start3A_52] : memref<2x10112x128xf32, #tpu.memory_space<hbm>> -> memref<1x632x128xf32, #tpu.memory_space<hbm>>
      %dma_start3A_54 = tpu.memref_squeeze %dma_start3A_53 : memref<1x632x128xf32, #tpu.memory_space<hbm>> -> memref<632x128xf32, #tpu.memory_space<hbm>>
      %dma_start3A_55 = arith.constant 0 : i32
      %dma_start3A_56 = tpu.memref_slice %arg12[%mul3A_49, %dma_start3A_55] : memref<10112x128xf32, #tpu.memory_space<vmem_shared>> -> memref<632x128xf32, #tpu.memory_space<vmem_shared>>
      tpu.enqueue_dma source(%dma_start3A_56 : memref<632x128xf32, #tpu.memory_space<vmem_shared>>) target(%dma_start3A_54 : memref<632x128xf32, #tpu.memory_space<hbm>>) target_semaphore(%run_scoped3A : memref<!tpu.dma_semaphore, #tpu.memory_space<semaphore_mem>>)
      %dma_wait3A_57 = arith.constant 0 : i32
      %dma_wait3A_58 = tpu.memref_slice %arg6[%arg0, %mul3A_51, %dma_wait3A_57] : memref<2x10112x128xf32, #tpu.memory_space<hbm>> -> memref<1x632x128xf32, #tpu.memory_space<hbm>>
      %dma_wait3A_59 = tpu.memref_squeeze %dma_wait3A_58 : memref<1x632x128xf32, #tpu.memory_space<hbm>> -> memref<632x128xf32, #tpu.memory_space<hbm>>
      %dma_wait3A_60 = arith.constant 0 : i32
      %dma_wait3A_61 = tpu.memref_slice %arg12[%mul3A_49, %dma_wait3A_60] : memref<10112x128xf32, #tpu.memory_space<vmem_shared>> -> memref<632x128xf32, #tpu.memory_space<vmem_shared>>
      tpu.wait_dma2 semaphore(%run_scoped3A : memref<!tpu.dma_semaphore, #tpu.memory_space<semaphore_mem>>) src(%dma_wait3A_61 : memref<632x128xf32, #tpu.memory_space<vmem_shared>>) dst(%dma_wait3A_59 : memref<632x128xf32, #tpu.memory_space<hbm>>)
      tpu.yield
    }) : () -> ()
    return
  }
}

#map = affine_map<(d0, d1) -> (0, 0)>
#map1 = affine_map<(d0, d1) -> (0, 0, 0, 0)>
#map2 = affine_map<(d0, d1) -> (0)>
#map3 = affine_map<(d0, d1) -> (0, 0, 0)>
module attributes {stable_mosaic.version = 14 : i64} {
  func.func @_agg_body(%arg0: i32, %arg1: i32, %arg2: memref<20000x128xf32, #tpu.memory_space<hbm>>, %arg3: memref<2x16x82x128xi32, #tpu.memory_space<hbm>>, %arg4: memref<167936xi32, #tpu.memory_space<hbm>>, %arg5: memref<10112x128xf32, #tpu.memory_space<hbm>>, %arg6: memref<2x10112x128xf32, #tpu.memory_space<hbm>>, %arg7: memref<82x128xi32, #tpu.memory_space<vmem>>, %arg8: memref<128xi32, #tpu.memory_space<vmem>>, %arg9: memref<128xi32, #tpu.memory_space<vmem>>, %arg10: memref<128x128xf32, #tpu.memory_space<vmem>>, %arg11: memref<128x128xf32, #tpu.memory_space<vmem>>, %arg12: memref<10112x128xf32, #tpu.memory_space<vmem_shared>>, %arg13: memref<!tpu.dma_semaphore, #tpu.memory_space<semaphore_mem>>, %arg14: memref<!tpu.dma_semaphore, #tpu.memory_space<semaphore_mem>>, %arg15: memref<!tpu.dma_semaphore, #tpu.memory_space<semaphore_mem>>, %arg16: memref<!tpu.dma_semaphore, #tpu.memory_space<semaphore_mem>>) attributes {dimension_semantics = [#tpu.dimension_semantics<core_parallel>, #tpu.dimension_semantics<subcore_parallel>], iteration_bounds = array<i64: 2, 16>, scalar_prefetch = 0 : i64, scratch_operands = 10 : i64, tpu.core_type = #tpu.core_type<sc_vector_subcore>, window_params = [{transform_indices = #map}, {transform_indices = #map1}, {transform_indices = #map2}, {transform_indices = #map}, {transform_indices = #map3}]} {
    "tpu.region"() ({
      %run_scoped3A = tpu.sem_alloc : memref<!tpu.dma_semaphore, #tpu.memory_space<semaphore_mem>>
      %dma_start3A_52 = arith.constant 0 : i32
      %dma_start3A_53 = arith.constant 0 : i32
      %dma_start3A_54 = tpu.memref_slice %arg3[%arg0, %arg1, %dma_start3A_52, %dma_start3A_53] : memref<2x16x82x128xi32, #tpu.memory_space<hbm>> -> memref<1x1x82x128xi32, #tpu.memory_space<hbm>>
      %dma_start3A_55 = tpu.memref_squeeze %dma_start3A_54 : memref<1x1x82x128xi32, #tpu.memory_space<hbm>> -> memref<82x128xi32, #tpu.memory_space<hbm>>
      %dma_start3A_56 = arith.constant 0 : i32
      %dma_start3A_57 = arith.constant 0 : i32
      %dma_start3A_58 = tpu.memref_slice %arg3[%arg0, %arg1, %dma_start3A_56, %dma_start3A_57] : memref<2x16x82x128xi32, #tpu.memory_space<hbm>> -> memref<1x1x82x128xi32, #tpu.memory_space<hbm>>
      %dma_start3A_59 = tpu.memref_squeeze %dma_start3A_58 : memref<1x1x82x128xi32, #tpu.memory_space<hbm>> -> memref<82x128xi32, #tpu.memory_space<hbm>>
      tpu.enqueue_dma source(%dma_start3A_59 : memref<82x128xi32, #tpu.memory_space<hbm>>) target(%arg7 : memref<82x128xi32, #tpu.memory_space<vmem>>) target_semaphore(%run_scoped3A : memref<!tpu.dma_semaphore, #tpu.memory_space<semaphore_mem>>)
      %dma_wait3A_60 = arith.constant 0 : i32
      %dma_wait3A_61 = arith.constant 0 : i32
      %dma_wait3A_62 = tpu.memref_slice %arg3[%arg0, %arg1, %dma_wait3A_60, %dma_wait3A_61] : memref<2x16x82x128xi32, #tpu.memory_space<hbm>> -> memref<1x1x82x128xi32, #tpu.memory_space<hbm>>
      %dma_wait3A_63 = tpu.memref_squeeze %dma_wait3A_62 : memref<1x1x82x128xi32, #tpu.memory_space<hbm>> -> memref<82x128xi32, #tpu.memory_space<hbm>>
      %dma_wait3A_64 = arith.constant 0 : i32
      %dma_wait3A_65 = arith.constant 0 : i32
      %dma_wait3A_66 = tpu.memref_slice %arg3[%arg0, %arg1, %dma_wait3A_64, %dma_wait3A_65] : memref<2x16x82x128xi32, #tpu.memory_space<hbm>> -> memref<1x1x82x128xi32, #tpu.memory_space<hbm>>
      %dma_wait3A_67 = tpu.memref_squeeze %dma_wait3A_66 : memref<1x1x82x128xi32, #tpu.memory_space<hbm>> -> memref<82x128xi32, #tpu.memory_space<hbm>>
      tpu.wait_dma2 semaphore(%run_scoped3A : memref<!tpu.dma_semaphore, #tpu.memory_space<semaphore_mem>>) src(%dma_wait3A_67 : memref<82x128xi32, #tpu.memory_space<hbm>>) dst(%arg7 : memref<82x128xi32, #tpu.memory_space<vmem>>)
      tpu.yield
    }) : () -> ()
    %mul3A = arith.constant 632 : i32
    %mul3A_0 = arith.muli %arg1, %mul3A : i32
    %mul3A_1 = arith.constant 632 : i32
    %mul3A_2 = arith.muli %arg1, %mul3A_1 : i32
    "tpu.region"() ({
      %run_scoped3A = tpu.sem_alloc : memref<!tpu.dma_semaphore, #tpu.memory_space<semaphore_mem>>
      %dma_start3A_52 = arith.constant 0 : i32
      %dma_start3A_53 = tpu.memref_slice %arg12[%mul3A_2, %dma_start3A_52] : memref<10112x128xf32, #tpu.memory_space<vmem_shared>> -> memref<632x128xf32, #tpu.memory_space<vmem_shared>>
      %dma_start3A_54 = arith.constant 0 : i32
      %dma_start3A_55 = tpu.memref_slice %arg5[%mul3A_0, %dma_start3A_54] : memref<10112x128xf32, #tpu.memory_space<hbm>> -> memref<632x128xf32, #tpu.memory_space<hbm>>
      tpu.enqueue_dma source(%dma_start3A_55 : memref<632x128xf32, #tpu.memory_space<hbm>>) target(%dma_start3A_53 : memref<632x128xf32, #tpu.memory_space<vmem_shared>>) target_semaphore(%run_scoped3A : memref<!tpu.dma_semaphore, #tpu.memory_space<semaphore_mem>>)
      %dma_wait3A_56 = arith.constant 0 : i32
      %dma_wait3A_57 = tpu.memref_slice %arg12[%mul3A_2, %dma_wait3A_56] : memref<10112x128xf32, #tpu.memory_space<vmem_shared>> -> memref<632x128xf32, #tpu.memory_space<vmem_shared>>
      %dma_wait3A_58 = arith.constant 0 : i32
      %dma_wait3A_59 = tpu.memref_slice %arg5[%mul3A_0, %dma_wait3A_58] : memref<10112x128xf32, #tpu.memory_space<hbm>> -> memref<632x128xf32, #tpu.memory_space<hbm>>
      tpu.wait_dma2 semaphore(%run_scoped3A : memref<!tpu.dma_semaphore, #tpu.memory_space<semaphore_mem>>) src(%dma_wait3A_59 : memref<632x128xf32, #tpu.memory_space<hbm>>) dst(%dma_wait3A_57 : memref<632x128xf32, #tpu.memory_space<vmem_shared>>)
      tpu.yield
    }) : () -> ()
    %barrier3A = arith.constant 0 : index
    tpu.barrier barrier_id(%barrier3A)
    %mul3A_3 = arith.constant 10496 : i32
    %mul3A_4 = arith.muli %arg1, %mul3A_3 : i32
    %dma_start3A = tpu.memref_slice %arg4[%mul3A_4] : memref<167936xi32, #tpu.memory_space<hbm>> -> memref<128xi32, #tpu.memory_space<hbm>>
    %dma_start3A_5 = tpu.memref_slice %arg4[%mul3A_4] : memref<167936xi32, #tpu.memory_space<hbm>> -> memref<128xi32, #tpu.memory_space<hbm>>
    tpu.enqueue_dma source(%dma_start3A_5 : memref<128xi32, #tpu.memory_space<hbm>>) target(%arg8 : memref<128xi32, #tpu.memory_space<vmem>>) target_semaphore(%arg14 : memref<!tpu.dma_semaphore, #tpu.memory_space<semaphore_mem>>)
    %add3A = arith.constant 128 : i32
    %add3A_6 = arith.addi %mul3A_4, %add3A : i32
    %dma_start3A_7 = tpu.memref_slice %arg4[%add3A_6] : memref<167936xi32, #tpu.memory_space<hbm>> -> memref<128xi32, #tpu.memory_space<hbm>>
    %dma_start3A_8 = tpu.memref_slice %arg4[%add3A_6] : memref<167936xi32, #tpu.memory_space<hbm>> -> memref<128xi32, #tpu.memory_space<hbm>>
    tpu.enqueue_dma source(%dma_start3A_8 : memref<128xi32, #tpu.memory_space<hbm>>) target(%arg9 : memref<128xi32, #tpu.memory_space<vmem>>) target_semaphore(%arg16 : memref<!tpu.dma_semaphore, #tpu.memory_space<semaphore_mem>>)
    %dma_start3A_9 = arith.constant 0 : i32
    %dma_start3A_10 = arith.constant 0 : i32
    %dma_start3A_11 = tpu.memref_slice %arg7[%dma_start3A_9, %dma_start3A_10] : memref<82x128xi32, #tpu.memory_space<vmem>> -> memref<1x128xi32, #tpu.memory_space<vmem>>
    %dma_start3A_12 = tpu.memref_squeeze %dma_start3A_11 : memref<1x128xi32, #tpu.memory_space<vmem>> -> memref<128xi32, #tpu.memory_space<vmem>>
    %dma_start3A_13 = arith.constant 0 : i32
    %dma_start3A_14 = arith.constant 0 : i32
    %dma_start3A_15 = tpu.memref_slice %arg2[%dma_start3A_13, %dma_start3A_14] : memref<20000x128xf32, #tpu.memory_space<hbm>> -> memref<20000x128xf32, #tpu.memory_space<hbm>>
    tpu.enqueue_indirect_dma source(%dma_start3A_15 : memref<20000x128xf32, #tpu.memory_space<hbm>>) target(%arg10 : memref<128x128xf32, #tpu.memory_space<vmem>>) offsets(%dma_start3A_12 : memref<128xi32, #tpu.memory_space<vmem>>) semaphore(%arg13 : memref<!tpu.dma_semaphore, #tpu.memory_space<semaphore_mem>>)
    %dma_start3A_16 = arith.constant 1 : i32
    %dma_start3A_17 = arith.constant 0 : i32
    %dma_start3A_18 = tpu.memref_slice %arg7[%dma_start3A_16, %dma_start3A_17] : memref<82x128xi32, #tpu.memory_space<vmem>> -> memref<1x128xi32, #tpu.memory_space<vmem>>
    %dma_start3A_19 = tpu.memref_squeeze %dma_start3A_18 : memref<1x128xi32, #tpu.memory_space<vmem>> -> memref<128xi32, #tpu.memory_space<vmem>>
    %dma_start3A_20 = arith.constant 0 : i32
    %dma_start3A_21 = arith.constant 0 : i32
    %dma_start3A_22 = tpu.memref_slice %arg2[%dma_start3A_20, %dma_start3A_21] : memref<20000x128xf32, #tpu.memory_space<hbm>> -> memref<20000x128xf32, #tpu.memory_space<hbm>>
    tpu.enqueue_indirect_dma source(%dma_start3A_22 : memref<20000x128xf32, #tpu.memory_space<hbm>>) target(%arg11 : memref<128x128xf32, #tpu.memory_space<vmem>>) offsets(%dma_start3A_19 : memref<128xi32, #tpu.memory_space<vmem>>) semaphore(%arg15 : memref<!tpu.dma_semaphore, #tpu.memory_space<semaphore_mem>>)
    %scan3A = arith.constant 0 : i32
    %scan3A_23 = arith.constant 0 : i32
    %scan3A_24 = arith.constant 40 : i32
    %scan3A_25 = arith.addi %scan3A_23, %scan3A_24 : i32
    %scan3A_26 = arith.constant 1 : i32
    scf.for %scan3A_52 = %scan3A_23 to %scan3A_25 step %scan3A_26  : i32 {
      %dma_wait3A_53 = arith.constant 0 : i32
      %dma_wait3A_54 = arith.constant 0 : i32
      %dma_wait3A_55 = tpu.memref_slice %arg5[%dma_wait3A_53, %dma_wait3A_54] : memref<10112x128xf32, #tpu.memory_space<hbm>> -> memref<128x128xf32, #tpu.memory_space<hbm>>
      %dma_wait3A_56 = arith.constant 0 : i32
      %dma_wait3A_57 = arith.constant 0 : i32
      %dma_wait3A_58 = tpu.memref_slice %arg5[%dma_wait3A_56, %dma_wait3A_57] : memref<10112x128xf32, #tpu.memory_space<hbm>> -> memref<128x128xf32, #tpu.memory_space<hbm>>
      tpu.wait_dma2 semaphore(%arg13 : memref<!tpu.dma_semaphore, #tpu.memory_space<semaphore_mem>>) src(%dma_wait3A_58 : memref<128x128xf32, #tpu.memory_space<hbm>>) dst(%arg10 : memref<128x128xf32, #tpu.memory_space<vmem>>)
      %dma_wait3A_59 = arith.constant 0 : i32
      %dma_wait3A_60 = tpu.memref_slice %arg4[%dma_wait3A_59] : memref<167936xi32, #tpu.memory_space<hbm>> -> memref<128xi32, #tpu.memory_space<hbm>>
      %dma_wait3A_61 = arith.constant 0 : i32
      %dma_wait3A_62 = tpu.memref_slice %arg4[%dma_wait3A_61] : memref<167936xi32, #tpu.memory_space<hbm>> -> memref<128xi32, #tpu.memory_space<hbm>>
      tpu.wait_dma2 semaphore(%arg14 : memref<!tpu.dma_semaphore, #tpu.memory_space<semaphore_mem>>) src(%dma_wait3A_62 : memref<128xi32, #tpu.memory_space<hbm>>) dst(%arg8 : memref<128xi32, #tpu.memory_space<vmem>>)
      "tpu.region"() ({
        %run_scoped3A = tpu.sem_alloc : memref<!tpu.dma_semaphore, #tpu.memory_space<semaphore_mem>>
        %dma_start3A_111 = arith.constant 0 : i32
        %dma_start3A_112 = arith.constant 0 : i32
        %dma_start3A_113 = tpu.memref_slice %arg12[%dma_start3A_111, %dma_start3A_112] : memref<10112x128xf32, #tpu.memory_space<vmem_shared>> -> memref<10112x128xf32, #tpu.memory_space<vmem_shared>>
        tpu.enqueue_indirect_dma source(%arg10 : memref<128x128xf32, #tpu.memory_space<vmem>>) target(%dma_start3A_113 : memref<10112x128xf32, #tpu.memory_space<vmem_shared>>) offsets(%arg8 : memref<128xi32, #tpu.memory_space<vmem>>) semaphore(%run_scoped3A : memref<!tpu.dma_semaphore, #tpu.memory_space<semaphore_mem>>) {add = true}
        %dma_wait3A_114 = arith.constant 0 : i32
        %dma_wait3A_115 = arith.constant 0 : i32
        %dma_wait3A_116 = tpu.memref_slice %arg12[%dma_wait3A_114, %dma_wait3A_115] : memref<10112x128xf32, #tpu.memory_space<vmem_shared>> -> memref<10112x128xf32, #tpu.memory_space<vmem_shared>>
        tpu.wait_indirect_dma semaphore(%run_scoped3A : memref<!tpu.dma_semaphore, #tpu.memory_space<semaphore_mem>>) src(%arg10 : memref<128x128xf32, #tpu.memory_space<vmem>>) dst(%dma_wait3A_116 : memref<10112x128xf32, #tpu.memory_space<vmem_shared>>)
        tpu.yield
      }) : () -> ()
      %mul3A_63 = arith.constant 2 : i32
      %mul3A_64 = arith.muli %mul3A_63, %scan3A_52 : i32
      %add3A_65 = arith.constant 2 : i32
      %add3A_66 = arith.addi %mul3A_64, %add3A_65 : i32
      %dma_start3A_67 = arith.constant 0 : i32
      %dma_start3A_68 = tpu.memref_slice %arg7[%add3A_66, %dma_start3A_67] : memref<82x128xi32, #tpu.memory_space<vmem>> -> memref<1x128xi32, #tpu.memory_space<vmem>>
      %dma_start3A_69 = tpu.memref_squeeze %dma_start3A_68 : memref<1x128xi32, #tpu.memory_space<vmem>> -> memref<128xi32, #tpu.memory_space<vmem>>
      %dma_start3A_70 = arith.constant 0 : i32
      %dma_start3A_71 = arith.constant 0 : i32
      %dma_start3A_72 = tpu.memref_slice %arg2[%dma_start3A_70, %dma_start3A_71] : memref<20000x128xf32, #tpu.memory_space<hbm>> -> memref<20000x128xf32, #tpu.memory_space<hbm>>
      tpu.enqueue_indirect_dma source(%dma_start3A_72 : memref<20000x128xf32, #tpu.memory_space<hbm>>) target(%arg10 : memref<128x128xf32, #tpu.memory_space<vmem>>) offsets(%dma_start3A_69 : memref<128xi32, #tpu.memory_space<vmem>>) semaphore(%arg13 : memref<!tpu.dma_semaphore, #tpu.memory_space<semaphore_mem>>)
      %mul3A_73 = arith.constant 2 : i32
      %mul3A_74 = arith.muli %mul3A_73, %scan3A_52 : i32
      %add3A_75 = arith.constant 2 : i32
      %add3A_76 = arith.addi %mul3A_74, %add3A_75 : i32
      %mul3A_77 = arith.constant 128 : i32
      %mul3A_78 = arith.muli %add3A_76, %mul3A_77 : i32
      %add3A_79 = arith.addi %mul3A_4, %mul3A_78 : i32
      %dma_start3A_80 = tpu.memref_slice %arg4[%add3A_79] : memref<167936xi32, #tpu.memory_space<hbm>> -> memref<128xi32, #tpu.memory_space<hbm>>
      %dma_start3A_81 = tpu.memref_slice %arg4[%add3A_79] : memref<167936xi32, #tpu.memory_space<hbm>> -> memref<128xi32, #tpu.memory_space<hbm>>
      tpu.enqueue_dma source(%dma_start3A_81 : memref<128xi32, #tpu.memory_space<hbm>>) target(%arg8 : memref<128xi32, #tpu.memory_space<vmem>>) target_semaphore(%arg14 : memref<!tpu.dma_semaphore, #tpu.memory_space<semaphore_mem>>)
      %dma_wait3A_82 = arith.constant 0 : i32
      %dma_wait3A_83 = arith.constant 0 : i32
      %dma_wait3A_84 = tpu.memref_slice %arg5[%dma_wait3A_82, %dma_wait3A_83] : memref<10112x128xf32, #tpu.memory_space<hbm>> -> memref<128x128xf32, #tpu.memory_space<hbm>>
      %dma_wait3A_85 = arith.constant 0 : i32
      %dma_wait3A_86 = arith.constant 0 : i32
      %dma_wait3A_87 = tpu.memref_slice %arg5[%dma_wait3A_85, %dma_wait3A_86] : memref<10112x128xf32, #tpu.memory_space<hbm>> -> memref<128x128xf32, #tpu.memory_space<hbm>>
      tpu.wait_dma2 semaphore(%arg15 : memref<!tpu.dma_semaphore, #tpu.memory_space<semaphore_mem>>) src(%dma_wait3A_87 : memref<128x128xf32, #tpu.memory_space<hbm>>) dst(%arg11 : memref<128x128xf32, #tpu.memory_space<vmem>>)
      %dma_wait3A_88 = arith.constant 0 : i32
      %dma_wait3A_89 = tpu.memref_slice %arg4[%dma_wait3A_88] : memref<167936xi32, #tpu.memory_space<hbm>> -> memref<128xi32, #tpu.memory_space<hbm>>
      %dma_wait3A_90 = arith.constant 0 : i32
      %dma_wait3A_91 = tpu.memref_slice %arg4[%dma_wait3A_90] : memref<167936xi32, #tpu.memory_space<hbm>> -> memref<128xi32, #tpu.memory_space<hbm>>
      tpu.wait_dma2 semaphore(%arg16 : memref<!tpu.dma_semaphore, #tpu.memory_space<semaphore_mem>>) src(%dma_wait3A_91 : memref<128xi32, #tpu.memory_space<hbm>>) dst(%arg9 : memref<128xi32, #tpu.memory_space<vmem>>)
      "tpu.region"() ({
        %run_scoped3A = tpu.sem_alloc : memref<!tpu.dma_semaphore, #tpu.memory_space<semaphore_mem>>
        %dma_start3A_111 = arith.constant 0 : i32
        %dma_start3A_112 = arith.constant 0 : i32
        %dma_start3A_113 = tpu.memref_slice %arg12[%dma_start3A_111, %dma_start3A_112] : memref<10112x128xf32, #tpu.memory_space<vmem_shared>> -> memref<10112x128xf32, #tpu.memory_space<vmem_shared>>
        tpu.enqueue_indirect_dma source(%arg11 : memref<128x128xf32, #tpu.memory_space<vmem>>) target(%dma_start3A_113 : memref<10112x128xf32, #tpu.memory_space<vmem_shared>>) offsets(%arg9 : memref<128xi32, #tpu.memory_space<vmem>>) semaphore(%run_scoped3A : memref<!tpu.dma_semaphore, #tpu.memory_space<semaphore_mem>>) {add = true}
        %dma_wait3A_114 = arith.constant 0 : i32
        %dma_wait3A_115 = arith.constant 0 : i32
        %dma_wait3A_116 = tpu.memref_slice %arg12[%dma_wait3A_114, %dma_wait3A_115] : memref<10112x128xf32, #tpu.memory_space<vmem_shared>> -> memref<10112x128xf32, #tpu.memory_space<vmem_shared>>
        tpu.wait_indirect_dma semaphore(%run_scoped3A : memref<!tpu.dma_semaphore, #tpu.memory_space<semaphore_mem>>) src(%arg11 : memref<128x128xf32, #tpu.memory_space<vmem>>) dst(%dma_wait3A_116 : memref<10112x128xf32, #tpu.memory_space<vmem_shared>>)
        tpu.yield
      }) : () -> ()
      %mul3A_92 = arith.constant 2 : i32
      %mul3A_93 = arith.muli %mul3A_92, %scan3A_52 : i32
      %add3A_94 = arith.constant 3 : i32
      %add3A_95 = arith.addi %mul3A_93, %add3A_94 : i32
      %dma_start3A_96 = arith.constant 0 : i32
      %dma_start3A_97 = tpu.memref_slice %arg7[%add3A_95, %dma_start3A_96] : memref<82x128xi32, #tpu.memory_space<vmem>> -> memref<1x128xi32, #tpu.memory_space<vmem>>
      %dma_start3A_98 = tpu.memref_squeeze %dma_start3A_97 : memref<1x128xi32, #tpu.memory_space<vmem>> -> memref<128xi32, #tpu.memory_space<vmem>>
      %dma_start3A_99 = arith.constant 0 : i32
      %dma_start3A_100 = arith.constant 0 : i32
      %dma_start3A_101 = tpu.memref_slice %arg2[%dma_start3A_99, %dma_start3A_100] : memref<20000x128xf32, #tpu.memory_space<hbm>> -> memref<20000x128xf32, #tpu.memory_space<hbm>>
      tpu.enqueue_indirect_dma source(%dma_start3A_101 : memref<20000x128xf32, #tpu.memory_space<hbm>>) target(%arg11 : memref<128x128xf32, #tpu.memory_space<vmem>>) offsets(%dma_start3A_98 : memref<128xi32, #tpu.memory_space<vmem>>) semaphore(%arg15 : memref<!tpu.dma_semaphore, #tpu.memory_space<semaphore_mem>>)
      %mul3A_102 = arith.constant 2 : i32
      %mul3A_103 = arith.muli %mul3A_102, %scan3A_52 : i32
      %add3A_104 = arith.constant 3 : i32
      %add3A_105 = arith.addi %mul3A_103, %add3A_104 : i32
      %mul3A_106 = arith.constant 128 : i32
      %mul3A_107 = arith.muli %add3A_105, %mul3A_106 : i32
      %add3A_108 = arith.addi %mul3A_4, %mul3A_107 : i32
      %dma_start3A_109 = tpu.memref_slice %arg4[%add3A_108] : memref<167936xi32, #tpu.memory_space<hbm>> -> memref<128xi32, #tpu.memory_space<hbm>>
      %dma_start3A_110 = tpu.memref_slice %arg4[%add3A_108] : memref<167936xi32, #tpu.memory_space<hbm>> -> memref<128xi32, #tpu.memory_space<hbm>>
      tpu.enqueue_dma source(%dma_start3A_110 : memref<128xi32, #tpu.memory_space<hbm>>) target(%arg9 : memref<128xi32, #tpu.memory_space<vmem>>) target_semaphore(%arg16 : memref<!tpu.dma_semaphore, #tpu.memory_space<semaphore_mem>>)
    }
    %scan3A_27 = arith.constant 40 : i32
    %dma_wait3A = arith.constant 0 : i32
    %dma_wait3A_28 = arith.constant 0 : i32
    %dma_wait3A_29 = tpu.memref_slice %arg5[%dma_wait3A, %dma_wait3A_28] : memref<10112x128xf32, #tpu.memory_space<hbm>> -> memref<128x128xf32, #tpu.memory_space<hbm>>
    %dma_wait3A_30 = arith.constant 0 : i32
    %dma_wait3A_31 = arith.constant 0 : i32
    %dma_wait3A_32 = tpu.memref_slice %arg5[%dma_wait3A_30, %dma_wait3A_31] : memref<10112x128xf32, #tpu.memory_space<hbm>> -> memref<128x128xf32, #tpu.memory_space<hbm>>
    tpu.wait_dma2 semaphore(%arg13 : memref<!tpu.dma_semaphore, #tpu.memory_space<semaphore_mem>>) src(%dma_wait3A_32 : memref<128x128xf32, #tpu.memory_space<hbm>>) dst(%arg10 : memref<128x128xf32, #tpu.memory_space<vmem>>)
    %dma_wait3A_33 = arith.constant 0 : i32
    %dma_wait3A_34 = arith.constant 0 : i32
    %dma_wait3A_35 = tpu.memref_slice %arg5[%dma_wait3A_33, %dma_wait3A_34] : memref<10112x128xf32, #tpu.memory_space<hbm>> -> memref<128x128xf32, #tpu.memory_space<hbm>>
    %dma_wait3A_36 = arith.constant 0 : i32
    %dma_wait3A_37 = arith.constant 0 : i32
    %dma_wait3A_38 = tpu.memref_slice %arg5[%dma_wait3A_36, %dma_wait3A_37] : memref<10112x128xf32, #tpu.memory_space<hbm>> -> memref<128x128xf32, #tpu.memory_space<hbm>>
    tpu.wait_dma2 semaphore(%arg15 : memref<!tpu.dma_semaphore, #tpu.memory_space<semaphore_mem>>) src(%dma_wait3A_38 : memref<128x128xf32, #tpu.memory_space<hbm>>) dst(%arg11 : memref<128x128xf32, #tpu.memory_space<vmem>>)
    %dma_wait3A_39 = arith.constant 0 : i32
    %dma_wait3A_40 = tpu.memref_slice %arg4[%dma_wait3A_39] : memref<167936xi32, #tpu.memory_space<hbm>> -> memref<128xi32, #tpu.memory_space<hbm>>
    %dma_wait3A_41 = arith.constant 0 : i32
    %dma_wait3A_42 = tpu.memref_slice %arg4[%dma_wait3A_41] : memref<167936xi32, #tpu.memory_space<hbm>> -> memref<128xi32, #tpu.memory_space<hbm>>
    tpu.wait_dma2 semaphore(%arg14 : memref<!tpu.dma_semaphore, #tpu.memory_space<semaphore_mem>>) src(%dma_wait3A_42 : memref<128xi32, #tpu.memory_space<hbm>>) dst(%arg8 : memref<128xi32, #tpu.memory_space<vmem>>)
    %dma_wait3A_43 = arith.constant 0 : i32
    %dma_wait3A_44 = tpu.memref_slice %arg4[%dma_wait3A_43] : memref<167936xi32, #tpu.memory_space<hbm>> -> memref<128xi32, #tpu.memory_space<hbm>>
    %dma_wait3A_45 = arith.constant 0 : i32
    %dma_wait3A_46 = tpu.memref_slice %arg4[%dma_wait3A_45] : memref<167936xi32, #tpu.memory_space<hbm>> -> memref<128xi32, #tpu.memory_space<hbm>>
    tpu.wait_dma2 semaphore(%arg16 : memref<!tpu.dma_semaphore, #tpu.memory_space<semaphore_mem>>) src(%dma_wait3A_46 : memref<128xi32, #tpu.memory_space<hbm>>) dst(%arg9 : memref<128xi32, #tpu.memory_space<vmem>>)
    %barrier3A_47 = arith.constant 0 : index
    tpu.barrier barrier_id(%barrier3A_47)
    %mul3A_48 = arith.constant 632 : i32
    %mul3A_49 = arith.muli %arg1, %mul3A_48 : i32
    %mul3A_50 = arith.constant 632 : i32
    %mul3A_51 = arith.muli %arg1, %mul3A_50 : i32
    "tpu.region"() ({
      %run_scoped3A = tpu.sem_alloc : memref<!tpu.dma_semaphore, #tpu.memory_space<semaphore_mem>>
      %dma_start3A_52 = arith.constant 0 : i32
      %dma_start3A_53 = tpu.memref_slice %arg6[%arg0, %mul3A_51, %dma_start3A_52] : memref<2x10112x128xf32, #tpu.memory_space<hbm>> -> memref<1x632x128xf32, #tpu.memory_space<hbm>>
      %dma_start3A_54 = tpu.memref_squeeze %dma_start3A_53 : memref<1x632x128xf32, #tpu.memory_space<hbm>> -> memref<632x128xf32, #tpu.memory_space<hbm>>
      %dma_start3A_55 = arith.constant 0 : i32
      %dma_start3A_56 = tpu.memref_slice %arg12[%mul3A_49, %dma_start3A_55] : memref<10112x128xf32, #tpu.memory_space<vmem_shared>> -> memref<632x128xf32, #tpu.memory_space<vmem_shared>>
      tpu.enqueue_dma source(%dma_start3A_56 : memref<632x128xf32, #tpu.memory_space<vmem_shared>>) target(%dma_start3A_54 : memref<632x128xf32, #tpu.memory_space<hbm>>) target_semaphore(%run_scoped3A : memref<!tpu.dma_semaphore, #tpu.memory_space<semaphore_mem>>)
      %dma_wait3A_57 = arith.constant 0 : i32
      %dma_wait3A_58 = tpu.memref_slice %arg6[%arg0, %mul3A_51, %dma_wait3A_57] : memref<2x10112x128xf32, #tpu.memory_space<hbm>> -> memref<1x632x128xf32, #tpu.memory_space<hbm>>
      %dma_wait3A_59 = tpu.memref_squeeze %dma_wait3A_58 : memref<1x632x128xf32, #tpu.memory_space<hbm>> -> memref<632x128xf32, #tpu.memory_space<hbm>>
      %dma_wait3A_60 = arith.constant 0 : i32
      %dma_wait3A_61 = tpu.memref_slice %arg12[%mul3A_49, %dma_wait3A_60] : memref<10112x128xf32, #tpu.memory_space<vmem_shared>> -> memref<632x128xf32, #tpu.memory_space<vmem_shared>>
      tpu.wait_dma2 semaphore(%run_scoped3A : memref<!tpu.dma_semaphore, #tpu.memory_space<semaphore_mem>>) src(%dma_wait3A_61 : memref<632x128xf32, #tpu.memory_space<vmem_shared>>) dst(%dma_wait3A_59 : memref<632x128xf32, #tpu.memory_space<hbm>>)
      tpu.yield
    }) : () -> ()
    return
  }
}

#map = affine_map<(d0, d1) -> (0, 0)>
#map1 = affine_map<(d0, d1) -> (0, 0, 0, 0)>
#map2 = affine_map<(d0, d1) -> (0)>
#map3 = affine_map<(d0, d1) -> (0, 0, 0)>
module attributes {stable_mosaic.version = 14 : i64} {
  func.func @_agg_body(%arg0: i32, %arg1: i32, %arg2: memref<20000x128xf32, #tpu.memory_space<hbm>>, %arg3: memref<2x16x82x128xi32, #tpu.memory_space<hbm>>, %arg4: memref<167936xi32, #tpu.memory_space<hbm>>, %arg5: memref<10112x128xf32, #tpu.memory_space<hbm>>, %arg6: memref<2x10112x128xf32, #tpu.memory_space<hbm>>, %arg7: memref<82x128xi32, #tpu.memory_space<vmem>>, %arg8: memref<128xi32, #tpu.memory_space<vmem>>, %arg9: memref<128xi32, #tpu.memory_space<vmem>>, %arg10: memref<128x128xf32, #tpu.memory_space<vmem>>, %arg11: memref<128x128xf32, #tpu.memory_space<vmem>>, %arg12: memref<10112x128xf32, #tpu.memory_space<vmem_shared>>, %arg13: memref<!tpu.dma_semaphore, #tpu.memory_space<semaphore_mem>>, %arg14: memref<!tpu.dma_semaphore, #tpu.memory_space<semaphore_mem>>, %arg15: memref<!tpu.dma_semaphore, #tpu.memory_space<semaphore_mem>>, %arg16: memref<!tpu.dma_semaphore, #tpu.memory_space<semaphore_mem>>) attributes {dimension_semantics = [#tpu.dimension_semantics<core_parallel>, #tpu.dimension_semantics<subcore_parallel>], iteration_bounds = array<i64: 2, 16>, scalar_prefetch = 0 : i64, scratch_operands = 10 : i64, tpu.core_type = #tpu.core_type<sc_vector_subcore>, window_params = [{transform_indices = #map}, {transform_indices = #map1}, {transform_indices = #map2}, {transform_indices = #map}, {transform_indices = #map3}]} {
    "tpu.region"() ({
      %run_scoped3A = tpu.sem_alloc : memref<!tpu.dma_semaphore, #tpu.memory_space<semaphore_mem>>
      %dma_start3A_52 = arith.constant 0 : i32
      %dma_start3A_53 = arith.constant 0 : i32
      %dma_start3A_54 = tpu.memref_slice %arg3[%arg0, %arg1, %dma_start3A_52, %dma_start3A_53] : memref<2x16x82x128xi32, #tpu.memory_space<hbm>> -> memref<1x1x82x128xi32, #tpu.memory_space<hbm>>
      %dma_start3A_55 = tpu.memref_squeeze %dma_start3A_54 : memref<1x1x82x128xi32, #tpu.memory_space<hbm>> -> memref<82x128xi32, #tpu.memory_space<hbm>>
      %dma_start3A_56 = arith.constant 0 : i32
      %dma_start3A_57 = arith.constant 0 : i32
      %dma_start3A_58 = tpu.memref_slice %arg3[%arg0, %arg1, %dma_start3A_56, %dma_start3A_57] : memref<2x16x82x128xi32, #tpu.memory_space<hbm>> -> memref<1x1x82x128xi32, #tpu.memory_space<hbm>>
      %dma_start3A_59 = tpu.memref_squeeze %dma_start3A_58 : memref<1x1x82x128xi32, #tpu.memory_space<hbm>> -> memref<82x128xi32, #tpu.memory_space<hbm>>
      tpu.enqueue_dma source(%dma_start3A_59 : memref<82x128xi32, #tpu.memory_space<hbm>>) target(%arg7 : memref<82x128xi32, #tpu.memory_space<vmem>>) target_semaphore(%run_scoped3A : memref<!tpu.dma_semaphore, #tpu.memory_space<semaphore_mem>>)
      %dma_wait3A_60 = arith.constant 0 : i32
      %dma_wait3A_61 = arith.constant 0 : i32
      %dma_wait3A_62 = tpu.memref_slice %arg3[%arg0, %arg1, %dma_wait3A_60, %dma_wait3A_61] : memref<2x16x82x128xi32, #tpu.memory_space<hbm>> -> memref<1x1x82x128xi32, #tpu.memory_space<hbm>>
      %dma_wait3A_63 = tpu.memref_squeeze %dma_wait3A_62 : memref<1x1x82x128xi32, #tpu.memory_space<hbm>> -> memref<82x128xi32, #tpu.memory_space<hbm>>
      %dma_wait3A_64 = arith.constant 0 : i32
      %dma_wait3A_65 = arith.constant 0 : i32
      %dma_wait3A_66 = tpu.memref_slice %arg3[%arg0, %arg1, %dma_wait3A_64, %dma_wait3A_65] : memref<2x16x82x128xi32, #tpu.memory_space<hbm>> -> memref<1x1x82x128xi32, #tpu.memory_space<hbm>>
      %dma_wait3A_67 = tpu.memref_squeeze %dma_wait3A_66 : memref<1x1x82x128xi32, #tpu.memory_space<hbm>> -> memref<82x128xi32, #tpu.memory_space<hbm>>
      tpu.wait_dma2 semaphore(%run_scoped3A : memref<!tpu.dma_semaphore, #tpu.memory_space<semaphore_mem>>) src(%dma_wait3A_67 : memref<82x128xi32, #tpu.memory_space<hbm>>) dst(%arg7 : memref<82x128xi32, #tpu.memory_space<vmem>>)
      tpu.yield
    }) : () -> ()
    %mul3A = arith.constant 632 : i32
    %mul3A_0 = arith.muli %arg1, %mul3A : i32
    %mul3A_1 = arith.constant 632 : i32
    %mul3A_2 = arith.muli %arg1, %mul3A_1 : i32
    "tpu.region"() ({
      %run_scoped3A = tpu.sem_alloc : memref<!tpu.dma_semaphore, #tpu.memory_space<semaphore_mem>>
      %dma_start3A_52 = arith.constant 0 : i32
      %dma_start3A_53 = tpu.memref_slice %arg12[%mul3A_2, %dma_start3A_52] : memref<10112x128xf32, #tpu.memory_space<vmem_shared>> -> memref<632x128xf32, #tpu.memory_space<vmem_shared>>
      %dma_start3A_54 = arith.constant 0 : i32
      %dma_start3A_55 = tpu.memref_slice %arg5[%mul3A_0, %dma_start3A_54] : memref<10112x128xf32, #tpu.memory_space<hbm>> -> memref<632x128xf32, #tpu.memory_space<hbm>>
      tpu.enqueue_dma source(%dma_start3A_55 : memref<632x128xf32, #tpu.memory_space<hbm>>) target(%dma_start3A_53 : memref<632x128xf32, #tpu.memory_space<vmem_shared>>) target_semaphore(%run_scoped3A : memref<!tpu.dma_semaphore, #tpu.memory_space<semaphore_mem>>)
      %dma_wait3A_56 = arith.constant 0 : i32
      %dma_wait3A_57 = tpu.memref_slice %arg12[%mul3A_2, %dma_wait3A_56] : memref<10112x128xf32, #tpu.memory_space<vmem_shared>> -> memref<632x128xf32, #tpu.memory_space<vmem_shared>>
      %dma_wait3A_58 = arith.constant 0 : i32
      %dma_wait3A_59 = tpu.memref_slice %arg5[%mul3A_0, %dma_wait3A_58] : memref<10112x128xf32, #tpu.memory_space<hbm>> -> memref<632x128xf32, #tpu.memory_space<hbm>>
      tpu.wait_dma2 semaphore(%run_scoped3A : memref<!tpu.dma_semaphore, #tpu.memory_space<semaphore_mem>>) src(%dma_wait3A_59 : memref<632x128xf32, #tpu.memory_space<hbm>>) dst(%dma_wait3A_57 : memref<632x128xf32, #tpu.memory_space<vmem_shared>>)
      tpu.yield
    }) : () -> ()
    %barrier3A = arith.constant 0 : index
    tpu.barrier barrier_id(%barrier3A)
    %mul3A_3 = arith.constant 10496 : i32
    %mul3A_4 = arith.muli %arg1, %mul3A_3 : i32
    %dma_start3A = tpu.memref_slice %arg4[%mul3A_4] : memref<167936xi32, #tpu.memory_space<hbm>> -> memref<128xi32, #tpu.memory_space<hbm>>
    %dma_start3A_5 = tpu.memref_slice %arg4[%mul3A_4] : memref<167936xi32, #tpu.memory_space<hbm>> -> memref<128xi32, #tpu.memory_space<hbm>>
    tpu.enqueue_dma source(%dma_start3A_5 : memref<128xi32, #tpu.memory_space<hbm>>) target(%arg8 : memref<128xi32, #tpu.memory_space<vmem>>) target_semaphore(%arg14 : memref<!tpu.dma_semaphore, #tpu.memory_space<semaphore_mem>>)
    %add3A = arith.constant 128 : i32
    %add3A_6 = arith.addi %mul3A_4, %add3A : i32
    %dma_start3A_7 = tpu.memref_slice %arg4[%add3A_6] : memref<167936xi32, #tpu.memory_space<hbm>> -> memref<128xi32, #tpu.memory_space<hbm>>
    %dma_start3A_8 = tpu.memref_slice %arg4[%add3A_6] : memref<167936xi32, #tpu.memory_space<hbm>> -> memref<128xi32, #tpu.memory_space<hbm>>
    tpu.enqueue_dma source(%dma_start3A_8 : memref<128xi32, #tpu.memory_space<hbm>>) target(%arg9 : memref<128xi32, #tpu.memory_space<vmem>>) target_semaphore(%arg16 : memref<!tpu.dma_semaphore, #tpu.memory_space<semaphore_mem>>)
    %dma_start3A_9 = arith.constant 0 : i32
    %dma_start3A_10 = arith.constant 0 : i32
    %dma_start3A_11 = tpu.memref_slice %arg7[%dma_start3A_9, %dma_start3A_10] : memref<82x128xi32, #tpu.memory_space<vmem>> -> memref<1x128xi32, #tpu.memory_space<vmem>>
    %dma_start3A_12 = tpu.memref_squeeze %dma_start3A_11 : memref<1x128xi32, #tpu.memory_space<vmem>> -> memref<128xi32, #tpu.memory_space<vmem>>
    %dma_start3A_13 = arith.constant 0 : i32
    %dma_start3A_14 = arith.constant 0 : i32
    %dma_start3A_15 = tpu.memref_slice %arg2[%dma_start3A_13, %dma_start3A_14] : memref<20000x128xf32, #tpu.memory_space<hbm>> -> memref<20000x128xf32, #tpu.memory_space<hbm>>
    tpu.enqueue_indirect_dma source(%dma_start3A_15 : memref<20000x128xf32, #tpu.memory_space<hbm>>) target(%arg10 : memref<128x128xf32, #tpu.memory_space<vmem>>) offsets(%dma_start3A_12 : memref<128xi32, #tpu.memory_space<vmem>>) semaphore(%arg13 : memref<!tpu.dma_semaphore, #tpu.memory_space<semaphore_mem>>)
    %dma_start3A_16 = arith.constant 1 : i32
    %dma_start3A_17 = arith.constant 0 : i32
    %dma_start3A_18 = tpu.memref_slice %arg7[%dma_start3A_16, %dma_start3A_17] : memref<82x128xi32, #tpu.memory_space<vmem>> -> memref<1x128xi32, #tpu.memory_space<vmem>>
    %dma_start3A_19 = tpu.memref_squeeze %dma_start3A_18 : memref<1x128xi32, #tpu.memory_space<vmem>> -> memref<128xi32, #tpu.memory_space<vmem>>
    %dma_start3A_20 = arith.constant 0 : i32
    %dma_start3A_21 = arith.constant 0 : i32
    %dma_start3A_22 = tpu.memref_slice %arg2[%dma_start3A_20, %dma_start3A_21] : memref<20000x128xf32, #tpu.memory_space<hbm>> -> memref<20000x128xf32, #tpu.memory_space<hbm>>
    tpu.enqueue_indirect_dma source(%dma_start3A_22 : memref<20000x128xf32, #tpu.memory_space<hbm>>) target(%arg11 : memref<128x128xf32, #tpu.memory_space<vmem>>) offsets(%dma_start3A_19 : memref<128xi32, #tpu.memory_space<vmem>>) semaphore(%arg15 : memref<!tpu.dma_semaphore, #tpu.memory_space<semaphore_mem>>)
    %scan3A = arith.constant 0 : i32
    %scan3A_23 = arith.constant 0 : i32
    %scan3A_24 = arith.constant 40 : i32
    %scan3A_25 = arith.addi %scan3A_23, %scan3A_24 : i32
    %scan3A_26 = arith.constant 1 : i32
    scf.for %scan3A_52 = %scan3A_23 to %scan3A_25 step %scan3A_26  : i32 {
      %dma_wait3A_53 = arith.constant 0 : i32
      %dma_wait3A_54 = arith.constant 0 : i32
      %dma_wait3A_55 = tpu.memref_slice %arg5[%dma_wait3A_53, %dma_wait3A_54] : memref<10112x128xf32, #tpu.memory_space<hbm>> -> memref<128x128xf32, #tpu.memory_space<hbm>>
      %dma_wait3A_56 = arith.constant 0 : i32
      %dma_wait3A_57 = arith.constant 0 : i32
      %dma_wait3A_58 = tpu.memref_slice %arg5[%dma_wait3A_56, %dma_wait3A_57] : memref<10112x128xf32, #tpu.memory_space<hbm>> -> memref<128x128xf32, #tpu.memory_space<hbm>>
      tpu.wait_dma2 semaphore(%arg13 : memref<!tpu.dma_semaphore, #tpu.memory_space<semaphore_mem>>) src(%dma_wait3A_58 : memref<128x128xf32, #tpu.memory_space<hbm>>) dst(%arg10 : memref<128x128xf32, #tpu.memory_space<vmem>>)
      %dma_wait3A_59 = arith.constant 0 : i32
      %dma_wait3A_60 = tpu.memref_slice %arg4[%dma_wait3A_59] : memref<167936xi32, #tpu.memory_space<hbm>> -> memref<128xi32, #tpu.memory_space<hbm>>
      %dma_wait3A_61 = arith.constant 0 : i32
      %dma_wait3A_62 = tpu.memref_slice %arg4[%dma_wait3A_61] : memref<167936xi32, #tpu.memory_space<hbm>> -> memref<128xi32, #tpu.memory_space<hbm>>
      tpu.wait_dma2 semaphore(%arg14 : memref<!tpu.dma_semaphore, #tpu.memory_space<semaphore_mem>>) src(%dma_wait3A_62 : memref<128xi32, #tpu.memory_space<hbm>>) dst(%arg8 : memref<128xi32, #tpu.memory_space<vmem>>)
      "tpu.region"() ({
        %run_scoped3A = tpu.sem_alloc : memref<!tpu.dma_semaphore, #tpu.memory_space<semaphore_mem>>
        %dma_start3A_111 = arith.constant 0 : i32
        %dma_start3A_112 = arith.constant 0 : i32
        %dma_start3A_113 = tpu.memref_slice %arg12[%dma_start3A_111, %dma_start3A_112] : memref<10112x128xf32, #tpu.memory_space<vmem_shared>> -> memref<10112x128xf32, #tpu.memory_space<vmem_shared>>
        tpu.enqueue_indirect_dma source(%arg10 : memref<128x128xf32, #tpu.memory_space<vmem>>) target(%dma_start3A_113 : memref<10112x128xf32, #tpu.memory_space<vmem_shared>>) offsets(%arg8 : memref<128xi32, #tpu.memory_space<vmem>>) semaphore(%run_scoped3A : memref<!tpu.dma_semaphore, #tpu.memory_space<semaphore_mem>>) {add = true}
        %dma_wait3A_114 = arith.constant 0 : i32
        %dma_wait3A_115 = arith.constant 0 : i32
        %dma_wait3A_116 = tpu.memref_slice %arg12[%dma_wait3A_114, %dma_wait3A_115] : memref<10112x128xf32, #tpu.memory_space<vmem_shared>> -> memref<10112x128xf32, #tpu.memory_space<vmem_shared>>
        tpu.wait_indirect_dma semaphore(%run_scoped3A : memref<!tpu.dma_semaphore, #tpu.memory_space<semaphore_mem>>) src(%arg10 : memref<128x128xf32, #tpu.memory_space<vmem>>) dst(%dma_wait3A_116 : memref<10112x128xf32, #tpu.memory_space<vmem_shared>>)
        tpu.yield
      }) : () -> ()
      %mul3A_63 = arith.constant 2 : i32
      %mul3A_64 = arith.muli %mul3A_63, %scan3A_52 : i32
      %add3A_65 = arith.constant 2 : i32
      %add3A_66 = arith.addi %mul3A_64, %add3A_65 : i32
      %dma_start3A_67 = arith.constant 0 : i32
      %dma_start3A_68 = tpu.memref_slice %arg7[%add3A_66, %dma_start3A_67] : memref<82x128xi32, #tpu.memory_space<vmem>> -> memref<1x128xi32, #tpu.memory_space<vmem>>
      %dma_start3A_69 = tpu.memref_squeeze %dma_start3A_68 : memref<1x128xi32, #tpu.memory_space<vmem>> -> memref<128xi32, #tpu.memory_space<vmem>>
      %dma_start3A_70 = arith.constant 0 : i32
      %dma_start3A_71 = arith.constant 0 : i32
      %dma_start3A_72 = tpu.memref_slice %arg2[%dma_start3A_70, %dma_start3A_71] : memref<20000x128xf32, #tpu.memory_space<hbm>> -> memref<20000x128xf32, #tpu.memory_space<hbm>>
      tpu.enqueue_indirect_dma source(%dma_start3A_72 : memref<20000x128xf32, #tpu.memory_space<hbm>>) target(%arg10 : memref<128x128xf32, #tpu.memory_space<vmem>>) offsets(%dma_start3A_69 : memref<128xi32, #tpu.memory_space<vmem>>) semaphore(%arg13 : memref<!tpu.dma_semaphore, #tpu.memory_space<semaphore_mem>>)
      %mul3A_73 = arith.constant 2 : i32
      %mul3A_74 = arith.muli %mul3A_73, %scan3A_52 : i32
      %add3A_75 = arith.constant 2 : i32
      %add3A_76 = arith.addi %mul3A_74, %add3A_75 : i32
      %mul3A_77 = arith.constant 128 : i32
      %mul3A_78 = arith.muli %add3A_76, %mul3A_77 : i32
      %add3A_79 = arith.addi %mul3A_4, %mul3A_78 : i32
      %dma_start3A_80 = tpu.memref_slice %arg4[%add3A_79] : memref<167936xi32, #tpu.memory_space<hbm>> -> memref<128xi32, #tpu.memory_space<hbm>>
      %dma_start3A_81 = tpu.memref_slice %arg4[%add3A_79] : memref<167936xi32, #tpu.memory_space<hbm>> -> memref<128xi32, #tpu.memory_space<hbm>>
      tpu.enqueue_dma source(%dma_start3A_81 : memref<128xi32, #tpu.memory_space<hbm>>) target(%arg8 : memref<128xi32, #tpu.memory_space<vmem>>) target_semaphore(%arg14 : memref<!tpu.dma_semaphore, #tpu.memory_space<semaphore_mem>>)
      %dma_wait3A_82 = arith.constant 0 : i32
      %dma_wait3A_83 = arith.constant 0 : i32
      %dma_wait3A_84 = tpu.memref_slice %arg5[%dma_wait3A_82, %dma_wait3A_83] : memref<10112x128xf32, #tpu.memory_space<hbm>> -> memref<128x128xf32, #tpu.memory_space<hbm>>
      %dma_wait3A_85 = arith.constant 0 : i32
      %dma_wait3A_86 = arith.constant 0 : i32
      %dma_wait3A_87 = tpu.memref_slice %arg5[%dma_wait3A_85, %dma_wait3A_86] : memref<10112x128xf32, #tpu.memory_space<hbm>> -> memref<128x128xf32, #tpu.memory_space<hbm>>
      tpu.wait_dma2 semaphore(%arg15 : memref<!tpu.dma_semaphore, #tpu.memory_space<semaphore_mem>>) src(%dma_wait3A_87 : memref<128x128xf32, #tpu.memory_space<hbm>>) dst(%arg11 : memref<128x128xf32, #tpu.memory_space<vmem>>)
      %dma_wait3A_88 = arith.constant 0 : i32
      %dma_wait3A_89 = tpu.memref_slice %arg4[%dma_wait3A_88] : memref<167936xi32, #tpu.memory_space<hbm>> -> memref<128xi32, #tpu.memory_space<hbm>>
      %dma_wait3A_90 = arith.constant 0 : i32
      %dma_wait3A_91 = tpu.memref_slice %arg4[%dma_wait3A_90] : memref<167936xi32, #tpu.memory_space<hbm>> -> memref<128xi32, #tpu.memory_space<hbm>>
      tpu.wait_dma2 semaphore(%arg16 : memref<!tpu.dma_semaphore, #tpu.memory_space<semaphore_mem>>) src(%dma_wait3A_91 : memref<128xi32, #tpu.memory_space<hbm>>) dst(%arg9 : memref<128xi32, #tpu.memory_space<vmem>>)
      "tpu.region"() ({
        %run_scoped3A = tpu.sem_alloc : memref<!tpu.dma_semaphore, #tpu.memory_space<semaphore_mem>>
        %dma_start3A_111 = arith.constant 0 : i32
        %dma_start3A_112 = arith.constant 0 : i32
        %dma_start3A_113 = tpu.memref_slice %arg12[%dma_start3A_111, %dma_start3A_112] : memref<10112x128xf32, #tpu.memory_space<vmem_shared>> -> memref<10112x128xf32, #tpu.memory_space<vmem_shared>>
        tpu.enqueue_indirect_dma source(%arg11 : memref<128x128xf32, #tpu.memory_space<vmem>>) target(%dma_start3A_113 : memref<10112x128xf32, #tpu.memory_space<vmem_shared>>) offsets(%arg9 : memref<128xi32, #tpu.memory_space<vmem>>) semaphore(%run_scoped3A : memref<!tpu.dma_semaphore, #tpu.memory_space<semaphore_mem>>) {add = true}
        %dma_wait3A_114 = arith.constant 0 : i32
        %dma_wait3A_115 = arith.constant 0 : i32
        %dma_wait3A_116 = tpu.memref_slice %arg12[%dma_wait3A_114, %dma_wait3A_115] : memref<10112x128xf32, #tpu.memory_space<vmem_shared>> -> memref<10112x128xf32, #tpu.memory_space<vmem_shared>>
        tpu.wait_indirect_dma semaphore(%run_scoped3A : memref<!tpu.dma_semaphore, #tpu.memory_space<semaphore_mem>>) src(%arg11 : memref<128x128xf32, #tpu.memory_space<vmem>>) dst(%dma_wait3A_116 : memref<10112x128xf32, #tpu.memory_space<vmem_shared>>)
        tpu.yield
      }) : () -> ()
      %mul3A_92 = arith.constant 2 : i32
      %mul3A_93 = arith.muli %mul3A_92, %scan3A_52 : i32
      %add3A_94 = arith.constant 3 : i32
      %add3A_95 = arith.addi %mul3A_93, %add3A_94 : i32
      %dma_start3A_96 = arith.constant 0 : i32
      %dma_start3A_97 = tpu.memref_slice %arg7[%add3A_95, %dma_start3A_96] : memref<82x128xi32, #tpu.memory_space<vmem>> -> memref<1x128xi32, #tpu.memory_space<vmem>>
      %dma_start3A_98 = tpu.memref_squeeze %dma_start3A_97 : memref<1x128xi32, #tpu.memory_space<vmem>> -> memref<128xi32, #tpu.memory_space<vmem>>
      %dma_start3A_99 = arith.constant 0 : i32
      %dma_start3A_100 = arith.constant 0 : i32
      %dma_start3A_101 = tpu.memref_slice %arg2[%dma_start3A_99, %dma_start3A_100] : memref<20000x128xf32, #tpu.memory_space<hbm>> -> memref<20000x128xf32, #tpu.memory_space<hbm>>
      tpu.enqueue_indirect_dma source(%dma_start3A_101 : memref<20000x128xf32, #tpu.memory_space<hbm>>) target(%arg11 : memref<128x128xf32, #tpu.memory_space<vmem>>) offsets(%dma_start3A_98 : memref<128xi32, #tpu.memory_space<vmem>>) semaphore(%arg15 : memref<!tpu.dma_semaphore, #tpu.memory_space<semaphore_mem>>)
      %mul3A_102 = arith.constant 2 : i32
      %mul3A_103 = arith.muli %mul3A_102, %scan3A_52 : i32
      %add3A_104 = arith.constant 3 : i32
      %add3A_105 = arith.addi %mul3A_103, %add3A_104 : i32
      %mul3A_106 = arith.constant 128 : i32
      %mul3A_107 = arith.muli %add3A_105, %mul3A_106 : i32
      %add3A_108 = arith.addi %mul3A_4, %mul3A_107 : i32
      %dma_start3A_109 = tpu.memref_slice %arg4[%add3A_108] : memref<167936xi32, #tpu.memory_space<hbm>> -> memref<128xi32, #tpu.memory_space<hbm>>
      %dma_start3A_110 = tpu.memref_slice %arg4[%add3A_108] : memref<167936xi32, #tpu.memory_space<hbm>> -> memref<128xi32, #tpu.memory_space<hbm>>
      tpu.enqueue_dma source(%dma_start3A_110 : memref<128xi32, #tpu.memory_space<hbm>>) target(%arg9 : memref<128xi32, #tpu.memory_space<vmem>>) target_semaphore(%arg16 : memref<!tpu.dma_semaphore, #tpu.memory_space<semaphore_mem>>)
    }
    %scan3A_27 = arith.constant 40 : i32
    %dma_wait3A = arith.constant 0 : i32
    %dma_wait3A_28 = arith.constant 0 : i32
    %dma_wait3A_29 = tpu.memref_slice %arg5[%dma_wait3A, %dma_wait3A_28] : memref<10112x128xf32, #tpu.memory_space<hbm>> -> memref<128x128xf32, #tpu.memory_space<hbm>>
    %dma_wait3A_30 = arith.constant 0 : i32
    %dma_wait3A_31 = arith.constant 0 : i32
    %dma_wait3A_32 = tpu.memref_slice %arg5[%dma_wait3A_30, %dma_wait3A_31] : memref<10112x128xf32, #tpu.memory_space<hbm>> -> memref<128x128xf32, #tpu.memory_space<hbm>>
    tpu.wait_dma2 semaphore(%arg13 : memref<!tpu.dma_semaphore, #tpu.memory_space<semaphore_mem>>) src(%dma_wait3A_32 : memref<128x128xf32, #tpu.memory_space<hbm>>) dst(%arg10 : memref<128x128xf32, #tpu.memory_space<vmem>>)
    %dma_wait3A_33 = arith.constant 0 : i32
    %dma_wait3A_34 = arith.constant 0 : i32
    %dma_wait3A_35 = tpu.memref_slice %arg5[%dma_wait3A_33, %dma_wait3A_34] : memref<10112x128xf32, #tpu.memory_space<hbm>> -> memref<128x128xf32, #tpu.memory_space<hbm>>
    %dma_wait3A_36 = arith.constant 0 : i32
    %dma_wait3A_37 = arith.constant 0 : i32
    %dma_wait3A_38 = tpu.memref_slice %arg5[%dma_wait3A_36, %dma_wait3A_37] : memref<10112x128xf32, #tpu.memory_space<hbm>> -> memref<128x128xf32, #tpu.memory_space<hbm>>
    tpu.wait_dma2 semaphore(%arg15 : memref<!tpu.dma_semaphore, #tpu.memory_space<semaphore_mem>>) src(%dma_wait3A_38 : memref<128x128xf32, #tpu.memory_space<hbm>>) dst(%arg11 : memref<128x128xf32, #tpu.memory_space<vmem>>)
    %dma_wait3A_39 = arith.constant 0 : i32
    %dma_wait3A_40 = tpu.memref_slice %arg4[%dma_wait3A_39] : memref<167936xi32, #tpu.memory_space<hbm>> -> memref<128xi32, #tpu.memory_space<hbm>>
    %dma_wait3A_41 = arith.constant 0 : i32
    %dma_wait3A_42 = tpu.memref_slice %arg4[%dma_wait3A_41] : memref<167936xi32, #tpu.memory_space<hbm>> -> memref<128xi32, #tpu.memory_space<hbm>>
    tpu.wait_dma2 semaphore(%arg14 : memref<!tpu.dma_semaphore, #tpu.memory_space<semaphore_mem>>) src(%dma_wait3A_42 : memref<128xi32, #tpu.memory_space<hbm>>) dst(%arg8 : memref<128xi32, #tpu.memory_space<vmem>>)
    %dma_wait3A_43 = arith.constant 0 : i32
    %dma_wait3A_44 = tpu.memref_slice %arg4[%dma_wait3A_43] : memref<167936xi32, #tpu.memory_space<hbm>> -> memref<128xi32, #tpu.memory_space<hbm>>
    %dma_wait3A_45 = arith.constant 0 : i32
    %dma_wait3A_46 = tpu.memref_slice %arg4[%dma_wait3A_45] : memref<167936xi32, #tpu.memory_space<hbm>> -> memref<128xi32, #tpu.memory_space<hbm>>
    tpu.wait_dma2 semaphore(%arg16 : memref<!tpu.dma_semaphore, #tpu.memory_space<semaphore_mem>>) src(%dma_wait3A_46 : memref<128xi32, #tpu.memory_space<hbm>>) dst(%arg9 : memref<128xi32, #tpu.memory_space<vmem>>)
    %barrier3A_47 = arith.constant 0 : index
    tpu.barrier barrier_id(%barrier3A_47)
    %mul3A_48 = arith.constant 632 : i32
    %mul3A_49 = arith.muli %arg1, %mul3A_48 : i32
    %mul3A_50 = arith.constant 632 : i32
    %mul3A_51 = arith.muli %arg1, %mul3A_50 : i32
    "tpu.region"() ({
      %run_scoped3A = tpu.sem_alloc : memref<!tpu.dma_semaphore, #tpu.memory_space<semaphore_mem>>
      %dma_start3A_52 = arith.constant 0 : i32
      %dma_start3A_53 = tpu.memref_slice %arg6[%arg0, %mul3A_51, %dma_start3A_52] : memref<2x10112x128xf32, #tpu.memory_space<hbm>> -> memref<1x632x128xf32, #tpu.memory_space<hbm>>
      %dma_start3A_54 = tpu.memref_squeeze %dma_start3A_53 : memref<1x632x128xf32, #tpu.memory_space<hbm>> -> memref<632x128xf32, #tpu.memory_space<hbm>>
      %dma_start3A_55 = arith.constant 0 : i32
      %dma_start3A_56 = tpu.memref_slice %arg12[%mul3A_49, %dma_start3A_55] : memref<10112x128xf32, #tpu.memory_space<vmem_shared>> -> memref<632x128xf32, #tpu.memory_space<vmem_shared>>
      tpu.enqueue_dma source(%dma_start3A_56 : memref<632x128xf32, #tpu.memory_space<vmem_shared>>) target(%dma_start3A_54 : memref<632x128xf32, #tpu.memory_space<hbm>>) target_semaphore(%run_scoped3A : memref<!tpu.dma_semaphore, #tpu.memory_space<semaphore_mem>>)
      %dma_wait3A_57 = arith.constant 0 : i32
      %dma_wait3A_58 = tpu.memref_slice %arg6[%arg0, %mul3A_51, %dma_wait3A_57] : memref<2x10112x128xf32, #tpu.memory_space<hbm>> -> memref<1x632x128xf32, #tpu.memory_space<hbm>>
      %dma_wait3A_59 = tpu.memref_squeeze %dma_wait3A_58 : memref<1x632x128xf32, #tpu.memory_space<hbm>> -> memref<632x128xf32, #tpu.memory_space<hbm>>
      %dma_wait3A_60 = arith.constant 0 : i32
      %dma_wait3A_61 = tpu.memref_slice %arg12[%mul3A_49, %dma_wait3A_60] : memref<10112x128xf32, #tpu.memory_space<vmem_shared>> -> memref<632x128xf32, #tpu.memory_space<vmem_shared>>
      tpu.wait_dma2 semaphore(%run_scoped3A : memref<!tpu.dma_semaphore, #tpu.memory_space<semaphore_mem>>) src(%dma_wait3A_61 : memref<632x128xf32, #tpu.memory_space<vmem_shared>>) dst(%dma_wait3A_59 : memref<632x128xf32, #tpu.memory_space<hbm>>)
      tpu.yield
    }) : () -> ()
    return
  }
}

#map = affine_map<(d0, d1) -> (0, 0)>
#map1 = affine_map<(d0, d1) -> (0, 0, 0, 0)>
#map2 = affine_map<(d0, d1) -> (0)>
#map3 = affine_map<(d0, d1) -> (0, 0, 0)>
module attributes {stable_mosaic.version = 14 : i64} {
  func.func @_agg_body(%arg0: i32, %arg1: i32, %arg2: memref<20000x128xf32, #tpu.memory_space<hbm>>, %arg3: memref<2x16x82x128xi32, #tpu.memory_space<hbm>>, %arg4: memref<167936xi32, #tpu.memory_space<hbm>>, %arg5: memref<10112x128xf32, #tpu.memory_space<hbm>>, %arg6: memref<2x10112x128xf32, #tpu.memory_space<hbm>>, %arg7: memref<82x128xi32, #tpu.memory_space<vmem>>, %arg8: memref<128xi32, #tpu.memory_space<vmem>>, %arg9: memref<128xi32, #tpu.memory_space<vmem>>, %arg10: memref<128x128xf32, #tpu.memory_space<vmem>>, %arg11: memref<128x128xf32, #tpu.memory_space<vmem>>, %arg12: memref<10112x128xf32, #tpu.memory_space<vmem_shared>>, %arg13: memref<!tpu.dma_semaphore, #tpu.memory_space<semaphore_mem>>, %arg14: memref<!tpu.dma_semaphore, #tpu.memory_space<semaphore_mem>>, %arg15: memref<!tpu.dma_semaphore, #tpu.memory_space<semaphore_mem>>, %arg16: memref<!tpu.dma_semaphore, #tpu.memory_space<semaphore_mem>>) attributes {dimension_semantics = [#tpu.dimension_semantics<core_parallel>, #tpu.dimension_semantics<subcore_parallel>], iteration_bounds = array<i64: 2, 16>, scalar_prefetch = 0 : i64, scratch_operands = 10 : i64, tpu.core_type = #tpu.core_type<sc_vector_subcore>, window_params = [{transform_indices = #map}, {transform_indices = #map1}, {transform_indices = #map2}, {transform_indices = #map}, {transform_indices = #map3}]} {
    "tpu.region"() ({
      %run_scoped3A = tpu.sem_alloc : memref<!tpu.dma_semaphore, #tpu.memory_space<semaphore_mem>>
      %dma_start3A_52 = arith.constant 0 : i32
      %dma_start3A_53 = arith.constant 0 : i32
      %dma_start3A_54 = tpu.memref_slice %arg3[%arg0, %arg1, %dma_start3A_52, %dma_start3A_53] : memref<2x16x82x128xi32, #tpu.memory_space<hbm>> -> memref<1x1x82x128xi32, #tpu.memory_space<hbm>>
      %dma_start3A_55 = tpu.memref_squeeze %dma_start3A_54 : memref<1x1x82x128xi32, #tpu.memory_space<hbm>> -> memref<82x128xi32, #tpu.memory_space<hbm>>
      %dma_start3A_56 = arith.constant 0 : i32
      %dma_start3A_57 = arith.constant 0 : i32
      %dma_start3A_58 = tpu.memref_slice %arg3[%arg0, %arg1, %dma_start3A_56, %dma_start3A_57] : memref<2x16x82x128xi32, #tpu.memory_space<hbm>> -> memref<1x1x82x128xi32, #tpu.memory_space<hbm>>
      %dma_start3A_59 = tpu.memref_squeeze %dma_start3A_58 : memref<1x1x82x128xi32, #tpu.memory_space<hbm>> -> memref<82x128xi32, #tpu.memory_space<hbm>>
      tpu.enqueue_dma source(%dma_start3A_59 : memref<82x128xi32, #tpu.memory_space<hbm>>) target(%arg7 : memref<82x128xi32, #tpu.memory_space<vmem>>) target_semaphore(%run_scoped3A : memref<!tpu.dma_semaphore, #tpu.memory_space<semaphore_mem>>)
      %dma_wait3A_60 = arith.constant 0 : i32
      %dma_wait3A_61 = arith.constant 0 : i32
      %dma_wait3A_62 = tpu.memref_slice %arg3[%arg0, %arg1, %dma_wait3A_60, %dma_wait3A_61] : memref<2x16x82x128xi32, #tpu.memory_space<hbm>> -> memref<1x1x82x128xi32, #tpu.memory_space<hbm>>
      %dma_wait3A_63 = tpu.memref_squeeze %dma_wait3A_62 : memref<1x1x82x128xi32, #tpu.memory_space<hbm>> -> memref<82x128xi32, #tpu.memory_space<hbm>>
      %dma_wait3A_64 = arith.constant 0 : i32
      %dma_wait3A_65 = arith.constant 0 : i32
      %dma_wait3A_66 = tpu.memref_slice %arg3[%arg0, %arg1, %dma_wait3A_64, %dma_wait3A_65] : memref<2x16x82x128xi32, #tpu.memory_space<hbm>> -> memref<1x1x82x128xi32, #tpu.memory_space<hbm>>
      %dma_wait3A_67 = tpu.memref_squeeze %dma_wait3A_66 : memref<1x1x82x128xi32, #tpu.memory_space<hbm>> -> memref<82x128xi32, #tpu.memory_space<hbm>>
      tpu.wait_dma2 semaphore(%run_scoped3A : memref<!tpu.dma_semaphore, #tpu.memory_space<semaphore_mem>>) src(%dma_wait3A_67 : memref<82x128xi32, #tpu.memory_space<hbm>>) dst(%arg7 : memref<82x128xi32, #tpu.memory_space<vmem>>)
      tpu.yield
    }) : () -> ()
    %mul3A = arith.constant 632 : i32
    %mul3A_0 = arith.muli %arg1, %mul3A : i32
    %mul3A_1 = arith.constant 632 : i32
    %mul3A_2 = arith.muli %arg1, %mul3A_1 : i32
    "tpu.region"() ({
      %run_scoped3A = tpu.sem_alloc : memref<!tpu.dma_semaphore, #tpu.memory_space<semaphore_mem>>
      %dma_start3A_52 = arith.constant 0 : i32
      %dma_start3A_53 = tpu.memref_slice %arg12[%mul3A_2, %dma_start3A_52] : memref<10112x128xf32, #tpu.memory_space<vmem_shared>> -> memref<632x128xf32, #tpu.memory_space<vmem_shared>>
      %dma_start3A_54 = arith.constant 0 : i32
      %dma_start3A_55 = tpu.memref_slice %arg5[%mul3A_0, %dma_start3A_54] : memref<10112x128xf32, #tpu.memory_space<hbm>> -> memref<632x128xf32, #tpu.memory_space<hbm>>
      tpu.enqueue_dma source(%dma_start3A_55 : memref<632x128xf32, #tpu.memory_space<hbm>>) target(%dma_start3A_53 : memref<632x128xf32, #tpu.memory_space<vmem_shared>>) target_semaphore(%run_scoped3A : memref<!tpu.dma_semaphore, #tpu.memory_space<semaphore_mem>>)
      %dma_wait3A_56 = arith.constant 0 : i32
      %dma_wait3A_57 = tpu.memref_slice %arg12[%mul3A_2, %dma_wait3A_56] : memref<10112x128xf32, #tpu.memory_space<vmem_shared>> -> memref<632x128xf32, #tpu.memory_space<vmem_shared>>
      %dma_wait3A_58 = arith.constant 0 : i32
      %dma_wait3A_59 = tpu.memref_slice %arg5[%mul3A_0, %dma_wait3A_58] : memref<10112x128xf32, #tpu.memory_space<hbm>> -> memref<632x128xf32, #tpu.memory_space<hbm>>
      tpu.wait_dma2 semaphore(%run_scoped3A : memref<!tpu.dma_semaphore, #tpu.memory_space<semaphore_mem>>) src(%dma_wait3A_59 : memref<632x128xf32, #tpu.memory_space<hbm>>) dst(%dma_wait3A_57 : memref<632x128xf32, #tpu.memory_space<vmem_shared>>)
      tpu.yield
    }) : () -> ()
    %barrier3A = arith.constant 0 : index
    tpu.barrier barrier_id(%barrier3A)
    %mul3A_3 = arith.constant 10496 : i32
    %mul3A_4 = arith.muli %arg1, %mul3A_3 : i32
    %dma_start3A = tpu.memref_slice %arg4[%mul3A_4] : memref<167936xi32, #tpu.memory_space<hbm>> -> memref<128xi32, #tpu.memory_space<hbm>>
    %dma_start3A_5 = tpu.memref_slice %arg4[%mul3A_4] : memref<167936xi32, #tpu.memory_space<hbm>> -> memref<128xi32, #tpu.memory_space<hbm>>
    tpu.enqueue_dma source(%dma_start3A_5 : memref<128xi32, #tpu.memory_space<hbm>>) target(%arg8 : memref<128xi32, #tpu.memory_space<vmem>>) target_semaphore(%arg14 : memref<!tpu.dma_semaphore, #tpu.memory_space<semaphore_mem>>)
    %add3A = arith.constant 128 : i32
    %add3A_6 = arith.addi %mul3A_4, %add3A : i32
    %dma_start3A_7 = tpu.memref_slice %arg4[%add3A_6] : memref<167936xi32, #tpu.memory_space<hbm>> -> memref<128xi32, #tpu.memory_space<hbm>>
    %dma_start3A_8 = tpu.memref_slice %arg4[%add3A_6] : memref<167936xi32, #tpu.memory_space<hbm>> -> memref<128xi32, #tpu.memory_space<hbm>>
    tpu.enqueue_dma source(%dma_start3A_8 : memref<128xi32, #tpu.memory_space<hbm>>) target(%arg9 : memref<128xi32, #tpu.memory_space<vmem>>) target_semaphore(%arg16 : memref<!tpu.dma_semaphore, #tpu.memory_space<semaphore_mem>>)
    %dma_start3A_9 = arith.constant 0 : i32
    %dma_start3A_10 = arith.constant 0 : i32
    %dma_start3A_11 = tpu.memref_slice %arg7[%dma_start3A_9, %dma_start3A_10] : memref<82x128xi32, #tpu.memory_space<vmem>> -> memref<1x128xi32, #tpu.memory_space<vmem>>
    %dma_start3A_12 = tpu.memref_squeeze %dma_start3A_11 : memref<1x128xi32, #tpu.memory_space<vmem>> -> memref<128xi32, #tpu.memory_space<vmem>>
    %dma_start3A_13 = arith.constant 0 : i32
    %dma_start3A_14 = arith.constant 0 : i32
    %dma_start3A_15 = tpu.memref_slice %arg2[%dma_start3A_13, %dma_start3A_14] : memref<20000x128xf32, #tpu.memory_space<hbm>> -> memref<20000x128xf32, #tpu.memory_space<hbm>>
    tpu.enqueue_indirect_dma source(%dma_start3A_15 : memref<20000x128xf32, #tpu.memory_space<hbm>>) target(%arg10 : memref<128x128xf32, #tpu.memory_space<vmem>>) offsets(%dma_start3A_12 : memref<128xi32, #tpu.memory_space<vmem>>) semaphore(%arg13 : memref<!tpu.dma_semaphore, #tpu.memory_space<semaphore_mem>>)
    %dma_start3A_16 = arith.constant 1 : i32
    %dma_start3A_17 = arith.constant 0 : i32
    %dma_start3A_18 = tpu.memref_slice %arg7[%dma_start3A_16, %dma_start3A_17] : memref<82x128xi32, #tpu.memory_space<vmem>> -> memref<1x128xi32, #tpu.memory_space<vmem>>
    %dma_start3A_19 = tpu.memref_squeeze %dma_start3A_18 : memref<1x128xi32, #tpu.memory_space<vmem>> -> memref<128xi32, #tpu.memory_space<vmem>>
    %dma_start3A_20 = arith.constant 0 : i32
    %dma_start3A_21 = arith.constant 0 : i32
    %dma_start3A_22 = tpu.memref_slice %arg2[%dma_start3A_20, %dma_start3A_21] : memref<20000x128xf32, #tpu.memory_space<hbm>> -> memref<20000x128xf32, #tpu.memory_space<hbm>>
    tpu.enqueue_indirect_dma source(%dma_start3A_22 : memref<20000x128xf32, #tpu.memory_space<hbm>>) target(%arg11 : memref<128x128xf32, #tpu.memory_space<vmem>>) offsets(%dma_start3A_19 : memref<128xi32, #tpu.memory_space<vmem>>) semaphore(%arg15 : memref<!tpu.dma_semaphore, #tpu.memory_space<semaphore_mem>>)
    %scan3A = arith.constant 0 : i32
    %scan3A_23 = arith.constant 0 : i32
    %scan3A_24 = arith.constant 40 : i32
    %scan3A_25 = arith.addi %scan3A_23, %scan3A_24 : i32
    %scan3A_26 = arith.constant 1 : i32
    scf.for %scan3A_52 = %scan3A_23 to %scan3A_25 step %scan3A_26  : i32 {
      %dma_wait3A_53 = arith.constant 0 : i32
      %dma_wait3A_54 = arith.constant 0 : i32
      %dma_wait3A_55 = tpu.memref_slice %arg5[%dma_wait3A_53, %dma_wait3A_54] : memref<10112x128xf32, #tpu.memory_space<hbm>> -> memref<128x128xf32, #tpu.memory_space<hbm>>
      %dma_wait3A_56 = arith.constant 0 : i32
      %dma_wait3A_57 = arith.constant 0 : i32
      %dma_wait3A_58 = tpu.memref_slice %arg5[%dma_wait3A_56, %dma_wait3A_57] : memref<10112x128xf32, #tpu.memory_space<hbm>> -> memref<128x128xf32, #tpu.memory_space<hbm>>
      tpu.wait_dma2 semaphore(%arg13 : memref<!tpu.dma_semaphore, #tpu.memory_space<semaphore_mem>>) src(%dma_wait3A_58 : memref<128x128xf32, #tpu.memory_space<hbm>>) dst(%arg10 : memref<128x128xf32, #tpu.memory_space<vmem>>)
      %dma_wait3A_59 = arith.constant 0 : i32
      %dma_wait3A_60 = tpu.memref_slice %arg4[%dma_wait3A_59] : memref<167936xi32, #tpu.memory_space<hbm>> -> memref<128xi32, #tpu.memory_space<hbm>>
      %dma_wait3A_61 = arith.constant 0 : i32
      %dma_wait3A_62 = tpu.memref_slice %arg4[%dma_wait3A_61] : memref<167936xi32, #tpu.memory_space<hbm>> -> memref<128xi32, #tpu.memory_space<hbm>>
      tpu.wait_dma2 semaphore(%arg14 : memref<!tpu.dma_semaphore, #tpu.memory_space<semaphore_mem>>) src(%dma_wait3A_62 : memref<128xi32, #tpu.memory_space<hbm>>) dst(%arg8 : memref<128xi32, #tpu.memory_space<vmem>>)
      "tpu.region"() ({
        %run_scoped3A = tpu.sem_alloc : memref<!tpu.dma_semaphore, #tpu.memory_space<semaphore_mem>>
        %dma_start3A_111 = arith.constant 0 : i32
        %dma_start3A_112 = arith.constant 0 : i32
        %dma_start3A_113 = tpu.memref_slice %arg12[%dma_start3A_111, %dma_start3A_112] : memref<10112x128xf32, #tpu.memory_space<vmem_shared>> -> memref<10112x128xf32, #tpu.memory_space<vmem_shared>>
        tpu.enqueue_indirect_dma source(%arg10 : memref<128x128xf32, #tpu.memory_space<vmem>>) target(%dma_start3A_113 : memref<10112x128xf32, #tpu.memory_space<vmem_shared>>) offsets(%arg8 : memref<128xi32, #tpu.memory_space<vmem>>) semaphore(%run_scoped3A : memref<!tpu.dma_semaphore, #tpu.memory_space<semaphore_mem>>) {add = true}
        %dma_wait3A_114 = arith.constant 0 : i32
        %dma_wait3A_115 = arith.constant 0 : i32
        %dma_wait3A_116 = tpu.memref_slice %arg12[%dma_wait3A_114, %dma_wait3A_115] : memref<10112x128xf32, #tpu.memory_space<vmem_shared>> -> memref<10112x128xf32, #tpu.memory_space<vmem_shared>>
        tpu.wait_indirect_dma semaphore(%run_scoped3A : memref<!tpu.dma_semaphore, #tpu.memory_space<semaphore_mem>>) src(%arg10 : memref<128x128xf32, #tpu.memory_space<vmem>>) dst(%dma_wait3A_116 : memref<10112x128xf32, #tpu.memory_space<vmem_shared>>)
        tpu.yield
      }) : () -> ()
      %mul3A_63 = arith.constant 2 : i32
      %mul3A_64 = arith.muli %mul3A_63, %scan3A_52 : i32
      %add3A_65 = arith.constant 2 : i32
      %add3A_66 = arith.addi %mul3A_64, %add3A_65 : i32
      %dma_start3A_67 = arith.constant 0 : i32
      %dma_start3A_68 = tpu.memref_slice %arg7[%add3A_66, %dma_start3A_67] : memref<82x128xi32, #tpu.memory_space<vmem>> -> memref<1x128xi32, #tpu.memory_space<vmem>>
      %dma_start3A_69 = tpu.memref_squeeze %dma_start3A_68 : memref<1x128xi32, #tpu.memory_space<vmem>> -> memref<128xi32, #tpu.memory_space<vmem>>
      %dma_start3A_70 = arith.constant 0 : i32
      %dma_start3A_71 = arith.constant 0 : i32
      %dma_start3A_72 = tpu.memref_slice %arg2[%dma_start3A_70, %dma_start3A_71] : memref<20000x128xf32, #tpu.memory_space<hbm>> -> memref<20000x128xf32, #tpu.memory_space<hbm>>
      tpu.enqueue_indirect_dma source(%dma_start3A_72 : memref<20000x128xf32, #tpu.memory_space<hbm>>) target(%arg10 : memref<128x128xf32, #tpu.memory_space<vmem>>) offsets(%dma_start3A_69 : memref<128xi32, #tpu.memory_space<vmem>>) semaphore(%arg13 : memref<!tpu.dma_semaphore, #tpu.memory_space<semaphore_mem>>)
      %mul3A_73 = arith.constant 2 : i32
      %mul3A_74 = arith.muli %mul3A_73, %scan3A_52 : i32
      %add3A_75 = arith.constant 2 : i32
      %add3A_76 = arith.addi %mul3A_74, %add3A_75 : i32
      %mul3A_77 = arith.constant 128 : i32
      %mul3A_78 = arith.muli %add3A_76, %mul3A_77 : i32
      %add3A_79 = arith.addi %mul3A_4, %mul3A_78 : i32
      %dma_start3A_80 = tpu.memref_slice %arg4[%add3A_79] : memref<167936xi32, #tpu.memory_space<hbm>> -> memref<128xi32, #tpu.memory_space<hbm>>
      %dma_start3A_81 = tpu.memref_slice %arg4[%add3A_79] : memref<167936xi32, #tpu.memory_space<hbm>> -> memref<128xi32, #tpu.memory_space<hbm>>
      tpu.enqueue_dma source(%dma_start3A_81 : memref<128xi32, #tpu.memory_space<hbm>>) target(%arg8 : memref<128xi32, #tpu.memory_space<vmem>>) target_semaphore(%arg14 : memref<!tpu.dma_semaphore, #tpu.memory_space<semaphore_mem>>)
      %dma_wait3A_82 = arith.constant 0 : i32
      %dma_wait3A_83 = arith.constant 0 : i32
      %dma_wait3A_84 = tpu.memref_slice %arg5[%dma_wait3A_82, %dma_wait3A_83] : memref<10112x128xf32, #tpu.memory_space<hbm>> -> memref<128x128xf32, #tpu.memory_space<hbm>>
      %dma_wait3A_85 = arith.constant 0 : i32
      %dma_wait3A_86 = arith.constant 0 : i32
      %dma_wait3A_87 = tpu.memref_slice %arg5[%dma_wait3A_85, %dma_wait3A_86] : memref<10112x128xf32, #tpu.memory_space<hbm>> -> memref<128x128xf32, #tpu.memory_space<hbm>>
      tpu.wait_dma2 semaphore(%arg15 : memref<!tpu.dma_semaphore, #tpu.memory_space<semaphore_mem>>) src(%dma_wait3A_87 : memref<128x128xf32, #tpu.memory_space<hbm>>) dst(%arg11 : memref<128x128xf32, #tpu.memory_space<vmem>>)
      %dma_wait3A_88 = arith.constant 0 : i32
      %dma_wait3A_89 = tpu.memref_slice %arg4[%dma_wait3A_88] : memref<167936xi32, #tpu.memory_space<hbm>> -> memref<128xi32, #tpu.memory_space<hbm>>
      %dma_wait3A_90 = arith.constant 0 : i32
      %dma_wait3A_91 = tpu.memref_slice %arg4[%dma_wait3A_90] : memref<167936xi32, #tpu.memory_space<hbm>> -> memref<128xi32, #tpu.memory_space<hbm>>
      tpu.wait_dma2 semaphore(%arg16 : memref<!tpu.dma_semaphore, #tpu.memory_space<semaphore_mem>>) src(%dma_wait3A_91 : memref<128xi32, #tpu.memory_space<hbm>>) dst(%arg9 : memref<128xi32, #tpu.memory_space<vmem>>)
      "tpu.region"() ({
        %run_scoped3A = tpu.sem_alloc : memref<!tpu.dma_semaphore, #tpu.memory_space<semaphore_mem>>
        %dma_start3A_111 = arith.constant 0 : i32
        %dma_start3A_112 = arith.constant 0 : i32
        %dma_start3A_113 = tpu.memref_slice %arg12[%dma_start3A_111, %dma_start3A_112] : memref<10112x128xf32, #tpu.memory_space<vmem_shared>> -> memref<10112x128xf32, #tpu.memory_space<vmem_shared>>
        tpu.enqueue_indirect_dma source(%arg11 : memref<128x128xf32, #tpu.memory_space<vmem>>) target(%dma_start3A_113 : memref<10112x128xf32, #tpu.memory_space<vmem_shared>>) offsets(%arg9 : memref<128xi32, #tpu.memory_space<vmem>>) semaphore(%run_scoped3A : memref<!tpu.dma_semaphore, #tpu.memory_space<semaphore_mem>>) {add = true}
        %dma_wait3A_114 = arith.constant 0 : i32
        %dma_wait3A_115 = arith.constant 0 : i32
        %dma_wait3A_116 = tpu.memref_slice %arg12[%dma_wait3A_114, %dma_wait3A_115] : memref<10112x128xf32, #tpu.memory_space<vmem_shared>> -> memref<10112x128xf32, #tpu.memory_space<vmem_shared>>
        tpu.wait_indirect_dma semaphore(%run_scoped3A : memref<!tpu.dma_semaphore, #tpu.memory_space<semaphore_mem>>) src(%arg11 : memref<128x128xf32, #tpu.memory_space<vmem>>) dst(%dma_wait3A_116 : memref<10112x128xf32, #tpu.memory_space<vmem_shared>>)
        tpu.yield
      }) : () -> ()
      %mul3A_92 = arith.constant 2 : i32
      %mul3A_93 = arith.muli %mul3A_92, %scan3A_52 : i32
      %add3A_94 = arith.constant 3 : i32
      %add3A_95 = arith.addi %mul3A_93, %add3A_94 : i32
      %dma_start3A_96 = arith.constant 0 : i32
      %dma_start3A_97 = tpu.memref_slice %arg7[%add3A_95, %dma_start3A_96] : memref<82x128xi32, #tpu.memory_space<vmem>> -> memref<1x128xi32, #tpu.memory_space<vmem>>
      %dma_start3A_98 = tpu.memref_squeeze %dma_start3A_97 : memref<1x128xi32, #tpu.memory_space<vmem>> -> memref<128xi32, #tpu.memory_space<vmem>>
      %dma_start3A_99 = arith.constant 0 : i32
      %dma_start3A_100 = arith.constant 0 : i32
      %dma_start3A_101 = tpu.memref_slice %arg2[%dma_start3A_99, %dma_start3A_100] : memref<20000x128xf32, #tpu.memory_space<hbm>> -> memref<20000x128xf32, #tpu.memory_space<hbm>>
      tpu.enqueue_indirect_dma source(%dma_start3A_101 : memref<20000x128xf32, #tpu.memory_space<hbm>>) target(%arg11 : memref<128x128xf32, #tpu.memory_space<vmem>>) offsets(%dma_start3A_98 : memref<128xi32, #tpu.memory_space<vmem>>) semaphore(%arg15 : memref<!tpu.dma_semaphore, #tpu.memory_space<semaphore_mem>>)
      %mul3A_102 = arith.constant 2 : i32
      %mul3A_103 = arith.muli %mul3A_102, %scan3A_52 : i32
      %add3A_104 = arith.constant 3 : i32
      %add3A_105 = arith.addi %mul3A_103, %add3A_104 : i32
      %mul3A_106 = arith.constant 128 : i32
      %mul3A_107 = arith.muli %add3A_105, %mul3A_106 : i32
      %add3A_108 = arith.addi %mul3A_4, %mul3A_107 : i32
      %dma_start3A_109 = tpu.memref_slice %arg4[%add3A_108] : memref<167936xi32, #tpu.memory_space<hbm>> -> memref<128xi32, #tpu.memory_space<hbm>>
      %dma_start3A_110 = tpu.memref_slice %arg4[%add3A_108] : memref<167936xi32, #tpu.memory_space<hbm>> -> memref<128xi32, #tpu.memory_space<hbm>>
      tpu.enqueue_dma source(%dma_start3A_110 : memref<128xi32, #tpu.memory_space<hbm>>) target(%arg9 : memref<128xi32, #tpu.memory_space<vmem>>) target_semaphore(%arg16 : memref<!tpu.dma_semaphore, #tpu.memory_space<semaphore_mem>>)
    }
    %scan3A_27 = arith.constant 40 : i32
    %dma_wait3A = arith.constant 0 : i32
    %dma_wait3A_28 = arith.constant 0 : i32
    %dma_wait3A_29 = tpu.memref_slice %arg5[%dma_wait3A, %dma_wait3A_28] : memref<10112x128xf32, #tpu.memory_space<hbm>> -> memref<128x128xf32, #tpu.memory_space<hbm>>
    %dma_wait3A_30 = arith.constant 0 : i32
    %dma_wait3A_31 = arith.constant 0 : i32
    %dma_wait3A_32 = tpu.memref_slice %arg5[%dma_wait3A_30, %dma_wait3A_31] : memref<10112x128xf32, #tpu.memory_space<hbm>> -> memref<128x128xf32, #tpu.memory_space<hbm>>
    tpu.wait_dma2 semaphore(%arg13 : memref<!tpu.dma_semaphore, #tpu.memory_space<semaphore_mem>>) src(%dma_wait3A_32 : memref<128x128xf32, #tpu.memory_space<hbm>>) dst(%arg10 : memref<128x128xf32, #tpu.memory_space<vmem>>)
    %dma_wait3A_33 = arith.constant 0 : i32
    %dma_wait3A_34 = arith.constant 0 : i32
    %dma_wait3A_35 = tpu.memref_slice %arg5[%dma_wait3A_33, %dma_wait3A_34] : memref<10112x128xf32, #tpu.memory_space<hbm>> -> memref<128x128xf32, #tpu.memory_space<hbm>>
    %dma_wait3A_36 = arith.constant 0 : i32
    %dma_wait3A_37 = arith.constant 0 : i32
    %dma_wait3A_38 = tpu.memref_slice %arg5[%dma_wait3A_36, %dma_wait3A_37] : memref<10112x128xf32, #tpu.memory_space<hbm>> -> memref<128x128xf32, #tpu.memory_space<hbm>>
    tpu.wait_dma2 semaphore(%arg15 : memref<!tpu.dma_semaphore, #tpu.memory_space<semaphore_mem>>) src(%dma_wait3A_38 : memref<128x128xf32, #tpu.memory_space<hbm>>) dst(%arg11 : memref<128x128xf32, #tpu.memory_space<vmem>>)
    %dma_wait3A_39 = arith.constant 0 : i32
    %dma_wait3A_40 = tpu.memref_slice %arg4[%dma_wait3A_39] : memref<167936xi32, #tpu.memory_space<hbm>> -> memref<128xi32, #tpu.memory_space<hbm>>
    %dma_wait3A_41 = arith.constant 0 : i32
    %dma_wait3A_42 = tpu.memref_slice %arg4[%dma_wait3A_41] : memref<167936xi32, #tpu.memory_space<hbm>> -> memref<128xi32, #tpu.memory_space<hbm>>
    tpu.wait_dma2 semaphore(%arg14 : memref<!tpu.dma_semaphore, #tpu.memory_space<semaphore_mem>>) src(%dma_wait3A_42 : memref<128xi32, #tpu.memory_space<hbm>>) dst(%arg8 : memref<128xi32, #tpu.memory_space<vmem>>)
    %dma_wait3A_43 = arith.constant 0 : i32
    %dma_wait3A_44 = tpu.memref_slice %arg4[%dma_wait3A_43] : memref<167936xi32, #tpu.memory_space<hbm>> -> memref<128xi32, #tpu.memory_space<hbm>>
    %dma_wait3A_45 = arith.constant 0 : i32
    %dma_wait3A_46 = tpu.memref_slice %arg4[%dma_wait3A_45] : memref<167936xi32, #tpu.memory_space<hbm>> -> memref<128xi32, #tpu.memory_space<hbm>>
    tpu.wait_dma2 semaphore(%arg16 : memref<!tpu.dma_semaphore, #tpu.memory_space<semaphore_mem>>) src(%dma_wait3A_46 : memref<128xi32, #tpu.memory_space<hbm>>) dst(%arg9 : memref<128xi32, #tpu.memory_space<vmem>>)
    %barrier3A_47 = arith.constant 0 : index
    tpu.barrier barrier_id(%barrier3A_47)
    %mul3A_48 = arith.constant 632 : i32
    %mul3A_49 = arith.muli %arg1, %mul3A_48 : i32
    %mul3A_50 = arith.constant 632 : i32
    %mul3A_51 = arith.muli %arg1, %mul3A_50 : i32
    "tpu.region"() ({
      %run_scoped3A = tpu.sem_alloc : memref<!tpu.dma_semaphore, #tpu.memory_space<semaphore_mem>>
      %dma_start3A_52 = arith.constant 0 : i32
      %dma_start3A_53 = tpu.memref_slice %arg6[%arg0, %mul3A_51, %dma_start3A_52] : memref<2x10112x128xf32, #tpu.memory_space<hbm>> -> memref<1x632x128xf32, #tpu.memory_space<hbm>>
      %dma_start3A_54 = tpu.memref_squeeze %dma_start3A_53 : memref<1x632x128xf32, #tpu.memory_space<hbm>> -> memref<632x128xf32, #tpu.memory_space<hbm>>
      %dma_start3A_55 = arith.constant 0 : i32
      %dma_start3A_56 = tpu.memref_slice %arg12[%mul3A_49, %dma_start3A_55] : memref<10112x128xf32, #tpu.memory_space<vmem_shared>> -> memref<632x128xf32, #tpu.memory_space<vmem_shared>>
      tpu.enqueue_dma source(%dma_start3A_56 : memref<632x128xf32, #tpu.memory_space<vmem_shared>>) target(%dma_start3A_54 : memref<632x128xf32, #tpu.memory_space<hbm>>) target_semaphore(%run_scoped3A : memref<!tpu.dma_semaphore, #tpu.memory_space<semaphore_mem>>)
      %dma_wait3A_57 = arith.constant 0 : i32
      %dma_wait3A_58 = tpu.memref_slice %arg6[%arg0, %mul3A_51, %dma_wait3A_57] : memref<2x10112x128xf32, #tpu.memory_space<hbm>> -> memref<1x632x128xf32, #tpu.memory_space<hbm>>
      %dma_wait3A_59 = tpu.memref_squeeze %dma_wait3A_58 : memref<1x632x128xf32, #tpu.memory_space<hbm>> -> memref<632x128xf32, #tpu.memory_space<hbm>>
      %dma_wait3A_60 = arith.constant 0 : i32
      %dma_wait3A_61 = tpu.memref_slice %arg12[%mul3A_49, %dma_wait3A_60] : memref<10112x128xf32, #tpu.memory_space<vmem_shared>> -> memref<632x128xf32, #tpu.memory_space<vmem_shared>>
      tpu.wait_dma2 semaphore(%run_scoped3A : memref<!tpu.dma_semaphore, #tpu.memory_space<semaphore_mem>>) src(%dma_wait3A_61 : memref<632x128xf32, #tpu.memory_space<vmem_shared>>) dst(%dma_wait3A_59 : memref<632x128xf32, #tpu.memory_space<hbm>>)
      tpu.yield
    }) : () -> ()
    return
  }
}

#map = affine_map<(d0, d1) -> (0, 0)>
module attributes {stable_mosaic.version = 14 : i64} {
  func.func @_link_gather_body(%arg0: i32, %arg1: i32, %arg2: memref<10000x256xf32, #tpu.memory_space<hbm>>, %arg3: memref<10000x256xf32, #tpu.memory_space<hbm>>, %arg4: memref<2x4096xi32, #tpu.memory_space<hbm>>, %arg5: memref<4096x256xf32, #tpu.memory_space<hbm>>, %arg6: memref<4096x256xf32, #tpu.memory_space<hbm>>, %arg7: memref<128xi32, #tpu.memory_space<vmem>>, %arg8: memref<128xi32, #tpu.memory_space<vmem>>, %arg9: memref<128x256xf32, #tpu.memory_space<vmem>>, %arg10: memref<128x256xf32, #tpu.memory_space<vmem>>, %arg11: memref<!tpu.dma_semaphore, #tpu.memory_space<semaphore_mem>>) attributes {dimension_semantics = [#tpu.dimension_semantics<core_parallel>, #tpu.dimension_semantics<subcore_parallel>], iteration_bounds = array<i64: 2, 16>, scalar_prefetch = 0 : i64, scratch_operands = 5 : i64, tpu.core_type = #tpu.core_type<sc_vector_subcore>, window_params = [{transform_indices = #map}, {transform_indices = #map}, {transform_indices = #map}, {transform_indices = #map}, {transform_indices = #map}]} {
    %mul3A = arith.constant 2 : i32
    %mul3A_0 = arith.muli %arg1, %mul3A : i32
    %add3A = arith.addi %mul3A_0, %arg0 : i32
    %mul3A_1 = arith.constant 128 : i32
    %mul3A_2 = arith.muli %add3A, %mul3A_1 : i32
    %run_scoped3A = arith.constant 0 : i32
    "tpu.region"() ({
      %run_scoped3A_14 = tpu.sem_alloc : memref<!tpu.dma_semaphore, #tpu.memory_space<semaphore_mem>>
      %dma_start3A_15 = tpu.memref_slice %arg4[%run_scoped3A, %mul3A_2] : memref<2x4096xi32, #tpu.memory_space<hbm>> -> memref<1x128xi32, #tpu.memory_space<hbm>>
      %dma_start3A_16 = tpu.memref_squeeze %dma_start3A_15 : memref<1x128xi32, #tpu.memory_space<hbm>> -> memref<128xi32, #tpu.memory_space<hbm>>
      %dma_start3A_17 = tpu.memref_slice %arg4[%run_scoped3A, %mul3A_2] : memref<2x4096xi32, #tpu.memory_space<hbm>> -> memref<1x128xi32, #tpu.memory_space<hbm>>
      %dma_start3A_18 = tpu.memref_squeeze %dma_start3A_17 : memref<1x128xi32, #tpu.memory_space<hbm>> -> memref<128xi32, #tpu.memory_space<hbm>>
      tpu.enqueue_dma source(%dma_start3A_18 : memref<128xi32, #tpu.memory_space<hbm>>) target(%arg7 : memref<128xi32, #tpu.memory_space<vmem>>) target_semaphore(%run_scoped3A_14 : memref<!tpu.dma_semaphore, #tpu.memory_space<semaphore_mem>>)
      %dma_wait3A_19 = tpu.memref_slice %arg4[%run_scoped3A, %mul3A_2] : memref<2x4096xi32, #tpu.memory_space<hbm>> -> memref<1x128xi32, #tpu.memory_space<hbm>>
      %dma_wait3A_20 = tpu.memref_squeeze %dma_wait3A_19 : memref<1x128xi32, #tpu.memory_space<hbm>> -> memref<128xi32, #tpu.memory_space<hbm>>
      %dma_wait3A_21 = tpu.memref_slice %arg4[%run_scoped3A, %mul3A_2] : memref<2x4096xi32, #tpu.memory_space<hbm>> -> memref<1x128xi32, #tpu.memory_space<hbm>>
      %dma_wait3A_22 = tpu.memref_squeeze %dma_wait3A_21 : memref<1x128xi32, #tpu.memory_space<hbm>> -> memref<128xi32, #tpu.memory_space<hbm>>
      tpu.wait_dma2 semaphore(%run_scoped3A_14 : memref<!tpu.dma_semaphore, #tpu.memory_space<semaphore_mem>>) src(%dma_wait3A_22 : memref<128xi32, #tpu.memory_space<hbm>>) dst(%arg7 : memref<128xi32, #tpu.memory_space<vmem>>)
      tpu.yield
    }) : () -> ()
    %run_scoped3A_3 = arith.constant 1 : i32
    "tpu.region"() ({
      %run_scoped3A_14 = tpu.sem_alloc : memref<!tpu.dma_semaphore, #tpu.memory_space<semaphore_mem>>
      %dma_start3A_15 = tpu.memref_slice %arg4[%run_scoped3A_3, %mul3A_2] : memref<2x4096xi32, #tpu.memory_space<hbm>> -> memref<1x128xi32, #tpu.memory_space<hbm>>
      %dma_start3A_16 = tpu.memref_squeeze %dma_start3A_15 : memref<1x128xi32, #tpu.memory_space<hbm>> -> memref<128xi32, #tpu.memory_space<hbm>>
      %dma_start3A_17 = tpu.memref_slice %arg4[%run_scoped3A_3, %mul3A_2] : memref<2x4096xi32, #tpu.memory_space<hbm>> -> memref<1x128xi32, #tpu.memory_space<hbm>>
      %dma_start3A_18 = tpu.memref_squeeze %dma_start3A_17 : memref<1x128xi32, #tpu.memory_space<hbm>> -> memref<128xi32, #tpu.memory_space<hbm>>
      tpu.enqueue_dma source(%dma_start3A_18 : memref<128xi32, #tpu.memory_space<hbm>>) target(%arg8 : memref<128xi32, #tpu.memory_space<vmem>>) target_semaphore(%run_scoped3A_14 : memref<!tpu.dma_semaphore, #tpu.memory_space<semaphore_mem>>)
      %dma_wait3A_19 = tpu.memref_slice %arg4[%run_scoped3A_3, %mul3A_2] : memref<2x4096xi32, #tpu.memory_space<hbm>> -> memref<1x128xi32, #tpu.memory_space<hbm>>
      %dma_wait3A_20 = tpu.memref_squeeze %dma_wait3A_19 : memref<1x128xi32, #tpu.memory_space<hbm>> -> memref<128xi32, #tpu.memory_space<hbm>>
      %dma_wait3A_21 = tpu.memref_slice %arg4[%run_scoped3A_3, %mul3A_2] : memref<2x4096xi32, #tpu.memory_space<hbm>> -> memref<1x128xi32, #tpu.memory_space<hbm>>
      %dma_wait3A_22 = tpu.memref_squeeze %dma_wait3A_21 : memref<1x128xi32, #tpu.memory_space<hbm>> -> memref<128xi32, #tpu.memory_space<hbm>>
      tpu.wait_dma2 semaphore(%run_scoped3A_14 : memref<!tpu.dma_semaphore, #tpu.memory_space<semaphore_mem>>) src(%dma_wait3A_22 : memref<128xi32, #tpu.memory_space<hbm>>) dst(%arg8 : memref<128xi32, #tpu.memory_space<vmem>>)
      tpu.yield
    }) : () -> ()
    %dma_start3A = arith.constant 0 : i32
    %dma_start3A_4 = arith.constant 0 : i32
    %dma_start3A_5 = tpu.memref_slice %arg2[%dma_start3A, %dma_start3A_4] : memref<10000x256xf32, #tpu.memory_space<hbm>> -> memref<10000x256xf32, #tpu.memory_space<hbm>>
    tpu.enqueue_indirect_dma source(%dma_start3A_5 : memref<10000x256xf32, #tpu.memory_space<hbm>>) target(%arg9 : memref<128x256xf32, #tpu.memory_space<vmem>>) offsets(%arg7 : memref<128xi32, #tpu.memory_space<vmem>>) semaphore(%arg11 : memref<!tpu.dma_semaphore, #tpu.memory_space<semaphore_mem>>)
    %dma_wait3A = arith.constant 0 : i32
    %dma_wait3A_6 = arith.constant 0 : i32
    %dma_wait3A_7 = tpu.memref_slice %arg2[%dma_wait3A, %dma_wait3A_6] : memref<10000x256xf32, #tpu.memory_space<hbm>> -> memref<10000x256xf32, #tpu.memory_space<hbm>>
    tpu.wait_indirect_dma semaphore(%arg11 : memref<!tpu.dma_semaphore, #tpu.memory_space<semaphore_mem>>) src(%dma_wait3A_7 : memref<10000x256xf32, #tpu.memory_space<hbm>>) dst(%arg9 : memref<128x256xf32, #tpu.memory_space<vmem>>)
    %dma_start3A_8 = arith.constant 0 : i32
    %dma_start3A_9 = arith.constant 0 : i32
    %dma_start3A_10 = tpu.memref_slice %arg3[%dma_start3A_8, %dma_start3A_9] : memref<10000x256xf32, #tpu.memory_space<hbm>> -> memref<10000x256xf32, #tpu.memory_space<hbm>>
    tpu.enqueue_indirect_dma source(%dma_start3A_10 : memref<10000x256xf32, #tpu.memory_space<hbm>>) target(%arg10 : memref<128x256xf32, #tpu.memory_space<vmem>>) offsets(%arg8 : memref<128xi32, #tpu.memory_space<vmem>>) semaphore(%arg11 : memref<!tpu.dma_semaphore, #tpu.memory_space<semaphore_mem>>)
    %dma_wait3A_11 = arith.constant 0 : i32
    %dma_wait3A_12 = arith.constant 0 : i32
    %dma_wait3A_13 = tpu.memref_slice %arg3[%dma_wait3A_11, %dma_wait3A_12] : memref<10000x256xf32, #tpu.memory_space<hbm>> -> memref<10000x256xf32, #tpu.memory_space<hbm>>
    tpu.wait_indirect_dma semaphore(%arg11 : memref<!tpu.dma_semaphore, #tpu.memory_space<semaphore_mem>>) src(%dma_wait3A_13 : memref<10000x256xf32, #tpu.memory_space<hbm>>) dst(%arg10 : memref<128x256xf32, #tpu.memory_space<vmem>>)
    "tpu.region"() ({
      %run_scoped3A_14 = tpu.sem_alloc : memref<!tpu.dma_semaphore, #tpu.memory_space<semaphore_mem>>
      %dma_start3A_15 = arith.constant 0 : i32
      %dma_start3A_16 = tpu.memref_slice %arg5[%mul3A_2, %dma_start3A_15] : memref<4096x256xf32, #tpu.memory_space<hbm>> -> memref<128x256xf32, #tpu.memory_space<hbm>>
      %dma_start3A_17 = arith.constant 0 : i32
      %dma_start3A_18 = tpu.memref_slice %arg5[%mul3A_2, %dma_start3A_17] : memref<4096x256xf32, #tpu.memory_space<hbm>> -> memref<128x256xf32, #tpu.memory_space<hbm>>
      tpu.enqueue_dma source(%arg9 : memref<128x256xf32, #tpu.memory_space<vmem>>) target(%dma_start3A_18 : memref<128x256xf32, #tpu.memory_space<hbm>>) target_semaphore(%run_scoped3A_14 : memref<!tpu.dma_semaphore, #tpu.memory_space<semaphore_mem>>)
      %dma_wait3A_19 = arith.constant 0 : i32
      %dma_wait3A_20 = tpu.memref_slice %arg5[%mul3A_2, %dma_wait3A_19] : memref<4096x256xf32, #tpu.memory_space<hbm>> -> memref<128x256xf32, #tpu.memory_space<hbm>>
      %dma_wait3A_21 = arith.constant 0 : i32
      %dma_wait3A_22 = tpu.memref_slice %arg5[%mul3A_2, %dma_wait3A_21] : memref<4096x256xf32, #tpu.memory_space<hbm>> -> memref<128x256xf32, #tpu.memory_space<hbm>>
      tpu.wait_dma2 semaphore(%run_scoped3A_14 : memref<!tpu.dma_semaphore, #tpu.memory_space<semaphore_mem>>) src(%arg9 : memref<128x256xf32, #tpu.memory_space<vmem>>) dst(%dma_wait3A_22 : memref<128x256xf32, #tpu.memory_space<hbm>>)
      tpu.yield
    }) : () -> ()
    "tpu.region"() ({
      %run_scoped3A_14 = tpu.sem_alloc : memref<!tpu.dma_semaphore, #tpu.memory_space<semaphore_mem>>
      %dma_start3A_15 = arith.constant 0 : i32
      %dma_start3A_16 = tpu.memref_slice %arg6[%mul3A_2, %dma_start3A_15] : memref<4096x256xf32, #tpu.memory_space<hbm>> -> memref<128x256xf32, #tpu.memory_space<hbm>>
      %dma_start3A_17 = arith.constant 0 : i32
      %dma_start3A_18 = tpu.memref_slice %arg6[%mul3A_2, %dma_start3A_17] : memref<4096x256xf32, #tpu.memory_space<hbm>> -> memref<128x256xf32, #tpu.memory_space<hbm>>
      tpu.enqueue_dma source(%arg10 : memref<128x256xf32, #tpu.memory_space<vmem>>) target(%dma_start3A_18 : memref<128x256xf32, #tpu.memory_space<hbm>>) target_semaphore(%run_scoped3A_14 : memref<!tpu.dma_semaphore, #tpu.memory_space<semaphore_mem>>)
      %dma_wait3A_19 = arith.constant 0 : i32
      %dma_wait3A_20 = tpu.memref_slice %arg6[%mul3A_2, %dma_wait3A_19] : memref<4096x256xf32, #tpu.memory_space<hbm>> -> memref<128x256xf32, #tpu.memory_space<hbm>>
      %dma_wait3A_21 = arith.constant 0 : i32
      %dma_wait3A_22 = tpu.memref_slice %arg6[%mul3A_2, %dma_wait3A_21] : memref<4096x256xf32, #tpu.memory_space<hbm>> -> memref<128x256xf32, #tpu.memory_space<hbm>>
      tpu.wait_dma2 semaphore(%run_scoped3A_14 : memref<!tpu.dma_semaphore, #tpu.memory_space<semaphore_mem>>) src(%arg10 : memref<128x256xf32, #tpu.memory_space<vmem>>) dst(%dma_wait3A_22 : memref<128x256xf32, #tpu.memory_space<hbm>>)
      tpu.yield
    }) : () -> ()
    return
  }
}

#map = affine_map<(d0, d1) -> (0, 0)>
#map1 = affine_map<(d0, d1) -> (0, 0, 0, 0)>
#map2 = affine_map<(d0, d1) -> (0)>
#map3 = affine_map<(d0, d1) -> (0, 0, 0)>
module attributes {stable_mosaic.version = 14 : i64} {
  func.func @_agg_body(%arg0: i32, %arg1: i32, %arg2: memref<20000x128xf32, #tpu.memory_space<hbm>>, %arg3: memref<2x16x82x128xi32, #tpu.memory_space<hbm>>, %arg4: memref<167936xi32, #tpu.memory_space<hbm>>, %arg5: memref<10112x128xf32, #tpu.memory_space<hbm>>, %arg6: memref<2x10112x128xf32, #tpu.memory_space<hbm>>, %arg7: memref<82x128xi32, #tpu.memory_space<vmem>>, %arg8: memref<128xi32, #tpu.memory_space<vmem>>, %arg9: memref<128xi32, #tpu.memory_space<vmem>>, %arg10: memref<128x128xf32, #tpu.memory_space<vmem>>, %arg11: memref<128x128xf32, #tpu.memory_space<vmem>>, %arg12: memref<10112x128xf32, #tpu.memory_space<vmem_shared>>, %arg13: memref<!tpu.dma_semaphore, #tpu.memory_space<semaphore_mem>>, %arg14: memref<!tpu.dma_semaphore, #tpu.memory_space<semaphore_mem>>, %arg15: memref<!tpu.dma_semaphore, #tpu.memory_space<semaphore_mem>>, %arg16: memref<!tpu.dma_semaphore, #tpu.memory_space<semaphore_mem>>) attributes {dimension_semantics = [#tpu.dimension_semantics<core_parallel>, #tpu.dimension_semantics<subcore_parallel>], iteration_bounds = array<i64: 2, 16>, scalar_prefetch = 0 : i64, scratch_operands = 10 : i64, tpu.core_type = #tpu.core_type<sc_vector_subcore>, window_params = [{transform_indices = #map}, {transform_indices = #map1}, {transform_indices = #map2}, {transform_indices = #map}, {transform_indices = #map3}]} {
    "tpu.region"() ({
      %run_scoped3A = tpu.sem_alloc : memref<!tpu.dma_semaphore, #tpu.memory_space<semaphore_mem>>
      %dma_start3A_52 = arith.constant 0 : i32
      %dma_start3A_53 = arith.constant 0 : i32
      %dma_start3A_54 = tpu.memref_slice %arg3[%arg0, %arg1, %dma_start3A_52, %dma_start3A_53] : memref<2x16x82x128xi32, #tpu.memory_space<hbm>> -> memref<1x1x82x128xi32, #tpu.memory_space<hbm>>
      %dma_start3A_55 = tpu.memref_squeeze %dma_start3A_54 : memref<1x1x82x128xi32, #tpu.memory_space<hbm>> -> memref<82x128xi32, #tpu.memory_space<hbm>>
      %dma_start3A_56 = arith.constant 0 : i32
      %dma_start3A_57 = arith.constant 0 : i32
      %dma_start3A_58 = tpu.memref_slice %arg3[%arg0, %arg1, %dma_start3A_56, %dma_start3A_57] : memref<2x16x82x128xi32, #tpu.memory_space<hbm>> -> memref<1x1x82x128xi32, #tpu.memory_space<hbm>>
      %dma_start3A_59 = tpu.memref_squeeze %dma_start3A_58 : memref<1x1x82x128xi32, #tpu.memory_space<hbm>> -> memref<82x128xi32, #tpu.memory_space<hbm>>
      tpu.enqueue_dma source(%dma_start3A_59 : memref<82x128xi32, #tpu.memory_space<hbm>>) target(%arg7 : memref<82x128xi32, #tpu.memory_space<vmem>>) target_semaphore(%run_scoped3A : memref<!tpu.dma_semaphore, #tpu.memory_space<semaphore_mem>>)
      %dma_wait3A_60 = arith.constant 0 : i32
      %dma_wait3A_61 = arith.constant 0 : i32
      %dma_wait3A_62 = tpu.memref_slice %arg3[%arg0, %arg1, %dma_wait3A_60, %dma_wait3A_61] : memref<2x16x82x128xi32, #tpu.memory_space<hbm>> -> memref<1x1x82x128xi32, #tpu.memory_space<hbm>>
      %dma_wait3A_63 = tpu.memref_squeeze %dma_wait3A_62 : memref<1x1x82x128xi32, #tpu.memory_space<hbm>> -> memref<82x128xi32, #tpu.memory_space<hbm>>
      %dma_wait3A_64 = arith.constant 0 : i32
      %dma_wait3A_65 = arith.constant 0 : i32
      %dma_wait3A_66 = tpu.memref_slice %arg3[%arg0, %arg1, %dma_wait3A_64, %dma_wait3A_65] : memref<2x16x82x128xi32, #tpu.memory_space<hbm>> -> memref<1x1x82x128xi32, #tpu.memory_space<hbm>>
      %dma_wait3A_67 = tpu.memref_squeeze %dma_wait3A_66 : memref<1x1x82x128xi32, #tpu.memory_space<hbm>> -> memref<82x128xi32, #tpu.memory_space<hbm>>
      tpu.wait_dma2 semaphore(%run_scoped3A : memref<!tpu.dma_semaphore, #tpu.memory_space<semaphore_mem>>) src(%dma_wait3A_67 : memref<82x128xi32, #tpu.memory_space<hbm>>) dst(%arg7 : memref<82x128xi32, #tpu.memory_space<vmem>>)
      tpu.yield
    }) : () -> ()
    %mul3A = arith.constant 632 : i32
    %mul3A_0 = arith.muli %arg1, %mul3A : i32
    %mul3A_1 = arith.constant 632 : i32
    %mul3A_2 = arith.muli %arg1, %mul3A_1 : i32
    "tpu.region"() ({
      %run_scoped3A = tpu.sem_alloc : memref<!tpu.dma_semaphore, #tpu.memory_space<semaphore_mem>>
      %dma_start3A_52 = arith.constant 0 : i32
      %dma_start3A_53 = tpu.memref_slice %arg12[%mul3A_2, %dma_start3A_52] : memref<10112x128xf32, #tpu.memory_space<vmem_shared>> -> memref<632x128xf32, #tpu.memory_space<vmem_shared>>
      %dma_start3A_54 = arith.constant 0 : i32
      %dma_start3A_55 = tpu.memref_slice %arg5[%mul3A_0, %dma_start3A_54] : memref<10112x128xf32, #tpu.memory_space<hbm>> -> memref<632x128xf32, #tpu.memory_space<hbm>>
      tpu.enqueue_dma source(%dma_start3A_55 : memref<632x128xf32, #tpu.memory_space<hbm>>) target(%dma_start3A_53 : memref<632x128xf32, #tpu.memory_space<vmem_shared>>) target_semaphore(%run_scoped3A : memref<!tpu.dma_semaphore, #tpu.memory_space<semaphore_mem>>)
      %dma_wait3A_56 = arith.constant 0 : i32
      %dma_wait3A_57 = tpu.memref_slice %arg12[%mul3A_2, %dma_wait3A_56] : memref<10112x128xf32, #tpu.memory_space<vmem_shared>> -> memref<632x128xf32, #tpu.memory_space<vmem_shared>>
      %dma_wait3A_58 = arith.constant 0 : i32
      %dma_wait3A_59 = tpu.memref_slice %arg5[%mul3A_0, %dma_wait3A_58] : memref<10112x128xf32, #tpu.memory_space<hbm>> -> memref<632x128xf32, #tpu.memory_space<hbm>>
      tpu.wait_dma2 semaphore(%run_scoped3A : memref<!tpu.dma_semaphore, #tpu.memory_space<semaphore_mem>>) src(%dma_wait3A_59 : memref<632x128xf32, #tpu.memory_space<hbm>>) dst(%dma_wait3A_57 : memref<632x128xf32, #tpu.memory_space<vmem_shared>>)
      tpu.yield
    }) : () -> ()
    %barrier3A = arith.constant 0 : index
    tpu.barrier barrier_id(%barrier3A)
    %mul3A_3 = arith.constant 10496 : i32
    %mul3A_4 = arith.muli %arg1, %mul3A_3 : i32
    %dma_start3A = tpu.memref_slice %arg4[%mul3A_4] : memref<167936xi32, #tpu.memory_space<hbm>> -> memref<128xi32, #tpu.memory_space<hbm>>
    %dma_start3A_5 = tpu.memref_slice %arg4[%mul3A_4] : memref<167936xi32, #tpu.memory_space<hbm>> -> memref<128xi32, #tpu.memory_space<hbm>>
    tpu.enqueue_dma source(%dma_start3A_5 : memref<128xi32, #tpu.memory_space<hbm>>) target(%arg8 : memref<128xi32, #tpu.memory_space<vmem>>) target_semaphore(%arg14 : memref<!tpu.dma_semaphore, #tpu.memory_space<semaphore_mem>>)
    %add3A = arith.constant 128 : i32
    %add3A_6 = arith.addi %mul3A_4, %add3A : i32
    %dma_start3A_7 = tpu.memref_slice %arg4[%add3A_6] : memref<167936xi32, #tpu.memory_space<hbm>> -> memref<128xi32, #tpu.memory_space<hbm>>
    %dma_start3A_8 = tpu.memref_slice %arg4[%add3A_6] : memref<167936xi32, #tpu.memory_space<hbm>> -> memref<128xi32, #tpu.memory_space<hbm>>
    tpu.enqueue_dma source(%dma_start3A_8 : memref<128xi32, #tpu.memory_space<hbm>>) target(%arg9 : memref<128xi32, #tpu.memory_space<vmem>>) target_semaphore(%arg16 : memref<!tpu.dma_semaphore, #tpu.memory_space<semaphore_mem>>)
    %dma_start3A_9 = arith.constant 0 : i32
    %dma_start3A_10 = arith.constant 0 : i32
    %dma_start3A_11 = tpu.memref_slice %arg7[%dma_start3A_9, %dma_start3A_10] : memref<82x128xi32, #tpu.memory_space<vmem>> -> memref<1x128xi32, #tpu.memory_space<vmem>>
    %dma_start3A_12 = tpu.memref_squeeze %dma_start3A_11 : memref<1x128xi32, #tpu.memory_space<vmem>> -> memref<128xi32, #tpu.memory_space<vmem>>
    %dma_start3A_13 = arith.constant 0 : i32
    %dma_start3A_14 = arith.constant 0 : i32
    %dma_start3A_15 = tpu.memref_slice %arg2[%dma_start3A_13, %dma_start3A_14] : memref<20000x128xf32, #tpu.memory_space<hbm>> -> memref<20000x128xf32, #tpu.memory_space<hbm>>
    tpu.enqueue_indirect_dma source(%dma_start3A_15 : memref<20000x128xf32, #tpu.memory_space<hbm>>) target(%arg10 : memref<128x128xf32, #tpu.memory_space<vmem>>) offsets(%dma_start3A_12 : memref<128xi32, #tpu.memory_space<vmem>>) semaphore(%arg13 : memref<!tpu.dma_semaphore, #tpu.memory_space<semaphore_mem>>)
    %dma_start3A_16 = arith.constant 1 : i32
    %dma_start3A_17 = arith.constant 0 : i32
    %dma_start3A_18 = tpu.memref_slice %arg7[%dma_start3A_16, %dma_start3A_17] : memref<82x128xi32, #tpu.memory_space<vmem>> -> memref<1x128xi32, #tpu.memory_space<vmem>>
    %dma_start3A_19 = tpu.memref_squeeze %dma_start3A_18 : memref<1x128xi32, #tpu.memory_space<vmem>> -> memref<128xi32, #tpu.memory_space<vmem>>
    %dma_start3A_20 = arith.constant 0 : i32
    %dma_start3A_21 = arith.constant 0 : i32
    %dma_start3A_22 = tpu.memref_slice %arg2[%dma_start3A_20, %dma_start3A_21] : memref<20000x128xf32, #tpu.memory_space<hbm>> -> memref<20000x128xf32, #tpu.memory_space<hbm>>
    tpu.enqueue_indirect_dma source(%dma_start3A_22 : memref<20000x128xf32, #tpu.memory_space<hbm>>) target(%arg11 : memref<128x128xf32, #tpu.memory_space<vmem>>) offsets(%dma_start3A_19 : memref<128xi32, #tpu.memory_space<vmem>>) semaphore(%arg15 : memref<!tpu.dma_semaphore, #tpu.memory_space<semaphore_mem>>)
    %scan3A = arith.constant 0 : i32
    %scan3A_23 = arith.constant 0 : i32
    %scan3A_24 = arith.constant 40 : i32
    %scan3A_25 = arith.addi %scan3A_23, %scan3A_24 : i32
    %scan3A_26 = arith.constant 1 : i32
    scf.for %scan3A_52 = %scan3A_23 to %scan3A_25 step %scan3A_26  : i32 {
      %dma_wait3A_53 = arith.constant 0 : i32
      %dma_wait3A_54 = arith.constant 0 : i32
      %dma_wait3A_55 = tpu.memref_slice %arg5[%dma_wait3A_53, %dma_wait3A_54] : memref<10112x128xf32, #tpu.memory_space<hbm>> -> memref<128x128xf32, #tpu.memory_space<hbm>>
      %dma_wait3A_56 = arith.constant 0 : i32
      %dma_wait3A_57 = arith.constant 0 : i32
      %dma_wait3A_58 = tpu.memref_slice %arg5[%dma_wait3A_56, %dma_wait3A_57] : memref<10112x128xf32, #tpu.memory_space<hbm>> -> memref<128x128xf32, #tpu.memory_space<hbm>>
      tpu.wait_dma2 semaphore(%arg13 : memref<!tpu.dma_semaphore, #tpu.memory_space<semaphore_mem>>) src(%dma_wait3A_58 : memref<128x128xf32, #tpu.memory_space<hbm>>) dst(%arg10 : memref<128x128xf32, #tpu.memory_space<vmem>>)
      %dma_wait3A_59 = arith.constant 0 : i32
      %dma_wait3A_60 = tpu.memref_slice %arg4[%dma_wait3A_59] : memref<167936xi32, #tpu.memory_space<hbm>> -> memref<128xi32, #tpu.memory_space<hbm>>
      %dma_wait3A_61 = arith.constant 0 : i32
      %dma_wait3A_62 = tpu.memref_slice %arg4[%dma_wait3A_61] : memref<167936xi32, #tpu.memory_space<hbm>> -> memref<128xi32, #tpu.memory_space<hbm>>
      tpu.wait_dma2 semaphore(%arg14 : memref<!tpu.dma_semaphore, #tpu.memory_space<semaphore_mem>>) src(%dma_wait3A_62 : memref<128xi32, #tpu.memory_space<hbm>>) dst(%arg8 : memref<128xi32, #tpu.memory_space<vmem>>)
      "tpu.region"() ({
        %run_scoped3A = tpu.sem_alloc : memref<!tpu.dma_semaphore, #tpu.memory_space<semaphore_mem>>
        %dma_start3A_111 = arith.constant 0 : i32
        %dma_start3A_112 = arith.constant 0 : i32
        %dma_start3A_113 = tpu.memref_slice %arg12[%dma_start3A_111, %dma_start3A_112] : memref<10112x128xf32, #tpu.memory_space<vmem_shared>> -> memref<10112x128xf32, #tpu.memory_space<vmem_shared>>
        tpu.enqueue_indirect_dma source(%arg10 : memref<128x128xf32, #tpu.memory_space<vmem>>) target(%dma_start3A_113 : memref<10112x128xf32, #tpu.memory_space<vmem_shared>>) offsets(%arg8 : memref<128xi32, #tpu.memory_space<vmem>>) semaphore(%run_scoped3A : memref<!tpu.dma_semaphore, #tpu.memory_space<semaphore_mem>>) {add = true}
        %dma_wait3A_114 = arith.constant 0 : i32
        %dma_wait3A_115 = arith.constant 0 : i32
        %dma_wait3A_116 = tpu.memref_slice %arg12[%dma_wait3A_114, %dma_wait3A_115] : memref<10112x128xf32, #tpu.memory_space<vmem_shared>> -> memref<10112x128xf32, #tpu.memory_space<vmem_shared>>
        tpu.wait_indirect_dma semaphore(%run_scoped3A : memref<!tpu.dma_semaphore, #tpu.memory_space<semaphore_mem>>) src(%arg10 : memref<128x128xf32, #tpu.memory_space<vmem>>) dst(%dma_wait3A_116 : memref<10112x128xf32, #tpu.memory_space<vmem_shared>>)
        tpu.yield
      }) : () -> ()
      %mul3A_63 = arith.constant 2 : i32
      %mul3A_64 = arith.muli %mul3A_63, %scan3A_52 : i32
      %add3A_65 = arith.constant 2 : i32
      %add3A_66 = arith.addi %mul3A_64, %add3A_65 : i32
      %dma_start3A_67 = arith.constant 0 : i32
      %dma_start3A_68 = tpu.memref_slice %arg7[%add3A_66, %dma_start3A_67] : memref<82x128xi32, #tpu.memory_space<vmem>> -> memref<1x128xi32, #tpu.memory_space<vmem>>
      %dma_start3A_69 = tpu.memref_squeeze %dma_start3A_68 : memref<1x128xi32, #tpu.memory_space<vmem>> -> memref<128xi32, #tpu.memory_space<vmem>>
      %dma_start3A_70 = arith.constant 0 : i32
      %dma_start3A_71 = arith.constant 0 : i32
      %dma_start3A_72 = tpu.memref_slice %arg2[%dma_start3A_70, %dma_start3A_71] : memref<20000x128xf32, #tpu.memory_space<hbm>> -> memref<20000x128xf32, #tpu.memory_space<hbm>>
      tpu.enqueue_indirect_dma source(%dma_start3A_72 : memref<20000x128xf32, #tpu.memory_space<hbm>>) target(%arg10 : memref<128x128xf32, #tpu.memory_space<vmem>>) offsets(%dma_start3A_69 : memref<128xi32, #tpu.memory_space<vmem>>) semaphore(%arg13 : memref<!tpu.dma_semaphore, #tpu.memory_space<semaphore_mem>>)
      %mul3A_73 = arith.constant 2 : i32
      %mul3A_74 = arith.muli %mul3A_73, %scan3A_52 : i32
      %add3A_75 = arith.constant 2 : i32
      %add3A_76 = arith.addi %mul3A_74, %add3A_75 : i32
      %mul3A_77 = arith.constant 128 : i32
      %mul3A_78 = arith.muli %add3A_76, %mul3A_77 : i32
      %add3A_79 = arith.addi %mul3A_4, %mul3A_78 : i32
      %dma_start3A_80 = tpu.memref_slice %arg4[%add3A_79] : memref<167936xi32, #tpu.memory_space<hbm>> -> memref<128xi32, #tpu.memory_space<hbm>>
      %dma_start3A_81 = tpu.memref_slice %arg4[%add3A_79] : memref<167936xi32, #tpu.memory_space<hbm>> -> memref<128xi32, #tpu.memory_space<hbm>>
      tpu.enqueue_dma source(%dma_start3A_81 : memref<128xi32, #tpu.memory_space<hbm>>) target(%arg8 : memref<128xi32, #tpu.memory_space<vmem>>) target_semaphore(%arg14 : memref<!tpu.dma_semaphore, #tpu.memory_space<semaphore_mem>>)
      %dma_wait3A_82 = arith.constant 0 : i32
      %dma_wait3A_83 = arith.constant 0 : i32
      %dma_wait3A_84 = tpu.memref_slice %arg5[%dma_wait3A_82, %dma_wait3A_83] : memref<10112x128xf32, #tpu.memory_space<hbm>> -> memref<128x128xf32, #tpu.memory_space<hbm>>
      %dma_wait3A_85 = arith.constant 0 : i32
      %dma_wait3A_86 = arith.constant 0 : i32
      %dma_wait3A_87 = tpu.memref_slice %arg5[%dma_wait3A_85, %dma_wait3A_86] : memref<10112x128xf32, #tpu.memory_space<hbm>> -> memref<128x128xf32, #tpu.memory_space<hbm>>
      tpu.wait_dma2 semaphore(%arg15 : memref<!tpu.dma_semaphore, #tpu.memory_space<semaphore_mem>>) src(%dma_wait3A_87 : memref<128x128xf32, #tpu.memory_space<hbm>>) dst(%arg11 : memref<128x128xf32, #tpu.memory_space<vmem>>)
      %dma_wait3A_88 = arith.constant 0 : i32
      %dma_wait3A_89 = tpu.memref_slice %arg4[%dma_wait3A_88] : memref<167936xi32, #tpu.memory_space<hbm>> -> memref<128xi32, #tpu.memory_space<hbm>>
      %dma_wait3A_90 = arith.constant 0 : i32
      %dma_wait3A_91 = tpu.memref_slice %arg4[%dma_wait3A_90] : memref<167936xi32, #tpu.memory_space<hbm>> -> memref<128xi32, #tpu.memory_space<hbm>>
      tpu.wait_dma2 semaphore(%arg16 : memref<!tpu.dma_semaphore, #tpu.memory_space<semaphore_mem>>) src(%dma_wait3A_91 : memref<128xi32, #tpu.memory_space<hbm>>) dst(%arg9 : memref<128xi32, #tpu.memory_space<vmem>>)
      "tpu.region"() ({
        %run_scoped3A = tpu.sem_alloc : memref<!tpu.dma_semaphore, #tpu.memory_space<semaphore_mem>>
        %dma_start3A_111 = arith.constant 0 : i32
        %dma_start3A_112 = arith.constant 0 : i32
        %dma_start3A_113 = tpu.memref_slice %arg12[%dma_start3A_111, %dma_start3A_112] : memref<10112x128xf32, #tpu.memory_space<vmem_shared>> -> memref<10112x128xf32, #tpu.memory_space<vmem_shared>>
        tpu.enqueue_indirect_dma source(%arg11 : memref<128x128xf32, #tpu.memory_space<vmem>>) target(%dma_start3A_113 : memref<10112x128xf32, #tpu.memory_space<vmem_shared>>) offsets(%arg9 : memref<128xi32, #tpu.memory_space<vmem>>) semaphore(%run_scoped3A : memref<!tpu.dma_semaphore, #tpu.memory_space<semaphore_mem>>) {add = true}
        %dma_wait3A_114 = arith.constant 0 : i32
        %dma_wait3A_115 = arith.constant 0 : i32
        %dma_wait3A_116 = tpu.memref_slice %arg12[%dma_wait3A_114, %dma_wait3A_115] : memref<10112x128xf32, #tpu.memory_space<vmem_shared>> -> memref<10112x128xf32, #tpu.memory_space<vmem_shared>>
        tpu.wait_indirect_dma semaphore(%run_scoped3A : memref<!tpu.dma_semaphore, #tpu.memory_space<semaphore_mem>>) src(%arg11 : memref<128x128xf32, #tpu.memory_space<vmem>>) dst(%dma_wait3A_116 : memref<10112x128xf32, #tpu.memory_space<vmem_shared>>)
        tpu.yield
      }) : () -> ()
      %mul3A_92 = arith.constant 2 : i32
      %mul3A_93 = arith.muli %mul3A_92, %scan3A_52 : i32
      %add3A_94 = arith.constant 3 : i32
      %add3A_95 = arith.addi %mul3A_93, %add3A_94 : i32
      %dma_start3A_96 = arith.constant 0 : i32
      %dma_start3A_97 = tpu.memref_slice %arg7[%add3A_95, %dma_start3A_96] : memref<82x128xi32, #tpu.memory_space<vmem>> -> memref<1x128xi32, #tpu.memory_space<vmem>>
      %dma_start3A_98 = tpu.memref_squeeze %dma_start3A_97 : memref<1x128xi32, #tpu.memory_space<vmem>> -> memref<128xi32, #tpu.memory_space<vmem>>
      %dma_start3A_99 = arith.constant 0 : i32
      %dma_start3A_100 = arith.constant 0 : i32
      %dma_start3A_101 = tpu.memref_slice %arg2[%dma_start3A_99, %dma_start3A_100] : memref<20000x128xf32, #tpu.memory_space<hbm>> -> memref<20000x128xf32, #tpu.memory_space<hbm>>
      tpu.enqueue_indirect_dma source(%dma_start3A_101 : memref<20000x128xf32, #tpu.memory_space<hbm>>) target(%arg11 : memref<128x128xf32, #tpu.memory_space<vmem>>) offsets(%dma_start3A_98 : memref<128xi32, #tpu.memory_space<vmem>>) semaphore(%arg15 : memref<!tpu.dma_semaphore, #tpu.memory_space<semaphore_mem>>)
      %mul3A_102 = arith.constant 2 : i32
      %mul3A_103 = arith.muli %mul3A_102, %scan3A_52 : i32
      %add3A_104 = arith.constant 3 : i32
      %add3A_105 = arith.addi %mul3A_103, %add3A_104 : i32
      %mul3A_106 = arith.constant 128 : i32
      %mul3A_107 = arith.muli %add3A_105, %mul3A_106 : i32
      %add3A_108 = arith.addi %mul3A_4, %mul3A_107 : i32
      %dma_start3A_109 = tpu.memref_slice %arg4[%add3A_108] : memref<167936xi32, #tpu.memory_space<hbm>> -> memref<128xi32, #tpu.memory_space<hbm>>
      %dma_start3A_110 = tpu.memref_slice %arg4[%add3A_108] : memref<167936xi32, #tpu.memory_space<hbm>> -> memref<128xi32, #tpu.memory_space<hbm>>
      tpu.enqueue_dma source(%dma_start3A_110 : memref<128xi32, #tpu.memory_space<hbm>>) target(%arg9 : memref<128xi32, #tpu.memory_space<vmem>>) target_semaphore(%arg16 : memref<!tpu.dma_semaphore, #tpu.memory_space<semaphore_mem>>)
    }
    %scan3A_27 = arith.constant 40 : i32
    %dma_wait3A = arith.constant 0 : i32
    %dma_wait3A_28 = arith.constant 0 : i32
    %dma_wait3A_29 = tpu.memref_slice %arg5[%dma_wait3A, %dma_wait3A_28] : memref<10112x128xf32, #tpu.memory_space<hbm>> -> memref<128x128xf32, #tpu.memory_space<hbm>>
    %dma_wait3A_30 = arith.constant 0 : i32
    %dma_wait3A_31 = arith.constant 0 : i32
    %dma_wait3A_32 = tpu.memref_slice %arg5[%dma_wait3A_30, %dma_wait3A_31] : memref<10112x128xf32, #tpu.memory_space<hbm>> -> memref<128x128xf32, #tpu.memory_space<hbm>>
    tpu.wait_dma2 semaphore(%arg13 : memref<!tpu.dma_semaphore, #tpu.memory_space<semaphore_mem>>) src(%dma_wait3A_32 : memref<128x128xf32, #tpu.memory_space<hbm>>) dst(%arg10 : memref<128x128xf32, #tpu.memory_space<vmem>>)
    %dma_wait3A_33 = arith.constant 0 : i32
    %dma_wait3A_34 = arith.constant 0 : i32
    %dma_wait3A_35 = tpu.memref_slice %arg5[%dma_wait3A_33, %dma_wait3A_34] : memref<10112x128xf32, #tpu.memory_space<hbm>> -> memref<128x128xf32, #tpu.memory_space<hbm>>
    %dma_wait3A_36 = arith.constant 0 : i32
    %dma_wait3A_37 = arith.constant 0 : i32
    %dma_wait3A_38 = tpu.memref_slice %arg5[%dma_wait3A_36, %dma_wait3A_37] : memref<10112x128xf32, #tpu.memory_space<hbm>> -> memref<128x128xf32, #tpu.memory_space<hbm>>
    tpu.wait_dma2 semaphore(%arg15 : memref<!tpu.dma_semaphore, #tpu.memory_space<semaphore_mem>>) src(%dma_wait3A_38 : memref<128x128xf32, #tpu.memory_space<hbm>>) dst(%arg11 : memref<128x128xf32, #tpu.memory_space<vmem>>)
    %dma_wait3A_39 = arith.constant 0 : i32
    %dma_wait3A_40 = tpu.memref_slice %arg4[%dma_wait3A_39] : memref<167936xi32, #tpu.memory_space<hbm>> -> memref<128xi32, #tpu.memory_space<hbm>>
    %dma_wait3A_41 = arith.constant 0 : i32
    %dma_wait3A_42 = tpu.memref_slice %arg4[%dma_wait3A_41] : memref<167936xi32, #tpu.memory_space<hbm>> -> memref<128xi32, #tpu.memory_space<hbm>>
    tpu.wait_dma2 semaphore(%arg14 : memref<!tpu.dma_semaphore, #tpu.memory_space<semaphore_mem>>) src(%dma_wait3A_42 : memref<128xi32, #tpu.memory_space<hbm>>) dst(%arg8 : memref<128xi32, #tpu.memory_space<vmem>>)
    %dma_wait3A_43 = arith.constant 0 : i32
    %dma_wait3A_44 = tpu.memref_slice %arg4[%dma_wait3A_43] : memref<167936xi32, #tpu.memory_space<hbm>> -> memref<128xi32, #tpu.memory_space<hbm>>
    %dma_wait3A_45 = arith.constant 0 : i32
    %dma_wait3A_46 = tpu.memref_slice %arg4[%dma_wait3A_45] : memref<167936xi32, #tpu.memory_space<hbm>> -> memref<128xi32, #tpu.memory_space<hbm>>
    tpu.wait_dma2 semaphore(%arg16 : memref<!tpu.dma_semaphore, #tpu.memory_space<semaphore_mem>>) src(%dma_wait3A_46 : memref<128xi32, #tpu.memory_space<hbm>>) dst(%arg9 : memref<128xi32, #tpu.memory_space<vmem>>)
    %barrier3A_47 = arith.constant 0 : index
    tpu.barrier barrier_id(%barrier3A_47)
    %mul3A_48 = arith.constant 632 : i32
    %mul3A_49 = arith.muli %arg1, %mul3A_48 : i32
    %mul3A_50 = arith.constant 632 : i32
    %mul3A_51 = arith.muli %arg1, %mul3A_50 : i32
    "tpu.region"() ({
      %run_scoped3A = tpu.sem_alloc : memref<!tpu.dma_semaphore, #tpu.memory_space<semaphore_mem>>
      %dma_start3A_52 = arith.constant 0 : i32
      %dma_start3A_53 = tpu.memref_slice %arg6[%arg0, %mul3A_51, %dma_start3A_52] : memref<2x10112x128xf32, #tpu.memory_space<hbm>> -> memref<1x632x128xf32, #tpu.memory_space<hbm>>
      %dma_start3A_54 = tpu.memref_squeeze %dma_start3A_53 : memref<1x632x128xf32, #tpu.memory_space<hbm>> -> memref<632x128xf32, #tpu.memory_space<hbm>>
      %dma_start3A_55 = arith.constant 0 : i32
      %dma_start3A_56 = tpu.memref_slice %arg12[%mul3A_49, %dma_start3A_55] : memref<10112x128xf32, #tpu.memory_space<vmem_shared>> -> memref<632x128xf32, #tpu.memory_space<vmem_shared>>
      tpu.enqueue_dma source(%dma_start3A_56 : memref<632x128xf32, #tpu.memory_space<vmem_shared>>) target(%dma_start3A_54 : memref<632x128xf32, #tpu.memory_space<hbm>>) target_semaphore(%run_scoped3A : memref<!tpu.dma_semaphore, #tpu.memory_space<semaphore_mem>>)
      %dma_wait3A_57 = arith.constant 0 : i32
      %dma_wait3A_58 = tpu.memref_slice %arg6[%arg0, %mul3A_51, %dma_wait3A_57] : memref<2x10112x128xf32, #tpu.memory_space<hbm>> -> memref<1x632x128xf32, #tpu.memory_space<hbm>>
      %dma_wait3A_59 = tpu.memref_squeeze %dma_wait3A_58 : memref<1x632x128xf32, #tpu.memory_space<hbm>> -> memref<632x128xf32, #tpu.memory_space<hbm>>
      %dma_wait3A_60 = arith.constant 0 : i32
      %dma_wait3A_61 = tpu.memref_slice %arg12[%mul3A_49, %dma_wait3A_60] : memref<10112x128xf32, #tpu.memory_space<vmem_shared>> -> memref<632x128xf32, #tpu.memory_space<vmem_shared>>
      tpu.wait_dma2 semaphore(%run_scoped3A : memref<!tpu.dma_semaphore, #tpu.memory_space<semaphore_mem>>) src(%dma_wait3A_61 : memref<632x128xf32, #tpu.memory_space<vmem_shared>>) dst(%dma_wait3A_59 : memref<632x128xf32, #tpu.memory_space<hbm>>)
      tpu.yield
    }) : () -> ()
    return
  }
}

#map = affine_map<(d0, d1) -> (0, 0)>
#map1 = affine_map<(d0, d1) -> (0, 0, 0, 0)>
#map2 = affine_map<(d0, d1) -> (0)>
#map3 = affine_map<(d0, d1) -> (0, 0, 0)>
module attributes {stable_mosaic.version = 14 : i64} {
  func.func @_agg_body(%arg0: i32, %arg1: i32, %arg2: memref<20000x128xf32, #tpu.memory_space<hbm>>, %arg3: memref<2x16x82x128xi32, #tpu.memory_space<hbm>>, %arg4: memref<167936xi32, #tpu.memory_space<hbm>>, %arg5: memref<10112x128xf32, #tpu.memory_space<hbm>>, %arg6: memref<2x10112x128xf32, #tpu.memory_space<hbm>>, %arg7: memref<82x128xi32, #tpu.memory_space<vmem>>, %arg8: memref<128xi32, #tpu.memory_space<vmem>>, %arg9: memref<128xi32, #tpu.memory_space<vmem>>, %arg10: memref<128x128xf32, #tpu.memory_space<vmem>>, %arg11: memref<128x128xf32, #tpu.memory_space<vmem>>, %arg12: memref<10112x128xf32, #tpu.memory_space<vmem_shared>>, %arg13: memref<!tpu.dma_semaphore, #tpu.memory_space<semaphore_mem>>, %arg14: memref<!tpu.dma_semaphore, #tpu.memory_space<semaphore_mem>>, %arg15: memref<!tpu.dma_semaphore, #tpu.memory_space<semaphore_mem>>, %arg16: memref<!tpu.dma_semaphore, #tpu.memory_space<semaphore_mem>>) attributes {dimension_semantics = [#tpu.dimension_semantics<core_parallel>, #tpu.dimension_semantics<subcore_parallel>], iteration_bounds = array<i64: 2, 16>, scalar_prefetch = 0 : i64, scratch_operands = 10 : i64, tpu.core_type = #tpu.core_type<sc_vector_subcore>, window_params = [{transform_indices = #map}, {transform_indices = #map1}, {transform_indices = #map2}, {transform_indices = #map}, {transform_indices = #map3}]} {
    "tpu.region"() ({
      %run_scoped3A = tpu.sem_alloc : memref<!tpu.dma_semaphore, #tpu.memory_space<semaphore_mem>>
      %dma_start3A_52 = arith.constant 0 : i32
      %dma_start3A_53 = arith.constant 0 : i32
      %dma_start3A_54 = tpu.memref_slice %arg3[%arg0, %arg1, %dma_start3A_52, %dma_start3A_53] : memref<2x16x82x128xi32, #tpu.memory_space<hbm>> -> memref<1x1x82x128xi32, #tpu.memory_space<hbm>>
      %dma_start3A_55 = tpu.memref_squeeze %dma_start3A_54 : memref<1x1x82x128xi32, #tpu.memory_space<hbm>> -> memref<82x128xi32, #tpu.memory_space<hbm>>
      %dma_start3A_56 = arith.constant 0 : i32
      %dma_start3A_57 = arith.constant 0 : i32
      %dma_start3A_58 = tpu.memref_slice %arg3[%arg0, %arg1, %dma_start3A_56, %dma_start3A_57] : memref<2x16x82x128xi32, #tpu.memory_space<hbm>> -> memref<1x1x82x128xi32, #tpu.memory_space<hbm>>
      %dma_start3A_59 = tpu.memref_squeeze %dma_start3A_58 : memref<1x1x82x128xi32, #tpu.memory_space<hbm>> -> memref<82x128xi32, #tpu.memory_space<hbm>>
      tpu.enqueue_dma source(%dma_start3A_59 : memref<82x128xi32, #tpu.memory_space<hbm>>) target(%arg7 : memref<82x128xi32, #tpu.memory_space<vmem>>) target_semaphore(%run_scoped3A : memref<!tpu.dma_semaphore, #tpu.memory_space<semaphore_mem>>)
      %dma_wait3A_60 = arith.constant 0 : i32
      %dma_wait3A_61 = arith.constant 0 : i32
      %dma_wait3A_62 = tpu.memref_slice %arg3[%arg0, %arg1, %dma_wait3A_60, %dma_wait3A_61] : memref<2x16x82x128xi32, #tpu.memory_space<hbm>> -> memref<1x1x82x128xi32, #tpu.memory_space<hbm>>
      %dma_wait3A_63 = tpu.memref_squeeze %dma_wait3A_62 : memref<1x1x82x128xi32, #tpu.memory_space<hbm>> -> memref<82x128xi32, #tpu.memory_space<hbm>>
      %dma_wait3A_64 = arith.constant 0 : i32
      %dma_wait3A_65 = arith.constant 0 : i32
      %dma_wait3A_66 = tpu.memref_slice %arg3[%arg0, %arg1, %dma_wait3A_64, %dma_wait3A_65] : memref<2x16x82x128xi32, #tpu.memory_space<hbm>> -> memref<1x1x82x128xi32, #tpu.memory_space<hbm>>
      %dma_wait3A_67 = tpu.memref_squeeze %dma_wait3A_66 : memref<1x1x82x128xi32, #tpu.memory_space<hbm>> -> memref<82x128xi32, #tpu.memory_space<hbm>>
      tpu.wait_dma2 semaphore(%run_scoped3A : memref<!tpu.dma_semaphore, #tpu.memory_space<semaphore_mem>>) src(%dma_wait3A_67 : memref<82x128xi32, #tpu.memory_space<hbm>>) dst(%arg7 : memref<82x128xi32, #tpu.memory_space<vmem>>)
      tpu.yield
    }) : () -> ()
    %mul3A = arith.constant 632 : i32
    %mul3A_0 = arith.muli %arg1, %mul3A : i32
    %mul3A_1 = arith.constant 632 : i32
    %mul3A_2 = arith.muli %arg1, %mul3A_1 : i32
    "tpu.region"() ({
      %run_scoped3A = tpu.sem_alloc : memref<!tpu.dma_semaphore, #tpu.memory_space<semaphore_mem>>
      %dma_start3A_52 = arith.constant 0 : i32
      %dma_start3A_53 = tpu.memref_slice %arg12[%mul3A_2, %dma_start3A_52] : memref<10112x128xf32, #tpu.memory_space<vmem_shared>> -> memref<632x128xf32, #tpu.memory_space<vmem_shared>>
      %dma_start3A_54 = arith.constant 0 : i32
      %dma_start3A_55 = tpu.memref_slice %arg5[%mul3A_0, %dma_start3A_54] : memref<10112x128xf32, #tpu.memory_space<hbm>> -> memref<632x128xf32, #tpu.memory_space<hbm>>
      tpu.enqueue_dma source(%dma_start3A_55 : memref<632x128xf32, #tpu.memory_space<hbm>>) target(%dma_start3A_53 : memref<632x128xf32, #tpu.memory_space<vmem_shared>>) target_semaphore(%run_scoped3A : memref<!tpu.dma_semaphore, #tpu.memory_space<semaphore_mem>>)
      %dma_wait3A_56 = arith.constant 0 : i32
      %dma_wait3A_57 = tpu.memref_slice %arg12[%mul3A_2, %dma_wait3A_56] : memref<10112x128xf32, #tpu.memory_space<vmem_shared>> -> memref<632x128xf32, #tpu.memory_space<vmem_shared>>
      %dma_wait3A_58 = arith.constant 0 : i32
      %dma_wait3A_59 = tpu.memref_slice %arg5[%mul3A_0, %dma_wait3A_58] : memref<10112x128xf32, #tpu.memory_space<hbm>> -> memref<632x128xf32, #tpu.memory_space<hbm>>
      tpu.wait_dma2 semaphore(%run_scoped3A : memref<!tpu.dma_semaphore, #tpu.memory_space<semaphore_mem>>) src(%dma_wait3A_59 : memref<632x128xf32, #tpu.memory_space<hbm>>) dst(%dma_wait3A_57 : memref<632x128xf32, #tpu.memory_space<vmem_shared>>)
      tpu.yield
    }) : () -> ()
    %barrier3A = arith.constant 0 : index
    tpu.barrier barrier_id(%barrier3A)
    %mul3A_3 = arith.constant 10496 : i32
    %mul3A_4 = arith.muli %arg1, %mul3A_3 : i32
    %dma_start3A = tpu.memref_slice %arg4[%mul3A_4] : memref<167936xi32, #tpu.memory_space<hbm>> -> memref<128xi32, #tpu.memory_space<hbm>>
    %dma_start3A_5 = tpu.memref_slice %arg4[%mul3A_4] : memref<167936xi32, #tpu.memory_space<hbm>> -> memref<128xi32, #tpu.memory_space<hbm>>
    tpu.enqueue_dma source(%dma_start3A_5 : memref<128xi32, #tpu.memory_space<hbm>>) target(%arg8 : memref<128xi32, #tpu.memory_space<vmem>>) target_semaphore(%arg14 : memref<!tpu.dma_semaphore, #tpu.memory_space<semaphore_mem>>)
    %add3A = arith.constant 128 : i32
    %add3A_6 = arith.addi %mul3A_4, %add3A : i32
    %dma_start3A_7 = tpu.memref_slice %arg4[%add3A_6] : memref<167936xi32, #tpu.memory_space<hbm>> -> memref<128xi32, #tpu.memory_space<hbm>>
    %dma_start3A_8 = tpu.memref_slice %arg4[%add3A_6] : memref<167936xi32, #tpu.memory_space<hbm>> -> memref<128xi32, #tpu.memory_space<hbm>>
    tpu.enqueue_dma source(%dma_start3A_8 : memref<128xi32, #tpu.memory_space<hbm>>) target(%arg9 : memref<128xi32, #tpu.memory_space<vmem>>) target_semaphore(%arg16 : memref<!tpu.dma_semaphore, #tpu.memory_space<semaphore_mem>>)
    %dma_start3A_9 = arith.constant 0 : i32
    %dma_start3A_10 = arith.constant 0 : i32
    %dma_start3A_11 = tpu.memref_slice %arg7[%dma_start3A_9, %dma_start3A_10] : memref<82x128xi32, #tpu.memory_space<vmem>> -> memref<1x128xi32, #tpu.memory_space<vmem>>
    %dma_start3A_12 = tpu.memref_squeeze %dma_start3A_11 : memref<1x128xi32, #tpu.memory_space<vmem>> -> memref<128xi32, #tpu.memory_space<vmem>>
    %dma_start3A_13 = arith.constant 0 : i32
    %dma_start3A_14 = arith.constant 0 : i32
    %dma_start3A_15 = tpu.memref_slice %arg2[%dma_start3A_13, %dma_start3A_14] : memref<20000x128xf32, #tpu.memory_space<hbm>> -> memref<20000x128xf32, #tpu.memory_space<hbm>>
    tpu.enqueue_indirect_dma source(%dma_start3A_15 : memref<20000x128xf32, #tpu.memory_space<hbm>>) target(%arg10 : memref<128x128xf32, #tpu.memory_space<vmem>>) offsets(%dma_start3A_12 : memref<128xi32, #tpu.memory_space<vmem>>) semaphore(%arg13 : memref<!tpu.dma_semaphore, #tpu.memory_space<semaphore_mem>>)
    %dma_start3A_16 = arith.constant 1 : i32
    %dma_start3A_17 = arith.constant 0 : i32
    %dma_start3A_18 = tpu.memref_slice %arg7[%dma_start3A_16, %dma_start3A_17] : memref<82x128xi32, #tpu.memory_space<vmem>> -> memref<1x128xi32, #tpu.memory_space<vmem>>
    %dma_start3A_19 = tpu.memref_squeeze %dma_start3A_18 : memref<1x128xi32, #tpu.memory_space<vmem>> -> memref<128xi32, #tpu.memory_space<vmem>>
    %dma_start3A_20 = arith.constant 0 : i32
    %dma_start3A_21 = arith.constant 0 : i32
    %dma_start3A_22 = tpu.memref_slice %arg2[%dma_start3A_20, %dma_start3A_21] : memref<20000x128xf32, #tpu.memory_space<hbm>> -> memref<20000x128xf32, #tpu.memory_space<hbm>>
    tpu.enqueue_indirect_dma source(%dma_start3A_22 : memref<20000x128xf32, #tpu.memory_space<hbm>>) target(%arg11 : memref<128x128xf32, #tpu.memory_space<vmem>>) offsets(%dma_start3A_19 : memref<128xi32, #tpu.memory_space<vmem>>) semaphore(%arg15 : memref<!tpu.dma_semaphore, #tpu.memory_space<semaphore_mem>>)
    %scan3A = arith.constant 0 : i32
    %scan3A_23 = arith.constant 0 : i32
    %scan3A_24 = arith.constant 40 : i32
    %scan3A_25 = arith.addi %scan3A_23, %scan3A_24 : i32
    %scan3A_26 = arith.constant 1 : i32
    scf.for %scan3A_52 = %scan3A_23 to %scan3A_25 step %scan3A_26  : i32 {
      %dma_wait3A_53 = arith.constant 0 : i32
      %dma_wait3A_54 = arith.constant 0 : i32
      %dma_wait3A_55 = tpu.memref_slice %arg5[%dma_wait3A_53, %dma_wait3A_54] : memref<10112x128xf32, #tpu.memory_space<hbm>> -> memref<128x128xf32, #tpu.memory_space<hbm>>
      %dma_wait3A_56 = arith.constant 0 : i32
      %dma_wait3A_57 = arith.constant 0 : i32
      %dma_wait3A_58 = tpu.memref_slice %arg5[%dma_wait3A_56, %dma_wait3A_57] : memref<10112x128xf32, #tpu.memory_space<hbm>> -> memref<128x128xf32, #tpu.memory_space<hbm>>
      tpu.wait_dma2 semaphore(%arg13 : memref<!tpu.dma_semaphore, #tpu.memory_space<semaphore_mem>>) src(%dma_wait3A_58 : memref<128x128xf32, #tpu.memory_space<hbm>>) dst(%arg10 : memref<128x128xf32, #tpu.memory_space<vmem>>)
      %dma_wait3A_59 = arith.constant 0 : i32
      %dma_wait3A_60 = tpu.memref_slice %arg4[%dma_wait3A_59] : memref<167936xi32, #tpu.memory_space<hbm>> -> memref<128xi32, #tpu.memory_space<hbm>>
      %dma_wait3A_61 = arith.constant 0 : i32
      %dma_wait3A_62 = tpu.memref_slice %arg4[%dma_wait3A_61] : memref<167936xi32, #tpu.memory_space<hbm>> -> memref<128xi32, #tpu.memory_space<hbm>>
      tpu.wait_dma2 semaphore(%arg14 : memref<!tpu.dma_semaphore, #tpu.memory_space<semaphore_mem>>) src(%dma_wait3A_62 : memref<128xi32, #tpu.memory_space<hbm>>) dst(%arg8 : memref<128xi32, #tpu.memory_space<vmem>>)
      "tpu.region"() ({
        %run_scoped3A = tpu.sem_alloc : memref<!tpu.dma_semaphore, #tpu.memory_space<semaphore_mem>>
        %dma_start3A_111 = arith.constant 0 : i32
        %dma_start3A_112 = arith.constant 0 : i32
        %dma_start3A_113 = tpu.memref_slice %arg12[%dma_start3A_111, %dma_start3A_112] : memref<10112x128xf32, #tpu.memory_space<vmem_shared>> -> memref<10112x128xf32, #tpu.memory_space<vmem_shared>>
        tpu.enqueue_indirect_dma source(%arg10 : memref<128x128xf32, #tpu.memory_space<vmem>>) target(%dma_start3A_113 : memref<10112x128xf32, #tpu.memory_space<vmem_shared>>) offsets(%arg8 : memref<128xi32, #tpu.memory_space<vmem>>) semaphore(%run_scoped3A : memref<!tpu.dma_semaphore, #tpu.memory_space<semaphore_mem>>) {add = true}
        %dma_wait3A_114 = arith.constant 0 : i32
        %dma_wait3A_115 = arith.constant 0 : i32
        %dma_wait3A_116 = tpu.memref_slice %arg12[%dma_wait3A_114, %dma_wait3A_115] : memref<10112x128xf32, #tpu.memory_space<vmem_shared>> -> memref<10112x128xf32, #tpu.memory_space<vmem_shared>>
        tpu.wait_indirect_dma semaphore(%run_scoped3A : memref<!tpu.dma_semaphore, #tpu.memory_space<semaphore_mem>>) src(%arg10 : memref<128x128xf32, #tpu.memory_space<vmem>>) dst(%dma_wait3A_116 : memref<10112x128xf32, #tpu.memory_space<vmem_shared>>)
        tpu.yield
      }) : () -> ()
      %mul3A_63 = arith.constant 2 : i32
      %mul3A_64 = arith.muli %mul3A_63, %scan3A_52 : i32
      %add3A_65 = arith.constant 2 : i32
      %add3A_66 = arith.addi %mul3A_64, %add3A_65 : i32
      %dma_start3A_67 = arith.constant 0 : i32
      %dma_start3A_68 = tpu.memref_slice %arg7[%add3A_66, %dma_start3A_67] : memref<82x128xi32, #tpu.memory_space<vmem>> -> memref<1x128xi32, #tpu.memory_space<vmem>>
      %dma_start3A_69 = tpu.memref_squeeze %dma_start3A_68 : memref<1x128xi32, #tpu.memory_space<vmem>> -> memref<128xi32, #tpu.memory_space<vmem>>
      %dma_start3A_70 = arith.constant 0 : i32
      %dma_start3A_71 = arith.constant 0 : i32
      %dma_start3A_72 = tpu.memref_slice %arg2[%dma_start3A_70, %dma_start3A_71] : memref<20000x128xf32, #tpu.memory_space<hbm>> -> memref<20000x128xf32, #tpu.memory_space<hbm>>
      tpu.enqueue_indirect_dma source(%dma_start3A_72 : memref<20000x128xf32, #tpu.memory_space<hbm>>) target(%arg10 : memref<128x128xf32, #tpu.memory_space<vmem>>) offsets(%dma_start3A_69 : memref<128xi32, #tpu.memory_space<vmem>>) semaphore(%arg13 : memref<!tpu.dma_semaphore, #tpu.memory_space<semaphore_mem>>)
      %mul3A_73 = arith.constant 2 : i32
      %mul3A_74 = arith.muli %mul3A_73, %scan3A_52 : i32
      %add3A_75 = arith.constant 2 : i32
      %add3A_76 = arith.addi %mul3A_74, %add3A_75 : i32
      %mul3A_77 = arith.constant 128 : i32
      %mul3A_78 = arith.muli %add3A_76, %mul3A_77 : i32
      %add3A_79 = arith.addi %mul3A_4, %mul3A_78 : i32
      %dma_start3A_80 = tpu.memref_slice %arg4[%add3A_79] : memref<167936xi32, #tpu.memory_space<hbm>> -> memref<128xi32, #tpu.memory_space<hbm>>
      %dma_start3A_81 = tpu.memref_slice %arg4[%add3A_79] : memref<167936xi32, #tpu.memory_space<hbm>> -> memref<128xi32, #tpu.memory_space<hbm>>
      tpu.enqueue_dma source(%dma_start3A_81 : memref<128xi32, #tpu.memory_space<hbm>>) target(%arg8 : memref<128xi32, #tpu.memory_space<vmem>>) target_semaphore(%arg14 : memref<!tpu.dma_semaphore, #tpu.memory_space<semaphore_mem>>)
      %dma_wait3A_82 = arith.constant 0 : i32
      %dma_wait3A_83 = arith.constant 0 : i32
      %dma_wait3A_84 = tpu.memref_slice %arg5[%dma_wait3A_82, %dma_wait3A_83] : memref<10112x128xf32, #tpu.memory_space<hbm>> -> memref<128x128xf32, #tpu.memory_space<hbm>>
      %dma_wait3A_85 = arith.constant 0 : i32
      %dma_wait3A_86 = arith.constant 0 : i32
      %dma_wait3A_87 = tpu.memref_slice %arg5[%dma_wait3A_85, %dma_wait3A_86] : memref<10112x128xf32, #tpu.memory_space<hbm>> -> memref<128x128xf32, #tpu.memory_space<hbm>>
      tpu.wait_dma2 semaphore(%arg15 : memref<!tpu.dma_semaphore, #tpu.memory_space<semaphore_mem>>) src(%dma_wait3A_87 : memref<128x128xf32, #tpu.memory_space<hbm>>) dst(%arg11 : memref<128x128xf32, #tpu.memory_space<vmem>>)
      %dma_wait3A_88 = arith.constant 0 : i32
      %dma_wait3A_89 = tpu.memref_slice %arg4[%dma_wait3A_88] : memref<167936xi32, #tpu.memory_space<hbm>> -> memref<128xi32, #tpu.memory_space<hbm>>
      %dma_wait3A_90 = arith.constant 0 : i32
      %dma_wait3A_91 = tpu.memref_slice %arg4[%dma_wait3A_90] : memref<167936xi32, #tpu.memory_space<hbm>> -> memref<128xi32, #tpu.memory_space<hbm>>
      tpu.wait_dma2 semaphore(%arg16 : memref<!tpu.dma_semaphore, #tpu.memory_space<semaphore_mem>>) src(%dma_wait3A_91 : memref<128xi32, #tpu.memory_space<hbm>>) dst(%arg9 : memref<128xi32, #tpu.memory_space<vmem>>)
      "tpu.region"() ({
        %run_scoped3A = tpu.sem_alloc : memref<!tpu.dma_semaphore, #tpu.memory_space<semaphore_mem>>
        %dma_start3A_111 = arith.constant 0 : i32
        %dma_start3A_112 = arith.constant 0 : i32
        %dma_start3A_113 = tpu.memref_slice %arg12[%dma_start3A_111, %dma_start3A_112] : memref<10112x128xf32, #tpu.memory_space<vmem_shared>> -> memref<10112x128xf32, #tpu.memory_space<vmem_shared>>
        tpu.enqueue_indirect_dma source(%arg11 : memref<128x128xf32, #tpu.memory_space<vmem>>) target(%dma_start3A_113 : memref<10112x128xf32, #tpu.memory_space<vmem_shared>>) offsets(%arg9 : memref<128xi32, #tpu.memory_space<vmem>>) semaphore(%run_scoped3A : memref<!tpu.dma_semaphore, #tpu.memory_space<semaphore_mem>>) {add = true}
        %dma_wait3A_114 = arith.constant 0 : i32
        %dma_wait3A_115 = arith.constant 0 : i32
        %dma_wait3A_116 = tpu.memref_slice %arg12[%dma_wait3A_114, %dma_wait3A_115] : memref<10112x128xf32, #tpu.memory_space<vmem_shared>> -> memref<10112x128xf32, #tpu.memory_space<vmem_shared>>
        tpu.wait_indirect_dma semaphore(%run_scoped3A : memref<!tpu.dma_semaphore, #tpu.memory_space<semaphore_mem>>) src(%arg11 : memref<128x128xf32, #tpu.memory_space<vmem>>) dst(%dma_wait3A_116 : memref<10112x128xf32, #tpu.memory_space<vmem_shared>>)
        tpu.yield
      }) : () -> ()
      %mul3A_92 = arith.constant 2 : i32
      %mul3A_93 = arith.muli %mul3A_92, %scan3A_52 : i32
      %add3A_94 = arith.constant 3 : i32
      %add3A_95 = arith.addi %mul3A_93, %add3A_94 : i32
      %dma_start3A_96 = arith.constant 0 : i32
      %dma_start3A_97 = tpu.memref_slice %arg7[%add3A_95, %dma_start3A_96] : memref<82x128xi32, #tpu.memory_space<vmem>> -> memref<1x128xi32, #tpu.memory_space<vmem>>
      %dma_start3A_98 = tpu.memref_squeeze %dma_start3A_97 : memref<1x128xi32, #tpu.memory_space<vmem>> -> memref<128xi32, #tpu.memory_space<vmem>>
      %dma_start3A_99 = arith.constant 0 : i32
      %dma_start3A_100 = arith.constant 0 : i32
      %dma_start3A_101 = tpu.memref_slice %arg2[%dma_start3A_99, %dma_start3A_100] : memref<20000x128xf32, #tpu.memory_space<hbm>> -> memref<20000x128xf32, #tpu.memory_space<hbm>>
      tpu.enqueue_indirect_dma source(%dma_start3A_101 : memref<20000x128xf32, #tpu.memory_space<hbm>>) target(%arg11 : memref<128x128xf32, #tpu.memory_space<vmem>>) offsets(%dma_start3A_98 : memref<128xi32, #tpu.memory_space<vmem>>) semaphore(%arg15 : memref<!tpu.dma_semaphore, #tpu.memory_space<semaphore_mem>>)
      %mul3A_102 = arith.constant 2 : i32
      %mul3A_103 = arith.muli %mul3A_102, %scan3A_52 : i32
      %add3A_104 = arith.constant 3 : i32
      %add3A_105 = arith.addi %mul3A_103, %add3A_104 : i32
      %mul3A_106 = arith.constant 128 : i32
      %mul3A_107 = arith.muli %add3A_105, %mul3A_106 : i32
      %add3A_108 = arith.addi %mul3A_4, %mul3A_107 : i32
      %dma_start3A_109 = tpu.memref_slice %arg4[%add3A_108] : memref<167936xi32, #tpu.memory_space<hbm>> -> memref<128xi32, #tpu.memory_space<hbm>>
      %dma_start3A_110 = tpu.memref_slice %arg4[%add3A_108] : memref<167936xi32, #tpu.memory_space<hbm>> -> memref<128xi32, #tpu.memory_space<hbm>>
      tpu.enqueue_dma source(%dma_start3A_110 : memref<128xi32, #tpu.memory_space<hbm>>) target(%arg9 : memref<128xi32, #tpu.memory_space<vmem>>) target_semaphore(%arg16 : memref<!tpu.dma_semaphore, #tpu.memory_space<semaphore_mem>>)
    }
    %scan3A_27 = arith.constant 40 : i32
    %dma_wait3A = arith.constant 0 : i32
    %dma_wait3A_28 = arith.constant 0 : i32
    %dma_wait3A_29 = tpu.memref_slice %arg5[%dma_wait3A, %dma_wait3A_28] : memref<10112x128xf32, #tpu.memory_space<hbm>> -> memref<128x128xf32, #tpu.memory_space<hbm>>
    %dma_wait3A_30 = arith.constant 0 : i32
    %dma_wait3A_31 = arith.constant 0 : i32
    %dma_wait3A_32 = tpu.memref_slice %arg5[%dma_wait3A_30, %dma_wait3A_31] : memref<10112x128xf32, #tpu.memory_space<hbm>> -> memref<128x128xf32, #tpu.memory_space<hbm>>
    tpu.wait_dma2 semaphore(%arg13 : memref<!tpu.dma_semaphore, #tpu.memory_space<semaphore_mem>>) src(%dma_wait3A_32 : memref<128x128xf32, #tpu.memory_space<hbm>>) dst(%arg10 : memref<128x128xf32, #tpu.memory_space<vmem>>)
    %dma_wait3A_33 = arith.constant 0 : i32
    %dma_wait3A_34 = arith.constant 0 : i32
    %dma_wait3A_35 = tpu.memref_slice %arg5[%dma_wait3A_33, %dma_wait3A_34] : memref<10112x128xf32, #tpu.memory_space<hbm>> -> memref<128x128xf32, #tpu.memory_space<hbm>>
    %dma_wait3A_36 = arith.constant 0 : i32
    %dma_wait3A_37 = arith.constant 0 : i32
    %dma_wait3A_38 = tpu.memref_slice %arg5[%dma_wait3A_36, %dma_wait3A_37] : memref<10112x128xf32, #tpu.memory_space<hbm>> -> memref<128x128xf32, #tpu.memory_space<hbm>>
    tpu.wait_dma2 semaphore(%arg15 : memref<!tpu.dma_semaphore, #tpu.memory_space<semaphore_mem>>) src(%dma_wait3A_38 : memref<128x128xf32, #tpu.memory_space<hbm>>) dst(%arg11 : memref<128x128xf32, #tpu.memory_space<vmem>>)
    %dma_wait3A_39 = arith.constant 0 : i32
    %dma_wait3A_40 = tpu.memref_slice %arg4[%dma_wait3A_39] : memref<167936xi32, #tpu.memory_space<hbm>> -> memref<128xi32, #tpu.memory_space<hbm>>
    %dma_wait3A_41 = arith.constant 0 : i32
    %dma_wait3A_42 = tpu.memref_slice %arg4[%dma_wait3A_41] : memref<167936xi32, #tpu.memory_space<hbm>> -> memref<128xi32, #tpu.memory_space<hbm>>
    tpu.wait_dma2 semaphore(%arg14 : memref<!tpu.dma_semaphore, #tpu.memory_space<semaphore_mem>>) src(%dma_wait3A_42 : memref<128xi32, #tpu.memory_space<hbm>>) dst(%arg8 : memref<128xi32, #tpu.memory_space<vmem>>)
    %dma_wait3A_43 = arith.constant 0 : i32
    %dma_wait3A_44 = tpu.memref_slice %arg4[%dma_wait3A_43] : memref<167936xi32, #tpu.memory_space<hbm>> -> memref<128xi32, #tpu.memory_space<hbm>>
    %dma_wait3A_45 = arith.constant 0 : i32
    %dma_wait3A_46 = tpu.memref_slice %arg4[%dma_wait3A_45] : memref<167936xi32, #tpu.memory_space<hbm>> -> memref<128xi32, #tpu.memory_space<hbm>>
    tpu.wait_dma2 semaphore(%arg16 : memref<!tpu.dma_semaphore, #tpu.memory_space<semaphore_mem>>) src(%dma_wait3A_46 : memref<128xi32, #tpu.memory_space<hbm>>) dst(%arg9 : memref<128xi32, #tpu.memory_space<vmem>>)
    %barrier3A_47 = arith.constant 0 : index
    tpu.barrier barrier_id(%barrier3A_47)
    %mul3A_48 = arith.constant 632 : i32
    %mul3A_49 = arith.muli %arg1, %mul3A_48 : i32
    %mul3A_50 = arith.constant 632 : i32
    %mul3A_51 = arith.muli %arg1, %mul3A_50 : i32
    "tpu.region"() ({
      %run_scoped3A = tpu.sem_alloc : memref<!tpu.dma_semaphore, #tpu.memory_space<semaphore_mem>>
      %dma_start3A_52 = arith.constant 0 : i32
      %dma_start3A_53 = tpu.memref_slice %arg6[%arg0, %mul3A_51, %dma_start3A_52] : memref<2x10112x128xf32, #tpu.memory_space<hbm>> -> memref<1x632x128xf32, #tpu.memory_space<hbm>>
      %dma_start3A_54 = tpu.memref_squeeze %dma_start3A_53 : memref<1x632x128xf32, #tpu.memory_space<hbm>> -> memref<632x128xf32, #tpu.memory_space<hbm>>
      %dma_start3A_55 = arith.constant 0 : i32
      %dma_start3A_56 = tpu.memref_slice %arg12[%mul3A_49, %dma_start3A_55] : memref<10112x128xf32, #tpu.memory_space<vmem_shared>> -> memref<632x128xf32, #tpu.memory_space<vmem_shared>>
      tpu.enqueue_dma source(%dma_start3A_56 : memref<632x128xf32, #tpu.memory_space<vmem_shared>>) target(%dma_start3A_54 : memref<632x128xf32, #tpu.memory_space<hbm>>) target_semaphore(%run_scoped3A : memref<!tpu.dma_semaphore, #tpu.memory_space<semaphore_mem>>)
      %dma_wait3A_57 = arith.constant 0 : i32
      %dma_wait3A_58 = tpu.memref_slice %arg6[%arg0, %mul3A_51, %dma_wait3A_57] : memref<2x10112x128xf32, #tpu.memory_space<hbm>> -> memref<1x632x128xf32, #tpu.memory_space<hbm>>
      %dma_wait3A_59 = tpu.memref_squeeze %dma_wait3A_58 : memref<1x632x128xf32, #tpu.memory_space<hbm>> -> memref<632x128xf32, #tpu.memory_space<hbm>>
      %dma_wait3A_60 = arith.constant 0 : i32
      %dma_wait3A_61 = tpu.memref_slice %arg12[%mul3A_49, %dma_wait3A_60] : memref<10112x128xf32, #tpu.memory_space<vmem_shared>> -> memref<632x128xf32, #tpu.memory_space<vmem_shared>>
      tpu.wait_dma2 semaphore(%run_scoped3A : memref<!tpu.dma_semaphore, #tpu.memory_space<semaphore_mem>>) src(%dma_wait3A_61 : memref<632x128xf32, #tpu.memory_space<vmem_shared>>) dst(%dma_wait3A_59 : memref<632x128xf32, #tpu.memory_space<hbm>>)
      tpu.yield
    }) : () -> ()
    return
  }
}

module attributes {stable_mosaic.version = 14 : i64} {
  func.func @_mm_body(%arg0: i32, %arg1: memref<1000x256xf32, #tpu.memory_space<vmem>>, %arg2: memref<256x512xf32, #tpu.memory_space<vmem>>, %arg3: memref<2x1000x128xf32, #tpu.memory_space<vmem>>, %arg4: memref<1000x256xf32, #tpu.memory_space<vmem>>) attributes {dimension_semantics = [#tpu.dimension_semantics<arbitrary>], iteration_bounds = array<i64: 10>, scalar_prefetch = 0 : i64, scratch_operands = 0 : i64, tpu.core_type = #tpu.core_type<tc>, window_params = [{transform_indices = @transform_0, window_bounds = array<i64: 1000, 256>}, {pipeline_mode = #tpu.pipeline_mode<synchronous>, transform_indices = @transform_1, window_bounds = array<i64: 256, 512>}, {transform_indices = @transform_2, window_bounds = array<i64: 2, 1000, 128>}, {transform_indices = @transform_3, window_bounds = array<i64: 1000, 256>}]} {
    %get3A = arith.constant 0 : index
    %get3A_0 = arith.constant 0 : index
    %get3A_1 = vector.load %arg1[%get3A, %get3A_0] : memref<1000x256xf32, #tpu.memory_space<vmem>>, vector<1000x256xf32>
    %get3A_2 = arith.constant 0 : index
    %get3A_3 = arith.constant 0 : index
    %get3A_4 = vector.load %arg2[%get3A_2, %get3A_3] : memref<256x512xf32, #tpu.memory_space<vmem>>, vector<256x512xf32>
    %dot_general3A = arith.constant dense<0.000000e+00> : vector<1000x512xf32>
    %dot_general3A_5 = tpu.matmul %get3A_1, %get3A_4, %dot_general3A {dimension_numbers = #tpu.dot_dimension_numbers<[1], [0], [0], [1], [0, 0, 1, 1], [], []>, transpose_lhs_hint = false} : vector<1000x256xf32>, vector<256x512xf32>, vector<1000x512xf32> -> vector<1000x512xf32>
    %slice3A = vector.extract_strided_slice %dot_general3A_5 {offsets = [0, 0], sizes = [1000, 128], strides = [1, 1]} : vector<1000x512xf32> to vector<1000x128xf32>
    %swap3A = arith.constant 0 : index
    %swap3A_6 = arith.constant 0 : index
    %swap3A_7 = arith.constant 0 : index
    %swap3A_8 = vector.load %arg3[%swap3A, %swap3A_6, %swap3A_7] : memref<2x1000x128xf32, #tpu.memory_space<vmem>>, vector<1x1000x128xf32>
    %swap3A_9 = vector.shape_cast %swap3A_8 : vector<1x1000x128xf32> to vector<1000x128xf32>
    %swap3A_10 = vector.shape_cast %slice3A : vector<1000x128xf32> to vector<1x1000x128xf32>
    tpu.vector_store %arg3[%swap3A, %swap3A_6, %swap3A_7], %swap3A_10 {strides = array<i32>} : memref<2x1000x128xf32, #tpu.memory_space<vmem>>, vector<1x1000x128xf32>,
    %slice3A_11 = vector.extract_strided_slice %dot_general3A_5 {offsets = [0, 128], sizes = [1000, 128], strides = [1, 1]} : vector<1000x512xf32> to vector<1000x128xf32>
    %swap3A_12 = arith.constant 1 : index
    %swap3A_13 = arith.constant 0 : index
    %swap3A_14 = arith.constant 0 : index
    %swap3A_15 = vector.load %arg3[%swap3A_12, %swap3A_13, %swap3A_14] : memref<2x1000x128xf32, #tpu.memory_space<vmem>>, vector<1x1000x128xf32>
    %swap3A_16 = vector.shape_cast %swap3A_15 : vector<1x1000x128xf32> to vector<1000x128xf32>
    %swap3A_17 = vector.shape_cast %slice3A_11 : vector<1000x128xf32> to vector<1x1000x128xf32>
    tpu.vector_store %arg3[%swap3A_12, %swap3A_13, %swap3A_14], %swap3A_17 {strides = array<i32>} : memref<2x1000x128xf32, #tpu.memory_space<vmem>>, vector<1x1000x128xf32>,
    %slice3A_18 = vector.extract_strided_slice %dot_general3A_5 {offsets = [0, 256], sizes = [1000, 256], strides = [1, 1]} : vector<1000x512xf32> to vector<1000x256xf32>
    %swap3A_19 = arith.constant 0 : index
    %swap3A_20 = arith.constant 0 : index
    %swap3A_21 = vector.load %arg4[%swap3A_19, %swap3A_20] : memref<1000x256xf32, #tpu.memory_space<vmem>>, vector<1000x256xf32>
    tpu.vector_store %arg4[%swap3A_19, %swap3A_20], %slice3A_18 {strides = array<i32>} : memref<1000x256xf32, #tpu.memory_space<vmem>>, vector<1000x256xf32>,
    return
  }
  func.func @transform_0(%arg0: i32) -> (i32, i32) {
    %c0_i32 = arith.constant 0 : i32
    %c0_i32_0 = arith.constant 0 : i32
    return %arg0, %c0_i32 : i32, i32
  }
  func.func @transform_1(%arg0: i32) -> (i32, i32) {
    %c0_i32 = arith.constant 0 : i32
    %c0_i32_0 = arith.constant 0 : i32
    %c0_i32_1 = arith.constant 0 : i32
    return %c0_i32, %c0_i32_0 : i32, i32
  }
  func.func @transform_2(%arg0: i32) -> (i32, i32, i32) {
    %c0_i32 = arith.constant 0 : i32
    %c0_i32_0 = arith.constant 0 : i32
    %c0_i32_1 = arith.constant 0 : i32
    return %c0_i32, %arg0, %c0_i32_0 : i32, i32, i32
  }
  func.func @transform_3(%arg0: i32) -> (i32, i32) {
    %c0_i32 = arith.constant 0 : i32
    %c0_i32_0 = arith.constant 0 : i32
    return %arg0, %c0_i32 : i32, i32
  }
}

module attributes {stable_mosaic.version = 14 : i64} {
  func.func @_comb_body(%arg0: i32, %arg1: memref<2x1000x128xf32, #tpu.memory_space<vmem>>, %arg2: memref<1000x128xf32, #tpu.memory_space<vmem>>, %arg3: memref<1000x256xf32, #tpu.memory_space<vmem>>, %arg4: memref<8x256xf32, #tpu.memory_space<vmem>>, %arg5: memref<1000x256xf32, #tpu.memory_space<vmem>>) attributes {dimension_semantics = [#tpu.dimension_semantics<arbitrary>], iteration_bounds = array<i64: 10>, scalar_prefetch = 0 : i64, scratch_operands = 0 : i64, tpu.core_type = #tpu.core_type<tc>, window_params = [{transform_indices = @transform_0, window_bounds = array<i64: 2, 1000, 128>}, {transform_indices = @transform_1, window_bounds = array<i64: 1000, 128>}, {transform_indices = @transform_2, window_bounds = array<i64: 1000, 256>}, {pipeline_mode = #tpu.pipeline_mode<synchronous>, transform_indices = @transform_3, window_bounds = array<i64: 8, 256>}, {transform_indices = @transform_4, window_bounds = array<i64: 1000, 256>}]} {
    %get3A = arith.constant 0 : index
    %get3A_0 = arith.constant 0 : index
    %get3A_1 = arith.constant 0 : index
    %get3A_2 = vector.load %arg1[%get3A, %get3A_0, %get3A_1] : memref<2x1000x128xf32, #tpu.memory_space<vmem>>, vector<1x1000x128xf32>
    %get3A_3 = vector.shape_cast %get3A_2 : vector<1x1000x128xf32> to vector<1000x128xf32>
    %get3A_4 = arith.constant 1 : index
    %get3A_5 = arith.constant 0 : index
    %get3A_6 = arith.constant 0 : index
    %get3A_7 = vector.load %arg1[%get3A_4, %get3A_5, %get3A_6] : memref<2x1000x128xf32, #tpu.memory_space<vmem>>, vector<1x1000x128xf32>
    %get3A_8 = vector.shape_cast %get3A_7 : vector<1x1000x128xf32> to vector<1000x128xf32>
    %concatenate3A = tpu.concatenate %get3A_3, %get3A_8 in 1 : vector<1000x128xf32>, vector<1000x128xf32> -> vector<1000x256xf32>
    %get3A_9 = arith.constant 0 : index
    %get3A_10 = arith.constant 0 : index
    %get3A_11 = vector.load %arg2[%get3A_9, %get3A_10] : memref<1000x128xf32, #tpu.memory_space<vmem>>, vector<1000x1xf32>
    %max3A = arith.constant 1.000000e+00 : f32
    %max3A_12 = vector.broadcast %max3A : f32 to vector<1000x1xf32>
    %max3A_13 = arith.maximumf %get3A_11, %max3A_12 : vector<1000x1xf32>
    %div3A = arith.constant 1.000000e+00 : f32
    %div3A_14 = vector.broadcast %div3A : f32 to vector<1000x1xf32>
    %div3A_15 = arith.divf %div3A_14, %max3A_13 : vector<1000x1xf32>
    %mul3A = vector.broadcast %div3A_15 : vector<1000x1xf32> to vector<1000x256xf32>
    %mul3A_16 = arith.mulf %concatenate3A, %mul3A : vector<1000x256xf32>
    %get3A_17 = arith.constant 0 : index
    %get3A_18 = arith.constant 0 : index
    %get3A_19 = vector.load %arg3[%get3A_17, %get3A_18] : memref<1000x256xf32, #tpu.memory_space<vmem>>, vector<1000x256xf32>
    %add3A = arith.addf %mul3A_16, %get3A_19 : vector<1000x256xf32>
    %get3A_20 = arith.constant 0 : index
    %get3A_21 = arith.constant 0 : index
    %get3A_22 = vector.load %arg4[%get3A_20, %get3A_21] : memref<8x256xf32, #tpu.memory_space<vmem>>, vector<1x256xf32>
    %add3A_23 = vector.broadcast %get3A_22 : vector<1x256xf32> to vector<1000x256xf32>
    %add3A_24 = arith.addf %add3A, %add3A_23 : vector<1000x256xf32>
    %swap3A = arith.constant 0 : index
    %swap3A_25 = arith.constant 0 : index
    %swap3A_26 = vector.load %arg5[%swap3A, %swap3A_25] : memref<1000x256xf32, #tpu.memory_space<vmem>>, vector<1000x256xf32>
    tpu.vector_store %arg5[%swap3A, %swap3A_25], %add3A_24 {strides = array<i32>} : memref<1000x256xf32, #tpu.memory_space<vmem>>, vector<1000x256xf32>,
    return
  }
  func.func @transform_0(%arg0: i32) -> (i32, i32, i32) {
    %c0_i32 = arith.constant 0 : i32
    %c0_i32_0 = arith.constant 0 : i32
    %c0_i32_1 = arith.constant 0 : i32
    return %c0_i32, %arg0, %c0_i32_0 : i32, i32, i32
  }
  func.func @transform_1(%arg0: i32) -> (i32, i32) {
    %c0_i32 = arith.constant 0 : i32
    %c0_i32_0 = arith.constant 0 : i32
    return %arg0, %c0_i32 : i32, i32
  }
  func.func @transform_2(%arg0: i32) -> (i32, i32) {
    %c0_i32 = arith.constant 0 : i32
    %c0_i32_0 = arith.constant 0 : i32
    return %arg0, %c0_i32 : i32, i32
  }
  func.func @transform_3(%arg0: i32) -> (i32, i32) {
    %c0_i32 = arith.constant 0 : i32
    %c0_i32_0 = arith.constant 0 : i32
    %c0_i32_1 = arith.constant 0 : i32
    return %c0_i32, %c0_i32_0 : i32, i32
  }
  func.func @transform_4(%arg0: i32) -> (i32, i32) {
    %c0_i32 = arith.constant 0 : i32
    %c0_i32_0 = arith.constant 0 : i32
    return %arg0, %c0_i32 : i32, i32
  }
}

module attributes {stable_mosaic.version = 14 : i64} {
  func.func @_dot_body(%arg0: i32, %arg1: memref<512x256xf32, #tpu.memory_space<vmem>>, %arg2: memref<512x256xf32, #tpu.memory_space<vmem>>, %arg3: memref<512x8xf32, #tpu.memory_space<vmem>>) attributes {dimension_semantics = [#tpu.dimension_semantics<arbitrary>], iteration_bounds = array<i64: 8>, scalar_prefetch = 0 : i64, scratch_operands = 0 : i64, tpu.core_type = #tpu.core_type<tc>, window_params = [{transform_indices = @transform_0, window_bounds = array<i64: 512, 256>}, {transform_indices = @transform_1, window_bounds = array<i64: 512, 256>}, {transform_indices = @transform_2, window_bounds = array<i64: 512, 8>}]} {
    %get3A = arith.constant 0 : index
    %get3A_0 = arith.constant 0 : index
    %get3A_1 = vector.load %arg1[%get3A, %get3A_0] : memref<512x256xf32, #tpu.memory_space<vmem>>, vector<512x256xf32>
    %get3A_2 = arith.constant 0 : index
    %get3A_3 = arith.constant 0 : index
    %get3A_4 = vector.load %arg2[%get3A_2, %get3A_3] : memref<512x256xf32, #tpu.memory_space<vmem>>, vector<512x256xf32>
    %mul3A = arith.mulf %get3A_1, %get3A_4 : vector<512x256xf32>
    %reduce_sum3A = arith.constant dense<0.000000e+00> : vector<512xf32>
    %reduce_sum3A_5 = vector.multi_reduction <add>, %mul3A, %reduce_sum3A [1] : vector<512x256xf32> to vector<512xf32>
    %broadcast_in_dim3A = vector.shape_cast %reduce_sum3A_5 : vector<512xf32> to vector<512x1xf32>
    %broadcast_in_dim3A_6 = vector.shape_cast %broadcast_in_dim3A : vector<512x1xf32> to vector<512x1xf32>
    %broadcast_in_dim3A_7 = vector.broadcast %broadcast_in_dim3A_6 : vector<512x1xf32> to vector<512x8xf32>
    %swap3A = arith.constant 0 : index
    %swap3A_8 = arith.constant 0 : index
    %swap3A_9 = vector.load %arg3[%swap3A, %swap3A_8] : memref<512x8xf32, #tpu.memory_space<vmem>>, vector<512x8xf32>
    tpu.vector_store %arg3[%swap3A, %swap3A_8], %broadcast_in_dim3A_7 {strides = array<i32>} : memref<512x8xf32, #tpu.memory_space<vmem>>, vector<512x8xf32>,
    return
  }
  func.func @transform_0(%arg0: i32) -> (i32, i32) {
    %c0_i32 = arith.constant 0 : i32
    %c0_i32_0 = arith.constant 0 : i32
    return %arg0, %c0_i32 : i32, i32
  }
  func.func @transform_1(%arg0: i32) -> (i32, i32) {
    %c0_i32 = arith.constant 0 : i32
    %c0_i32_0 = arith.constant 0 : i32
    return %arg0, %c0_i32 : i32, i32
  }
  func.func @transform_2(%arg0: i32) -> (i32, i32) {
    %c0_i32 = arith.constant 0 : i32
    %c0_i32_0 = arith.constant 0 : i32
    return %arg0, %c0_i32 : i32, i32
  }
}

module attributes {stable_mosaic.version = 14 : i64} {
  func.func @_comb_body(%arg0: i32, %arg1: memref<2x1000x128xf32, #tpu.memory_space<vmem>>, %arg2: memref<1000x128xf32, #tpu.memory_space<vmem>>, %arg3: memref<1000x256xf32, #tpu.memory_space<vmem>>, %arg4: memref<8x256xf32, #tpu.memory_space<vmem>>, %arg5: memref<1000x256xf32, #tpu.memory_space<vmem>>) attributes {dimension_semantics = [#tpu.dimension_semantics<arbitrary>], iteration_bounds = array<i64: 10>, scalar_prefetch = 0 : i64, scratch_operands = 0 : i64, tpu.core_type = #tpu.core_type<tc>, window_params = [{transform_indices = @transform_0, window_bounds = array<i64: 2, 1000, 128>}, {transform_indices = @transform_1, window_bounds = array<i64: 1000, 128>}, {transform_indices = @transform_2, window_bounds = array<i64: 1000, 256>}, {pipeline_mode = #tpu.pipeline_mode<synchronous>, transform_indices = @transform_3, window_bounds = array<i64: 8, 256>}, {transform_indices = @transform_4, window_bounds = array<i64: 1000, 256>}]} {
    %get3A = arith.constant 0 : index
    %get3A_0 = arith.constant 0 : index
    %get3A_1 = arith.constant 0 : index
    %get3A_2 = vector.load %arg1[%get3A, %get3A_0, %get3A_1] : memref<2x1000x128xf32, #tpu.memory_space<vmem>>, vector<1x1000x128xf32>
    %get3A_3 = vector.shape_cast %get3A_2 : vector<1x1000x128xf32> to vector<1000x128xf32>
    %get3A_4 = arith.constant 1 : index
    %get3A_5 = arith.constant 0 : index
    %get3A_6 = arith.constant 0 : index
    %get3A_7 = vector.load %arg1[%get3A_4, %get3A_5, %get3A_6] : memref<2x1000x128xf32, #tpu.memory_space<vmem>>, vector<1x1000x128xf32>
    %get3A_8 = vector.shape_cast %get3A_7 : vector<1x1000x128xf32> to vector<1000x128xf32>
    %concatenate3A = tpu.concatenate %get3A_3, %get3A_8 in 1 : vector<1000x128xf32>, vector<1000x128xf32> -> vector<1000x256xf32>
    %get3A_9 = arith.constant 0 : index
    %get3A_10 = arith.constant 0 : index
    %get3A_11 = vector.load %arg2[%get3A_9, %get3A_10] : memref<1000x128xf32, #tpu.memory_space<vmem>>, vector<1000x1xf32>
    %max3A = arith.constant 1.000000e+00 : f32
    %max3A_12 = vector.broadcast %max3A : f32 to vector<1000x1xf32>
    %max3A_13 = arith.maximumf %get3A_11, %max3A_12 : vector<1000x1xf32>
    %div3A = arith.constant 1.000000e+00 : f32
    %div3A_14 = vector.broadcast %div3A : f32 to vector<1000x1xf32>
    %div3A_15 = arith.divf %div3A_14, %max3A_13 : vector<1000x1xf32>
    %mul3A = vector.broadcast %div3A_15 : vector<1000x1xf32> to vector<1000x256xf32>
    %mul3A_16 = arith.mulf %concatenate3A, %mul3A : vector<1000x256xf32>
    %get3A_17 = arith.constant 0 : index
    %get3A_18 = arith.constant 0 : index
    %get3A_19 = vector.load %arg3[%get3A_17, %get3A_18] : memref<1000x256xf32, #tpu.memory_space<vmem>>, vector<1000x256xf32>
    %add3A = arith.addf %mul3A_16, %get3A_19 : vector<1000x256xf32>
    %get3A_20 = arith.constant 0 : index
    %get3A_21 = arith.constant 0 : index
    %get3A_22 = vector.load %arg4[%get3A_20, %get3A_21] : memref<8x256xf32, #tpu.memory_space<vmem>>, vector<1x256xf32>
    %add3A_23 = vector.broadcast %get3A_22 : vector<1x256xf32> to vector<1000x256xf32>
    %add3A_24 = arith.addf %add3A, %add3A_23 : vector<1000x256xf32>
    %swap3A = arith.constant 0 : index
    %swap3A_25 = arith.constant 0 : index
    %swap3A_26 = vector.load %arg5[%swap3A, %swap3A_25] : memref<1000x256xf32, #tpu.memory_space<vmem>>, vector<1000x256xf32>
    tpu.vector_store %arg5[%swap3A, %swap3A_25], %add3A_24 {strides = array<i32>} : memref<1000x256xf32, #tpu.memory_space<vmem>>, vector<1000x256xf32>,
    return
  }
  func.func @transform_0(%arg0: i32) -> (i32, i32, i32) {
    %c0_i32 = arith.constant 0 : i32
    %c0_i32_0 = arith.constant 0 : i32
    %c0_i32_1 = arith.constant 0 : i32
    return %c0_i32, %arg0, %c0_i32_0 : i32, i32, i32
  }
  func.func @transform_1(%arg0: i32) -> (i32, i32) {
    %c0_i32 = arith.constant 0 : i32
    %c0_i32_0 = arith.constant 0 : i32
    return %arg0, %c0_i32 : i32, i32
  }
  func.func @transform_2(%arg0: i32) -> (i32, i32) {
    %c0_i32 = arith.constant 0 : i32
    %c0_i32_0 = arith.constant 0 : i32
    return %arg0, %c0_i32 : i32, i32
  }
  func.func @transform_3(%arg0: i32) -> (i32, i32) {
    %c0_i32 = arith.constant 0 : i32
    %c0_i32_0 = arith.constant 0 : i32
    %c0_i32_1 = arith.constant 0 : i32
    return %c0_i32, %c0_i32_0 : i32, i32
  }
  func.func @transform_4(%arg0: i32) -> (i32, i32) {
    %c0_i32 = arith.constant 0 : i32
    %c0_i32_0 = arith.constant 0 : i32
    return %arg0, %c0_i32 : i32, i32
  }
}

</mosaic_0001>

<sc_bundles>
// kernel: kernel.30.cloned.1.call-start
scs
__scs_entry_jumppad:
0x0: {  	(pc) =	sbr.rel $0x88, $3  }
0x1: {  	(tag) =	ssettag $0x0;
	lr =	simm.s32 $0x1  }
0x2: {  	[smem:$0x3F84] =	sst lr;
	_ =	strace $0xD0000000  }
0x3: {  	_ = 	snop  }
0x4: {  	_ = 	snop  }
0x5: {  	_ = 	snop  }
0x6: {  	_ = 	snop  }
0x7: {  	_ = 	snop  }
__scs_overlays_trampoline_lowered:
0x8: {  	[smem:$0x3F93] =	sst s0  }
0x9: {  	[smem:$0x3F94] =	sst s1  }
0xa: {  	[smem:$0x3F95] =	sst s2  }
0xb: {  	[smem:$0x3F96] =	sst s3  }
0xc: {  	[smem:$0x3F97] =	sst s4  }
0xd: {  	[smem:$0x3F98] =	sst s5  }
0xe: {  	[smem:$0x3F99] =	sst s6  }
0xf: {  	[smem:$0x3F9A] =	sst s7  }
0x10: {  	[smem:$0x3F9B] =	sst s8  }
0x11: {  	[smem:$0x3F9C] =	sst s9;
	s0 =	simm.s32 @!p0 $0x0  }
0x12: {  	s1 =	sld [smem:$0x3F82];
	s0 =	simm.s32 @p0 $0x1  }
0x13: {  	[smem:$0x3F9D] =	sst s0;
	s0 =	simm.s32 @!p1 $0x0  }
0x14: {  	s2 =	sld [smem:$0x3F81];
	s0 =	simm.s32 @p1 $0x1  }
0x15: {  	[smem:$0x3F9E] =	sst s0;
	s0 =	simm.s32 @!p2 $0x0  }
0x16: {  	s3 =	sld [smem:$0x3FDB];
	s0 =	simm.s32 @p2 $0x1  }
0x17: {  	s4 =	simm.s32 $0x1BF5;
	[smem:$0x3FA0] =	sst s0  }
0x18: {  	s0 =	sld [smem:$0x3F83];
	_ =	swait.ge [sflag:s4], $0x0  }
0x19: {  	s7 =	sld [smem:$0x3F84]  }
0x1a: {  	s8 =	sadd.s32 $0xFFFFE003, lr  }
0x1b: {  	s9 =	sadd.s32 $0xFFFFFEF7, lr;
	s5 =	simm.s32 $0xFFFFFFFF;
	p2 =	slt.u32 s8, $0xFFFFF086  }
0x1c: {  	p1 =	slt.u32 s9, $0xF7A;
	s5 =	simm.s32 @!p2 $0x0  }
0x1d: {  	s5 =	simm.s32 @p1 $0x1;
	p0 =	seq.s32 s7, s2  }
0x1e: {  	s7 =	smul.u32 @!p0 $0xF7A, s2;
	p2 =	seq.s32 @!p0 s5, $0x0  }
0x1f: {  	s9 =	smul.u32 $0xF7A, s1;
	s8 =	simm.s32 @!p0 $0x1BF5;
	p2 =	por !p2, p0  }
0x20: {  	[sflag:s8] =	ssyncset.s32 @!p0 $0xFFFFF086;
	s6 =	sadd.s32 @!p0 s3, s7;
	s7 =	simm.s32 @!p0 $0x108  }
0x21: {  	s3 =	sadd.s32 s3, s9;
	s6 =	sadd.s32 @!p0 $0x88, s6;
	s7 =	simm.s32 @p2 $0x1082  }
0x22: {  	[simem:s7], [sflag:s8] =	dma.local @!p0 [hbm:s6], $0xF7A  }
0x23: {  	s9 =	sor.u32 $0xD0000000, s2;
	s6 =	simm.s32 $0x108;
	_ =	swait.ge @!p0 [sflag:s8], $0x0  }
0x24: {  	s3 =	sadd.s32 $0x88, s3;
	s6 =	simm.s32 @!p1 $0x1082;
	[sflag:s4] =	ssyncset.s32 $0xFFFFF086  }
0x25: {  	[simem:s6], [sflag:s4] =	dma.local [hbm:s3], $0xF7A  }
0x26: {  	[smem:$0x3F84] =	sst s1;
	(tag) =	ssettag s2;
	_ =	strace s9  }
0x27: {  	s1 =	sld [smem:$0x3F94]  }
0x28: {  	s2 =	sld [smem:$0x3F95]  }
0x29: {  	s4 =	sld [smem:$0x3F97]  }
0x2a: {  	p0 =	seq.s32 s5, $0x0;
	s5 =	sld [smem:$0x3F98]  }
0x2b: {  	s6 =	sld [smem:$0x3F99]  }
0x2c: {  	s7 =	sld [smem:$0x3F9A]  }
0x2d: {  	s3 =	simm.s32 $0x108;
	s8 =	sld [smem:$0x3F9B]  }
0x2e: {  	s3 =	simm.s32 @!p0 $0x1082;
	s9 =	sld [smem:$0x3F9C]  }
0x2f: {  	lr =	sadd.s32 s0, s3;
	s0 =	sld [smem:$0x3F93]  }
0x30: {  	s3 =	sld [smem:$0x3F96]  }
0x31: {  	[smem:$0x3F9F] =	sst s10  }
0x32: {  	s10 =	sld [smem:$0x3F9D];
	_ =	sdelay $0x3  }
0x33: {  	p0 =	seq.s32 s10, $0x1;
	s10 =	sld [smem:$0x3F9F];
	_ =	sdelay $0x3  }
0x34: {  	[smem:$0x3F9F] =	sst s10  }
0x35: {  	s10 =	sld [smem:$0x3F9E];
	_ =	sdelay $0x3  }
0x36: {  	p1 =	seq.s32 s10, $0x1;
	s10 =	sld [smem:$0x3F9F];
	_ =	sdelay $0x3  }
0x37: {  	[smem:$0x3F9F] =	sst s10  }
0x38: {  	s10 =	sld [smem:$0x3FA0]  }
0x39: {  	_ = 	snop;
	(pc) =	sbr.ind lr, $3  }
0x3a: {  	_ = 	snop  }
0x3b: {  	_ = 	snop  }
0x3c: {  	p2 =	seq.s32 s10, $0x1;
	s10 =	sld [smem:$0x3F9F]  }
0x3d: {  	_ =	shalt  }
0x3e: {  	_ =	shalt  }
0x3f: {  	_ =	shalt  }
0x40: {  	_ =	shalt  }
0x41: {  	_ =	shalt  }
0x42: {  	_ =	shalt  }
0x43: {  	_ =	shalt  }
0x44: {  	_ =	shalt  }
0x45: {  	_ =	shalt  }
0x46: {  	_ =	shalt  }
0x47: {  	_ =	shalt  }
0x48: {  	_ =	shalt  }
0x49: {  	_ =	shalt  }
0x4a: {  	_ =	shalt  }
0x4b: {  	_ =	shalt  }
0x4c: {  	_ =	shalt  }
0x4d: {  	_ =	shalt  }
0x4e: {  	_ =	shalt  }
0x4f: {  	_ =	shalt  }
0x50: {  	_ =	shalt  }
0x51: {  	_ =	shalt  }
0x52: {  	_ =	shalt  }
0x53: {  	_ =	shalt  }
0x54: {  	_ =	shalt  }
0x55: {  	_ =	shalt  }
0x56: {  	_ =	shalt  }
0x57: {  	_ =	shalt  }
0x58: {  	_ =	shalt  }
0x59: {  	_ =	shalt  }
0x5a: {  	_ =	shalt  }
0x5b: {  	_ =	shalt  }
0x5c: {  	_ =	shalt  }
0x5d: {  	_ =	shalt  }
0x5e: {  	_ =	shalt  }
0x5f: {  	_ =	shalt  }
0x60: {  	_ =	shalt  }
0x61: {  	_ =	shalt  }
0x62: {  	_ =	shalt  }
0x63: {  	_ =	shalt  }
0x64: {  	_ =	shalt  }
0x65: {  	_ =	shalt  }
0x66: {  	_ =	shalt  }
0x67: {  	_ =	shalt  }
0x68: {  	_ =	shalt  }
0x69: {  	_ =	shalt  }
0x6a: {  	_ =	shalt  }
0x6b: {  	_ =	shalt  }
0x6c: {  	_ =	shalt  }
0x6d: {  	_ =	shalt  }
0x6e: {  	_ =	shalt  }
0x6f: {  	_ =	shalt  }
0x70: {  	_ =	shalt  }
0x71: {  	_ =	shalt  }
0x72: {  	_ =	shalt  }
0x73: {  	_ =	shalt  }
0x74: {  	_ =	shalt  }
0x75: {  	_ =	shalt  }
0x76: {  	_ =	shalt  }
0x77: {  	_ =	shalt  }
0x78: {  	_ =	shalt  }
0x79: {  	_ =	shalt  }
0x7a: {  	_ =	shalt  }
0x7b: {  	_ =	shalt  }
0x7c: {  	_ =	shalt  }
0x7d: {  	_ =	shalt  }
0x7e: {  	_ =	shalt  }
0x7f: {  	_ =	shalt  }
0x80: {  	_ =	shalt  }
0x81: {  	_ =	shalt  }
0x82: {  	_ =	shalt  }
0x83: {  	_ =	shalt  }
0x84: {  	_ =	shalt  }
0x85: {  	_ =	shalt  }
0x86: {  	_ =	shalt  }
0x87: {  	_ =	shalt  }
.Lfunc_end0:
.L_simem_size_0:
called_computation_lowered:
.L_overlay_start_0:
0x88: {  	s2 =	sld [smem:$0x3FD9]  }
0x89: {  	s3 =	sld [smem:$0x3FFE];
	_ =	sdelay $0x1  }
0x8a: {  	s1 =	srdreg.scid  }
0x8b: {  	s0 =	sand.u32 $0x1, s1  }
0x8c: {  	s17 =	sshll.u32 s0, $0xA;
	s2 =	sadd.s32 s3, s2  }
0x8d: {  	s2 =	sadd.s32 s2, s17  }
0x8e: {  	[smem:$0x3FAB] =	sst s2  }
0x8f: {  	_ = 	snop  }
0x90: {  	(tm) =	ssettm $0x1  }
0x91: {  	s18 =	sld [smem:$0x3FFB];
	_ =	sdelay $0x3  }
0x92: {  	_ =	strace s18  }
0x93: {  	s2 =	sld [smem:$0x3FFC];
	_ =	sdelay $0x3  }
0x94: {  	_ =	strace s2  }
0x95: {  	s2 =	sld [smem:$0x3FFD];
	_ =	sdelay $0x3  }
0x96: {  	_ =	strace s2  }
0x97: {  	_ =	strace $0x8FFFFFFF  }
0x98: {  	s19 =	sld [smem:$0x3FDB];
	_ =	sdelay $0x1  }
0x99: {  	s20 =	simm.s32 $_scs_section_size  }
0x9a: {  	s4 =	simm.s32 $_size__tile_overlayer_lowered;
	s5 =	simm.s32 $_tile_overlayer_lowered  }
0x9b: {  	s6 =	simm.s32 $0x1BFF;
	s21 =	sshll.u32 s5, $0x1;
	s3 =	sadd.s32 s20, s19  }
0x9c: {  	s22 =	simm.s32 $0x0;
	s4 =	sshll.u32 s4, $0x1;
	s5 =	sadd.s32 s21, s3  }
0x9d: {  	[timem:s22], [sflag:s6] =	dma.local [hbm:s5], s4  }
0x9e: {  	_ =	swait.ge [sflag:s6], s4  }
0x9f: {  	s4 =	ssub.s32 $0x0, s4;
	[sflag:s6] =	ssyncset.done $0x0  }
0xa0: {  	[sflag:s6] =	ssyncadd.s32 s4;
	_ =	sdelay $0x1  }
0xa1: {  	s23 =	simm.s32 $0x1B8B  }
0xa2: {  	_ =	swait.ge [sflag:s23], $0x1  }
0xa3: {  	[sflag:s23] =	ssyncset.done $0x0  }
0xa4: {  	[sflag:s23] =	ssyncadd.s32 $0xFFFFFFFF  }
0xa5: {  	s4 =	sld [smem:$0x0]  }
0xa6: {  	s5 =	sand.u32 $0xFFFFFFFE, s1  }
0xa7: {  	p0 =	sne.s32 s1, s5  }
0xa8: {  	s5 =	sshll.u32 @p0 s5, $0xE  }
0xa9: {  	s5 =	sadd.s32 @p0 $0x11B8D, s5;
	s6 =	sshll.u32 @p0 s4, $0x11  }
0xaa: {  	s5 =	sor.u32 @p0 s6, s5  }
0xab: {  	[sflag:s5] =	ssyncadd.remote.s32 @p0 $0x1;
	_ =	sdelay $0x1  }
0xac: {  	s5 =	simm.s32 @p0 $0x1B8D  }
0xad: {  	_ =	swait.eq @p0 [sflag:s5], $0x1  }
0xae: {  	[sflag:s5] =	ssyncadd.s32 @p0 $0xFFFFFFFF  }
0xaf: {  	s6 =	sshll.u32 @!p0 s1, $0xE  }
0xb0: {  	s6 =	sor.u32 @!p0 $0x4000, s6;
	s5 =	simm.s32 @!p0 $0x1B8D  }
0xb1: {  	s4 =	sshll.u32 @!p0 s4, $0x11;
	s6 =	sadd.s32 @!p0 $0x11B8D, s6;
	_ =	swait.eq @!p0 [sflag:s5], $0x1  }
0xb2: {  	s4 =	sor.u32 @!p0 s4, s6;
	[sflag:s5] =	ssyncadd.s32 @!p0 $0xFFFFFFFF  }
0xb3: {  	s25 =	simm.s32 $0x1B8E;
	s24 =	sld [smem:$0x3FFE];
	[sflag:s4] =	ssyncadd.remote.s32 @!p0 $0x1  }
0xb4: {  	s26 =	simm.s32 $execute0_lowered;
	[smem:$0x3FD2] =	sst s25  }
0xb5: {  	s5 =	sshll.u32 s26, $0x1;
	_ =	strace $0x80000049;
	[dreg:$0x1] =	wrdreg $0xFFFFFFFF  }
0xb6: {  	s28 =	simm.s32 $_size_execute0_lowered;
	s3 =	sadd.s32 s3, s5;
	[dreg:$0x0] =	wrdreg $0x0  }
0xb7: {  	s5 =	sshll.u32 s28, $0x1;
	[dreg:$0x2] =	wrdreg s3  }
0xb8: {  	[dreg:$0x3] =	wrdreg s5  }
0xb9: {  	[dreg:$0x4] =	wrdreg $0xC0  }
0xba: {  	_ =	task [dreg:s22], $0x5FFFF  }
0xbb: {  	[dreg:$0x1] =	wrdreg $0xFFFFFFFF  }
0xbc: {  	[dreg:$0x0] =	wrdreg $0x60  }
0xbd: {  	[dreg:$0x2] =	wrdreg s24  }
0xbe: {  	[dreg:$0x3] =	wrdreg $0x40800  }
0xbf: {  	[dreg:$0x4] =	wrdreg $0xB  }
0xc0: {  	_ =	task.clear_ibuf [dreg:s22], $0x5FFFF;
	_ =	strace $0x90000049  }
0xc1: {  	s29 =	simm.s32 $0xB;
	_ =	strace $0x8000004B  }
0xc2: {  	_ =	swait.ge [sflag:s29], $0x1  }
0xc3: {  	[sflag:s29] =	ssyncadd.s32 $0xFFFFFFFF  }
0xc4: {  	_ =	strace $0x9000004B  }
0xc5: {  	_ =	sfence  }
0xc6: {  	s30 =	sld [smem:$0x0];
	_ =	sdelay $0x2  }
0xc7: {  	s31 =	sshll.u32 s1, $0xD;
	s1 =	sshrl.u32 s1, $0x2  }
0xc8: {  	s4 =	sand.u32 $0x4000, s31;
	s1 =	sadd.s32 s1, s30  }
0xc9: {  	s0 =	sor.u32 s4, s0;
	s1 =	sshll.u32 s1, $0x11  }
0xca: {  	s0 =	sor.u32 s1, s0  }
0xcb: {  	s0 =	sadd.s32 $0x8F2B, s0  }
0xcc: {  	[sflag:s0] =	ssyncadd.remote.s32 $0x1  }
0xcd: {  	_ =	sfence.sel $0xFFFF  }
0xce: {  	[dreg:$0x0] =	wrdreg $0xFFFFFFFF;
	(pc) =	sbr.abs _section_cstart, $3  }
0xcf: {  	[dreg:$0x1] =	wrdreg $0xFFFFFFFF  }
0xd0: {  	_ =	task.clear_ibuf [dreg:s22], $0x2FFFF;
	_ =	strace $0x9FFFFFFF  }
0xd1: {  	(tm) =	ssettm $0x7FFFFFFF  }
tec
execute0_lowered:
.L_overlay_start_1:
0x0: {  	(tag) =	ssettag $0x1  }
0x1: {  	s1 =	srdreg.scid  }
0x2: {  	s1 =	sand.u32 $0x1, s1  }
0x3: {  	p0 =	seq.s32 s1, $0x1  }
.Ltmp0:
0x4: {  	_ = 	snop;
	(pc) =	sbr.rel @p0 .LBB2_4-.Ltmp0, $4  }
0x5: {  	s8 =	rddreg [dreg:$0x0]  }
0x6: {  	s2 =	rddreg [dreg:$0x1];
	s3 =	simm.s32 $0x0  }
0x7: {  	[smem:$0x7FF] =	sst s3  }
0x8: {  	s0 =	rddreg [dreg:$0x2];
	_ =	strace $0x8000004A;
	s1 =	stileid.u32  }
0x9: {  	s5 =	sadd.s32 $0x90800, s8;
	s6 =	smul.u32 $0x4F000, s1;
	s4 =	simm.s32 $0x80  }
0xa: {  	[tilespmem:s4], [sflag:$0x1] =	stream.linear.gather [hbm4b:s5+s3], $0x4000, $0x38;
	[tilespmem:$0x17C80] =	vst v63  }
0xb: {  	s10 =	smul.u32 $0x2780, s1;
	s7 =	sadd.s32 $0x1A000, s8;
	s5 =	simm.s32 $0x1  }
0xc: {  	s28 =	sshll.u32 s1, $0x6;
	s6 =	sshrl.u32 s6, $0x2;
	_ =	swait.ge [sflag:s5], $0x4000  }
0xd: {  	s11 =	sadd.s32 s7, s10;
	s9 =	sadd.s32 s6, s2;
	[sflag:s5] =	ssyncset.done $0x0  }
0xe: {  	s6 =	sor.u32 $0x1C01, s28;
	[sflag:s5] =	ssyncadd.s32 $0xFFFFC000;
	s7 =	sshrl.u32 s9, $0x3  }
0xf: {  	[spmem:s7], [sflag:s6] =	dma.local [hbm:s11], $0x2780  }
0x10: {  	s29 =	smul.u32 $0x520, s1;
	_ =	swait.ge [sflag:s5], $0x2780  }
0x11: {  	s30 =	sadd.s32 $0x9E00, s8;
	[sflag:s5] =	ssyncset.done $0x0  }
0x12: {  	s9 =	sadd.s32 s29, s30;
	[sflag:s5] =	ssyncadd.s32 $0xFFFFD880  }
0x13: {  	s11 =	sadd.s32 $0x0, s9;
	[bflag:$0x0] =	sbarrier.arrive $0xFFFF  }
0x14: {  	[tilespmem:s3], [sflag:$0x1] =	stream.linear.gather [hbm4b:s11+s3], $0x80, $0x38;
	[tilespmem:$0x17C80] =	vst v63  }
0x15: {  	_ =	swait.ge [sflag:s5], $0x80  }
0x16: {  	[sflag:s5] =	ssyncset.done $0x0  }
0x17: {  	[sflag:s5] =	ssyncadd.s32 $0xFFFFFF80  }
0x18: {  	[spmem:s2] =	stream.indirect.scatter.add.f32 [tilespmem:s4], [sflag:$0x1], $0x80, s3, s4, $0xb8;
	[tilespmem:$0x17C80] =	vst v63  }
0x19: {  	s31 =	sadd.s32 s10, s8;
	s10 =	simm.s32 $0x10;
	_ =	swait.ge [sflag:s5], $0x4000  }
0x1a: {  	s8 =	sadd.s32 $0x91000, s31;
	s11 =	simm.s32 $0x20;
	[sflag:s5] =	ssyncset.done $0x0  }
.LBB2_2:
0x1b: {  	s12 =	sadd.s32 s10, s9  }
0x1c: {  	[sflag:s5] =	ssyncadd.s32 $0xFFFFC000;
	s10 =	smov.u32 s11;
	s13 =	sadd.s32 $0x10, s11  }
0x1d: {  	[tilespmem:s3], [sflag:$0x1] =	stream.linear.gather [hbm4b:s12+s3], $0x80, $0x38;
	[tilespmem:$0x17C80] =	vst v63  }
0x1e: {  	p0 =	sne.s32 s11, $0x4F0;
	_ =	swait.ge [sflag:s5], $0x80  }
.Ltmp1:
0x1f: {  	[sflag:s5] =	ssyncset.done $0x0;
	(pc) =	sbr.rel @p0 .LBB2_2-.Ltmp1, $4  }
0x20: {  	[sflag:s5] =	ssyncadd.s32 $0xFFFFFF80  }
0x21: {  	[spmem:s2] =	stream.indirect.scatter.add.f32 [tilespmem:s4], [sflag:$0x1], $0x80, s3, s4, $0xb8;
	[tilespmem:$0x17C80] =	vst v63  }
0x22: {  	_ =	swait.ge [sflag:s5], $0x4000  }
0x23: {  	s11 =	smov.u32 s13;
	[sflag:s5] =	ssyncset.done $0x0  }
0x24: {  	s9 =	sadd.s32 s10, s9;
	[sflag:s5] =	ssyncadd.s32 $0xFFFFC000  }
0x25: {  	[tilespmem:s3], [sflag:$0x1] =	stream.linear.gather [hbm4b:s9+s3], $0x80, $0x38;
	[tilespmem:$0x17C80] =	vst v63  }
0x26: {  	_ =	swait.ge [sflag:s5], $0x80  }
0x27: {  	[sflag:s5] =	ssyncset.done $0x0  }
0x28: {  	[sflag:s5] =	ssyncadd.s32 $0xFFFFFF80  }
0x29: {  	[spmem:s2] =	stream.indirect.scatter.add.f32 [tilespmem:s4], [sflag:$0x1], $0x80, s3, s4, $0xb8;
	[tilespmem:$0x17C80] =	vst v63  }
0x2a: {  	_ =	swait.ge [sflag:s5], $0x4000  }
0x2b: {  	[sflag:s5] =	ssyncset.done $0x0  }
0x2c: {  	[sflag:s5] =	ssyncadd.s32 $0xFFFFC000  }
0x2d: {  	s31 =	simm.s32 $0x1;
	[bflag:$0x0] =	sbarrier.arrive $0xFFFF  }
0x2e: {  	[hbm:s8], [sflag:s6] =	dma.local [spmem:s7], $0x2780  }
0x2f: {  	_ =	swait.ge [sflag:s31], $0x2780  }
0x30: {  	[sflag:s31] =	ssyncset.done $0x0  }
0x31: {  	[sflag:s31] =	ssyncadd.s32 $0xFFFFD880  }
.LBB2_4:
0x32: {  	_ =	sfence.sel $0x180000  }
0x33: {  	[bflag:$0x0] =	sbarrier.arrive $0xFFFF  }
0x34: {  	p0 =	sne.s32 s1, $0x0;
	_ =	strace $0x9000004A  }
0x35: {  	s0 =	sadd.s32 @!p0 $0x100000, s0;
	[bflag:$0x2] =	sbarrier.arrive $0xFFFF  }
0x36: {  	[sflag:s0] =	ssyncadd.tile.s32 @!p0 $0x1;
	_ =	shalt  }
.Lfunc_end2:
_tile_overlayer_lowered:
.L_overlay_start_2:
0x37: {  	(tag) =	ssettag $0x2  }
0x38: {  	s0 =	rddreg [dreg:$0x0];
	s2 =	stileid.u32  }
0x39: {  	s1 =	rddreg [dreg:$0x1];
	p0 =	sne.s32 s2, $0x0  }
0x3a: {  	s3 =	rddreg [dreg:$0x2];
	[bflag:$0x3] =	sbarrier.arrive $0xFFFF;
	s2 =	simm.s32 @!p0 $0x1C01  }
0x3b: {  	[timem:s3], [sflag:s2] =	dma.local @!p0 [hbm:s0], s1  }
0x3c: {  	s0 =	simm.s32 @!p0 $0x1  }
0x3d: {  	_ =	swait.ge @!p0 [sflag:s0], s1  }
0x3e: {  	s1 =	ssub.s32 @!p0 $0x0, s1;
	[sflag:s0] =	ssyncset.done @!p0 $0x0  }
0x3f: {  	[sflag:s0] =	ssyncadd.s32 @!p0 s1  }
0x40: {  	[bflag:$0x3] =	sbarrier.arrive $0xFFFF  }
0x41: {  	_ =	shalt  }

// kernel: kernel.33.cloned.1.call-start
scs
__scs_entry_jumppad:
0x0: {  	(pc) =	sbr.rel $0x88, $3  }
0x1: {  	(tag) =	ssettag $0x0;
	lr =	simm.s32 $0x1  }
0x2: {  	[smem:$0x3F84] =	sst lr;
	_ =	strace $0xD0000000  }
0x3: {  	_ = 	snop  }
0x4: {  	_ = 	snop  }
0x5: {  	_ = 	snop  }
0x6: {  	_ = 	snop  }
0x7: {  	_ = 	snop  }
__scs_overlays_trampoline_lowered:
0x8: {  	[smem:$0x3F93] =	sst s0  }
0x9: {  	[smem:$0x3F94] =	sst s1  }
0xa: {  	[smem:$0x3F95] =	sst s2  }
0xb: {  	[smem:$0x3F96] =	sst s3  }
0xc: {  	[smem:$0x3F97] =	sst s4  }
0xd: {  	[smem:$0x3F98] =	sst s5  }
0xe: {  	[smem:$0x3F99] =	sst s6  }
0xf: {  	[smem:$0x3F9A] =	sst s7  }
0x10: {  	[smem:$0x3F9B] =	sst s8  }
0x11: {  	[smem:$0x3F9C] =	sst s9;
	s0 =	simm.s32 @!p0 $0x0  }
0x12: {  	s1 =	sld [smem:$0x3F82];
	s0 =	simm.s32 @p0 $0x1  }
0x13: {  	[smem:$0x3F9D] =	sst s0;
	s0 =	simm.s32 @!p1 $0x0  }
0x14: {  	s2 =	sld [smem:$0x3F81];
	s0 =	simm.s32 @p1 $0x1  }
0x15: {  	[smem:$0x3F9E] =	sst s0;
	s0 =	simm.s32 @!p2 $0x0  }
0x16: {  	s3 =	sld [smem:$0x3FDB];
	s0 =	simm.s32 @p2 $0x1  }
0x17: {  	s4 =	simm.s32 $0x1BF5;
	[smem:$0x3FA0] =	sst s0  }
0x18: {  	s0 =	sld [smem:$0x3F83];
	_ =	swait.ge [sflag:s4], $0x0  }
0x19: {  	s7 =	sld [smem:$0x3F84]  }
0x1a: {  	s8 =	sadd.s32 $0xFFFFE003, lr  }
0x1b: {  	s9 =	sadd.s32 $0xFFFFFEF7, lr;
	s5 =	simm.s32 $0xFFFFFFFF;
	p2 =	slt.u32 s8, $0xFFFFF086  }
0x1c: {  	p1 =	slt.u32 s9, $0xF7A;
	s5 =	simm.s32 @!p2 $0x0  }
0x1d: {  	s5 =	simm.s32 @p1 $0x1;
	p0 =	seq.s32 s7, s2  }
0x1e: {  	s7 =	smul.u32 @!p0 $0xF7A, s2;
	p2 =	seq.s32 @!p0 s5, $0x0  }
0x1f: {  	s9 =	smul.u32 $0xF7A, s1;
	s8 =	simm.s32 @!p0 $0x1BF5;
	p2 =	por !p2, p0  }
0x20: {  	[sflag:s8] =	ssyncset.s32 @!p0 $0xFFFFF086;
	s6 =	sadd.s32 @!p0 s3, s7;
	s7 =	simm.s32 @!p0 $0x108  }
0x21: {  	s3 =	sadd.s32 s3, s9;
	s6 =	sadd.s32 @!p0 $0x88, s6;
	s7 =	simm.s32 @p2 $0x1082  }
0x22: {  	[simem:s7], [sflag:s8] =	dma.local @!p0 [hbm:s6], $0xF7A  }
0x23: {  	s9 =	sor.u32 $0xD0000000, s2;
	s6 =	simm.s32 $0x108;
	_ =	swait.ge @!p0 [sflag:s8], $0x0  }
0x24: {  	s3 =	sadd.s32 $0x88, s3;
	s6 =	simm.s32 @!p1 $0x1082;
	[sflag:s4] =	ssyncset.s32 $0xFFFFF086  }
0x25: {  	[simem:s6], [sflag:s4] =	dma.local [hbm:s3], $0xF7A  }
0x26: {  	[smem:$0x3F84] =	sst s1;
	(tag) =	ssettag s2;
	_ =	strace s9  }
0x27: {  	s1 =	sld [smem:$0x3F94]  }
0x28: {  	s2 =	sld [smem:$0x3F95]  }
0x29: {  	s4 =	sld [smem:$0x3F97]  }
0x2a: {  	p0 =	seq.s32 s5, $0x0;
	s5 =	sld [smem:$0x3F98]  }
0x2b: {  	s6 =	sld [smem:$0x3F99]  }
0x2c: {  	s7 =	sld [smem:$0x3F9A]  }
0x2d: {  	s3 =	simm.s32 $0x108;
	s8 =	sld [smem:$0x3F9B]  }
0x2e: {  	s3 =	simm.s32 @!p0 $0x1082;
	s9 =	sld [smem:$0x3F9C]  }
0x2f: {  	lr =	sadd.s32 s0, s3;
	s0 =	sld [smem:$0x3F93]  }
0x30: {  	s3 =	sld [smem:$0x3F96]  }
0x31: {  	[smem:$0x3F9F] =	sst s10  }
0x32: {  	s10 =	sld [smem:$0x3F9D];
	_ =	sdelay $0x3  }
0x33: {  	p0 =	seq.s32 s10, $0x1;
	s10 =	sld [smem:$0x3F9F];
	_ =	sdelay $0x3  }
0x34: {  	[smem:$0x3F9F] =	sst s10  }
0x35: {  	s10 =	sld [smem:$0x3F9E];
	_ =	sdelay $0x3  }
0x36: {  	p1 =	seq.s32 s10, $0x1;
	s10 =	sld [smem:$0x3F9F];
	_ =	sdelay $0x3  }
0x37: {  	[smem:$0x3F9F] =	sst s10  }
0x38: {  	s10 =	sld [smem:$0x3FA0]  }
0x39: {  	_ = 	snop;
	(pc) =	sbr.ind lr, $3  }
0x3a: {  	_ = 	snop  }
0x3b: {  	_ = 	snop  }
0x3c: {  	p2 =	seq.s32 s10, $0x1;
	s10 =	sld [smem:$0x3F9F]  }
0x3d: {  	_ =	shalt  }
0x3e: {  	_ =	shalt  }
0x3f: {  	_ =	shalt  }
0x40: {  	_ =	shalt  }
0x41: {  	_ =	shalt  }
0x42: {  	_ =	shalt  }
0x43: {  	_ =	shalt  }
0x44: {  	_ =	shalt  }
0x45: {  	_ =	shalt  }
0x46: {  	_ =	shalt  }
0x47: {  	_ =	shalt  }
0x48: {  	_ =	shalt  }
0x49: {  	_ =	shalt  }
0x4a: {  	_ =	shalt  }
0x4b: {  	_ =	shalt  }
0x4c: {  	_ =	shalt  }
0x4d: {  	_ =	shalt  }
0x4e: {  	_ =	shalt  }
0x4f: {  	_ =	shalt  }
0x50: {  	_ =	shalt  }
0x51: {  	_ =	shalt  }
0x52: {  	_ =	shalt  }
0x53: {  	_ =	shalt  }
0x54: {  	_ =	shalt  }
0x55: {  	_ =	shalt  }
0x56: {  	_ =	shalt  }
0x57: {  	_ =	shalt  }
0x58: {  	_ =	shalt  }
0x59: {  	_ =	shalt  }
0x5a: {  	_ =	shalt  }
0x5b: {  	_ =	shalt  }
0x5c: {  	_ =	shalt  }
0x5d: {  	_ =	shalt  }
0x5e: {  	_ =	shalt  }
0x5f: {  	_ =	shalt  }
0x60: {  	_ =	shalt  }
0x61: {  	_ =	shalt  }
0x62: {  	_ =	shalt  }
0x63: {  	_ =	shalt  }
0x64: {  	_ =	shalt  }
0x65: {  	_ =	shalt  }
0x66: {  	_ =	shalt  }
0x67: {  	_ =	shalt  }
0x68: {  	_ =	shalt  }
0x69: {  	_ =	shalt  }
0x6a: {  	_ =	shalt  }
0x6b: {  	_ =	shalt  }
0x6c: {  	_ =	shalt  }
0x6d: {  	_ =	shalt  }
0x6e: {  	_ =	shalt  }
0x6f: {  	_ =	shalt  }
0x70: {  	_ =	shalt  }
0x71: {  	_ =	shalt  }
0x72: {  	_ =	shalt  }
0x73: {  	_ =	shalt  }
0x74: {  	_ =	shalt  }
0x75: {  	_ =	shalt  }
0x76: {  	_ =	shalt  }
0x77: {  	_ =	shalt  }
0x78: {  	_ =	shalt  }
0x79: {  	_ =	shalt  }
0x7a: {  	_ =	shalt  }
0x7b: {  	_ =	shalt  }
0x7c: {  	_ =	shalt  }
0x7d: {  	_ =	shalt  }
0x7e: {  	_ =	shalt  }
0x7f: {  	_ =	shalt  }
0x80: {  	_ =	shalt  }
0x81: {  	_ =	shalt  }
0x82: {  	_ =	shalt  }
0x83: {  	_ =	shalt  }
0x84: {  	_ =	shalt  }
0x85: {  	_ =	shalt  }
0x86: {  	_ =	shalt  }
0x87: {  	_ =	shalt  }
.Lfunc_end0:
.L_simem_size_0:
called_computation.1_lowered:
.L_overlay_start_0:
0x88: {  	s2 =	sld [smem:$0x3FD9]  }
0x89: {  	s3 =	sld [smem:$0x3FFE];
	_ =	sdelay $0x1  }
0x8a: {  	s1 =	srdreg.scid  }
0x8b: {  	s0 =	sand.u32 $0x1, s1  }
0x8c: {  	s17 =	sshll.u32 s0, $0xA;
	s2 =	sadd.s32 s3, s2  }
0x8d: {  	s2 =	sadd.s32 s2, s17  }
0x8e: {  	[smem:$0x3FAB] =	sst s2  }
0x8f: {  	_ = 	snop  }
0x90: {  	(tm) =	ssettm $0x1  }
0x91: {  	s18 =	sld [smem:$0x3FFB];
	_ =	sdelay $0x3  }
0x92: {  	_ =	strace s18  }
0x93: {  	s2 =	sld [smem:$0x3FFC];
	_ =	sdelay $0x3  }
0x94: {  	_ =	strace s2  }
0x95: {  	s2 =	sld [smem:$0x3FFD];
	_ =	sdelay $0x3  }
0x96: {  	_ =	strace s2  }
0x97: {  	_ =	strace $0x8FFFFFFF  }
0x98: {  	s19 =	sld [smem:$0x3FDB];
	_ =	sdelay $0x1  }
0x99: {  	s20 =	simm.s32 $_scs_section_size  }
0x9a: {  	s4 =	simm.s32 $_size__tile_overlayer_lowered;
	s5 =	simm.s32 $_tile_overlayer_lowered  }
0x9b: {  	s6 =	simm.s32 $0x1BFF;
	s21 =	sshll.u32 s5, $0x1;
	s3 =	sadd.s32 s20, s19  }
0x9c: {  	s22 =	simm.s32 $0x0;
	s4 =	sshll.u32 s4, $0x1;
	s5 =	sadd.s32 s21, s3  }
0x9d: {  	[timem:s22], [sflag:s6] =	dma.local [hbm:s5], s4  }
0x9e: {  	_ =	swait.ge [sflag:s6], s4  }
0x9f: {  	s4 =	ssub.s32 $0x0, s4;
	[sflag:s6] =	ssyncset.done $0x0  }
0xa0: {  	[sflag:s6] =	ssyncadd.s32 s4;
	_ =	sdelay $0x1  }
0xa1: {  	s23 =	simm.s32 $0x1B8B  }
0xa2: {  	_ =	swait.ge [sflag:s23], $0x1  }
0xa3: {  	[sflag:s23] =	ssyncset.done $0x0  }
0xa4: {  	[sflag:s23] =	ssyncadd.s32 $0xFFFFFFFF  }
0xa5: {  	s4 =	sld [smem:$0x0]  }
0xa6: {  	s5 =	sand.u32 $0xFFFFFFFE, s1  }
0xa7: {  	p0 =	sne.s32 s1, s5  }
0xa8: {  	s5 =	sshll.u32 @p0 s5, $0xE  }
0xa9: {  	s5 =	sadd.s32 @p0 $0x11B8D, s5;
	s6 =	sshll.u32 @p0 s4, $0x11  }
0xaa: {  	s5 =	sor.u32 @p0 s6, s5  }
0xab: {  	[sflag:s5] =	ssyncadd.remote.s32 @p0 $0x1;
	_ =	sdelay $0x1  }
0xac: {  	s5 =	simm.s32 @p0 $0x1B8D  }
0xad: {  	_ =	swait.eq @p0 [sflag:s5], $0x1  }
0xae: {  	[sflag:s5] =	ssyncadd.s32 @p0 $0xFFFFFFFF  }
0xaf: {  	s6 =	sshll.u32 @!p0 s1, $0xE  }
0xb0: {  	s6 =	sor.u32 @!p0 $0x4000, s6;
	s5 =	simm.s32 @!p0 $0x1B8D  }
0xb1: {  	s4 =	sshll.u32 @!p0 s4, $0x11;
	s6 =	sadd.s32 @!p0 $0x11B8D, s6;
	_ =	swait.eq @!p0 [sflag:s5], $0x1  }
0xb2: {  	s4 =	sor.u32 @!p0 s4, s6;
	[sflag:s5] =	ssyncadd.s32 @!p0 $0xFFFFFFFF  }
0xb3: {  	s25 =	simm.s32 $0x1B8E;
	s24 =	sld [smem:$0x3FFE];
	[sflag:s4] =	ssyncadd.remote.s32 @!p0 $0x1  }
0xb4: {  	s26 =	simm.s32 $execute0_lowered;
	[smem:$0x3FD2] =	sst s25  }
0xb5: {  	s5 =	sshll.u32 s26, $0x1;
	_ =	strace $0x8000004C;
	[dreg:$0x1] =	wrdreg $0xFFFFFFFF  }
0xb6: {  	s28 =	simm.s32 $_size_execute0_lowered;
	s3 =	sadd.s32 s3, s5;
	[dreg:$0x0] =	wrdreg $0x0  }
0xb7: {  	s5 =	sshll.u32 s28, $0x1;
	[dreg:$0x2] =	wrdreg s3  }
0xb8: {  	[dreg:$0x3] =	wrdreg s5  }
0xb9: {  	[dreg:$0x4] =	wrdreg $0xC0  }
0xba: {  	_ =	task [dreg:s22], $0x5FFFF  }
0xbb: {  	[dreg:$0x1] =	wrdreg $0xFFFFFFFF  }
0xbc: {  	[dreg:$0x0] =	wrdreg $0x60  }
0xbd: {  	[dreg:$0x2] =	wrdreg s24  }
0xbe: {  	[dreg:$0x3] =	wrdreg $0x40800  }
0xbf: {  	[dreg:$0x4] =	wrdreg $0x9  }
0xc0: {  	_ =	task.clear_ibuf [dreg:s22], $0x5FFFF;
	_ =	strace $0x9000004C  }
0xc1: {  	s29 =	simm.s32 $0x9;
	_ =	strace $0x8000004E  }
0xc2: {  	_ =	swait.ge [sflag:s29], $0x1  }
0xc3: {  	[sflag:s29] =	ssyncadd.s32 $0xFFFFFFFF  }
0xc4: {  	_ =	strace $0x9000004E  }
0xc5: {  	_ =	sfence  }
0xc6: {  	s30 =	sld [smem:$0x0];
	_ =	sdelay $0x2  }
0xc7: {  	s31 =	sshll.u32 s1, $0xD;
	s1 =	sshrl.u32 s1, $0x2  }
0xc8: {  	s4 =	sand.u32 $0x4000, s31;
	s1 =	sadd.s32 s1, s30  }
0xc9: {  	s0 =	sor.u32 s4, s0;
	s1 =	sshll.u32 s1, $0x11  }
0xca: {  	s0 =	sor.u32 s1, s0  }
0xcb: {  	s0 =	sadd.s32 $0x8F2B, s0  }
0xcc: {  	[sflag:s0] =	ssyncadd.remote.s32 $0x1  }
0xcd: {  	_ =	sfence.sel $0xFFFF  }
0xce: {  	[dreg:$0x0] =	wrdreg $0xFFFFFFFF;
	(pc) =	sbr.abs _section_cstart, $3  }
0xcf: {  	[dreg:$0x1] =	wrdreg $0xFFFFFFFF  }
0xd0: {  	_ =	task.clear_ibuf [dreg:s22], $0x2FFFF;
	_ =	strace $0x9FFFFFFF  }
0xd1: {  	(tm) =	ssettm $0x7FFFFFFF  }
tec
execute0_lowered:
.L_overlay_start_1:
0x0: {  	(tag) =	ssettag $0x1  }
0x1: {  	s1 =	srdreg.scid  }
0x2: {  	s1 =	sand.u32 $0x1, s1  }
0x3: {  	p0 =	seq.s32 s1, $0x1  }
.Ltmp0:
0x4: {  	_ = 	snop;
	(pc) =	sbr.rel @p0 .LBB2_4-.Ltmp0, $4  }
0x5: {  	s8 =	rddreg [dreg:$0x0]  }
0x6: {  	s2 =	rddreg [dreg:$0x1];
	s3 =	simm.s32 $0x0  }
0x7: {  	[smem:$0x7FF] =	sst s3  }
0x8: {  	s0 =	rddreg [dreg:$0x2];
	_ =	strace $0x8000004D;
	s1 =	stileid.u32  }
0x9: {  	s5 =	sadd.s32 $0x90800, s8;
	s6 =	smul.u32 $0x4F000, s1;
	s4 =	simm.s32 $0x80  }
0xa: {  	[tilespmem:s4], [sflag:$0x1] =	stream.linear.gather [hbm4b:s5+s3], $0x4000, $0x38;
	[tilespmem:$0x17C80] =	vst v63  }
0xb: {  	s10 =	smul.u32 $0x2780, s1;
	s7 =	sadd.s32 $0x1A000, s8;
	s5 =	simm.s32 $0x1  }
0xc: {  	s28 =	sshll.u32 s1, $0x6;
	s6 =	sshrl.u32 s6, $0x2;
	_ =	swait.ge [sflag:s5], $0x4000  }
0xd: {  	s11 =	sadd.s32 s7, s10;
	s9 =	sadd.s32 s6, s2;
	[sflag:s5] =	ssyncset.done $0x0  }
0xe: {  	s6 =	sor.u32 $0x1C01, s28;
	[sflag:s5] =	ssyncadd.s32 $0xFFFFC000;
	s7 =	sshrl.u32 s9, $0x3  }
0xf: {  	[spmem:s7], [sflag:s6] =	dma.local [hbm:s11], $0x2780  }
0x10: {  	s29 =	smul.u32 $0x520, s1;
	_ =	swait.ge [sflag:s5], $0x2780  }
0x11: {  	s30 =	sadd.s32 $0xB8800, s8;
	[sflag:s5] =	ssyncset.done $0x0  }
0x12: {  	s9 =	sadd.s32 s29, s30;
	[sflag:s5] =	ssyncadd.s32 $0xFFFFD880  }
0x13: {  	s11 =	sadd.s32 $0x0, s9;
	[bflag:$0x0] =	sbarrier.arrive $0xFFFF  }
0x14: {  	[tilespmem:s3], [sflag:$0x1] =	stream.linear.gather [hbm4b:s11+s3], $0x80, $0x38;
	[tilespmem:$0x17C80] =	vst v63  }
0x15: {  	_ =	swait.ge [sflag:s5], $0x80  }
0x16: {  	[sflag:s5] =	ssyncset.done $0x0  }
0x17: {  	[sflag:s5] =	ssyncadd.s32 $0xFFFFFF80  }
0x18: {  	[spmem:s2] =	stream.indirect.scatter.add.f32 [tilespmem:s4], [sflag:$0x1], $0x80, s3, s4, $0xb8;
	[tilespmem:$0x17C80] =	vst v63  }
0x19: {  	s31 =	sadd.s32 s10, s8;
	s10 =	simm.s32 $0x10;
	_ =	swait.ge [sflag:s5], $0x4000  }
0x1a: {  	s8 =	sadd.s32 $0xBDA00, s31;
	s11 =	simm.s32 $0x20;
	[sflag:s5] =	ssyncset.done $0x0  }
.LBB2_2:
0x1b: {  	s12 =	sadd.s32 s10, s9  }
0x1c: {  	[sflag:s5] =	ssyncadd.s32 $0xFFFFC000;
	s10 =	smov.u32 s11;
	s13 =	sadd.s32 $0x10, s11  }
0x1d: {  	[tilespmem:s3], [sflag:$0x1] =	stream.linear.gather [hbm4b:s12+s3], $0x80, $0x38;
	[tilespmem:$0x17C80] =	vst v63  }
0x1e: {  	p0 =	sne.s32 s11, $0x4F0;
	_ =	swait.ge [sflag:s5], $0x80  }
.Ltmp1:
0x1f: {  	[sflag:s5] =	ssyncset.done $0x0;
	(pc) =	sbr.rel @p0 .LBB2_2-.Ltmp1, $4  }
0x20: {  	[sflag:s5] =	ssyncadd.s32 $0xFFFFFF80  }
0x21: {  	[spmem:s2] =	stream.indirect.scatter.add.f32 [tilespmem:s4], [sflag:$0x1], $0x80, s3, s4, $0xb8;
	[tilespmem:$0x17C80] =	vst v63  }
0x22: {  	_ =	swait.ge [sflag:s5], $0x4000  }
0x23: {  	s11 =	smov.u32 s13;
	[sflag:s5] =	ssyncset.done $0x0  }
0x24: {  	s9 =	sadd.s32 s10, s9;
	[sflag:s5] =	ssyncadd.s32 $0xFFFFC000  }
0x25: {  	[tilespmem:s3], [sflag:$0x1] =	stream.linear.gather [hbm4b:s9+s3], $0x80, $0x38;
	[tilespmem:$0x17C80] =	vst v63  }
0x26: {  	_ =	swait.ge [sflag:s5], $0x80  }
0x27: {  	[sflag:s5] =	ssyncset.done $0x0  }
0x28: {  	[sflag:s5] =	ssyncadd.s32 $0xFFFFFF80  }
0x29: {  	[spmem:s2] =	stream.indirect.scatter.add.f32 [tilespmem:s4], [sflag:$0x1], $0x80, s3, s4, $0xb8;
	[tilespmem:$0x17C80] =	vst v63  }
0x2a: {  	_ =	swait.ge [sflag:s5], $0x4000  }
0x2b: {  	[sflag:s5] =	ssyncset.done $0x0  }
0x2c: {  	[sflag:s5] =	ssyncadd.s32 $0xFFFFC000  }
0x2d: {  	s31 =	simm.s32 $0x1;
	[bflag:$0x0] =	sbarrier.arrive $0xFFFF  }
0x2e: {  	[hbm:s8], [sflag:s6] =	dma.local [spmem:s7], $0x2780  }
0x2f: {  	_ =	swait.ge [sflag:s31], $0x2780  }
0x30: {  	[sflag:s31] =	ssyncset.done $0x0  }
0x31: {  	[sflag:s31] =	ssyncadd.s32 $0xFFFFD880  }
.LBB2_4:
0x32: {  	_ =	sfence.sel $0x180000  }
0x33: {  	[bflag:$0x0] =	sbarrier.arrive $0xFFFF  }
0x34: {  	p0 =	sne.s32 s1, $0x0;
	_ =	strace $0x9000004D  }
0x35: {  	s0 =	sadd.s32 @!p0 $0x100000, s0;
	[bflag:$0x2] =	sbarrier.arrive $0xFFFF  }
0x36: {  	[sflag:s0] =	ssyncadd.tile.s32 @!p0 $0x1;
	_ =	shalt  }
.Lfunc_end2:
_tile_overlayer_lowered:
.L_overlay_start_2:
0x37: {  	(tag) =	ssettag $0x2  }
0x38: {  	s0 =	rddreg [dreg:$0x0];
	s2 =	stileid.u32  }
0x39: {  	s1 =	rddreg [dreg:$0x1];
	p0 =	sne.s32 s2, $0x0  }
0x3a: {  	s3 =	rddreg [dreg:$0x2];
	[bflag:$0x3] =	sbarrier.arrive $0xFFFF;
	s2 =	simm.s32 @!p0 $0x1C01  }
0x3b: {  	[timem:s3], [sflag:s2] =	dma.local @!p0 [hbm:s0], s1  }
0x3c: {  	s0 =	simm.s32 @!p0 $0x1  }
0x3d: {  	_ =	swait.ge @!p0 [sflag:s0], s1  }
0x3e: {  	s1 =	ssub.s32 @!p0 $0x0, s1;
	[sflag:s0] =	ssyncset.done @!p0 $0x0  }
0x3f: {  	[sflag:s0] =	ssyncadd.s32 @!p0 s1  }
0x40: {  	[bflag:$0x3] =	sbarrier.arrive $0xFFFF  }
0x41: {  	_ =	shalt  }

// kernel: kernel.36.cloned.1.call-start
scs
__scs_entry_jumppad:
0x0: {  	(pc) =	sbr.rel $0x88, $3  }
0x1: {  	(tag) =	ssettag $0x0;
	lr =	simm.s32 $0x1  }
0x2: {  	[smem:$0x3F84] =	sst lr;
	_ =	strace $0xD0000000  }
0x3: {  	_ = 	snop  }
0x4: {  	_ = 	snop  }
0x5: {  	_ = 	snop  }
0x6: {  	_ = 	snop  }
0x7: {  	_ = 	snop  }
__scs_overlays_trampoline_lowered:
0x8: {  	[smem:$0x3F93] =	sst s0  }
0x9: {  	[smem:$0x3F94] =	sst s1  }
0xa: {  	[smem:$0x3F95] =	sst s2  }
0xb: {  	[smem:$0x3F96] =	sst s3  }
0xc: {  	[smem:$0x3F97] =	sst s4  }
0xd: {  	[smem:$0x3F98] =	sst s5  }
0xe: {  	[smem:$0x3F99] =	sst s6  }
0xf: {  	[smem:$0x3F9A] =	sst s7  }
0x10: {  	[smem:$0x3F9B] =	sst s8  }
0x11: {  	[smem:$0x3F9C] =	sst s9;
	s0 =	simm.s32 @!p0 $0x0  }
0x12: {  	s1 =	sld [smem:$0x3F82];
	s0 =	simm.s32 @p0 $0x1  }
0x13: {  	[smem:$0x3F9D] =	sst s0;
	s0 =	simm.s32 @!p1 $0x0  }
0x14: {  	s2 =	sld [smem:$0x3F81];
	s0 =	simm.s32 @p1 $0x1  }
0x15: {  	[smem:$0x3F9E] =	sst s0;
	s0 =	simm.s32 @!p2 $0x0  }
0x16: {  	s3 =	sld [smem:$0x3FDB];
	s0 =	simm.s32 @p2 $0x1  }
0x17: {  	s4 =	simm.s32 $0x1BF5;
	[smem:$0x3FA0] =	sst s0  }
0x18: {  	s0 =	sld [smem:$0x3F83];
	_ =	swait.ge [sflag:s4], $0x0  }
0x19: {  	s7 =	sld [smem:$0x3F84]  }
0x1a: {  	s8 =	sadd.s32 $0xFFFFE003, lr  }
0x1b: {  	s9 =	sadd.s32 $0xFFFFFEF7, lr;
	s5 =	simm.s32 $0xFFFFFFFF;
	p2 =	slt.u32 s8, $0xFFFFF086  }
0x1c: {  	p1 =	slt.u32 s9, $0xF7A;
	s5 =	simm.s32 @!p2 $0x0  }
0x1d: {  	s5 =	simm.s32 @p1 $0x1;
	p0 =	seq.s32 s7, s2  }
0x1e: {  	s7 =	smul.u32 @!p0 $0xF7A, s2;
	p2 =	seq.s32 @!p0 s5, $0x0  }
0x1f: {  	s9 =	smul.u32 $0xF7A, s1;
	s8 =	simm.s32 @!p0 $0x1BF5;
	p2 =	por !p2, p0  }
0x20: {  	[sflag:s8] =	ssyncset.s32 @!p0 $0xFFFFF086;
	s6 =	sadd.s32 @!p0 s3, s7;
	s7 =	simm.s32 @!p0 $0x108  }
0x21: {  	s3 =	sadd.s32 s3, s9;
	s6 =	sadd.s32 @!p0 $0x88, s6;
	s7 =	simm.s32 @p2 $0x1082  }
0x22: {  	[simem:s7], [sflag:s8] =	dma.local @!p0 [hbm:s6], $0xF7A  }
0x23: {  	s9 =	sor.u32 $0xD0000000, s2;
	s6 =	simm.s32 $0x108;
	_ =	swait.ge @!p0 [sflag:s8], $0x0  }
0x24: {  	s3 =	sadd.s32 $0x88, s3;
	s6 =	simm.s32 @!p1 $0x1082;
	[sflag:s4] =	ssyncset.s32 $0xFFFFF086  }
0x25: {  	[simem:s6], [sflag:s4] =	dma.local [hbm:s3], $0xF7A  }
0x26: {  	[smem:$0x3F84] =	sst s1;
	(tag) =	ssettag s2;
	_ =	strace s9  }
0x27: {  	s1 =	sld [smem:$0x3F94]  }
0x28: {  	s2 =	sld [smem:$0x3F95]  }
0x29: {  	s4 =	sld [smem:$0x3F97]  }
0x2a: {  	p0 =	seq.s32 s5, $0x0;
	s5 =	sld [smem:$0x3F98]  }
0x2b: {  	s6 =	sld [smem:$0x3F99]  }
0x2c: {  	s7 =	sld [smem:$0x3F9A]  }
0x2d: {  	s3 =	simm.s32 $0x108;
	s8 =	sld [smem:$0x3F9B]  }
0x2e: {  	s3 =	simm.s32 @!p0 $0x1082;
	s9 =	sld [smem:$0x3F9C]  }
0x2f: {  	lr =	sadd.s32 s0, s3;
	s0 =	sld [smem:$0x3F93]  }
0x30: {  	s3 =	sld [smem:$0x3F96]  }
0x31: {  	[smem:$0x3F9F] =	sst s10  }
0x32: {  	s10 =	sld [smem:$0x3F9D];
	_ =	sdelay $0x3  }
0x33: {  	p0 =	seq.s32 s10, $0x1;
	s10 =	sld [smem:$0x3F9F];
	_ =	sdelay $0x3  }
0x34: {  	[smem:$0x3F9F] =	sst s10  }
0x35: {  	s10 =	sld [smem:$0x3F9E];
	_ =	sdelay $0x3  }
0x36: {  	p1 =	seq.s32 s10, $0x1;
	s10 =	sld [smem:$0x3F9F];
	_ =	sdelay $0x3  }
0x37: {  	[smem:$0x3F9F] =	sst s10  }
0x38: {  	s10 =	sld [smem:$0x3FA0]  }
0x39: {  	_ = 	snop;
	(pc) =	sbr.ind lr, $3  }
0x3a: {  	_ = 	snop  }
0x3b: {  	_ = 	snop  }
0x3c: {  	p2 =	seq.s32 s10, $0x1;
	s10 =	sld [smem:$0x3F9F]  }
0x3d: {  	_ =	shalt  }
0x3e: {  	_ =	shalt  }
0x3f: {  	_ =	shalt  }
0x40: {  	_ =	shalt  }
0x41: {  	_ =	shalt  }
0x42: {  	_ =	shalt  }
0x43: {  	_ =	shalt  }
0x44: {  	_ =	shalt  }
0x45: {  	_ =	shalt  }
0x46: {  	_ =	shalt  }
0x47: {  	_ =	shalt  }
0x48: {  	_ =	shalt  }
0x49: {  	_ =	shalt  }
0x4a: {  	_ =	shalt  }
0x4b: {  	_ =	shalt  }
0x4c: {  	_ =	shalt  }
0x4d: {  	_ =	shalt  }
0x4e: {  	_ =	shalt  }
0x4f: {  	_ =	shalt  }
0x50: {  	_ =	shalt  }
0x51: {  	_ =	shalt  }
0x52: {  	_ =	shalt  }
0x53: {  	_ =	shalt  }
0x54: {  	_ =	shalt  }
0x55: {  	_ =	shalt  }
0x56: {  	_ =	shalt  }
0x57: {  	_ =	shalt  }
0x58: {  	_ =	shalt  }
0x59: {  	_ =	shalt  }
0x5a: {  	_ =	shalt  }
0x5b: {  	_ =	shalt  }
0x5c: {  	_ =	shalt  }
0x5d: {  	_ =	shalt  }
0x5e: {  	_ =	shalt  }
0x5f: {  	_ =	shalt  }
0x60: {  	_ =	shalt  }
0x61: {  	_ =	shalt  }
0x62: {  	_ =	shalt  }
0x63: {  	_ =	shalt  }
0x64: {  	_ =	shalt  }
0x65: {  	_ =	shalt  }
0x66: {  	_ =	shalt  }
0x67: {  	_ =	shalt  }
0x68: {  	_ =	shalt  }
0x69: {  	_ =	shalt  }
0x6a: {  	_ =	shalt  }
0x6b: {  	_ =	shalt  }
0x6c: {  	_ =	shalt  }
0x6d: {  	_ =	shalt  }
0x6e: {  	_ =	shalt  }
0x6f: {  	_ =	shalt  }
0x70: {  	_ =	shalt  }
0x71: {  	_ =	shalt  }
0x72: {  	_ =	shalt  }
0x73: {  	_ =	shalt  }
0x74: {  	_ =	shalt  }
0x75: {  	_ =	shalt  }
0x76: {  	_ =	shalt  }
0x77: {  	_ =	shalt  }
0x78: {  	_ =	shalt  }
0x79: {  	_ =	shalt  }
0x7a: {  	_ =	shalt  }
0x7b: {  	_ =	shalt  }
0x7c: {  	_ =	shalt  }
0x7d: {  	_ =	shalt  }
0x7e: {  	_ =	shalt  }
0x7f: {  	_ =	shalt  }
0x80: {  	_ =	shalt  }
0x81: {  	_ =	shalt  }
0x82: {  	_ =	shalt  }
0x83: {  	_ =	shalt  }
0x84: {  	_ =	shalt  }
0x85: {  	_ =	shalt  }
0x86: {  	_ =	shalt  }
0x87: {  	_ =	shalt  }
.Lfunc_end0:
.L_simem_size_0:
called_computation.2_lowered:
.L_overlay_start_0:
0x88: {  	s2 =	sld [smem:$0x3FD9]  }
0x89: {  	s3 =	sld [smem:$0x3FFE];
	_ =	sdelay $0x1  }
0x8a: {  	s1 =	srdreg.scid  }
0x8b: {  	s0 =	sand.u32 $0x1, s1  }
0x8c: {  	s14 =	sshll.u32 s0, $0xA;
	s2 =	sadd.s32 s3, s2  }
0x8d: {  	s2 =	sadd.s32 s2, s14  }
0x8e: {  	[smem:$0x3FAB] =	sst s2  }
0x8f: {  	_ = 	snop  }
0x90: {  	s2 =	sld [smem:$0x3FD0];
	_ =	sdelay $0x2  }
0x91: {  	s15 =	simm.s32 $0xD;
	s4 =	simm.s32 $0x10  }
0x92: {  	[smem:s4], [sflag:s15] =	dma.local [hbm:s2], $0x1  }
0x93: {  	_ =	swait.eq [sflag:s15], $0x1  }
0x94: {  	[sflag:s15] =	ssyncset.done $0x0  }
0x95: {  	[sflag:s15] =	ssyncadd.s32 $0xFFFFFFFF  }
0x96: {  	s16 =	sld [smem:$0x13];
	(tm) =	ssettm $0x1  }
0x97: {  	s17 =	sld [smem:$0x3FFB];
	_ =	sdelay $0x3  }
0x98: {  	_ =	strace s17  }
0x99: {  	s3 =	sld [smem:$0x3FFC];
	_ =	sdelay $0x3  }
0x9a: {  	_ =	strace s3  }
0x9b: {  	s3 =	sld [smem:$0x3FFD];
	_ =	sdelay $0x3  }
0x9c: {  	_ =	strace s3  }
0x9d: {  	_ =	strace $0x8FFFFFFF  }
0x9e: {  	s18 =	sld [smem:$0x3FDB];
	_ =	sdelay $0x1  }
0x9f: {  	s19 =	simm.s32 $_scs_section_size  }
0xa0: {  	s5 =	simm.s32 $_size__tile_overlayer_lowered;
	s6 =	simm.s32 $_tile_overlayer_lowered  }
0xa1: {  	s22 =	simm.s32 $0x1BFF;
	s21 =	sshll.u32 s6, $0x1;
	s3 =	sadd.s32 s19, s18  }
0xa2: {  	s7 =	simm.s32 $0x0;
	s20 =	sshll.u32 s5, $0x1;
	s5 =	sadd.s32 s21, s3  }
0xa3: {  	[timem:s7], [sflag:s22] =	dma.local [hbm:s5], s20  }
0xa4: {  	_ =	swait.ge [sflag:s22], s20  }
0xa5: {  	s4 =	ssub.s32 $0x0, s20;
	[sflag:s22] =	ssyncset.done $0x0  }
0xa6: {  	[sflag:s22] =	ssyncadd.s32 s4;
	_ =	sdelay $0x1  }
0xa7: {  	s23 =	simm.s32 $0x1B8B  }
0xa8: {  	_ =	swait.ge [sflag:s23], $0x1  }
0xa9: {  	[sflag:s23] =	ssyncset.done $0x0  }
0xaa: {  	s25 =	simm.s32 $0x1B8E;
	s24 =	sld [smem:$0x3FFE];
	[sflag:s23] =	ssyncadd.s32 $0xFFFFFFFF  }
0xab: {  	s26 =	simm.s32 $execute0_lowered;
	[smem:$0x3FD2] =	sst s25  }
0xac: {  	s5 =	sshll.u32 s26, $0x1;
	_ =	strace $0x80000046;
	[dreg:$0x1] =	wrdreg $0xFFFFFFFF  }
0xad: {  	s28 =	simm.s32 $_size_execute0_lowered;
	s3 =	sadd.s32 s3, s5;
	[dreg:$0x0] =	wrdreg $0x0  }
0xae: {  	s5 =	sshll.u32 s28, $0x1;
	[dreg:$0x2] =	wrdreg s3  }
0xaf: {  	[dreg:$0x3] =	wrdreg s5  }
0xb0: {  	[dreg:$0x4] =	wrdreg $0xC0  }
0xb1: {  	_ =	task [dreg:s7], $0x5FFFF  }
0xb2: {  	[dreg:$0x1] =	wrdreg $0xFFFFFFFF  }
0xb3: {  	[dreg:$0x0] =	wrdreg $0x60  }
0xb4: {  	[dreg:$0x2] =	wrdreg s16  }
0xb5: {  	[dreg:$0x3] =	wrdreg s24  }
0xb6: {  	[dreg:$0x4] =	wrdreg $0xAD000  }
0xb7: {  	[dreg:$0x5] =	wrdreg $0xC  }
0xb8: {  	_ =	task.clear_ibuf [dreg:s7], $0x6FFFF;
	_ =	strace $0x90000046  }
0xb9: {  	s29 =	simm.s32 $0xC;
	_ =	strace $0x80000048  }
0xba: {  	_ =	swait.ge [sflag:s29], $0x1  }
0xbb: {  	[sflag:s29] =	ssyncadd.s32 $0xFFFFFFFF  }
0xbc: {  	_ =	strace $0x90000048  }
0xbd: {  	_ =	sfence  }
0xbe: {  	s30 =	sld [smem:$0x0];
	_ =	sdelay $0x2  }
0xbf: {  	s31 =	sshll.u32 s1, $0xD;
	s1 =	sshrl.u32 s1, $0x2  }
0xc0: {  	s3 =	sand.u32 $0x4000, s31;
	s1 =	sadd.s32 s1, s30  }
0xc1: {  	s0 =	sor.u32 s3, s0;
	s1 =	sshll.u32 s1, $0x11  }
0xc2: {  	s0 =	sor.u32 s1, s0  }
0xc3: {  	s0 =	sadd.s32 $0x8F2B, s0  }
0xc4: {  	[sflag:s0] =	ssyncadd.remote.s32 $0x1  }
0xc5: {  	_ =	sfence.sel $0xFFFF  }
0xc6: {  	[dreg:$0x0] =	wrdreg $0xFFFFFFFF;
	(pc) =	sbr.abs _section_cstart, $3  }
0xc7: {  	[dreg:$0x1] =	wrdreg $0xFFFFFFFF  }
0xc8: {  	_ =	task.clear_ibuf [dreg:s7], $0x2FFFF;
	_ =	strace $0x9FFFFFFF  }
0xc9: {  	(tm) =	ssettm $0x7FFFFFFF  }
tec
execute0_lowered:
.L_overlay_start_1:
0x0: {  	(tag) =	ssettag $0x1  }
0x1: {  	s0 =	rddreg [dreg:$0x0]  }
0x2: {  	s5 =	rddreg [dreg:$0x1];
	s1 =	srdreg.scid  }
0x3: {  	s3 =	rddreg [dreg:$0x2];
	s2 =	stileid.u32  }
0x4: {  	s4 =	simm.s32 $0x0;
	s15 =	simm.s32 $0x2C00;
	s16 =	simm.s32 $0x2C80  }
0x5: {  	s17 =	simm.s32 $0x80;
	s18 =	simm.s32 $0x2D00;
	s8 =	smul.u32 $0x2C00, s2  }
0x6: {  	s19 =	simm.s32 $0x6D00;
	s20 =	simm.s32 $0x1;
	s9 =	smul.u32 $0x13C00, s2  }
0x7: {  	s21 =	simm.s32 $0x2;
	s22 =	simm.s32 $0x3;
	s26 =	smul.u32 $0x4F000, s2  }
0x8: {  	s23 =	simm.s32 $0x4;
	s24 =	simm.s32 $0x0;
	s13 =	smul.u32 $0x2900, s2  }
0x9: {  	s6 =	sand.u32 $0x1, s1;
	s1 =	rddreg [dreg:$0x3];
	s30 =	smul.u32 $0x520, s2  }
0xa: {  	[smem:$0x7FF] =	sst s4;
	s11 =	sadd.s32 $0x9E00, s5;
	s7 =	smul.u32 $0x2C000, s6  }
0xb: {  	s31 =	sshll.u32 s2, $0x6;
	s10 =	smul.u32 $0x13C000, s6;
	s6 =	ssub.s32 $0x2, s6  }
0xc: {  	_ =	strace $0x80000047;
	s25 =	sshrl.u32 s9, $0x3;
	s12 =	sshrl.u32 s6, $0x1  }
0xd: {  	s28 =	sshrl.u32 s26, $0x2;
	s29 =	sshrl.u32 s13, $0x3;
	s13 =	sor.u32 $0x1C05, s31  }
0xe: {  	s7 =	sadd.s32 s8, s7;
	s8 =	sadd.s32 s25, s5;
	s9 =	sadd.s32 s9, s10  }
0xf: {  	s12 =	ssub.s32 s6, s12;
	s14 =	sadd.s32 s28, s3;
	s7 =	sshrl.u32 s7, $0x3  }
0x10: {  	s9 =	sshrl.u32 s9, $0x3;
	s6 =	sadd.s32 $0x1A000, s8;
	s10 =	smax.u32 s12, $0x1  }
0x11: {  	s12 =	simm.s32 $0x5;
	s14 =	sshrl.u32 s14, $0x3;
	s7 =	sadd.s32 s7, s5  }
0x12: {  	s9 =	sadd.s32 s9, s5;
	s5 =	sadd.s32 $0xF000, s7;
	s7 =	sadd.s32 s11, s29  }
0x13: {  	s9 =	sadd.s32 $0x41800, s9;
	s11 =	sadd.s32 s30, s11;
	s8 =	sadd.s32 $0x10, s7  }
.LBB2_1:
0x14: {  	[tilespmem:s4], [sflag:$0x5] =	stream.linear.gather [hbm4b:s5+s4], $0x2900, $0x38;
	[tilespmem:$0x1E900] =	vst v63  }
0x15: {  	_ =	swait.ge [sflag:s12], $0x2900  }
0x16: {  	[sflag:s12] =	ssyncset.done $0x0  }
0x17: {  	[sflag:s12] =	ssyncadd.s32 $0xFFFFD700  }
0x18: {  	[spmem:s14], [sflag:s13] =	dma.local [hbm:s6], $0x2780  }
0x19: {  	_ =	swait.ge [sflag:s12], $0x2780  }
0x1a: {  	[sflag:s12] =	ssyncset.done $0x0  }
0x1b: {  	[sflag:s12] =	ssyncadd.s32 $0xFFFFD880  }
0x1c: {  	[bflag:$0x0] =	sbarrier.arrive $0xFFFF  }
0x1d: {  	[tilespmem:s15], [sflag:$0x2] =	stream.linear.gather [hbm4b:s7+s4], $0x80, $0x38;
	[tilespmem:$0x1E900] =	vst v63  }
0x1e: {  	_ = 	snop  }
0x1f: {  	[tilespmem:s16], [sflag:$0x4] =	stream.linear.gather [hbm4b:s8+s4], $0x80, $0x38;
	[tilespmem:$0x1E900] =	vst v63  }
0x20: {  	_ = 	snop  }
0x21: {  	[tilespmem:s18], [sflag:$0x1] =	stream.indirect.gather [hbm4b:s0+s17], $0x80, s4, s17, $0xb8;
	[tilespmem:$0x1E900] =	vst v63  }
0x22: {  	_ = 	snop  }
0x23: {  	[tilespmem:s19], [sflag:$0x3] =	stream.indirect.gather [hbm4b:s0+s17], $0x80, s17, s17, $0xb8;
	[tilespmem:$0x1E900] =	vst v63  }
0x24: {  	_ =	swait.ge [sflag:s20], $0x4000  }
0x25: {  	[sflag:s20] =	ssyncset.done $0x0  }
0x26: {  	[sflag:s20] =	ssyncadd.s32 $0xFFFFC000  }
0x27: {  	_ =	swait.ge [sflag:s21], $0x80  }
0x28: {  	[sflag:s21] =	ssyncset.done $0x0  }
0x29: {  	[sflag:s21] =	ssyncadd.s32 $0xFFFFFF80  }
0x2a: {  	[spmem:s3] =	stream.indirect.scatter.add.f32 [tilespmem:s18], [sflag:$0x5], $0x80, s15, s17, $0xb8;
	[tilespmem:$0x1E900] =	vst v63  }
0x2b: {  	_ =	swait.ge [sflag:s12], $0x4000  }
0x2c: {  	[sflag:s12] =	ssyncset.done $0x0  }
0x2d: {  	s25 =	simm.s32 $0x100;
	s26 =	sadd.s32 $0xFFFFFB00, s11;
	[sflag:s12] =	ssyncadd.s32 $0xFFFFC000  }
0x2e: {  	[tilespmem:s18], [sflag:$0x1] =	stream.indirect.gather [hbm4b:s0+s17], $0x80, s25, s17, $0xb8;
	[tilespmem:$0x1E900] =	vst v63  }
0x2f: {  	s30 =	sadd.s32 $0x520, s26  }
0x30: {  	[tilespmem:s15], [sflag:$0x2] =	stream.linear.gather [hbm4b:s30+s4], $0x80, $0x38;
	[tilespmem:$0x1E900] =	vst v63  }
0x31: {  	_ =	swait.ge [sflag:s22], $0x4000  }
0x32: {  	[sflag:s22] =	ssyncset.done $0x0  }
0x33: {  	[sflag:s22] =	ssyncadd.s32 $0xFFFFC000  }
0x34: {  	_ =	swait.ge [sflag:s23], $0x80  }
0x35: {  	[sflag:s23] =	ssyncset.done $0x0  }
0x36: {  	[sflag:s23] =	ssyncadd.s32 $0xFFFFFF80  }
0x37: {  	[spmem:s3] =	stream.indirect.scatter.add.f32 [tilespmem:s19], [sflag:$0x5], $0x80, s16, s17, $0xb8;
	[tilespmem:$0x1E900] =	vst v63  }
0x38: {  	_ =	swait.ge [sflag:s12], $0x4000  }
0x39: {  	s31 =	simm.s32 $0x180;
	s28 =	sadd.s32 $0x530, s26;
	[sflag:s12] =	ssyncset.done $0x0  }
0x3a: {  	s26 =	simm.s32 $0x280;
	s25 =	simm.s32 $0xFFFFFB20;
	[sflag:s12] =	ssyncadd.s32 $0xFFFFC000  }
0x3b: {  	[tilespmem:s19], [sflag:$0x3] =	stream.indirect.gather [hbm4b:s0+s17], $0x80, s31, s17, $0xb8;
	[tilespmem:$0x1E900] =	vst v63  }
.LBB2_2:
0x3c: {  	[tilespmem:s16], [sflag:$0x4] =	stream.linear.gather [hbm4b:s28+s4], $0x80, $0x38;
	[tilespmem:$0x1E900] =	vst v63  }
0x3d: {  	s28 =	smov.u32 s25  }
0x3e: {  	p0 =	sne.s32 s25, $0xFFFFFFE0;
	s25 =	sadd.s32 $0x20, s25;
	_ =	swait.ge [sflag:s20], $0x4000  }
0x3f: {  	[sflag:s20] =	ssyncset.done $0x0  }
0x40: {  	[sflag:s20] =	ssyncadd.s32 $0xFFFFC000  }
0x41: {  	_ =	swait.ge [sflag:s21], $0x80  }
0x42: {  	[sflag:s21] =	ssyncset.done $0x0  }
0x43: {  	[sflag:s21] =	ssyncadd.s32 $0xFFFFFF80  }
0x44: {  	[spmem:s3] =	stream.indirect.scatter.add.f32 [tilespmem:s18], [sflag:$0x5], $0x80, s15, s17, $0xb8;
	[tilespmem:$0x1E900] =	vst v63  }
0x45: {  	_ =	swait.ge [sflag:s12], $0x4000  }
0x46: {  	[sflag:s12] =	ssyncset.done $0x0  }
0x47: {  	s29 =	sadd.s32 $0xFFFFFF80, s26;
	s28 =	sadd.s32 s28, s11;
	[sflag:s12] =	ssyncadd.s32 $0xFFFFC000  }
0x48: {  	[tilespmem:s18], [sflag:$0x1] =	stream.indirect.gather [hbm4b:s0+s17], $0x80, s29, s17, $0xb8;
	[tilespmem:$0x1E900] =	vst v63  }
0x49: {  	s29 =	sadd.s32 $0x520, s28  }
0x4a: {  	[tilespmem:s15], [sflag:$0x2] =	stream.linear.gather [hbm4b:s29+s4], $0x80, $0x38;
	[tilespmem:$0x1E900] =	vst v63  }
0x4b: {  	_ =	swait.ge [sflag:s22], $0x4000  }
0x4c: {  	[sflag:s22] =	ssyncset.done $0x0  }
0x4d: {  	[sflag:s22] =	ssyncadd.s32 $0xFFFFC000  }
0x4e: {  	_ =	swait.ge [sflag:s23], $0x80  }
0x4f: {  	[sflag:s23] =	ssyncset.done $0x0  }
0x50: {  	[sflag:s23] =	ssyncadd.s32 $0xFFFFFF80  }
0x51: {  	[spmem:s3] =	stream.indirect.scatter.add.f32 [tilespmem:s19], [sflag:$0x5], $0x80, s16, s17, $0xb8;
	[tilespmem:$0x1E900] =	vst v63  }
.Ltmp0:
0x52: {  	_ =	swait.ge [sflag:s12], $0x4000;
	(pc) =	sbr.rel @p0 .LBB2_2-.Ltmp0, $4  }
0x53: {  	[sflag:s12] =	ssyncset.done $0x0  }
0x54: {  	[sflag:s12] =	ssyncadd.s32 $0xFFFFC000  }
0x55: {  	[tilespmem:s19], [sflag:$0x3] =	stream.indirect.gather [hbm4b:s0+s17], $0x80, s26, s17, $0xb8;
	[tilespmem:$0x1E900] =	vst v63  }
0x56: {  	s28 =	sadd.s32 $0x530, s28;
	s26 =	sadd.s32 $0x100, s26  }
0x57: {  	[tilespmem:s16], [sflag:$0x4] =	stream.linear.gather [hbm4b:s28+s4], $0x80, $0x38;
	[tilespmem:$0x1E900] =	vst v63  }
0x58: {  	_ =	swait.ge [sflag:s20], $0x4000  }
0x59: {  	[sflag:s20] =	ssyncset.done $0x0  }
0x5a: {  	[sflag:s20] =	ssyncadd.s32 $0xFFFFC000  }
0x5b: {  	_ =	swait.ge [sflag:s22], $0x4000  }
0x5c: {  	[sflag:s22] =	ssyncset.done $0x0  }
0x5d: {  	[sflag:s22] =	ssyncadd.s32 $0xFFFFC000  }
0x5e: {  	_ =	swait.ge [sflag:s21], $0x80  }
0x5f: {  	[sflag:s21] =	ssyncset.done $0x0  }
0x60: {  	[sflag:s21] =	ssyncadd.s32 $0xFFFFFF80  }
0x61: {  	_ =	swait.ge [sflag:s23], $0x80  }
0x62: {  	s24 =	sadd.s32 $0x1, s24;
	[sflag:s23] =	ssyncset.done $0x0  }
0x63: {  	p0 =	sne.s32 s24, s10;
	[sflag:s23] =	ssyncadd.s32 $0xFFFFFF80  }
.Ltmp1:
0x64: {  	[bflag:$0x0] =	sbarrier.arrive $0xFFFF;
	(pc) =	sbr.rel @p0 .LBB2_1-.Ltmp1, $4  }
0x65: {  	[hbm:s9], [sflag:s13] =	dma.local [spmem:s14], $0x2780  }
0x66: {  	_ =	swait.ge [sflag:s12], $0x2780  }
0x67: {  	[sflag:s12] =	ssyncset.done $0x0  }
0x68: {  	[sflag:s12] =	ssyncadd.s32 $0xFFFFD880  }
0x69: {  	_ =	sfence.sel $0x180000  }
0x6a: {  	[bflag:$0x0] =	sbarrier.arrive $0xFFFF  }
0x6b: {  	p0 =	sne.s32 s2, $0x0;
	_ =	strace $0x90000047  }
0x6c: {  	s0 =	sadd.s32 @!p0 $0x100000, s1;
	[bflag:$0x2] =	sbarrier.arrive $0xFFFF  }
0x6d: {  	[sflag:s0] =	ssyncadd.tile.s32 @!p0 $0x1;
	_ =	shalt  }
.Lfunc_end2:
_tile_overlayer_lowered:
.L_overlay_start_2:
0x6e: {  	(tag) =	ssettag $0x2  }
0x6f: {  	s0 =	rddreg [dreg:$0x0];
	s2 =	stileid.u32  }
0x70: {  	s1 =	rddreg [dreg:$0x1];
	p0 =	sne.s32 s2, $0x0  }
0x71: {  	s3 =	rddreg [dreg:$0x2];
	[bflag:$0x3] =	sbarrier.arrive $0xFFFF;
	s2 =	simm.s32 @!p0 $0x1C05  }
0x72: {  	[timem:s3], [sflag:s2] =	dma.local @!p0 [hbm:s0], s1  }
0x73: {  	s0 =	simm.s32 @!p0 $0x5  }
0x74: {  	_ =	swait.ge @!p0 [sflag:s0], s1  }
0x75: {  	s1 =	ssub.s32 @!p0 $0x0, s1;
	[sflag:s0] =	ssyncset.done @!p0 $0x0  }
0x76: {  	[sflag:s0] =	ssyncadd.s32 @!p0 s1  }
0x77: {  	[bflag:$0x3] =	sbarrier.arrive $0xFFFF  }
0x78: {  	_ =	shalt  }

// kernel: kernel.39.cloned.1.call-start
scs
__scs_entry_jumppad:
0x0: {  	(pc) =	sbr.rel $0x88, $3  }
0x1: {  	(tag) =	ssettag $0x0;
	lr =	simm.s32 $0x1  }
0x2: {  	[smem:$0x3F84] =	sst lr;
	_ =	strace $0xD0000000  }
0x3: {  	_ = 	snop  }
0x4: {  	_ = 	snop  }
0x5: {  	_ = 	snop  }
0x6: {  	_ = 	snop  }
0x7: {  	_ = 	snop  }
__scs_overlays_trampoline_lowered:
0x8: {  	[smem:$0x3F93] =	sst s0  }
0x9: {  	[smem:$0x3F94] =	sst s1  }
0xa: {  	[smem:$0x3F95] =	sst s2  }
0xb: {  	[smem:$0x3F96] =	sst s3  }
0xc: {  	[smem:$0x3F97] =	sst s4  }
0xd: {  	[smem:$0x3F98] =	sst s5  }
0xe: {  	[smem:$0x3F99] =	sst s6  }
0xf: {  	[smem:$0x3F9A] =	sst s7  }
0x10: {  	[smem:$0x3F9B] =	sst s8  }
0x11: {  	[smem:$0x3F9C] =	sst s9;
	s0 =	simm.s32 @!p0 $0x0  }
0x12: {  	s1 =	sld [smem:$0x3F82];
	s0 =	simm.s32 @p0 $0x1  }
0x13: {  	[smem:$0x3F9D] =	sst s0;
	s0 =	simm.s32 @!p1 $0x0  }
0x14: {  	s2 =	sld [smem:$0x3F81];
	s0 =	simm.s32 @p1 $0x1  }
0x15: {  	[smem:$0x3F9E] =	sst s0;
	s0 =	simm.s32 @!p2 $0x0  }
0x16: {  	s3 =	sld [smem:$0x3FDB];
	s0 =	simm.s32 @p2 $0x1  }
0x17: {  	s4 =	simm.s32 $0x1BF5;
	[smem:$0x3FA0] =	sst s0  }
0x18: {  	s0 =	sld [smem:$0x3F83];
	_ =	swait.ge [sflag:s4], $0x0  }
0x19: {  	s7 =	sld [smem:$0x3F84]  }
0x1a: {  	s8 =	sadd.s32 $0xFFFFE003, lr  }
0x1b: {  	s9 =	sadd.s32 $0xFFFFFEF7, lr;
	s5 =	simm.s32 $0xFFFFFFFF;
	p2 =	slt.u32 s8, $0xFFFFF086  }
0x1c: {  	p1 =	slt.u32 s9, $0xF7A;
	s5 =	simm.s32 @!p2 $0x0  }
0x1d: {  	s5 =	simm.s32 @p1 $0x1;
	p0 =	seq.s32 s7, s2  }
0x1e: {  	s7 =	smul.u32 @!p0 $0xF7A, s2;
	p2 =	seq.s32 @!p0 s5, $0x0  }
0x1f: {  	s9 =	smul.u32 $0xF7A, s1;
	s8 =	simm.s32 @!p0 $0x1BF5;
	p2 =	por !p2, p0  }
0x20: {  	[sflag:s8] =	ssyncset.s32 @!p0 $0xFFFFF086;
	s6 =	sadd.s32 @!p0 s3, s7;
	s7 =	simm.s32 @!p0 $0x108  }
0x21: {  	s3 =	sadd.s32 s3, s9;
	s6 =	sadd.s32 @!p0 $0x88, s6;
	s7 =	simm.s32 @p2 $0x1082  }
0x22: {  	[simem:s7], [sflag:s8] =	dma.local @!p0 [hbm:s6], $0xF7A  }
0x23: {  	s9 =	sor.u32 $0xD0000000, s2;
	s6 =	simm.s32 $0x108;
	_ =	swait.ge @!p0 [sflag:s8], $0x0  }
0x24: {  	s3 =	sadd.s32 $0x88, s3;
	s6 =	simm.s32 @!p1 $0x1082;
	[sflag:s4] =	ssyncset.s32 $0xFFFFF086  }
0x25: {  	[simem:s6], [sflag:s4] =	dma.local [hbm:s3], $0xF7A  }
0x26: {  	[smem:$0x3F84] =	sst s1;
	(tag) =	ssettag s2;
	_ =	strace s9  }
0x27: {  	s1 =	sld [smem:$0x3F94]  }
0x28: {  	s2 =	sld [smem:$0x3F95]  }
0x29: {  	s4 =	sld [smem:$0x3F97]  }
0x2a: {  	p0 =	seq.s32 s5, $0x0;
	s5 =	sld [smem:$0x3F98]  }
0x2b: {  	s6 =	sld [smem:$0x3F99]  }
0x2c: {  	s7 =	sld [smem:$0x3F9A]  }
0x2d: {  	s3 =	simm.s32 $0x108;
	s8 =	sld [smem:$0x3F9B]  }
0x2e: {  	s3 =	simm.s32 @!p0 $0x1082;
	s9 =	sld [smem:$0x3F9C]  }
0x2f: {  	lr =	sadd.s32 s0, s3;
	s0 =	sld [smem:$0x3F93]  }
0x30: {  	s3 =	sld [smem:$0x3F96]  }
0x31: {  	[smem:$0x3F9F] =	sst s10  }
0x32: {  	s10 =	sld [smem:$0x3F9D];
	_ =	sdelay $0x3  }
0x33: {  	p0 =	seq.s32 s10, $0x1;
	s10 =	sld [smem:$0x3F9F];
	_ =	sdelay $0x3  }
0x34: {  	[smem:$0x3F9F] =	sst s10  }
0x35: {  	s10 =	sld [smem:$0x3F9E];
	_ =	sdelay $0x3  }
0x36: {  	p1 =	seq.s32 s10, $0x1;
	s10 =	sld [smem:$0x3F9F];
	_ =	sdelay $0x3  }
0x37: {  	[smem:$0x3F9F] =	sst s10  }
0x38: {  	s10 =	sld [smem:$0x3FA0]  }
0x39: {  	_ = 	snop;
	(pc) =	sbr.ind lr, $3  }
0x3a: {  	_ = 	snop  }
0x3b: {  	_ = 	snop  }
0x3c: {  	p2 =	seq.s32 s10, $0x1;
	s10 =	sld [smem:$0x3F9F]  }
0x3d: {  	_ =	shalt  }
0x3e: {  	_ =	shalt  }
0x3f: {  	_ =	shalt  }
0x40: {  	_ =	shalt  }
0x41: {  	_ =	shalt  }
0x42: {  	_ =	shalt  }
0x43: {  	_ =	shalt  }
0x44: {  	_ =	shalt  }
0x45: {  	_ =	shalt  }
0x46: {  	_ =	shalt  }
0x47: {  	_ =	shalt  }
0x48: {  	_ =	shalt  }
0x49: {  	_ =	shalt  }
0x4a: {  	_ =	shalt  }
0x4b: {  	_ =	shalt  }
0x4c: {  	_ =	shalt  }
0x4d: {  	_ =	shalt  }
0x4e: {  	_ =	shalt  }
0x4f: {  	_ =	shalt  }
0x50: {  	_ =	shalt  }
0x51: {  	_ =	shalt  }
0x52: {  	_ =	shalt  }
0x53: {  	_ =	shalt  }
0x54: {  	_ =	shalt  }
0x55: {  	_ =	shalt  }
0x56: {  	_ =	shalt  }
0x57: {  	_ =	shalt  }
0x58: {  	_ =	shalt  }
0x59: {  	_ =	shalt  }
0x5a: {  	_ =	shalt  }
0x5b: {  	_ =	shalt  }
0x5c: {  	_ =	shalt  }
0x5d: {  	_ =	shalt  }
0x5e: {  	_ =	shalt  }
0x5f: {  	_ =	shalt  }
0x60: {  	_ =	shalt  }
0x61: {  	_ =	shalt  }
0x62: {  	_ =	shalt  }
0x63: {  	_ =	shalt  }
0x64: {  	_ =	shalt  }
0x65: {  	_ =	shalt  }
0x66: {  	_ =	shalt  }
0x67: {  	_ =	shalt  }
0x68: {  	_ =	shalt  }
0x69: {  	_ =	shalt  }
0x6a: {  	_ =	shalt  }
0x6b: {  	_ =	shalt  }
0x6c: {  	_ =	shalt  }
0x6d: {  	_ =	shalt  }
0x6e: {  	_ =	shalt  }
0x6f: {  	_ =	shalt  }
0x70: {  	_ =	shalt  }
0x71: {  	_ =	shalt  }
0x72: {  	_ =	shalt  }
0x73: {  	_ =	shalt  }
0x74: {  	_ =	shalt  }
0x75: {  	_ =	shalt  }
0x76: {  	_ =	shalt  }
0x77: {  	_ =	shalt  }
0x78: {  	_ =	shalt  }
0x79: {  	_ =	shalt  }
0x7a: {  	_ =	shalt  }
0x7b: {  	_ =	shalt  }
0x7c: {  	_ =	shalt  }
0x7d: {  	_ =	shalt  }
0x7e: {  	_ =	shalt  }
0x7f: {  	_ =	shalt  }
0x80: {  	_ =	shalt  }
0x81: {  	_ =	shalt  }
0x82: {  	_ =	shalt  }
0x83: {  	_ =	shalt  }
0x84: {  	_ =	shalt  }
0x85: {  	_ =	shalt  }
0x86: {  	_ =	shalt  }
0x87: {  	_ =	shalt  }
.Lfunc_end0:
.L_simem_size_0:
called_computation.3_lowered:
.L_overlay_start_0:
0x88: {  	s2 =	sld [smem:$0x3FD9]  }
0x89: {  	s3 =	sld [smem:$0x3FFE];
	_ =	sdelay $0x1  }
0x8a: {  	s1 =	srdreg.scid  }
0x8b: {  	s0 =	sand.u32 $0x1, s1  }
0x8c: {  	s15 =	sshll.u32 s0, $0xA;
	s2 =	sadd.s32 s3, s2  }
0x8d: {  	s2 =	sadd.s32 s2, s15  }
0x8e: {  	[smem:$0x3FAB] =	sst s2  }
0x8f: {  	_ = 	snop  }
0x90: {  	s2 =	sld [smem:$0x3FD0];
	_ =	sdelay $0x2  }
0x91: {  	s16 =	simm.s32 $0xD;
	s4 =	simm.s32 $0x10  }
0x92: {  	[smem:s4], [sflag:s16] =	dma.local [hbm:s2], $0x1  }
0x93: {  	_ =	swait.eq [sflag:s16], $0x1  }
0x94: {  	[sflag:s16] =	ssyncset.done $0x0  }
0x95: {  	[sflag:s16] =	ssyncadd.s32 $0xFFFFFFFF  }
0x96: {  	s17 =	sld [smem:$0x11];
	(tm) =	ssettm $0x1  }
0x97: {  	s18 =	sld [smem:$0x3FFB];
	_ =	sdelay $0x3  }
0x98: {  	_ =	strace s18  }
0x99: {  	s2 =	sld [smem:$0x3FFC];
	_ =	sdelay $0x3  }
0x9a: {  	_ =	strace s2  }
0x9b: {  	s2 =	sld [smem:$0x3FFD];
	_ =	sdelay $0x3  }
0x9c: {  	_ =	strace s2  }
0x9d: {  	_ =	strace $0x8FFFFFFF  }
0x9e: {  	s19 =	sld [smem:$0x3FDB];
	_ =	sdelay $0x1  }
0x9f: {  	s20 =	simm.s32 $_scs_section_size  }
0xa0: {  	s5 =	simm.s32 $_size__tile_overlayer_lowered;
	s6 =	simm.s32 $_tile_overlayer_lowered  }
0xa1: {  	s7 =	simm.s32 $0x1BFF;
	s21 =	sshll.u32 s6, $0x1;
	s4 =	sadd.s32 s20, s19  }
0xa2: {  	s22 =	simm.s32 $0x0;
	s5 =	sshll.u32 s5, $0x1;
	s6 =	sadd.s32 s21, s4  }
0xa3: {  	[timem:s22], [sflag:s7] =	dma.local [hbm:s6], s5  }
0xa4: {  	_ =	swait.ge [sflag:s7], s5  }
0xa5: {  	s5 =	ssub.s32 $0x0, s5;
	[sflag:s7] =	ssyncset.done $0x0  }
0xa6: {  	[sflag:s7] =	ssyncadd.s32 s5;
	_ =	sdelay $0x1  }
0xa7: {  	s23 =	simm.s32 $0x1B8B  }
0xa8: {  	_ =	swait.ge [sflag:s23], $0x1  }
0xa9: {  	[sflag:s23] =	ssyncset.done $0x0  }
0xaa: {  	[sflag:s23] =	ssyncadd.s32 $0xFFFFFFFF  }
0xab: {  	s5 =	sld [smem:$0x0]  }
0xac: {  	s6 =	sand.u32 $0xFFFFFFFE, s1  }
0xad: {  	p0 =	sne.s32 s1, s6  }
0xae: {  	s6 =	sshll.u32 @p0 s6, $0xE  }
0xaf: {  	s6 =	sadd.s32 @p0 $0x11B8D, s6;
	s7 =	sshll.u32 @p0 s5, $0x11  }
0xb0: {  	s6 =	sor.u32 @p0 s7, s6  }
0xb1: {  	[sflag:s6] =	ssyncadd.remote.s32 @p0 $0x1;
	_ =	sdelay $0x1  }
0xb2: {  	s6 =	simm.s32 @p0 $0x1B8D  }
0xb3: {  	_ =	swait.eq @p0 [sflag:s6], $0x1  }
0xb4: {  	[sflag:s6] =	ssyncadd.s32 @p0 $0xFFFFFFFF  }
0xb5: {  	s7 =	sshll.u32 @!p0 s1, $0xE  }
0xb6: {  	s7 =	sor.u32 @!p0 $0x4000, s7;
	s6 =	simm.s32 @!p0 $0x1B8D  }
0xb7: {  	s5 =	sshll.u32 @!p0 s5, $0x11;
	s7 =	sadd.s32 @!p0 $0x11B8D, s7;
	_ =	swait.eq @!p0 [sflag:s6], $0x1  }
0xb8: {  	s5 =	sor.u32 @!p0 s5, s7;
	[sflag:s6] =	ssyncadd.s32 @!p0 $0xFFFFFFFF  }
0xb9: {  	s25 =	simm.s32 $0x1B8E;
	s24 =	sld [smem:$0x3FFE];
	[sflag:s5] =	ssyncadd.remote.s32 @!p0 $0x1  }
0xba: {  	s26 =	simm.s32 $execute0_lowered;
	[smem:$0x3FD2] =	sst s25  }
0xbb: {  	s6 =	sshll.u32 s26, $0x1;
	_ =	strace $0x8000004F;
	[dreg:$0x1] =	wrdreg $0xFFFFFFFF  }
0xbc: {  	s28 =	simm.s32 $_size_execute0_lowered;
	s4 =	sadd.s32 s4, s6;
	[dreg:$0x0] =	wrdreg $0x0  }
0xbd: {  	s6 =	sshll.u32 s28, $0x1;
	[dreg:$0x2] =	wrdreg s4  }
0xbe: {  	[dreg:$0x3] =	wrdreg s6  }
0xbf: {  	[dreg:$0x4] =	wrdreg $0xC0  }
0xc0: {  	_ =	task [dreg:s22], $0x5FFFF  }
0xc1: {  	[dreg:$0x1] =	wrdreg $0xFFFFFFFF  }
0xc2: {  	[dreg:$0x0] =	wrdreg $0x60  }
0xc3: {  	[dreg:$0x2] =	wrdreg s17  }
0xc4: {  	[dreg:$0x3] =	wrdreg s24  }
0xc5: {  	[dreg:$0x4] =	wrdreg $0xAD000  }
0xc6: {  	[dreg:$0x5] =	wrdreg $0xA  }
0xc7: {  	_ =	task.clear_ibuf [dreg:s22], $0x6FFFF;
	_ =	strace $0x9000004F  }
0xc8: {  	s29 =	simm.s32 $0xA;
	_ =	strace $0x80000051  }
0xc9: {  	_ =	swait.ge [sflag:s29], $0x1  }
0xca: {  	[sflag:s29] =	ssyncadd.s32 $0xFFFFFFFF  }
0xcb: {  	_ =	strace $0x90000051  }
0xcc: {  	_ =	sfence  }
0xcd: {  	s30 =	sld [smem:$0x0];
	_ =	sdelay $0x2  }
0xce: {  	s31 =	sshll.u32 s1, $0xD;
	s1 =	sshrl.u32 s1, $0x2  }
0xcf: {  	s4 =	sand.u32 $0x4000, s31;
	s1 =	sadd.s32 s1, s30  }
0xd0: {  	s0 =	sor.u32 s4, s0;
	s1 =	sshll.u32 s1, $0x11  }
0xd1: {  	s0 =	sor.u32 s1, s0  }
0xd2: {  	s0 =	sadd.s32 $0x8F2B, s0  }
0xd3: {  	[sflag:s0] =	ssyncadd.remote.s32 $0x1  }
0xd4: {  	_ =	sfence.sel $0xFFFF  }
0xd5: {  	[dreg:$0x0] =	wrdreg $0xFFFFFFFF;
	(pc) =	sbr.abs _section_cstart, $3  }
0xd6: {  	[dreg:$0x1] =	wrdreg $0xFFFFFFFF  }
0xd7: {  	_ =	task.clear_ibuf [dreg:s22], $0x2FFFF;
	_ =	strace $0x9FFFFFFF  }
0xd8: {  	(tm) =	ssettm $0x7FFFFFFF  }
0xd9: {  	_ =	shalt  }
tec
execute0_lowered:
.L_overlay_start_1:
0x0: {  	(tag) =	ssettag $0x1  }
0x1: {  	s0 =	rddreg [dreg:$0x0]  }
0x2: {  	s5 =	rddreg [dreg:$0x1];
	s1 =	srdreg.scid  }
0x3: {  	s3 =	rddreg [dreg:$0x2];
	s2 =	stileid.u32  }
0x4: {  	s4 =	simm.s32 $0x0;
	s15 =	simm.s32 $0x2C00;
	s16 =	simm.s32 $0x2C80  }
0x5: {  	s17 =	simm.s32 $0x80;
	s18 =	simm.s32 $0x2D00;
	s8 =	smul.u32 $0x2C00, s2  }
0x6: {  	s19 =	simm.s32 $0x6D00;
	s20 =	simm.s32 $0x1;
	s9 =	smul.u32 $0x13C00, s2  }
0x7: {  	s21 =	simm.s32 $0x2;
	s22 =	simm.s32 $0x3;
	s26 =	smul.u32 $0x4F000, s2  }
0x8: {  	s23 =	simm.s32 $0x4;
	s24 =	simm.s32 $0x0;
	s13 =	smul.u32 $0x2900, s2  }
0x9: {  	s6 =	sand.u32 $0x1, s1;
	s1 =	rddreg [dreg:$0x3];
	s30 =	smul.u32 $0x520, s2  }
0xa: {  	[smem:$0x7FF] =	sst s4;
	s11 =	sadd.s32 $0xB8800, s5;
	s7 =	smul.u32 $0x2C000, s6  }
0xb: {  	s31 =	sshll.u32 s2, $0x6;
	s10 =	smul.u32 $0x13C000, s6;
	s6 =	ssub.s32 $0x2, s6  }
0xc: {  	_ =	strace $0x80000050;
	s25 =	sshrl.u32 s9, $0x3;
	s12 =	sshrl.u32 s6, $0x1  }
0xd: {  	s28 =	sshrl.u32 s26, $0x2;
	s29 =	sshrl.u32 s13, $0x3;
	s13 =	sor.u32 $0x1C05, s31  }
0xe: {  	s7 =	sadd.s32 s8, s7;
	s8 =	sadd.s32 s25, s5;
	s9 =	sadd.s32 s9, s10  }
0xf: {  	s12 =	ssub.s32 s6, s12;
	s14 =	sadd.s32 s28, s3;
	s7 =	sshrl.u32 s7, $0x3  }
0x10: {  	s9 =	sshrl.u32 s9, $0x3;
	s6 =	sadd.s32 $0x1A000, s8;
	s10 =	smax.u32 s12, $0x1  }
0x11: {  	s12 =	simm.s32 $0x5;
	s14 =	sshrl.u32 s14, $0x3;
	s7 =	sadd.s32 s7, s5  }
0x12: {  	s9 =	sadd.s32 s9, s5;
	s5 =	sadd.s32 $0xE5200, s7;
	s7 =	sadd.s32 s11, s29  }
0x13: {  	s9 =	sadd.s32 $0xF0200, s9;
	s11 =	sadd.s32 s30, s11;
	s8 =	sadd.s32 $0x10, s7  }
.LBB2_1:
0x14: {  	[tilespmem:s4], [sflag:$0x5] =	stream.linear.gather [hbm4b:s5+s4], $0x2900, $0x38;
	[tilespmem:$0x1E900] =	vst v63  }
0x15: {  	_ =	swait.ge [sflag:s12], $0x2900  }
0x16: {  	[sflag:s12] =	ssyncset.done $0x0  }
0x17: {  	[sflag:s12] =	ssyncadd.s32 $0xFFFFD700  }
0x18: {  	[spmem:s14], [sflag:s13] =	dma.local [hbm:s6], $0x2780  }
0x19: {  	_ =	swait.ge [sflag:s12], $0x2780  }
0x1a: {  	[sflag:s12] =	ssyncset.done $0x0  }
0x1b: {  	[sflag:s12] =	ssyncadd.s32 $0xFFFFD880  }
0x1c: {  	[bflag:$0x0] =	sbarrier.arrive $0xFFFF  }
0x1d: {  	[tilespmem:s15], [sflag:$0x2] =	stream.linear.gather [hbm4b:s7+s4], $0x80, $0x38;
	[tilespmem:$0x1E900] =	vst v63  }
0x1e: {  	_ = 	snop  }
0x1f: {  	[tilespmem:s16], [sflag:$0x4] =	stream.linear.gather [hbm4b:s8+s4], $0x80, $0x38;
	[tilespmem:$0x1E900] =	vst v63  }
0x20: {  	_ = 	snop  }
0x21: {  	[tilespmem:s18], [sflag:$0x1] =	stream.indirect.gather [hbm4b:s0+s17], $0x80, s4, s17, $0xb8;
	[tilespmem:$0x1E900] =	vst v63  }
0x22: {  	_ = 	snop  }
0x23: {  	[tilespmem:s19], [sflag:$0x3] =	stream.indirect.gather [hbm4b:s0+s17], $0x80, s17, s17, $0xb8;
	[tilespmem:$0x1E900] =	vst v63  }
0x24: {  	_ =	swait.ge [sflag:s20], $0x4000  }
0x25: {  	[sflag:s20] =	ssyncset.done $0x0  }
0x26: {  	[sflag:s20] =	ssyncadd.s32 $0xFFFFC000  }
0x27: {  	_ =	swait.ge [sflag:s21], $0x80  }
0x28: {  	[sflag:s21] =	ssyncset.done $0x0  }
0x29: {  	[sflag:s21] =	ssyncadd.s32 $0xFFFFFF80  }
0x2a: {  	[spmem:s3] =	stream.indirect.scatter.add.f32 [tilespmem:s18], [sflag:$0x5], $0x80, s15, s17, $0xb8;
	[tilespmem:$0x1E900] =	vst v63  }
0x2b: {  	_ =	swait.ge [sflag:s12], $0x4000  }
0x2c: {  	[sflag:s12] =	ssyncset.done $0x0  }
0x2d: {  	s25 =	simm.s32 $0x100;
	s26 =	sadd.s32 $0xFFFFFB00, s11;
	[sflag:s12] =	ssyncadd.s32 $0xFFFFC000  }
0x2e: {  	[tilespmem:s18], [sflag:$0x1] =	stream.indirect.gather [hbm4b:s0+s17], $0x80, s25, s17, $0xb8;
	[tilespmem:$0x1E900] =	vst v63  }
0x2f: {  	s30 =	sadd.s32 $0x520, s26  }
0x30: {  	[tilespmem:s15], [sflag:$0x2] =	stream.linear.gather [hbm4b:s30+s4], $0x80, $0x38;
	[tilespmem:$0x1E900] =	vst v63  }
0x31: {  	_ =	swait.ge [sflag:s22], $0x4000  }
0x32: {  	[sflag:s22] =	ssyncset.done $0x0  }
0x33: {  	[sflag:s22] =	ssyncadd.s32 $0xFFFFC000  }
0x34: {  	_ =	swait.ge [sflag:s23], $0x80  }
0x35: {  	[sflag:s23] =	ssyncset.done $0x0  }
0x36: {  	[sflag:s23] =	ssyncadd.s32 $0xFFFFFF80  }
0x37: {  	[spmem:s3] =	stream.indirect.scatter.add.f32 [tilespmem:s19], [sflag:$0x5], $0x80, s16, s17, $0xb8;
	[tilespmem:$0x1E900] =	vst v63  }
0x38: {  	_ =	swait.ge [sflag:s12], $0x4000  }
0x39: {  	s31 =	simm.s32 $0x180;
	s28 =	sadd.s32 $0x530, s26;
	[sflag:s12] =	ssyncset.done $0x0  }
0x3a: {  	s26 =	simm.s32 $0x280;
	s25 =	simm.s32 $0xFFFFFB20;
	[sflag:s12] =	ssyncadd.s32 $0xFFFFC000  }
0x3b: {  	[tilespmem:s19], [sflag:$0x3] =	stream.indirect.gather [hbm4b:s0+s17], $0x80, s31, s17, $0xb8;
	[tilespmem:$0x1E900] =	vst v63  }
.LBB2_2:
0x3c: {  	[tilespmem:s16], [sflag:$0x4] =	stream.linear.gather [hbm4b:s28+s4], $0x80, $0x38;
	[tilespmem:$0x1E900] =	vst v63  }
0x3d: {  	s28 =	smov.u32 s25  }
0x3e: {  	p0 =	sne.s32 s25, $0xFFFFFFE0;
	s25 =	sadd.s32 $0x20, s25;
	_ =	swait.ge [sflag:s20], $0x4000  }
0x3f: {  	[sflag:s20] =	ssyncset.done $0x0  }
0x40: {  	[sflag:s20] =	ssyncadd.s32 $0xFFFFC000  }
0x41: {  	_ =	swait.ge [sflag:s21], $0x80  }
0x42: {  	[sflag:s21] =	ssyncset.done $0x0  }
0x43: {  	[sflag:s21] =	ssyncadd.s32 $0xFFFFFF80  }
0x44: {  	[spmem:s3] =	stream.indirect.scatter.add.f32 [tilespmem:s18], [sflag:$0x5], $0x80, s15, s17, $0xb8;
	[tilespmem:$0x1E900] =	vst v63  }
0x45: {  	_ =	swait.ge [sflag:s12], $0x4000  }
0x46: {  	[sflag:s12] =	ssyncset.done $0x0  }
0x47: {  	s29 =	sadd.s32 $0xFFFFFF80, s26;
	s28 =	sadd.s32 s28, s11;
	[sflag:s12] =	ssyncadd.s32 $0xFFFFC000  }
0x48: {  	[tilespmem:s18], [sflag:$0x1] =	stream.indirect.gather [hbm4b:s0+s17], $0x80, s29, s17, $0xb8;
	[tilespmem:$0x1E900] =	vst v63  }
0x49: {  	s29 =	sadd.s32 $0x520, s28  }
0x4a: {  	[tilespmem:s15], [sflag:$0x2] =	stream.linear.gather [hbm4b:s29+s4], $0x80, $0x38;
	[tilespmem:$0x1E900] =	vst v63  }
0x4b: {  	_ =	swait.ge [sflag:s22], $0x4000  }
0x4c: {  	[sflag:s22] =	ssyncset.done $0x0  }
0x4d: {  	[sflag:s22] =	ssyncadd.s32 $0xFFFFC000  }
0x4e: {  	_ =	swait.ge [sflag:s23], $0x80  }
0x4f: {  	[sflag:s23] =	ssyncset.done $0x0  }
0x50: {  	[sflag:s23] =	ssyncadd.s32 $0xFFFFFF80  }
0x51: {  	[spmem:s3] =	stream.indirect.scatter.add.f32 [tilespmem:s19], [sflag:$0x5], $0x80, s16, s17, $0xb8;
	[tilespmem:$0x1E900] =	vst v63  }
.Ltmp0:
0x52: {  	_ =	swait.ge [sflag:s12], $0x4000;
	(pc) =	sbr.rel @p0 .LBB2_2-.Ltmp0, $4  }
0x53: {  	[sflag:s12] =	ssyncset.done $0x0  }
0x54: {  	[sflag:s12] =	ssyncadd.s32 $0xFFFFC000  }
0x55: {  	[tilespmem:s19], [sflag:$0x3] =	stream.indirect.gather [hbm4b:s0+s17], $0x80, s26, s17, $0xb8;
	[tilespmem:$0x1E900] =	vst v63  }
0x56: {  	s28 =	sadd.s32 $0x530, s28;
	s26 =	sadd.s32 $0x100, s26  }
0x57: {  	[tilespmem:s16], [sflag:$0x4] =	stream.linear.gather [hbm4b:s28+s4], $0x80, $0x38;
	[tilespmem:$0x1E900] =	vst v63  }
0x58: {  	_ =	swait.ge [sflag:s20], $0x4000  }
0x59: {  	[sflag:s20] =	ssyncset.done $0x0  }
0x5a: {  	[sflag:s20] =	ssyncadd.s32 $0xFFFFC000  }
0x5b: {  	_ =	swait.ge [sflag:s22], $0x4000  }
0x5c: {  	[sflag:s22] =	ssyncset.done $0x0  }
0x5d: {  	[sflag:s22] =	ssyncadd.s32 $0xFFFFC000  }
0x5e: {  	_ =	swait.ge [sflag:s21], $0x80  }
0x5f: {  	[sflag:s21] =	ssyncset.done $0x0  }
0x60: {  	[sflag:s21] =	ssyncadd.s32 $0xFFFFFF80  }
0x61: {  	_ =	swait.ge [sflag:s23], $0x80  }
0x62: {  	s24 =	sadd.s32 $0x1, s24;
	[sflag:s23] =	ssyncset.done $0x0  }
0x63: {  	p0 =	sne.s32 s24, s10;
	[sflag:s23] =	ssyncadd.s32 $0xFFFFFF80  }
.Ltmp1:
0x64: {  	[bflag:$0x0] =	sbarrier.arrive $0xFFFF;
	(pc) =	sbr.rel @p0 .LBB2_1-.Ltmp1, $4  }
0x65: {  	[hbm:s9], [sflag:s13] =	dma.local [spmem:s14], $0x2780  }
0x66: {  	_ =	swait.ge [sflag:s12], $0x2780  }
0x67: {  	[sflag:s12] =	ssyncset.done $0x0  }
0x68: {  	[sflag:s12] =	ssyncadd.s32 $0xFFFFD880  }
0x69: {  	_ =	sfence.sel $0x180000  }
0x6a: {  	[bflag:$0x0] =	sbarrier.arrive $0xFFFF  }
0x6b: {  	p0 =	sne.s32 s2, $0x0;
	_ =	strace $0x90000050  }
0x6c: {  	s0 =	sadd.s32 @!p0 $0x100000, s1;
	[bflag:$0x2] =	sbarrier.arrive $0xFFFF  }
0x6d: {  	[sflag:s0] =	ssyncadd.tile.s32 @!p0 $0x1;
	_ =	shalt  }
.Lfunc_end2:
_tile_overlayer_lowered:
.L_overlay_start_2:
0x6e: {  	(tag) =	ssettag $0x2  }
0x6f: {  	s0 =	rddreg [dreg:$0x0];
	s2 =	stileid.u32  }
0x70: {  	s1 =	rddreg [dreg:$0x1];
	p0 =	sne.s32 s2, $0x0  }
0x71: {  	s3 =	rddreg [dreg:$0x2];
	[bflag:$0x3] =	sbarrier.arrive $0xFFFF;
	s2 =	simm.s32 @!p0 $0x1C05  }
0x72: {  	[timem:s3], [sflag:s2] =	dma.local @!p0 [hbm:s0], s1  }
0x73: {  	s0 =	simm.s32 @!p0 $0x5  }
0x74: {  	_ =	swait.ge @!p0 [sflag:s0], s1  }
0x75: {  	s1 =	ssub.s32 @!p0 $0x0, s1;
	[sflag:s0] =	ssyncset.done @!p0 $0x0  }
0x76: {  	[sflag:s0] =	ssyncadd.s32 @!p0 s1  }
0x77: {  	[bflag:$0x3] =	sbarrier.arrive $0xFFFF  }
0x78: {  	_ =	shalt  }

// kernel: kernel.42.cloned.1.call-start
scs
__scs_entry_jumppad:
0x0: {  	(pc) =	sbr.rel $0x88, $3  }
0x1: {  	(tag) =	ssettag $0x0;
	lr =	simm.s32 $0x1  }
0x2: {  	[smem:$0x3F84] =	sst lr;
	_ =	strace $0xD0000000  }
0x3: {  	_ = 	snop  }
0x4: {  	_ = 	snop  }
0x5: {  	_ = 	snop  }
0x6: {  	_ = 	snop  }
0x7: {  	_ = 	snop  }
__scs_overlays_trampoline_lowered:
0x8: {  	[smem:$0x3F93] =	sst s0  }
0x9: {  	[smem:$0x3F94] =	sst s1  }
0xa: {  	[smem:$0x3F95] =	sst s2  }
0xb: {  	[smem:$0x3F96] =	sst s3  }
0xc: {  	[smem:$0x3F97] =	sst s4  }
0xd: {  	[smem:$0x3F98] =	sst s5  }
0xe: {  	[smem:$0x3F99] =	sst s6  }
0xf: {  	[smem:$0x3F9A] =	sst s7  }
0x10: {  	[smem:$0x3F9B] =	sst s8  }
0x11: {  	[smem:$0x3F9C] =	sst s9;
	s0 =	simm.s32 @!p0 $0x0  }
0x12: {  	s1 =	sld [smem:$0x3F82];
	s0 =	simm.s32 @p0 $0x1  }
0x13: {  	[smem:$0x3F9D] =	sst s0;
	s0 =	simm.s32 @!p1 $0x0  }
0x14: {  	s2 =	sld [smem:$0x3F81];
	s0 =	simm.s32 @p1 $0x1  }
0x15: {  	[smem:$0x3F9E] =	sst s0;
	s0 =	simm.s32 @!p2 $0x0  }
0x16: {  	s3 =	sld [smem:$0x3FDB];
	s0 =	simm.s32 @p2 $0x1  }
0x17: {  	s4 =	simm.s32 $0x1BF5;
	[smem:$0x3FA0] =	sst s0  }
0x18: {  	s0 =	sld [smem:$0x3F83];
	_ =	swait.ge [sflag:s4], $0x0  }
0x19: {  	s7 =	sld [smem:$0x3F84]  }
0x1a: {  	s8 =	sadd.s32 $0xFFFFE003, lr  }
0x1b: {  	s9 =	sadd.s32 $0xFFFFFEF7, lr;
	s5 =	simm.s32 $0xFFFFFFFF;
	p2 =	slt.u32 s8, $0xFFFFF086  }
0x1c: {  	p1 =	slt.u32 s9, $0xF7A;
	s5 =	simm.s32 @!p2 $0x0  }
0x1d: {  	s5 =	simm.s32 @p1 $0x1;
	p0 =	seq.s32 s7, s2  }
0x1e: {  	s7 =	smul.u32 @!p0 $0xF7A, s2;
	p2 =	seq.s32 @!p0 s5, $0x0  }
0x1f: {  	s9 =	smul.u32 $0xF7A, s1;
	s8 =	simm.s32 @!p0 $0x1BF5;
	p2 =	por !p2, p0  }
0x20: {  	[sflag:s8] =	ssyncset.s32 @!p0 $0xFFFFF086;
	s6 =	sadd.s32 @!p0 s3, s7;
	s7 =	simm.s32 @!p0 $0x108  }
0x21: {  	s3 =	sadd.s32 s3, s9;
	s6 =	sadd.s32 @!p0 $0x88, s6;
	s7 =	simm.s32 @p2 $0x1082  }
0x22: {  	[simem:s7], [sflag:s8] =	dma.local @!p0 [hbm:s6], $0xF7A  }
0x23: {  	s9 =	sor.u32 $0xD0000000, s2;
	s6 =	simm.s32 $0x108;
	_ =	swait.ge @!p0 [sflag:s8], $0x0  }
0x24: {  	s3 =	sadd.s32 $0x88, s3;
	s6 =	simm.s32 @!p1 $0x1082;
	[sflag:s4] =	ssyncset.s32 $0xFFFFF086  }
0x25: {  	[simem:s6], [sflag:s4] =	dma.local [hbm:s3], $0xF7A  }
0x26: {  	[smem:$0x3F84] =	sst s1;
	(tag) =	ssettag s2;
	_ =	strace s9  }
0x27: {  	s1 =	sld [smem:$0x3F94]  }
0x28: {  	s2 =	sld [smem:$0x3F95]  }
0x29: {  	s4 =	sld [smem:$0x3F97]  }
0x2a: {  	p0 =	seq.s32 s5, $0x0;
	s5 =	sld [smem:$0x3F98]  }
0x2b: {  	s6 =	sld [smem:$0x3F99]  }
0x2c: {  	s7 =	sld [smem:$0x3F9A]  }
0x2d: {  	s3 =	simm.s32 $0x108;
	s8 =	sld [smem:$0x3F9B]  }
0x2e: {  	s3 =	simm.s32 @!p0 $0x1082;
	s9 =	sld [smem:$0x3F9C]  }
0x2f: {  	lr =	sadd.s32 s0, s3;
	s0 =	sld [smem:$0x3F93]  }
0x30: {  	s3 =	sld [smem:$0x3F96]  }
0x31: {  	[smem:$0x3F9F] =	sst s10  }
0x32: {  	s10 =	sld [smem:$0x3F9D];
	_ =	sdelay $0x3  }
0x33: {  	p0 =	seq.s32 s10, $0x1;
	s10 =	sld [smem:$0x3F9F];
	_ =	sdelay $0x3  }
0x34: {  	[smem:$0x3F9F] =	sst s10  }
0x35: {  	s10 =	sld [smem:$0x3F9E];
	_ =	sdelay $0x3  }
0x36: {  	p1 =	seq.s32 s10, $0x1;
	s10 =	sld [smem:$0x3F9F];
	_ =	sdelay $0x3  }
0x37: {  	[smem:$0x3F9F] =	sst s10  }
0x38: {  	s10 =	sld [smem:$0x3FA0]  }
0x39: {  	_ = 	snop;
	(pc) =	sbr.ind lr, $3  }
0x3a: {  	_ = 	snop  }
0x3b: {  	_ = 	snop  }
0x3c: {  	p2 =	seq.s32 s10, $0x1;
	s10 =	sld [smem:$0x3F9F]  }
0x3d: {  	_ =	shalt  }
0x3e: {  	_ =	shalt  }
0x3f: {  	_ =	shalt  }
0x40: {  	_ =	shalt  }
0x41: {  	_ =	shalt  }
0x42: {  	_ =	shalt  }
0x43: {  	_ =	shalt  }
0x44: {  	_ =	shalt  }
0x45: {  	_ =	shalt  }
0x46: {  	_ =	shalt  }
0x47: {  	_ =	shalt  }
0x48: {  	_ =	shalt  }
0x49: {  	_ =	shalt  }
0x4a: {  	_ =	shalt  }
0x4b: {  	_ =	shalt  }
0x4c: {  	_ =	shalt  }
0x4d: {  	_ =	shalt  }
0x4e: {  	_ =	shalt  }
0x4f: {  	_ =	shalt  }
0x50: {  	_ =	shalt  }
0x51: {  	_ =	shalt  }
0x52: {  	_ =	shalt  }
0x53: {  	_ =	shalt  }
0x54: {  	_ =	shalt  }
0x55: {  	_ =	shalt  }
0x56: {  	_ =	shalt  }
0x57: {  	_ =	shalt  }
0x58: {  	_ =	shalt  }
0x59: {  	_ =	shalt  }
0x5a: {  	_ =	shalt  }
0x5b: {  	_ =	shalt  }
0x5c: {  	_ =	shalt  }
0x5d: {  	_ =	shalt  }
0x5e: {  	_ =	shalt  }
0x5f: {  	_ =	shalt  }
0x60: {  	_ =	shalt  }
0x61: {  	_ =	shalt  }
0x62: {  	_ =	shalt  }
0x63: {  	_ =	shalt  }
0x64: {  	_ =	shalt  }
0x65: {  	_ =	shalt  }
0x66: {  	_ =	shalt  }
0x67: {  	_ =	shalt  }
0x68: {  	_ =	shalt  }
0x69: {  	_ =	shalt  }
0x6a: {  	_ =	shalt  }
0x6b: {  	_ =	shalt  }
0x6c: {  	_ =	shalt  }
0x6d: {  	_ =	shalt  }
0x6e: {  	_ =	shalt  }
0x6f: {  	_ =	shalt  }
0x70: {  	_ =	shalt  }
0x71: {  	_ =	shalt  }
0x72: {  	_ =	shalt  }
0x73: {  	_ =	shalt  }
0x74: {  	_ =	shalt  }
0x75: {  	_ =	shalt  }
0x76: {  	_ =	shalt  }
0x77: {  	_ =	shalt  }
0x78: {  	_ =	shalt  }
0x79: {  	_ =	shalt  }
0x7a: {  	_ =	shalt  }
0x7b: {  	_ =	shalt  }
0x7c: {  	_ =	shalt  }
0x7d: {  	_ =	shalt  }
0x7e: {  	_ =	shalt  }
0x7f: {  	_ =	shalt  }
0x80: {  	_ =	shalt  }
0x81: {  	_ =	shalt  }
0x82: {  	_ =	shalt  }
0x83: {  	_ =	shalt  }
0x84: {  	_ =	shalt  }
0x85: {  	_ =	shalt  }
0x86: {  	_ =	shalt  }
0x87: {  	_ =	shalt  }
.Lfunc_end0:
.L_simem_size_0:
called_computation.4_lowered:
.L_overlay_start_0:
0x88: {  	s2 =	sld [smem:$0x3FD9]  }
0x89: {  	s3 =	sld [smem:$0x3FFE];
	_ =	sdelay $0x1  }
0x8a: {  	s1 =	srdreg.scid  }
0x8b: {  	s0 =	sand.u32 $0x1, s1  }
0x8c: {  	s15 =	sshll.u32 s0, $0xA;
	s2 =	sadd.s32 s3, s2  }
0x8d: {  	s2 =	sadd.s32 s2, s15  }
0x8e: {  	[smem:$0x3FAB] =	sst s2  }
0x8f: {  	_ = 	snop  }
0x90: {  	s2 =	sld [smem:$0x3FD0];
	_ =	sdelay $0x2  }
0x91: {  	s16 =	simm.s32 $0xD;
	s4 =	simm.s32 $0x10  }
0x92: {  	[smem:s4], [sflag:s16] =	dma.local [hbm:s2], $0x1  }
0x93: {  	_ =	swait.eq [sflag:s16], $0x1  }
0x94: {  	[sflag:s16] =	ssyncset.done $0x0  }
0x95: {  	[sflag:s16] =	ssyncadd.s32 $0xFFFFFFFF  }
0x96: {  	s17 =	sld [smem:$0x12];
	(tm) =	ssettm $0x1  }
0x97: {  	s18 =	sld [smem:$0x3FFB];
	_ =	sdelay $0x3  }
0x98: {  	_ =	strace s18  }
0x99: {  	s2 =	sld [smem:$0x3FFC];
	_ =	sdelay $0x3  }
0x9a: {  	_ =	strace s2  }
0x9b: {  	s2 =	sld [smem:$0x3FFD];
	_ =	sdelay $0x3  }
0x9c: {  	_ =	strace s2  }
0x9d: {  	_ =	strace $0x8FFFFFFF  }
0x9e: {  	s19 =	sld [smem:$0x3FDB];
	_ =	sdelay $0x1  }
0x9f: {  	s20 =	simm.s32 $_scs_section_size  }
0xa0: {  	s5 =	simm.s32 $_size__tile_overlayer_lowered;
	s6 =	simm.s32 $_tile_overlayer_lowered  }
0xa1: {  	s7 =	simm.s32 $0x1BFF;
	s21 =	sshll.u32 s6, $0x1;
	s4 =	sadd.s32 s20, s19  }
0xa2: {  	s22 =	simm.s32 $0x0;
	s5 =	sshll.u32 s5, $0x1;
	s6 =	sadd.s32 s21, s4  }
0xa3: {  	[timem:s22], [sflag:s7] =	dma.local [hbm:s6], s5  }
0xa4: {  	_ =	swait.ge [sflag:s7], s5  }
0xa5: {  	s5 =	ssub.s32 $0x0, s5;
	[sflag:s7] =	ssyncset.done $0x0  }
0xa6: {  	[sflag:s7] =	ssyncadd.s32 s5;
	_ =	sdelay $0x1  }
0xa7: {  	s23 =	simm.s32 $0x1B8B  }
0xa8: {  	_ =	swait.ge [sflag:s23], $0x1  }
0xa9: {  	[sflag:s23] =	ssyncset.done $0x0  }
0xaa: {  	[sflag:s23] =	ssyncadd.s32 $0xFFFFFFFF  }
0xab: {  	s5 =	sld [smem:$0x0]  }
0xac: {  	s6 =	sand.u32 $0xFFFFFFFE, s1  }
0xad: {  	p0 =	sne.s32 s1, s6  }
0xae: {  	s6 =	sshll.u32 @p0 s6, $0xE  }
0xaf: {  	s6 =	sadd.s32 @p0 $0x11B8D, s6;
	s7 =	sshll.u32 @p0 s5, $0x11  }
0xb0: {  	s6 =	sor.u32 @p0 s7, s6  }
0xb1: {  	[sflag:s6] =	ssyncadd.remote.s32 @p0 $0x1;
	_ =	sdelay $0x1  }
0xb2: {  	s6 =	simm.s32 @p0 $0x1B8D  }
0xb3: {  	_ =	swait.eq @p0 [sflag:s6], $0x1  }
0xb4: {  	[sflag:s6] =	ssyncadd.s32 @p0 $0xFFFFFFFF  }
0xb5: {  	s7 =	sshll.u32 @!p0 s1, $0xE  }
0xb6: {  	s7 =	sor.u32 @!p0 $0x4000, s7;
	s6 =	simm.s32 @!p0 $0x1B8D  }
0xb7: {  	s5 =	sshll.u32 @!p0 s5, $0x11;
	s7 =	sadd.s32 @!p0 $0x11B8D, s7;
	_ =	swait.eq @!p0 [sflag:s6], $0x1  }
0xb8: {  	s5 =	sor.u32 @!p0 s5, s7;
	[sflag:s6] =	ssyncadd.s32 @!p0 $0xFFFFFFFF  }
0xb9: {  	s25 =	simm.s32 $0x1B8E;
	s24 =	sld [smem:$0x3FFE];
	[sflag:s5] =	ssyncadd.remote.s32 @!p0 $0x1  }
0xba: {  	s26 =	simm.s32 $execute0_lowered;
	[smem:$0x3FD2] =	sst s25  }
0xbb: {  	s6 =	sshll.u32 s26, $0x1;
	_ =	strace $0x80000055;
	[dreg:$0x1] =	wrdreg $0xFFFFFFFF  }
0xbc: {  	s28 =	simm.s32 $_size_execute0_lowered;
	s4 =	sadd.s32 s4, s6;
	[dreg:$0x0] =	wrdreg $0x0  }
0xbd: {  	s6 =	sshll.u32 s28, $0x1;
	[dreg:$0x2] =	wrdreg s4  }
0xbe: {  	[dreg:$0x3] =	wrdreg s6  }
0xbf: {  	[dreg:$0x4] =	wrdreg $0xC0  }
0xc0: {  	_ =	task [dreg:s22], $0x5FFFF  }
0xc1: {  	[dreg:$0x1] =	wrdreg $0xFFFFFFFF  }
0xc2: {  	[dreg:$0x0] =	wrdreg $0x60  }
0xc3: {  	[dreg:$0x2] =	wrdreg s17  }
0xc4: {  	[dreg:$0x3] =	wrdreg s24  }
0xc5: {  	[dreg:$0x4] =	wrdreg $0xAD000  }
0xc6: {  	[dreg:$0x5] =	wrdreg $0x9  }
0xc7: {  	_ =	task.clear_ibuf [dreg:s22], $0x6FFFF;
	_ =	strace $0x90000055  }
0xc8: {  	s29 =	simm.s32 $0x9;
	_ =	strace $0x80000057  }
0xc9: {  	_ =	swait.ge [sflag:s29], $0x1  }
0xca: {  	[sflag:s29] =	ssyncadd.s32 $0xFFFFFFFF  }
0xcb: {  	_ =	strace $0x90000057  }
0xcc: {  	_ =	sfence  }
0xcd: {  	s30 =	sld [smem:$0x0];
	_ =	sdelay $0x2  }
0xce: {  	s31 =	sshll.u32 s1, $0xD;
	s1 =	sshrl.u32 s1, $0x2  }
0xcf: {  	s4 =	sand.u32 $0x4000, s31;
	s1 =	sadd.s32 s1, s30  }
0xd0: {  	s0 =	sor.u32 s4, s0;
	s1 =	sshll.u32 s1, $0x11  }
0xd1: {  	s0 =	sor.u32 s1, s0  }
0xd2: {  	s0 =	sadd.s32 $0x8F2B, s0  }
0xd3: {  	[sflag:s0] =	ssyncadd.remote.s32 $0x1  }
0xd4: {  	_ =	sfence.sel $0xFFFF  }
0xd5: {  	[dreg:$0x0] =	wrdreg $0xFFFFFFFF;
	(pc) =	sbr.abs _section_cstart, $3  }
0xd6: {  	[dreg:$0x1] =	wrdreg $0xFFFFFFFF  }
0xd7: {  	_ =	task.clear_ibuf [dreg:s22], $0x2FFFF;
	_ =	strace $0x9FFFFFFF  }
0xd8: {  	(tm) =	ssettm $0x7FFFFFFF  }
0xd9: {  	_ =	shalt  }
tec
execute0_lowered:
.L_overlay_start_1:
0x0: {  	(tag) =	ssettag $0x1  }
0x1: {  	s0 =	rddreg [dreg:$0x0]  }
0x2: {  	s5 =	rddreg [dreg:$0x1];
	s1 =	srdreg.scid  }
0x3: {  	s3 =	rddreg [dreg:$0x2];
	s2 =	stileid.u32  }
0x4: {  	s4 =	simm.s32 $0x0;
	s15 =	simm.s32 $0x2C00;
	s16 =	simm.s32 $0x2C80  }
0x5: {  	s17 =	simm.s32 $0x80;
	s18 =	simm.s32 $0x2D00;
	s8 =	smul.u32 $0x2C00, s2  }
0x6: {  	s19 =	simm.s32 $0x6D00;
	s20 =	simm.s32 $0x1;
	s9 =	smul.u32 $0x13C00, s2  }
0x7: {  	s21 =	simm.s32 $0x2;
	s22 =	simm.s32 $0x3;
	s26 =	smul.u32 $0x4F000, s2  }
0x8: {  	s23 =	simm.s32 $0x4;
	s24 =	simm.s32 $0x0;
	s13 =	smul.u32 $0x2900, s2  }
0x9: {  	s6 =	sand.u32 $0x1, s1;
	s1 =	rddreg [dreg:$0x3];
	s30 =	smul.u32 $0x520, s2  }
0xa: {  	[smem:$0x7FF] =	sst s4;
	s11 =	sadd.s32 $0x9E00, s5;
	s7 =	smul.u32 $0x2C000, s6  }
0xb: {  	s31 =	sshll.u32 s2, $0x6;
	s10 =	smul.u32 $0x13C000, s6;
	s6 =	ssub.s32 $0x2, s6  }
0xc: {  	_ =	strace $0x80000056;
	s25 =	sshrl.u32 s9, $0x3;
	s12 =	sshrl.u32 s6, $0x1  }
0xd: {  	s28 =	sshrl.u32 s26, $0x2;
	s29 =	sshrl.u32 s13, $0x3;
	s13 =	sor.u32 $0x1C05, s31  }
0xe: {  	s7 =	sadd.s32 s8, s7;
	s8 =	sadd.s32 s25, s5;
	s9 =	sadd.s32 s9, s10  }
0xf: {  	s12 =	ssub.s32 s6, s12;
	s14 =	sadd.s32 s28, s3;
	s7 =	sshrl.u32 s7, $0x3  }
0x10: {  	s9 =	sshrl.u32 s9, $0x3;
	s6 =	sadd.s32 $0x1A000, s8;
	s10 =	smax.u32 s12, $0x1  }
0x11: {  	s12 =	simm.s32 $0x5;
	s14 =	sshrl.u32 s14, $0x3;
	s7 =	sadd.s32 s7, s5  }
0x12: {  	s9 =	sadd.s32 s9, s5;
	s5 =	sadd.s32 $0xF000, s7;
	s7 =	sadd.s32 s11, s29  }
0x13: {  	s9 =	sadd.s32 $0xF0200, s9;
	s11 =	sadd.s32 s30, s11;
	s8 =	sadd.s32 $0x10, s7  }
.LBB2_1:
0x14: {  	[tilespmem:s4], [sflag:$0x5] =	stream.linear.gather [hbm4b:s5+s4], $0x2900, $0x38;
	[tilespmem:$0x1E900] =	vst v63  }
0x15: {  	_ =	swait.ge [sflag:s12], $0x2900  }
0x16: {  	[sflag:s12] =	ssyncset.done $0x0  }
0x17: {  	[sflag:s12] =	ssyncadd.s32 $0xFFFFD700  }
0x18: {  	[spmem:s14], [sflag:s13] =	dma.local [hbm:s6], $0x2780  }
0x19: {  	_ =	swait.ge [sflag:s12], $0x2780  }
0x1a: {  	[sflag:s12] =	ssyncset.done $0x0  }
0x1b: {  	[sflag:s12] =	ssyncadd.s32 $0xFFFFD880  }
0x1c: {  	[bflag:$0x0] =	sbarrier.arrive $0xFFFF  }
0x1d: {  	[tilespmem:s15], [sflag:$0x2] =	stream.linear.gather [hbm4b:s7+s4], $0x80, $0x38;
	[tilespmem:$0x1E900] =	vst v63  }
0x1e: {  	_ = 	snop  }
0x1f: {  	[tilespmem:s16], [sflag:$0x4] =	stream.linear.gather [hbm4b:s8+s4], $0x80, $0x38;
	[tilespmem:$0x1E900] =	vst v63  }
0x20: {  	_ = 	snop  }
0x21: {  	[tilespmem:s18], [sflag:$0x1] =	stream.indirect.gather [hbm4b:s0+s17], $0x80, s4, s17, $0xb8;
	[tilespmem:$0x1E900] =	vst v63  }
0x22: {  	_ = 	snop  }
0x23: {  	[tilespmem:s19], [sflag:$0x3] =	stream.indirect.gather [hbm4b:s0+s17], $0x80, s17, s17, $0xb8;
	[tilespmem:$0x1E900] =	vst v63  }
0x24: {  	_ =	swait.ge [sflag:s20], $0x4000  }
0x25: {  	[sflag:s20] =	ssyncset.done $0x0  }
0x26: {  	[sflag:s20] =	ssyncadd.s32 $0xFFFFC000  }
0x27: {  	_ =	swait.ge [sflag:s21], $0x80  }
0x28: {  	[sflag:s21] =	ssyncset.done $0x0  }
0x29: {  	[sflag:s21] =	ssyncadd.s32 $0xFFFFFF80  }
0x2a: {  	[spmem:s3] =	stream.indirect.scatter.add.f32 [tilespmem:s18], [sflag:$0x5], $0x80, s15, s17, $0xb8;
	[tilespmem:$0x1E900] =	vst v63  }
0x2b: {  	_ =	swait.ge [sflag:s12], $0x4000  }
0x2c: {  	[sflag:s12] =	ssyncset.done $0x0  }
0x2d: {  	s25 =	simm.s32 $0x100;
	s26 =	sadd.s32 $0xFFFFFB00, s11;
	[sflag:s12] =	ssyncadd.s32 $0xFFFFC000  }
0x2e: {  	[tilespmem:s18], [sflag:$0x1] =	stream.indirect.gather [hbm4b:s0+s17], $0x80, s25, s17, $0xb8;
	[tilespmem:$0x1E900] =	vst v63  }
0x2f: {  	s30 =	sadd.s32 $0x520, s26  }
0x30: {  	[tilespmem:s15], [sflag:$0x2] =	stream.linear.gather [hbm4b:s30+s4], $0x80, $0x38;
	[tilespmem:$0x1E900] =	vst v63  }
0x31: {  	_ =	swait.ge [sflag:s22], $0x4000  }
0x32: {  	[sflag:s22] =	ssyncset.done $0x0  }
0x33: {  	[sflag:s22] =	ssyncadd.s32 $0xFFFFC000  }
0x34: {  	_ =	swait.ge [sflag:s23], $0x80  }
0x35: {  	[sflag:s23] =	ssyncset.done $0x0  }
0x36: {  	[sflag:s23] =	ssyncadd.s32 $0xFFFFFF80  }
0x37: {  	[spmem:s3] =	stream.indirect.scatter.add.f32 [tilespmem:s19], [sflag:$0x5], $0x80, s16, s17, $0xb8;
	[tilespmem:$0x1E900] =	vst v63  }
0x38: {  	_ =	swait.ge [sflag:s12], $0x4000  }
0x39: {  	s31 =	simm.s32 $0x180;
	s28 =	sadd.s32 $0x530, s26;
	[sflag:s12] =	ssyncset.done $0x0  }
0x3a: {  	s26 =	simm.s32 $0x280;
	s25 =	simm.s32 $0xFFFFFB20;
	[sflag:s12] =	ssyncadd.s32 $0xFFFFC000  }
0x3b: {  	[tilespmem:s19], [sflag:$0x3] =	stream.indirect.gather [hbm4b:s0+s17], $0x80, s31, s17, $0xb8;
	[tilespmem:$0x1E900] =	vst v63  }
.LBB2_2:
0x3c: {  	[tilespmem:s16], [sflag:$0x4] =	stream.linear.gather [hbm4b:s28+s4], $0x80, $0x38;
	[tilespmem:$0x1E900] =	vst v63  }
0x3d: {  	s28 =	smov.u32 s25  }
0x3e: {  	p0 =	sne.s32 s25, $0xFFFFFFE0;
	s25 =	sadd.s32 $0x20, s25;
	_ =	swait.ge [sflag:s20], $0x4000  }
0x3f: {  	[sflag:s20] =	ssyncset.done $0x0  }
0x40: {  	[sflag:s20] =	ssyncadd.s32 $0xFFFFC000  }
0x41: {  	_ =	swait.ge [sflag:s21], $0x80  }
0x42: {  	[sflag:s21] =	ssyncset.done $0x0  }
0x43: {  	[sflag:s21] =	ssyncadd.s32 $0xFFFFFF80  }
0x44: {  	[spmem:s3] =	stream.indirect.scatter.add.f32 [tilespmem:s18], [sflag:$0x5], $0x80, s15, s17, $0xb8;
	[tilespmem:$0x1E900] =	vst v63  }
0x45: {  	_ =	swait.ge [sflag:s12], $0x4000  }
0x46: {  	[sflag:s12] =	ssyncset.done $0x0  }
0x47: {  	s29 =	sadd.s32 $0xFFFFFF80, s26;
	s28 =	sadd.s32 s28, s11;
	[sflag:s12] =	ssyncadd.s32 $0xFFFFC000  }
0x48: {  	[tilespmem:s18], [sflag:$0x1] =	stream.indirect.gather [hbm4b:s0+s17], $0x80, s29, s17, $0xb8;
	[tilespmem:$0x1E900] =	vst v63  }
0x49: {  	s29 =	sadd.s32 $0x520, s28  }
0x4a: {  	[tilespmem:s15], [sflag:$0x2] =	stream.linear.gather [hbm4b:s29+s4], $0x80, $0x38;
	[tilespmem:$0x1E900] =	vst v63  }
0x4b: {  	_ =	swait.ge [sflag:s22], $0x4000  }
0x4c: {  	[sflag:s22] =	ssyncset.done $0x0  }
0x4d: {  	[sflag:s22] =	ssyncadd.s32 $0xFFFFC000  }
0x4e: {  	_ =	swait.ge [sflag:s23], $0x80  }
0x4f: {  	[sflag:s23] =	ssyncset.done $0x0  }
0x50: {  	[sflag:s23] =	ssyncadd.s32 $0xFFFFFF80  }
0x51: {  	[spmem:s3] =	stream.indirect.scatter.add.f32 [tilespmem:s19], [sflag:$0x5], $0x80, s16, s17, $0xb8;
	[tilespmem:$0x1E900] =	vst v63  }
.Ltmp0:
0x52: {  	_ =	swait.ge [sflag:s12], $0x4000;
	(pc) =	sbr.rel @p0 .LBB2_2-.Ltmp0, $4  }
0x53: {  	[sflag:s12] =	ssyncset.done $0x0  }
0x54: {  	[sflag:s12] =	ssyncadd.s32 $0xFFFFC000  }
0x55: {  	[tilespmem:s19], [sflag:$0x3] =	stream.indirect.gather [hbm4b:s0+s17], $0x80, s26, s17, $0xb8;
	[tilespmem:$0x1E900] =	vst v63  }
0x56: {  	s28 =	sadd.s32 $0x530, s28;
	s26 =	sadd.s32 $0x100, s26  }
0x57: {  	[tilespmem:s16], [sflag:$0x4] =	stream.linear.gather [hbm4b:s28+s4], $0x80, $0x38;
	[tilespmem:$0x1E900] =	vst v63  }
0x58: {  	_ =	swait.ge [sflag:s20], $0x4000  }
0x59: {  	[sflag:s20] =	ssyncset.done $0x0  }
0x5a: {  	[sflag:s20] =	ssyncadd.s32 $0xFFFFC000  }
0x5b: {  	_ =	swait.ge [sflag:s22], $0x4000  }
0x5c: {  	[sflag:s22] =	ssyncset.done $0x0  }
0x5d: {  	[sflag:s22] =	ssyncadd.s32 $0xFFFFC000  }
0x5e: {  	_ =	swait.ge [sflag:s21], $0x80  }
0x5f: {  	[sflag:s21] =	ssyncset.done $0x0  }
0x60: {  	[sflag:s21] =	ssyncadd.s32 $0xFFFFFF80  }
0x61: {  	_ =	swait.ge [sflag:s23], $0x80  }
0x62: {  	s24 =	sadd.s32 $0x1, s24;
	[sflag:s23] =	ssyncset.done $0x0  }
0x63: {  	p0 =	sne.s32 s24, s10;
	[sflag:s23] =	ssyncadd.s32 $0xFFFFFF80  }
.Ltmp1:
0x64: {  	[bflag:$0x0] =	sbarrier.arrive $0xFFFF;
	(pc) =	sbr.rel @p0 .LBB2_1-.Ltmp1, $4  }
0x65: {  	[hbm:s9], [sflag:s13] =	dma.local [spmem:s14], $0x2780  }
0x66: {  	_ =	swait.ge [sflag:s12], $0x2780  }
0x67: {  	[sflag:s12] =	ssyncset.done $0x0  }
0x68: {  	[sflag:s12] =	ssyncadd.s32 $0xFFFFD880  }
0x69: {  	_ =	sfence.sel $0x180000  }
0x6a: {  	[bflag:$0x0] =	sbarrier.arrive $0xFFFF  }
0x6b: {  	p0 =	sne.s32 s2, $0x0;
	_ =	strace $0x90000056  }
0x6c: {  	s0 =	sadd.s32 @!p0 $0x100000, s1;
	[bflag:$0x2] =	sbarrier.arrive $0xFFFF  }
0x6d: {  	[sflag:s0] =	ssyncadd.tile.s32 @!p0 $0x1;
	_ =	shalt  }
.Lfunc_end2:
_tile_overlayer_lowered:
.L_overlay_start_2:
0x6e: {  	(tag) =	ssettag $0x2  }
0x6f: {  	s0 =	rddreg [dreg:$0x0];
	s2 =	stileid.u32  }
0x70: {  	s1 =	rddreg [dreg:$0x1];
	p0 =	sne.s32 s2, $0x0  }
0x71: {  	s3 =	rddreg [dreg:$0x2];
	[bflag:$0x3] =	sbarrier.arrive $0xFFFF;
	s2 =	simm.s32 @!p0 $0x1C05  }
0x72: {  	[timem:s3], [sflag:s2] =	dma.local @!p0 [hbm:s0], s1  }
0x73: {  	s0 =	simm.s32 @!p0 $0x5  }
0x74: {  	_ =	swait.ge @!p0 [sflag:s0], s1  }
0x75: {  	s1 =	ssub.s32 @!p0 $0x0, s1;
	[sflag:s0] =	ssyncset.done @!p0 $0x0  }
0x76: {  	[sflag:s0] =	ssyncadd.s32 @!p0 s1  }
0x77: {  	[bflag:$0x3] =	sbarrier.arrive $0xFFFF  }
0x78: {  	_ =	shalt  }

// kernel: kernel.45.cloned.1.call-start
scs
__scs_entry_jumppad:
0x0: {  	(pc) =	sbr.rel $0x88, $3  }
0x1: {  	(tag) =	ssettag $0x0;
	lr =	simm.s32 $0x1  }
0x2: {  	[smem:$0x3F84] =	sst lr;
	_ =	strace $0xD0000000  }
0x3: {  	_ = 	snop  }
0x4: {  	_ = 	snop  }
0x5: {  	_ = 	snop  }
0x6: {  	_ = 	snop  }
0x7: {  	_ = 	snop  }
__scs_overlays_trampoline_lowered:
0x8: {  	[smem:$0x3F93] =	sst s0  }
0x9: {  	[smem:$0x3F94] =	sst s1  }
0xa: {  	[smem:$0x3F95] =	sst s2  }
0xb: {  	[smem:$0x3F96] =	sst s3  }
0xc: {  	[smem:$0x3F97] =	sst s4  }
0xd: {  	[smem:$0x3F98] =	sst s5  }
0xe: {  	[smem:$0x3F99] =	sst s6  }
0xf: {  	[smem:$0x3F9A] =	sst s7  }
0x10: {  	[smem:$0x3F9B] =	sst s8  }
0x11: {  	[smem:$0x3F9C] =	sst s9;
	s0 =	simm.s32 @!p0 $0x0  }
0x12: {  	s1 =	sld [smem:$0x3F82];
	s0 =	simm.s32 @p0 $0x1  }
0x13: {  	[smem:$0x3F9D] =	sst s0;
	s0 =	simm.s32 @!p1 $0x0  }
0x14: {  	s2 =	sld [smem:$0x3F81];
	s0 =	simm.s32 @p1 $0x1  }
0x15: {  	[smem:$0x3F9E] =	sst s0;
	s0 =	simm.s32 @!p2 $0x0  }
0x16: {  	s3 =	sld [smem:$0x3FDB];
	s0 =	simm.s32 @p2 $0x1  }
0x17: {  	s4 =	simm.s32 $0x1BF5;
	[smem:$0x3FA0] =	sst s0  }
0x18: {  	s0 =	sld [smem:$0x3F83];
	_ =	swait.ge [sflag:s4], $0x0  }
0x19: {  	s7 =	sld [smem:$0x3F84]  }
0x1a: {  	s8 =	sadd.s32 $0xFFFFE003, lr  }
0x1b: {  	s9 =	sadd.s32 $0xFFFFFEF7, lr;
	s5 =	simm.s32 $0xFFFFFFFF;
	p2 =	slt.u32 s8, $0xFFFFF086  }
0x1c: {  	p1 =	slt.u32 s9, $0xF7A;
	s5 =	simm.s32 @!p2 $0x0  }
0x1d: {  	s5 =	simm.s32 @p1 $0x1;
	p0 =	seq.s32 s7, s2  }
0x1e: {  	s7 =	smul.u32 @!p0 $0xF7A, s2;
	p2 =	seq.s32 @!p0 s5, $0x0  }
0x1f: {  	s9 =	smul.u32 $0xF7A, s1;
	s8 =	simm.s32 @!p0 $0x1BF5;
	p2 =	por !p2, p0  }
0x20: {  	[sflag:s8] =	ssyncset.s32 @!p0 $0xFFFFF086;
	s6 =	sadd.s32 @!p0 s3, s7;
	s7 =	simm.s32 @!p0 $0x108  }
0x21: {  	s3 =	sadd.s32 s3, s9;
	s6 =	sadd.s32 @!p0 $0x88, s6;
	s7 =	simm.s32 @p2 $0x1082  }
0x22: {  	[simem:s7], [sflag:s8] =	dma.local @!p0 [hbm:s6], $0xF7A  }
0x23: {  	s9 =	sor.u32 $0xD0000000, s2;
	s6 =	simm.s32 $0x108;
	_ =	swait.ge @!p0 [sflag:s8], $0x0  }
0x24: {  	s3 =	sadd.s32 $0x88, s3;
	s6 =	simm.s32 @!p1 $0x1082;
	[sflag:s4] =	ssyncset.s32 $0xFFFFF086  }
0x25: {  	[simem:s6], [sflag:s4] =	dma.local [hbm:s3], $0xF7A  }
0x26: {  	[smem:$0x3F84] =	sst s1;
	(tag) =	ssettag s2;
	_ =	strace s9  }
0x27: {  	s1 =	sld [smem:$0x3F94]  }
0x28: {  	s2 =	sld [smem:$0x3F95]  }
0x29: {  	s4 =	sld [smem:$0x3F97]  }
0x2a: {  	p0 =	seq.s32 s5, $0x0;
	s5 =	sld [smem:$0x3F98]  }
0x2b: {  	s6 =	sld [smem:$0x3F99]  }
0x2c: {  	s7 =	sld [smem:$0x3F9A]  }
0x2d: {  	s3 =	simm.s32 $0x108;
	s8 =	sld [smem:$0x3F9B]  }
0x2e: {  	s3 =	simm.s32 @!p0 $0x1082;
	s9 =	sld [smem:$0x3F9C]  }
0x2f: {  	lr =	sadd.s32 s0, s3;
	s0 =	sld [smem:$0x3F93]  }
0x30: {  	s3 =	sld [smem:$0x3F96]  }
0x31: {  	[smem:$0x3F9F] =	sst s10  }
0x32: {  	s10 =	sld [smem:$0x3F9D];
	_ =	sdelay $0x3  }
0x33: {  	p0 =	seq.s32 s10, $0x1;
	s10 =	sld [smem:$0x3F9F];
	_ =	sdelay $0x3  }
0x34: {  	[smem:$0x3F9F] =	sst s10  }
0x35: {  	s10 =	sld [smem:$0x3F9E];
	_ =	sdelay $0x3  }
0x36: {  	p1 =	seq.s32 s10, $0x1;
	s10 =	sld [smem:$0x3F9F];
	_ =	sdelay $0x3  }
0x37: {  	[smem:$0x3F9F] =	sst s10  }
0x38: {  	s10 =	sld [smem:$0x3FA0]  }
0x39: {  	_ = 	snop;
	(pc) =	sbr.ind lr, $3  }
0x3a: {  	_ = 	snop  }
0x3b: {  	_ = 	snop  }
0x3c: {  	p2 =	seq.s32 s10, $0x1;
	s10 =	sld [smem:$0x3F9F]  }
0x3d: {  	_ =	shalt  }
0x3e: {  	_ =	shalt  }
0x3f: {  	_ =	shalt  }
0x40: {  	_ =	shalt  }
0x41: {  	_ =	shalt  }
0x42: {  	_ =	shalt  }
0x43: {  	_ =	shalt  }
0x44: {  	_ =	shalt  }
0x45: {  	_ =	shalt  }
0x46: {  	_ =	shalt  }
0x47: {  	_ =	shalt  }
0x48: {  	_ =	shalt  }
0x49: {  	_ =	shalt  }
0x4a: {  	_ =	shalt  }
0x4b: {  	_ =	shalt  }
0x4c: {  	_ =	shalt  }
0x4d: {  	_ =	shalt  }
0x4e: {  	_ =	shalt  }
0x4f: {  	_ =	shalt  }
0x50: {  	_ =	shalt  }
0x51: {  	_ =	shalt  }
0x52: {  	_ =	shalt  }
0x53: {  	_ =	shalt  }
0x54: {  	_ =	shalt  }
0x55: {  	_ =	shalt  }
0x56: {  	_ =	shalt  }
0x57: {  	_ =	shalt  }
0x58: {  	_ =	shalt  }
0x59: {  	_ =	shalt  }
0x5a: {  	_ =	shalt  }
0x5b: {  	_ =	shalt  }
0x5c: {  	_ =	shalt  }
0x5d: {  	_ =	shalt  }
0x5e: {  	_ =	shalt  }
0x5f: {  	_ =	shalt  }
0x60: {  	_ =	shalt  }
0x61: {  	_ =	shalt  }
0x62: {  	_ =	shalt  }
0x63: {  	_ =	shalt  }
0x64: {  	_ =	shalt  }
0x65: {  	_ =	shalt  }
0x66: {  	_ =	shalt  }
0x67: {  	_ =	shalt  }
0x68: {  	_ =	shalt  }
0x69: {  	_ =	shalt  }
0x6a: {  	_ =	shalt  }
0x6b: {  	_ =	shalt  }
0x6c: {  	_ =	shalt  }
0x6d: {  	_ =	shalt  }
0x6e: {  	_ =	shalt  }
0x6f: {  	_ =	shalt  }
0x70: {  	_ =	shalt  }
0x71: {  	_ =	shalt  }
0x72: {  	_ =	shalt  }
0x73: {  	_ =	shalt  }
0x74: {  	_ =	shalt  }
0x75: {  	_ =	shalt  }
0x76: {  	_ =	shalt  }
0x77: {  	_ =	shalt  }
0x78: {  	_ =	shalt  }
0x79: {  	_ =	shalt  }
0x7a: {  	_ =	shalt  }
0x7b: {  	_ =	shalt  }
0x7c: {  	_ =	shalt  }
0x7d: {  	_ =	shalt  }
0x7e: {  	_ =	shalt  }
0x7f: {  	_ =	shalt  }
0x80: {  	_ =	shalt  }
0x81: {  	_ =	shalt  }
0x82: {  	_ =	shalt  }
0x83: {  	_ =	shalt  }
0x84: {  	_ =	shalt  }
0x85: {  	_ =	shalt  }
0x86: {  	_ =	shalt  }
0x87: {  	_ =	shalt  }
.Lfunc_end0:
.L_simem_size_0:
called_computation.5_lowered:
.L_overlay_start_0:
0x88: {  	s2 =	sld [smem:$0x3FD9]  }
0x89: {  	s3 =	sld [smem:$0x3FFE];
	_ =	sdelay $0x1  }
0x8a: {  	s1 =	srdreg.scid  }
0x8b: {  	s0 =	sand.u32 $0x1, s1  }
0x8c: {  	s15 =	sshll.u32 s0, $0xA;
	s2 =	sadd.s32 s3, s2  }
0x8d: {  	s2 =	sadd.s32 s2, s15  }
0x8e: {  	[smem:$0x3FAB] =	sst s2  }
0x8f: {  	_ = 	snop  }
0x90: {  	s2 =	sld [smem:$0x3FD0];
	_ =	sdelay $0x2  }
0x91: {  	s16 =	simm.s32 $0xD;
	s4 =	simm.s32 $0x10  }
0x92: {  	[smem:s4], [sflag:s16] =	dma.local [hbm:s2], $0x1  }
0x93: {  	_ =	swait.eq [sflag:s16], $0x1  }
0x94: {  	[sflag:s16] =	ssyncset.done $0x0  }
0x95: {  	[sflag:s16] =	ssyncadd.s32 $0xFFFFFFFF  }
0x96: {  	s17 =	sld [smem:$0x13];
	(tm) =	ssettm $0x1  }
0x97: {  	s18 =	sld [smem:$0x3FFB];
	_ =	sdelay $0x3  }
0x98: {  	_ =	strace s18  }
0x99: {  	s2 =	sld [smem:$0x3FFC];
	_ =	sdelay $0x3  }
0x9a: {  	_ =	strace s2  }
0x9b: {  	s2 =	sld [smem:$0x3FFD];
	_ =	sdelay $0x3  }
0x9c: {  	_ =	strace s2  }
0x9d: {  	_ =	strace $0x8FFFFFFF  }
0x9e: {  	s19 =	sld [smem:$0x3FDB];
	_ =	sdelay $0x1  }
0x9f: {  	s20 =	simm.s32 $_scs_section_size  }
0xa0: {  	s5 =	simm.s32 $_size__tile_overlayer_lowered;
	s6 =	simm.s32 $_tile_overlayer_lowered  }
0xa1: {  	s7 =	simm.s32 $0x1BFF;
	s21 =	sshll.u32 s6, $0x1;
	s4 =	sadd.s32 s20, s19  }
0xa2: {  	s22 =	simm.s32 $0x0;
	s5 =	sshll.u32 s5, $0x1;
	s6 =	sadd.s32 s21, s4  }
0xa3: {  	[timem:s22], [sflag:s7] =	dma.local [hbm:s6], s5  }
0xa4: {  	_ =	swait.ge [sflag:s7], s5  }
0xa5: {  	s5 =	ssub.s32 $0x0, s5;
	[sflag:s7] =	ssyncset.done $0x0  }
0xa6: {  	[sflag:s7] =	ssyncadd.s32 s5;
	_ =	sdelay $0x1  }
0xa7: {  	s23 =	simm.s32 $0x1B8B  }
0xa8: {  	_ =	swait.ge [sflag:s23], $0x1  }
0xa9: {  	[sflag:s23] =	ssyncset.done $0x0  }
0xaa: {  	[sflag:s23] =	ssyncadd.s32 $0xFFFFFFFF  }
0xab: {  	s5 =	sld [smem:$0x0]  }
0xac: {  	s6 =	sand.u32 $0xFFFFFFFE, s1  }
0xad: {  	p0 =	sne.s32 s1, s6  }
0xae: {  	s6 =	sshll.u32 @p0 s6, $0xE  }
0xaf: {  	s6 =	sadd.s32 @p0 $0x11B8D, s6;
	s7 =	sshll.u32 @p0 s5, $0x11  }
0xb0: {  	s6 =	sor.u32 @p0 s7, s6  }
0xb1: {  	[sflag:s6] =	ssyncadd.remote.s32 @p0 $0x1;
	_ =	sdelay $0x1  }
0xb2: {  	s6 =	simm.s32 @p0 $0x1B8D  }
0xb3: {  	_ =	swait.eq @p0 [sflag:s6], $0x1  }
0xb4: {  	[sflag:s6] =	ssyncadd.s32 @p0 $0xFFFFFFFF  }
0xb5: {  	s7 =	sshll.u32 @!p0 s1, $0xE  }
0xb6: {  	s7 =	sor.u32 @!p0 $0x4000, s7;
	s6 =	simm.s32 @!p0 $0x1B8D  }
0xb7: {  	s5 =	sshll.u32 @!p0 s5, $0x11;
	s7 =	sadd.s32 @!p0 $0x11B8D, s7;
	_ =	swait.eq @!p0 [sflag:s6], $0x1  }
0xb8: {  	s5 =	sor.u32 @!p0 s5, s7;
	[sflag:s6] =	ssyncadd.s32 @!p0 $0xFFFFFFFF  }
0xb9: {  	s25 =	simm.s32 $0x1B8E;
	s24 =	sld [smem:$0x3FFE];
	[sflag:s5] =	ssyncadd.remote.s32 @!p0 $0x1  }
0xba: {  	s26 =	simm.s32 $execute0_lowered;
	[smem:$0x3FD2] =	sst s25  }
0xbb: {  	s6 =	sshll.u32 s26, $0x1;
	_ =	strace $0x80000052;
	[dreg:$0x1] =	wrdreg $0xFFFFFFFF  }
0xbc: {  	s28 =	simm.s32 $_size_execute0_lowered;
	s4 =	sadd.s32 s4, s6;
	[dreg:$0x0] =	wrdreg $0x0  }
0xbd: {  	s6 =	sshll.u32 s28, $0x1;
	[dreg:$0x2] =	wrdreg s4  }
0xbe: {  	[dreg:$0x3] =	wrdreg s6  }
0xbf: {  	[dreg:$0x4] =	wrdreg $0xC0  }
0xc0: {  	_ =	task [dreg:s22], $0x5FFFF  }
0xc1: {  	[dreg:$0x1] =	wrdreg $0xFFFFFFFF  }
0xc2: {  	[dreg:$0x0] =	wrdreg $0x60  }
0xc3: {  	[dreg:$0x2] =	wrdreg s17  }
0xc4: {  	[dreg:$0x3] =	wrdreg s24  }
0xc5: {  	[dreg:$0x4] =	wrdreg $0xAD000  }
0xc6: {  	[dreg:$0x5] =	wrdreg $0xB  }
0xc7: {  	_ =	task.clear_ibuf [dreg:s22], $0x6FFFF;
	_ =	strace $0x90000052  }
0xc8: {  	s29 =	simm.s32 $0xB;
	_ =	strace $0x80000054  }
0xc9: {  	_ =	swait.ge [sflag:s29], $0x1  }
0xca: {  	[sflag:s29] =	ssyncadd.s32 $0xFFFFFFFF  }
0xcb: {  	_ =	strace $0x90000054  }
0xcc: {  	_ =	sfence  }
0xcd: {  	s30 =	sld [smem:$0x0];
	_ =	sdelay $0x2  }
0xce: {  	s31 =	sshll.u32 s1, $0xD;
	s1 =	sshrl.u32 s1, $0x2  }
0xcf: {  	s4 =	sand.u32 $0x4000, s31;
	s1 =	sadd.s32 s1, s30  }
0xd0: {  	s0 =	sor.u32 s4, s0;
	s1 =	sshll.u32 s1, $0x11  }
0xd1: {  	s0 =	sor.u32 s1, s0  }
0xd2: {  	s0 =	sadd.s32 $0x8F2B, s0  }
0xd3: {  	[sflag:s0] =	ssyncadd.remote.s32 $0x1  }
0xd4: {  	_ =	sfence.sel $0xFFFF  }
0xd5: {  	[dreg:$0x0] =	wrdreg $0xFFFFFFFF;
	(pc) =	sbr.abs _section_cstart, $3  }
0xd6: {  	[dreg:$0x1] =	wrdreg $0xFFFFFFFF  }
0xd7: {  	_ =	task.clear_ibuf [dreg:s22], $0x2FFFF;
	_ =	strace $0x9FFFFFFF  }
0xd8: {  	(tm) =	ssettm $0x7FFFFFFF  }
0xd9: {  	_ =	shalt  }
tec
execute0_lowered:
.L_overlay_start_1:
0x0: {  	(tag) =	ssettag $0x1  }
0x1: {  	s0 =	rddreg [dreg:$0x0]  }
0x2: {  	s5 =	rddreg [dreg:$0x1];
	s1 =	srdreg.scid  }
0x3: {  	s3 =	rddreg [dreg:$0x2];
	s2 =	stileid.u32  }
0x4: {  	s4 =	simm.s32 $0x0;
	s15 =	simm.s32 $0x2C00;
	s16 =	simm.s32 $0x2C80  }
0x5: {  	s17 =	simm.s32 $0x80;
	s18 =	simm.s32 $0x2D00;
	s8 =	smul.u32 $0x2C00, s2  }
0x6: {  	s19 =	simm.s32 $0x6D00;
	s20 =	simm.s32 $0x1;
	s9 =	smul.u32 $0x13C00, s2  }
0x7: {  	s21 =	simm.s32 $0x2;
	s22 =	simm.s32 $0x3;
	s26 =	smul.u32 $0x4F000, s2  }
0x8: {  	s23 =	simm.s32 $0x4;
	s24 =	simm.s32 $0x0;
	s13 =	smul.u32 $0x2900, s2  }
0x9: {  	s6 =	sand.u32 $0x1, s1;
	s1 =	rddreg [dreg:$0x3];
	s30 =	smul.u32 $0x520, s2  }
0xa: {  	[smem:$0x7FF] =	sst s4;
	s11 =	sadd.s32 $0xB8800, s5;
	s7 =	smul.u32 $0x2C000, s6  }
0xb: {  	s31 =	sshll.u32 s2, $0x6;
	s10 =	smul.u32 $0x13C000, s6;
	s6 =	ssub.s32 $0x2, s6  }
0xc: {  	_ =	strace $0x80000053;
	s25 =	sshrl.u32 s9, $0x3;
	s12 =	sshrl.u32 s6, $0x1  }
0xd: {  	s28 =	sshrl.u32 s26, $0x2;
	s29 =	sshrl.u32 s13, $0x3;
	s13 =	sor.u32 $0x1C05, s31  }
0xe: {  	s7 =	sadd.s32 s8, s7;
	s8 =	sadd.s32 s25, s5;
	s9 =	sadd.s32 s9, s10  }
0xf: {  	s12 =	ssub.s32 s6, s12;
	s14 =	sadd.s32 s28, s3;
	s7 =	sshrl.u32 s7, $0x3  }
0x10: {  	s9 =	sshrl.u32 s9, $0x3;
	s6 =	sadd.s32 $0x1A000, s8;
	s10 =	smax.u32 s12, $0x1  }
0x11: {  	s12 =	simm.s32 $0x5;
	s14 =	sshrl.u32 s14, $0x3;
	s7 =	sadd.s32 s7, s5  }
0x12: {  	s9 =	sadd.s32 s9, s5;
	s5 =	sadd.s32 $0xE5200, s7;
	s7 =	sadd.s32 s11, s29  }
0x13: {  	s9 =	sadd.s32 $0x13F200, s9;
	s11 =	sadd.s32 s30, s11;
	s8 =	sadd.s32 $0x10, s7  }
.LBB2_1:
0x14: {  	[tilespmem:s4], [sflag:$0x5] =	stream.linear.gather [hbm4b:s5+s4], $0x2900, $0x38;
	[tilespmem:$0x1E900] =	vst v63  }
0x15: {  	_ =	swait.ge [sflag:s12], $0x2900  }
0x16: {  	[sflag:s12] =	ssyncset.done $0x0  }
0x17: {  	[sflag:s12] =	ssyncadd.s32 $0xFFFFD700  }
0x18: {  	[spmem:s14], [sflag:s13] =	dma.local [hbm:s6], $0x2780  }
0x19: {  	_ =	swait.ge [sflag:s12], $0x2780  }
0x1a: {  	[sflag:s12] =	ssyncset.done $0x0  }
0x1b: {  	[sflag:s12] =	ssyncadd.s32 $0xFFFFD880  }
0x1c: {  	[bflag:$0x0] =	sbarrier.arrive $0xFFFF  }
0x1d: {  	[tilespmem:s15], [sflag:$0x2] =	stream.linear.gather [hbm4b:s7+s4], $0x80, $0x38;
	[tilespmem:$0x1E900] =	vst v63  }
0x1e: {  	_ = 	snop  }
0x1f: {  	[tilespmem:s16], [sflag:$0x4] =	stream.linear.gather [hbm4b:s8+s4], $0x80, $0x38;
	[tilespmem:$0x1E900] =	vst v63  }
0x20: {  	_ = 	snop  }
0x21: {  	[tilespmem:s18], [sflag:$0x1] =	stream.indirect.gather [hbm4b:s0+s17], $0x80, s4, s17, $0xb8;
	[tilespmem:$0x1E900] =	vst v63  }
0x22: {  	_ = 	snop  }
0x23: {  	[tilespmem:s19], [sflag:$0x3] =	stream.indirect.gather [hbm4b:s0+s17], $0x80, s17, s17, $0xb8;
	[tilespmem:$0x1E900] =	vst v63  }
0x24: {  	_ =	swait.ge [sflag:s20], $0x4000  }
0x25: {  	[sflag:s20] =	ssyncset.done $0x0  }
0x26: {  	[sflag:s20] =	ssyncadd.s32 $0xFFFFC000  }
0x27: {  	_ =	swait.ge [sflag:s21], $0x80  }
0x28: {  	[sflag:s21] =	ssyncset.done $0x0  }
0x29: {  	[sflag:s21] =	ssyncadd.s32 $0xFFFFFF80  }
0x2a: {  	[spmem:s3] =	stream.indirect.scatter.add.f32 [tilespmem:s18], [sflag:$0x5], $0x80, s15, s17, $0xb8;
	[tilespmem:$0x1E900] =	vst v63  }
0x2b: {  	_ =	swait.ge [sflag:s12], $0x4000  }
0x2c: {  	[sflag:s12] =	ssyncset.done $0x0  }
0x2d: {  	s25 =	simm.s32 $0x100;
	s26 =	sadd.s32 $0xFFFFFB00, s11;
	[sflag:s12] =	ssyncadd.s32 $0xFFFFC000  }
0x2e: {  	[tilespmem:s18], [sflag:$0x1] =	stream.indirect.gather [hbm4b:s0+s17], $0x80, s25, s17, $0xb8;
	[tilespmem:$0x1E900] =	vst v63  }
0x2f: {  	s30 =	sadd.s32 $0x520, s26  }
0x30: {  	[tilespmem:s15], [sflag:$0x2] =	stream.linear.gather [hbm4b:s30+s4], $0x80, $0x38;
	[tilespmem:$0x1E900] =	vst v63  }
0x31: {  	_ =	swait.ge [sflag:s22], $0x4000  }
0x32: {  	[sflag:s22] =	ssyncset.done $0x0  }
0x33: {  	[sflag:s22] =	ssyncadd.s32 $0xFFFFC000  }
0x34: {  	_ =	swait.ge [sflag:s23], $0x80  }
0x35: {  	[sflag:s23] =	ssyncset.done $0x0  }
0x36: {  	[sflag:s23] =	ssyncadd.s32 $0xFFFFFF80  }
0x37: {  	[spmem:s3] =	stream.indirect.scatter.add.f32 [tilespmem:s19], [sflag:$0x5], $0x80, s16, s17, $0xb8;
	[tilespmem:$0x1E900] =	vst v63  }
0x38: {  	_ =	swait.ge [sflag:s12], $0x4000  }
0x39: {  	s31 =	simm.s32 $0x180;
	s28 =	sadd.s32 $0x530, s26;
	[sflag:s12] =	ssyncset.done $0x0  }
0x3a: {  	s26 =	simm.s32 $0x280;
	s25 =	simm.s32 $0xFFFFFB20;
	[sflag:s12] =	ssyncadd.s32 $0xFFFFC000  }
0x3b: {  	[tilespmem:s19], [sflag:$0x3] =	stream.indirect.gather [hbm4b:s0+s17], $0x80, s31, s17, $0xb8;
	[tilespmem:$0x1E900] =	vst v63  }
.LBB2_2:
0x3c: {  	[tilespmem:s16], [sflag:$0x4] =	stream.linear.gather [hbm4b:s28+s4], $0x80, $0x38;
	[tilespmem:$0x1E900] =	vst v63  }
0x3d: {  	s28 =	smov.u32 s25  }
0x3e: {  	p0 =	sne.s32 s25, $0xFFFFFFE0;
	s25 =	sadd.s32 $0x20, s25;
	_ =	swait.ge [sflag:s20], $0x4000  }
0x3f: {  	[sflag:s20] =	ssyncset.done $0x0  }
0x40: {  	[sflag:s20] =	ssyncadd.s32 $0xFFFFC000  }
0x41: {  	_ =	swait.ge [sflag:s21], $0x80  }
0x42: {  	[sflag:s21] =	ssyncset.done $0x0  }
0x43: {  	[sflag:s21] =	ssyncadd.s32 $0xFFFFFF80  }
0x44: {  	[spmem:s3] =	stream.indirect.scatter.add.f32 [tilespmem:s18], [sflag:$0x5], $0x80, s15, s17, $0xb8;
	[tilespmem:$0x1E900] =	vst v63  }
0x45: {  	_ =	swait.ge [sflag:s12], $0x4000  }
0x46: {  	[sflag:s12] =	ssyncset.done $0x0  }
0x47: {  	s29 =	sadd.s32 $0xFFFFFF80, s26;
	s28 =	sadd.s32 s28, s11;
	[sflag:s12] =	ssyncadd.s32 $0xFFFFC000  }
0x48: {  	[tilespmem:s18], [sflag:$0x1] =	stream.indirect.gather [hbm4b:s0+s17], $0x80, s29, s17, $0xb8;
	[tilespmem:$0x1E900] =	vst v63  }
0x49: {  	s29 =	sadd.s32 $0x520, s28  }
0x4a: {  	[tilespmem:s15], [sflag:$0x2] =	stream.linear.gather [hbm4b:s29+s4], $0x80, $0x38;
	[tilespmem:$0x1E900] =	vst v63  }
0x4b: {  	_ =	swait.ge [sflag:s22], $0x4000  }
0x4c: {  	[sflag:s22] =	ssyncset.done $0x0  }
0x4d: {  	[sflag:s22] =	ssyncadd.s32 $0xFFFFC000  }
0x4e: {  	_ =	swait.ge [sflag:s23], $0x80  }
0x4f: {  	[sflag:s23] =	ssyncset.done $0x0  }
0x50: {  	[sflag:s23] =	ssyncadd.s32 $0xFFFFFF80  }
0x51: {  	[spmem:s3] =	stream.indirect.scatter.add.f32 [tilespmem:s19], [sflag:$0x5], $0x80, s16, s17, $0xb8;
	[tilespmem:$0x1E900] =	vst v63  }
.Ltmp0:
0x52: {  	_ =	swait.ge [sflag:s12], $0x4000;
	(pc) =	sbr.rel @p0 .LBB2_2-.Ltmp0, $4  }
0x53: {  	[sflag:s12] =	ssyncset.done $0x0  }
0x54: {  	[sflag:s12] =	ssyncadd.s32 $0xFFFFC000  }
0x55: {  	[tilespmem:s19], [sflag:$0x3] =	stream.indirect.gather [hbm4b:s0+s17], $0x80, s26, s17, $0xb8;
	[tilespmem:$0x1E900] =	vst v63  }
0x56: {  	s28 =	sadd.s32 $0x530, s28;
	s26 =	sadd.s32 $0x100, s26  }
0x57: {  	[tilespmem:s16], [sflag:$0x4] =	stream.linear.gather [hbm4b:s28+s4], $0x80, $0x38;
	[tilespmem:$0x1E900] =	vst v63  }
0x58: {  	_ =	swait.ge [sflag:s20], $0x4000  }
0x59: {  	[sflag:s20] =	ssyncset.done $0x0  }
0x5a: {  	[sflag:s20] =	ssyncadd.s32 $0xFFFFC000  }
0x5b: {  	_ =	swait.ge [sflag:s22], $0x4000  }
0x5c: {  	[sflag:s22] =	ssyncset.done $0x0  }
0x5d: {  	[sflag:s22] =	ssyncadd.s32 $0xFFFFC000  }
0x5e: {  	_ =	swait.ge [sflag:s21], $0x80  }
0x5f: {  	[sflag:s21] =	ssyncset.done $0x0  }
0x60: {  	[sflag:s21] =	ssyncadd.s32 $0xFFFFFF80  }
0x61: {  	_ =	swait.ge [sflag:s23], $0x80  }
0x62: {  	s24 =	sadd.s32 $0x1, s24;
	[sflag:s23] =	ssyncset.done $0x0  }
0x63: {  	p0 =	sne.s32 s24, s10;
	[sflag:s23] =	ssyncadd.s32 $0xFFFFFF80  }
.Ltmp1:
0x64: {  	[bflag:$0x0] =	sbarrier.arrive $0xFFFF;
	(pc) =	sbr.rel @p0 .LBB2_1-.Ltmp1, $4  }
0x65: {  	[hbm:s9], [sflag:s13] =	dma.local [spmem:s14], $0x2780  }
0x66: {  	_ =	swait.ge [sflag:s12], $0x2780  }
0x67: {  	[sflag:s12] =	ssyncset.done $0x0  }
0x68: {  	[sflag:s12] =	ssyncadd.s32 $0xFFFFD880  }
0x69: {  	_ =	sfence.sel $0x180000  }
0x6a: {  	[bflag:$0x0] =	sbarrier.arrive $0xFFFF  }
0x6b: {  	p0 =	sne.s32 s2, $0x0;
	_ =	strace $0x90000053  }
0x6c: {  	s0 =	sadd.s32 @!p0 $0x100000, s1;
	[bflag:$0x2] =	sbarrier.arrive $0xFFFF  }
0x6d: {  	[sflag:s0] =	ssyncadd.tile.s32 @!p0 $0x1;
	_ =	shalt  }
.Lfunc_end2:
_tile_overlayer_lowered:
.L_overlay_start_2:
0x6e: {  	(tag) =	ssettag $0x2  }
0x6f: {  	s0 =	rddreg [dreg:$0x0];
	s2 =	stileid.u32  }
0x70: {  	s1 =	rddreg [dreg:$0x1];
	p0 =	sne.s32 s2, $0x0  }
0x71: {  	s3 =	rddreg [dreg:$0x2];
	[bflag:$0x3] =	sbarrier.arrive $0xFFFF;
	s2 =	simm.s32 @!p0 $0x1C05  }
0x72: {  	[timem:s3], [sflag:s2] =	dma.local @!p0 [hbm:s0], s1  }
0x73: {  	s0 =	simm.s32 @!p0 $0x5  }
0x74: {  	_ =	swait.ge @!p0 [sflag:s0], s1  }
0x75: {  	s1 =	ssub.s32 @!p0 $0x0, s1;
	[sflag:s0] =	ssyncset.done @!p0 $0x0  }
0x76: {  	[sflag:s0] =	ssyncadd.s32 @!p0 s1  }
0x77: {  	[bflag:$0x3] =	sbarrier.arrive $0xFFFF  }
0x78: {  	_ =	shalt  }

// kernel: kernel.48.cloned.1.call-start
scs
__scs_entry_jumppad:
0x0: {  	(pc) =	sbr.rel $0x88, $3  }
0x1: {  	(tag) =	ssettag $0x0;
	lr =	simm.s32 $0x1  }
0x2: {  	[smem:$0x3F84] =	sst lr;
	_ =	strace $0xD0000000  }
0x3: {  	_ = 	snop  }
0x4: {  	_ = 	snop  }
0x5: {  	_ = 	snop  }
0x6: {  	_ = 	snop  }
0x7: {  	_ = 	snop  }
__scs_overlays_trampoline_lowered:
0x8: {  	[smem:$0x3F93] =	sst s0  }
0x9: {  	[smem:$0x3F94] =	sst s1  }
0xa: {  	[smem:$0x3F95] =	sst s2  }
0xb: {  	[smem:$0x3F96] =	sst s3  }
0xc: {  	[smem:$0x3F97] =	sst s4  }
0xd: {  	[smem:$0x3F98] =	sst s5  }
0xe: {  	[smem:$0x3F99] =	sst s6  }
0xf: {  	[smem:$0x3F9A] =	sst s7  }
0x10: {  	[smem:$0x3F9B] =	sst s8  }
0x11: {  	[smem:$0x3F9C] =	sst s9;
	s0 =	simm.s32 @!p0 $0x0  }
0x12: {  	s1 =	sld [smem:$0x3F82];
	s0 =	simm.s32 @p0 $0x1  }
0x13: {  	[smem:$0x3F9D] =	sst s0;
	s0 =	simm.s32 @!p1 $0x0  }
0x14: {  	s2 =	sld [smem:$0x3F81];
	s0 =	simm.s32 @p1 $0x1  }
0x15: {  	[smem:$0x3F9E] =	sst s0;
	s0 =	simm.s32 @!p2 $0x0  }
0x16: {  	s3 =	sld [smem:$0x3FDB];
	s0 =	simm.s32 @p2 $0x1  }
0x17: {  	s4 =	simm.s32 $0x1BF5;
	[smem:$0x3FA0] =	sst s0  }
0x18: {  	s0 =	sld [smem:$0x3F83];
	_ =	swait.ge [sflag:s4], $0x0  }
0x19: {  	s7 =	sld [smem:$0x3F84]  }
0x1a: {  	s8 =	sadd.s32 $0xFFFFE003, lr  }
0x1b: {  	s9 =	sadd.s32 $0xFFFFFEF7, lr;
	s5 =	simm.s32 $0xFFFFFFFF;
	p2 =	slt.u32 s8, $0xFFFFF086  }
0x1c: {  	p1 =	slt.u32 s9, $0xF7A;
	s5 =	simm.s32 @!p2 $0x0  }
0x1d: {  	s5 =	simm.s32 @p1 $0x1;
	p0 =	seq.s32 s7, s2  }
0x1e: {  	s7 =	smul.u32 @!p0 $0xF7A, s2;
	p2 =	seq.s32 @!p0 s5, $0x0  }
0x1f: {  	s9 =	smul.u32 $0xF7A, s1;
	s8 =	simm.s32 @!p0 $0x1BF5;
	p2 =	por !p2, p0  }
0x20: {  	[sflag:s8] =	ssyncset.s32 @!p0 $0xFFFFF086;
	s6 =	sadd.s32 @!p0 s3, s7;
	s7 =	simm.s32 @!p0 $0x108  }
0x21: {  	s3 =	sadd.s32 s3, s9;
	s6 =	sadd.s32 @!p0 $0x88, s6;
	s7 =	simm.s32 @p2 $0x1082  }
0x22: {  	[simem:s7], [sflag:s8] =	dma.local @!p0 [hbm:s6], $0xF7A  }
0x23: {  	s9 =	sor.u32 $0xD0000000, s2;
	s6 =	simm.s32 $0x108;
	_ =	swait.ge @!p0 [sflag:s8], $0x0  }
0x24: {  	s3 =	sadd.s32 $0x88, s3;
	s6 =	simm.s32 @!p1 $0x1082;
	[sflag:s4] =	ssyncset.s32 $0xFFFFF086  }
0x25: {  	[simem:s6], [sflag:s4] =	dma.local [hbm:s3], $0xF7A  }
0x26: {  	[smem:$0x3F84] =	sst s1;
	(tag) =	ssettag s2;
	_ =	strace s9  }
0x27: {  	s1 =	sld [smem:$0x3F94]  }
0x28: {  	s2 =	sld [smem:$0x3F95]  }
0x29: {  	s4 =	sld [smem:$0x3F97]  }
0x2a: {  	p0 =	seq.s32 s5, $0x0;
	s5 =	sld [smem:$0x3F98]  }
0x2b: {  	s6 =	sld [smem:$0x3F99]  }
0x2c: {  	s7 =	sld [smem:$0x3F9A]  }
0x2d: {  	s3 =	simm.s32 $0x108;
	s8 =	sld [smem:$0x3F9B]  }
0x2e: {  	s3 =	simm.s32 @!p0 $0x1082;
	s9 =	sld [smem:$0x3F9C]  }
0x2f: {  	lr =	sadd.s32 s0, s3;
	s0 =	sld [smem:$0x3F93]  }
0x30: {  	s3 =	sld [smem:$0x3F96]  }
0x31: {  	[smem:$0x3F9F] =	sst s10  }
0x32: {  	s10 =	sld [smem:$0x3F9D];
	_ =	sdelay $0x3  }
0x33: {  	p0 =	seq.s32 s10, $0x1;
	s10 =	sld [smem:$0x3F9F];
	_ =	sdelay $0x3  }
0x34: {  	[smem:$0x3F9F] =	sst s10  }
0x35: {  	s10 =	sld [smem:$0x3F9E];
	_ =	sdelay $0x3  }
0x36: {  	p1 =	seq.s32 s10, $0x1;
	s10 =	sld [smem:$0x3F9F];
	_ =	sdelay $0x3  }
0x37: {  	[smem:$0x3F9F] =	sst s10  }
0x38: {  	s10 =	sld [smem:$0x3FA0]  }
0x39: {  	_ = 	snop;
	(pc) =	sbr.ind lr, $3  }
0x3a: {  	_ = 	snop  }
0x3b: {  	_ = 	snop  }
0x3c: {  	p2 =	seq.s32 s10, $0x1;
	s10 =	sld [smem:$0x3F9F]  }
0x3d: {  	_ =	shalt  }
0x3e: {  	_ =	shalt  }
0x3f: {  	_ =	shalt  }
0x40: {  	_ =	shalt  }
0x41: {  	_ =	shalt  }
0x42: {  	_ =	shalt  }
0x43: {  	_ =	shalt  }
0x44: {  	_ =	shalt  }
0x45: {  	_ =	shalt  }
0x46: {  	_ =	shalt  }
0x47: {  	_ =	shalt  }
0x48: {  	_ =	shalt  }
0x49: {  	_ =	shalt  }
0x4a: {  	_ =	shalt  }
0x4b: {  	_ =	shalt  }
0x4c: {  	_ =	shalt  }
0x4d: {  	_ =	shalt  }
0x4e: {  	_ =	shalt  }
0x4f: {  	_ =	shalt  }
0x50: {  	_ =	shalt  }
0x51: {  	_ =	shalt  }
0x52: {  	_ =	shalt  }
0x53: {  	_ =	shalt  }
0x54: {  	_ =	shalt  }
0x55: {  	_ =	shalt  }
0x56: {  	_ =	shalt  }
0x57: {  	_ =	shalt  }
0x58: {  	_ =	shalt  }
0x59: {  	_ =	shalt  }
0x5a: {  	_ =	shalt  }
0x5b: {  	_ =	shalt  }
0x5c: {  	_ =	shalt  }
0x5d: {  	_ =	shalt  }
0x5e: {  	_ =	shalt  }
0x5f: {  	_ =	shalt  }
0x60: {  	_ =	shalt  }
0x61: {  	_ =	shalt  }
0x62: {  	_ =	shalt  }
0x63: {  	_ =	shalt  }
0x64: {  	_ =	shalt  }
0x65: {  	_ =	shalt  }
0x66: {  	_ =	shalt  }
0x67: {  	_ =	shalt  }
0x68: {  	_ =	shalt  }
0x69: {  	_ =	shalt  }
0x6a: {  	_ =	shalt  }
0x6b: {  	_ =	shalt  }
0x6c: {  	_ =	shalt  }
0x6d: {  	_ =	shalt  }
0x6e: {  	_ =	shalt  }
0x6f: {  	_ =	shalt  }
0x70: {  	_ =	shalt  }
0x71: {  	_ =	shalt  }
0x72: {  	_ =	shalt  }
0x73: {  	_ =	shalt  }
0x74: {  	_ =	shalt  }
0x75: {  	_ =	shalt  }
0x76: {  	_ =	shalt  }
0x77: {  	_ =	shalt  }
0x78: {  	_ =	shalt  }
0x79: {  	_ =	shalt  }
0x7a: {  	_ =	shalt  }
0x7b: {  	_ =	shalt  }
0x7c: {  	_ =	shalt  }
0x7d: {  	_ =	shalt  }
0x7e: {  	_ =	shalt  }
0x7f: {  	_ =	shalt  }
0x80: {  	_ =	shalt  }
0x81: {  	_ =	shalt  }
0x82: {  	_ =	shalt  }
0x83: {  	_ =	shalt  }
0x84: {  	_ =	shalt  }
0x85: {  	_ =	shalt  }
0x86: {  	_ =	shalt  }
0x87: {  	_ =	shalt  }
.Lfunc_end0:
.L_simem_size_0:
called_computation.6_lowered:
.L_overlay_start_0:
0x88: {  	s2 =	sld [smem:$0x3FD9]  }
0x89: {  	s3 =	sld [smem:$0x3FFE];
	_ =	sdelay $0x1  }
0x8a: {  	s1 =	srdreg.scid  }
0x8b: {  	s0 =	sand.u32 $0x1, s1  }
0x8c: {  	s15 =	sshll.u32 s0, $0xA;
	s2 =	sadd.s32 s3, s2  }
0x8d: {  	s2 =	sadd.s32 s2, s15  }
0x8e: {  	[smem:$0x3FAB] =	sst s2  }
0x8f: {  	_ = 	snop  }
0x90: {  	s2 =	sld [smem:$0x3FD0];
	_ =	sdelay $0x2  }
0x91: {  	s16 =	simm.s32 $0xD;
	s4 =	simm.s32 $0x10  }
0x92: {  	[smem:s4], [sflag:s16] =	dma.local [hbm:s2], $0x1  }
0x93: {  	_ =	swait.eq [sflag:s16], $0x1  }
0x94: {  	[sflag:s16] =	ssyncset.done $0x0  }
0x95: {  	[sflag:s16] =	ssyncadd.s32 $0xFFFFFFFF  }
0x96: {  	s17 =	sld [smem:$0x13];
	(tm) =	ssettm $0x1  }
0x97: {  	s18 =	sld [smem:$0x3FFB];
	_ =	sdelay $0x3  }
0x98: {  	_ =	strace s18  }
0x99: {  	s2 =	sld [smem:$0x3FFC];
	_ =	sdelay $0x3  }
0x9a: {  	_ =	strace s2  }
0x9b: {  	s2 =	sld [smem:$0x3FFD];
	_ =	sdelay $0x3  }
0x9c: {  	_ =	strace s2  }
0x9d: {  	_ =	strace $0x8FFFFFFF  }
0x9e: {  	s19 =	sld [smem:$0x3FDB];
	_ =	sdelay $0x1  }
0x9f: {  	s20 =	simm.s32 $_scs_section_size  }
0xa0: {  	s5 =	simm.s32 $_size__tile_overlayer_lowered;
	s6 =	simm.s32 $_tile_overlayer_lowered  }
0xa1: {  	s7 =	simm.s32 $0x1BFF;
	s21 =	sshll.u32 s6, $0x1;
	s4 =	sadd.s32 s20, s19  }
0xa2: {  	s22 =	simm.s32 $0x0;
	s5 =	sshll.u32 s5, $0x1;
	s6 =	sadd.s32 s21, s4  }
0xa3: {  	[timem:s22], [sflag:s7] =	dma.local [hbm:s6], s5  }
0xa4: {  	_ =	swait.ge [sflag:s7], s5  }
0xa5: {  	s5 =	ssub.s32 $0x0, s5;
	[sflag:s7] =	ssyncset.done $0x0  }
0xa6: {  	[sflag:s7] =	ssyncadd.s32 s5;
	_ =	sdelay $0x1  }
0xa7: {  	s23 =	simm.s32 $0x1B8B  }
0xa8: {  	_ =	swait.ge [sflag:s23], $0x1  }
0xa9: {  	[sflag:s23] =	ssyncset.done $0x0  }
0xaa: {  	[sflag:s23] =	ssyncadd.s32 $0xFFFFFFFF  }
0xab: {  	s5 =	sld [smem:$0x0]  }
0xac: {  	s6 =	sand.u32 $0xFFFFFFFE, s1  }
0xad: {  	p0 =	sne.s32 s1, s6  }
0xae: {  	s6 =	sshll.u32 @p0 s6, $0xE  }
0xaf: {  	s6 =	sadd.s32 @p0 $0x11B8D, s6;
	s7 =	sshll.u32 @p0 s5, $0x11  }
0xb0: {  	s6 =	sor.u32 @p0 s7, s6  }
0xb1: {  	[sflag:s6] =	ssyncadd.remote.s32 @p0 $0x1;
	_ =	sdelay $0x1  }
0xb2: {  	s6 =	simm.s32 @p0 $0x1B8D  }
0xb3: {  	_ =	swait.eq @p0 [sflag:s6], $0x1  }
0xb4: {  	[sflag:s6] =	ssyncadd.s32 @p0 $0xFFFFFFFF  }
0xb5: {  	s7 =	sshll.u32 @!p0 s1, $0xE  }
0xb6: {  	s7 =	sor.u32 @!p0 $0x4000, s7;
	s6 =	simm.s32 @!p0 $0x1B8D  }
0xb7: {  	s5 =	sshll.u32 @!p0 s5, $0x11;
	s7 =	sadd.s32 @!p0 $0x11B8D, s7;
	_ =	swait.eq @!p0 [sflag:s6], $0x1  }
0xb8: {  	s5 =	sor.u32 @!p0 s5, s7;
	[sflag:s6] =	ssyncadd.s32 @!p0 $0xFFFFFFFF  }
0xb9: {  	s25 =	simm.s32 $0x1B8E;
	s24 =	sld [smem:$0x3FFE];
	[sflag:s5] =	ssyncadd.remote.s32 @!p0 $0x1  }
0xba: {  	s26 =	simm.s32 $execute0_lowered;
	[smem:$0x3FD2] =	sst s25  }
0xbb: {  	s6 =	sshll.u32 s26, $0x1;
	_ =	strace $0x80000058;
	[dreg:$0x1] =	wrdreg $0xFFFFFFFF  }
0xbc: {  	s28 =	simm.s32 $_size_execute0_lowered;
	s4 =	sadd.s32 s4, s6;
	[dreg:$0x0] =	wrdreg $0x0  }
0xbd: {  	s6 =	sshll.u32 s28, $0x1;
	[dreg:$0x2] =	wrdreg s4  }
0xbe: {  	[dreg:$0x3] =	wrdreg s6  }
0xbf: {  	[dreg:$0x4] =	wrdreg $0xC0  }
0xc0: {  	_ =	task [dreg:s22], $0x5FFFF  }
0xc1: {  	[dreg:$0x1] =	wrdreg $0xFFFFFFFF  }
0xc2: {  	[dreg:$0x0] =	wrdreg $0x60  }
0xc3: {  	[dreg:$0x2] =	wrdreg s17  }
0xc4: {  	[dreg:$0x3] =	wrdreg s24  }
0xc5: {  	[dreg:$0x4] =	wrdreg $0xAD000  }
0xc6: {  	[dreg:$0x5] =	wrdreg $0xA  }
0xc7: {  	_ =	task.clear_ibuf [dreg:s22], $0x6FFFF;
	_ =	strace $0x90000058  }
0xc8: {  	s29 =	simm.s32 $0xA;
	_ =	strace $0x8000005A  }
0xc9: {  	_ =	swait.ge [sflag:s29], $0x1  }
0xca: {  	[sflag:s29] =	ssyncadd.s32 $0xFFFFFFFF  }
0xcb: {  	_ =	strace $0x9000005A  }
0xcc: {  	_ =	sfence  }
0xcd: {  	s30 =	sld [smem:$0x0];
	_ =	sdelay $0x2  }
0xce: {  	s31 =	sshll.u32 s1, $0xD;
	s1 =	sshrl.u32 s1, $0x2  }
0xcf: {  	s4 =	sand.u32 $0x4000, s31;
	s1 =	sadd.s32 s1, s30  }
0xd0: {  	s0 =	sor.u32 s4, s0;
	s1 =	sshll.u32 s1, $0x11  }
0xd1: {  	s0 =	sor.u32 s1, s0  }
0xd2: {  	s0 =	sadd.s32 $0x8F2B, s0  }
0xd3: {  	[sflag:s0] =	ssyncadd.remote.s32 $0x1  }
0xd4: {  	_ =	sfence.sel $0xFFFF  }
0xd5: {  	[dreg:$0x0] =	wrdreg $0xFFFFFFFF;
	(pc) =	sbr.abs _section_cstart, $3  }
0xd6: {  	[dreg:$0x1] =	wrdreg $0xFFFFFFFF  }
0xd7: {  	_ =	task.clear_ibuf [dreg:s22], $0x2FFFF;
	_ =	strace $0x9FFFFFFF  }
0xd8: {  	(tm) =	ssettm $0x7FFFFFFF  }
0xd9: {  	_ =	shalt  }
tec
execute0_lowered:
.L_overlay_start_1:
0x0: {  	(tag) =	ssettag $0x1  }
0x1: {  	s0 =	rddreg [dreg:$0x0]  }
0x2: {  	s5 =	rddreg [dreg:$0x1];
	s1 =	srdreg.scid  }
0x3: {  	s3 =	rddreg [dreg:$0x2];
	s2 =	stileid.u32  }
0x4: {  	s4 =	simm.s32 $0x0;
	s15 =	simm.s32 $0x2C00;
	s16 =	simm.s32 $0x2C80  }
0x5: {  	s17 =	simm.s32 $0x80;
	s18 =	simm.s32 $0x2D00;
	s8 =	smul.u32 $0x2C00, s2  }
0x6: {  	s19 =	simm.s32 $0x6D00;
	s20 =	simm.s32 $0x1;
	s9 =	smul.u32 $0x13C00, s2  }
0x7: {  	s21 =	simm.s32 $0x2;
	s22 =	simm.s32 $0x3;
	s26 =	smul.u32 $0x4F000, s2  }
0x8: {  	s23 =	simm.s32 $0x4;
	s24 =	simm.s32 $0x0;
	s13 =	smul.u32 $0x2900, s2  }
0x9: {  	s6 =	sand.u32 $0x1, s1;
	s1 =	rddreg [dreg:$0x3];
	s30 =	smul.u32 $0x520, s2  }
0xa: {  	[smem:$0x7FF] =	sst s4;
	s11 =	sadd.s32 $0x9E00, s5;
	s7 =	smul.u32 $0x2C000, s6  }
0xb: {  	s31 =	sshll.u32 s2, $0x6;
	s10 =	smul.u32 $0x13C000, s6;
	s6 =	ssub.s32 $0x2, s6  }
0xc: {  	_ =	strace $0x80000059;
	s25 =	sshrl.u32 s9, $0x3;
	s12 =	sshrl.u32 s6, $0x1  }
0xd: {  	s28 =	sshrl.u32 s26, $0x2;
	s29 =	sshrl.u32 s13, $0x3;
	s13 =	sor.u32 $0x1C05, s31  }
0xe: {  	s7 =	sadd.s32 s8, s7;
	s8 =	sadd.s32 s25, s5;
	s9 =	sadd.s32 s9, s10  }
0xf: {  	s12 =	ssub.s32 s6, s12;
	s14 =	sadd.s32 s28, s3;
	s7 =	sshrl.u32 s7, $0x3  }
0x10: {  	s9 =	sshrl.u32 s9, $0x3;
	s6 =	sadd.s32 $0x1A000, s8;
	s10 =	smax.u32 s12, $0x1  }
0x11: {  	s12 =	simm.s32 $0x5;
	s14 =	sshrl.u32 s14, $0x3;
	s7 =	sadd.s32 s7, s5  }
0x12: {  	s9 =	sadd.s32 s9, s5;
	s5 =	sadd.s32 $0xF000, s7;
	s7 =	sadd.s32 s11, s29  }
0x13: {  	s9 =	sadd.s32 $0x18D400, s9;
	s11 =	sadd.s32 s30, s11;
	s8 =	sadd.s32 $0x10, s7  }
.LBB2_1:
0x14: {  	[tilespmem:s4], [sflag:$0x5] =	stream.linear.gather [hbm4b:s5+s4], $0x2900, $0x38;
	[tilespmem:$0x1E900] =	vst v63  }
0x15: {  	_ =	swait.ge [sflag:s12], $0x2900  }
0x16: {  	[sflag:s12] =	ssyncset.done $0x0  }
0x17: {  	[sflag:s12] =	ssyncadd.s32 $0xFFFFD700  }
0x18: {  	[spmem:s14], [sflag:s13] =	dma.local [hbm:s6], $0x2780  }
0x19: {  	_ =	swait.ge [sflag:s12], $0x2780  }
0x1a: {  	[sflag:s12] =	ssyncset.done $0x0  }
0x1b: {  	[sflag:s12] =	ssyncadd.s32 $0xFFFFD880  }
0x1c: {  	[bflag:$0x0] =	sbarrier.arrive $0xFFFF  }
0x1d: {  	[tilespmem:s15], [sflag:$0x2] =	stream.linear.gather [hbm4b:s7+s4], $0x80, $0x38;
	[tilespmem:$0x1E900] =	vst v63  }
0x1e: {  	_ = 	snop  }
0x1f: {  	[tilespmem:s16], [sflag:$0x4] =	stream.linear.gather [hbm4b:s8+s4], $0x80, $0x38;
	[tilespmem:$0x1E900] =	vst v63  }
0x20: {  	_ = 	snop  }
0x21: {  	[tilespmem:s18], [sflag:$0x1] =	stream.indirect.gather [hbm4b:s0+s17], $0x80, s4, s17, $0xb8;
	[tilespmem:$0x1E900] =	vst v63  }
0x22: {  	_ = 	snop  }
0x23: {  	[tilespmem:s19], [sflag:$0x3] =	stream.indirect.gather [hbm4b:s0+s17], $0x80, s17, s17, $0xb8;
	[tilespmem:$0x1E900] =	vst v63  }
0x24: {  	_ =	swait.ge [sflag:s20], $0x4000  }
0x25: {  	[sflag:s20] =	ssyncset.done $0x0  }
0x26: {  	[sflag:s20] =	ssyncadd.s32 $0xFFFFC000  }
0x27: {  	_ =	swait.ge [sflag:s21], $0x80  }
0x28: {  	[sflag:s21] =	ssyncset.done $0x0  }
0x29: {  	[sflag:s21] =	ssyncadd.s32 $0xFFFFFF80  }
0x2a: {  	[spmem:s3] =	stream.indirect.scatter.add.f32 [tilespmem:s18], [sflag:$0x5], $0x80, s15, s17, $0xb8;
	[tilespmem:$0x1E900] =	vst v63  }
0x2b: {  	_ =	swait.ge [sflag:s12], $0x4000  }
0x2c: {  	[sflag:s12] =	ssyncset.done $0x0  }
0x2d: {  	s25 =	simm.s32 $0x100;
	s26 =	sadd.s32 $0xFFFFFB00, s11;
	[sflag:s12] =	ssyncadd.s32 $0xFFFFC000  }
0x2e: {  	[tilespmem:s18], [sflag:$0x1] =	stream.indirect.gather [hbm4b:s0+s17], $0x80, s25, s17, $0xb8;
	[tilespmem:$0x1E900] =	vst v63  }
0x2f: {  	s30 =	sadd.s32 $0x520, s26  }
0x30: {  	[tilespmem:s15], [sflag:$0x2] =	stream.linear.gather [hbm4b:s30+s4], $0x80, $0x38;
	[tilespmem:$0x1E900] =	vst v63  }
0x31: {  	_ =	swait.ge [sflag:s22], $0x4000  }
0x32: {  	[sflag:s22] =	ssyncset.done $0x0  }
0x33: {  	[sflag:s22] =	ssyncadd.s32 $0xFFFFC000  }
0x34: {  	_ =	swait.ge [sflag:s23], $0x80  }
0x35: {  	[sflag:s23] =	ssyncset.done $0x0  }
0x36: {  	[sflag:s23] =	ssyncadd.s32 $0xFFFFFF80  }
0x37: {  	[spmem:s3] =	stream.indirect.scatter.add.f32 [tilespmem:s19], [sflag:$0x5], $0x80, s16, s17, $0xb8;
	[tilespmem:$0x1E900] =	vst v63  }
0x38: {  	_ =	swait.ge [sflag:s12], $0x4000  }
0x39: {  	s31 =	simm.s32 $0x180;
	s28 =	sadd.s32 $0x530, s26;
	[sflag:s12] =	ssyncset.done $0x0  }
0x3a: {  	s26 =	simm.s32 $0x280;
	s25 =	simm.s32 $0xFFFFFB20;
	[sflag:s12] =	ssyncadd.s32 $0xFFFFC000  }
0x3b: {  	[tilespmem:s19], [sflag:$0x3] =	stream.indirect.gather [hbm4b:s0+s17], $0x80, s31, s17, $0xb8;
	[tilespmem:$0x1E900] =	vst v63  }
.LBB2_2:
0x3c: {  	[tilespmem:s16], [sflag:$0x4] =	stream.linear.gather [hbm4b:s28+s4], $0x80, $0x38;
	[tilespmem:$0x1E900] =	vst v63  }
0x3d: {  	s28 =	smov.u32 s25  }
0x3e: {  	p0 =	sne.s32 s25, $0xFFFFFFE0;
	s25 =	sadd.s32 $0x20, s25;
	_ =	swait.ge [sflag:s20], $0x4000  }
0x3f: {  	[sflag:s20] =	ssyncset.done $0x0  }
0x40: {  	[sflag:s20] =	ssyncadd.s32 $0xFFFFC000  }
0x41: {  	_ =	swait.ge [sflag:s21], $0x80  }
0x42: {  	[sflag:s21] =	ssyncset.done $0x0  }
0x43: {  	[sflag:s21] =	ssyncadd.s32 $0xFFFFFF80  }
0x44: {  	[spmem:s3] =	stream.indirect.scatter.add.f32 [tilespmem:s18], [sflag:$0x5], $0x80, s15, s17, $0xb8;
	[tilespmem:$0x1E900] =	vst v63  }
0x45: {  	_ =	swait.ge [sflag:s12], $0x4000  }
0x46: {  	[sflag:s12] =	ssyncset.done $0x0  }
0x47: {  	s29 =	sadd.s32 $0xFFFFFF80, s26;
	s28 =	sadd.s32 s28, s11;
	[sflag:s12] =	ssyncadd.s32 $0xFFFFC000  }
0x48: {  	[tilespmem:s18], [sflag:$0x1] =	stream.indirect.gather [hbm4b:s0+s17], $0x80, s29, s17, $0xb8;
	[tilespmem:$0x1E900] =	vst v63  }
0x49: {  	s29 =	sadd.s32 $0x520, s28  }
0x4a: {  	[tilespmem:s15], [sflag:$0x2] =	stream.linear.gather [hbm4b:s29+s4], $0x80, $0x38;
	[tilespmem:$0x1E900] =	vst v63  }
0x4b: {  	_ =	swait.ge [sflag:s22], $0x4000  }
0x4c: {  	[sflag:s22] =	ssyncset.done $0x0  }
0x4d: {  	[sflag:s22] =	ssyncadd.s32 $0xFFFFC000  }
0x4e: {  	_ =	swait.ge [sflag:s23], $0x80  }
0x4f: {  	[sflag:s23] =	ssyncset.done $0x0  }
0x50: {  	[sflag:s23] =	ssyncadd.s32 $0xFFFFFF80  }
0x51: {  	[spmem:s3] =	stream.indirect.scatter.add.f32 [tilespmem:s19], [sflag:$0x5], $0x80, s16, s17, $0xb8;
	[tilespmem:$0x1E900] =	vst v63  }
.Ltmp0:
0x52: {  	_ =	swait.ge [sflag:s12], $0x4000;
	(pc) =	sbr.rel @p0 .LBB2_2-.Ltmp0, $4  }
0x53: {  	[sflag:s12] =	ssyncset.done $0x0  }
0x54: {  	[sflag:s12] =	ssyncadd.s32 $0xFFFFC000  }
0x55: {  	[tilespmem:s19], [sflag:$0x3] =	stream.indirect.gather [hbm4b:s0+s17], $0x80, s26, s17, $0xb8;
	[tilespmem:$0x1E900] =	vst v63  }
0x56: {  	s28 =	sadd.s32 $0x530, s28;
	s26 =	sadd.s32 $0x100, s26  }
0x57: {  	[tilespmem:s16], [sflag:$0x4] =	stream.linear.gather [hbm4b:s28+s4], $0x80, $0x38;
	[tilespmem:$0x1E900] =	vst v63  }
0x58: {  	_ =	swait.ge [sflag:s20], $0x4000  }
0x59: {  	[sflag:s20] =	ssyncset.done $0x0  }
0x5a: {  	[sflag:s20] =	ssyncadd.s32 $0xFFFFC000  }
0x5b: {  	_ =	swait.ge [sflag:s22], $0x4000  }
0x5c: {  	[sflag:s22] =	ssyncset.done $0x0  }
0x5d: {  	[sflag:s22] =	ssyncadd.s32 $0xFFFFC000  }
0x5e: {  	_ =	swait.ge [sflag:s21], $0x80  }
0x5f: {  	[sflag:s21] =	ssyncset.done $0x0  }
0x60: {  	[sflag:s21] =	ssyncadd.s32 $0xFFFFFF80  }
0x61: {  	_ =	swait.ge [sflag:s23], $0x80  }
0x62: {  	s24 =	sadd.s32 $0x1, s24;
	[sflag:s23] =	ssyncset.done $0x0  }
0x63: {  	p0 =	sne.s32 s24, s10;
	[sflag:s23] =	ssyncadd.s32 $0xFFFFFF80  }
.Ltmp1:
0x64: {  	[bflag:$0x0] =	sbarrier.arrive $0xFFFF;
	(pc) =	sbr.rel @p0 .LBB2_1-.Ltmp1, $4  }
0x65: {  	[hbm:s9], [sflag:s13] =	dma.local [spmem:s14], $0x2780  }
0x66: {  	_ =	swait.ge [sflag:s12], $0x2780  }
0x67: {  	[sflag:s12] =	ssyncset.done $0x0  }
0x68: {  	[sflag:s12] =	ssyncadd.s32 $0xFFFFD880  }
0x69: {  	_ =	sfence.sel $0x180000  }
0x6a: {  	[bflag:$0x0] =	sbarrier.arrive $0xFFFF  }
0x6b: {  	p0 =	sne.s32 s2, $0x0;
	_ =	strace $0x90000059  }
0x6c: {  	s0 =	sadd.s32 @!p0 $0x100000, s1;
	[bflag:$0x2] =	sbarrier.arrive $0xFFFF  }
0x6d: {  	[sflag:s0] =	ssyncadd.tile.s32 @!p0 $0x1;
	_ =	shalt  }
.Lfunc_end2:
_tile_overlayer_lowered:
.L_overlay_start_2:
0x6e: {  	(tag) =	ssettag $0x2  }
0x6f: {  	s0 =	rddreg [dreg:$0x0];
	s2 =	stileid.u32  }
0x70: {  	s1 =	rddreg [dreg:$0x1];
	p0 =	sne.s32 s2, $0x0  }
0x71: {  	s3 =	rddreg [dreg:$0x2];
	[bflag:$0x3] =	sbarrier.arrive $0xFFFF;
	s2 =	simm.s32 @!p0 $0x1C05  }
0x72: {  	[timem:s3], [sflag:s2] =	dma.local @!p0 [hbm:s0], s1  }
0x73: {  	s0 =	simm.s32 @!p0 $0x5  }
0x74: {  	_ =	swait.ge @!p0 [sflag:s0], s1  }
0x75: {  	s1 =	ssub.s32 @!p0 $0x0, s1;
	[sflag:s0] =	ssyncset.done @!p0 $0x0  }
0x76: {  	[sflag:s0] =	ssyncadd.s32 @!p0 s1  }
0x77: {  	[bflag:$0x3] =	sbarrier.arrive $0xFFFF  }
0x78: {  	_ =	shalt  }

// kernel: kernel.51.cloned.1.call-start
scs
__scs_entry_jumppad:
0x0: {  	(pc) =	sbr.rel $0x88, $3  }
0x1: {  	(tag) =	ssettag $0x0;
	lr =	simm.s32 $0x1  }
0x2: {  	[smem:$0x3F84] =	sst lr;
	_ =	strace $0xD0000000  }
0x3: {  	_ = 	snop  }
0x4: {  	_ = 	snop  }
0x5: {  	_ = 	snop  }
0x6: {  	_ = 	snop  }
0x7: {  	_ = 	snop  }
__scs_overlays_trampoline_lowered:
0x8: {  	[smem:$0x3F93] =	sst s0  }
0x9: {  	[smem:$0x3F94] =	sst s1  }
0xa: {  	[smem:$0x3F95] =	sst s2  }
0xb: {  	[smem:$0x3F96] =	sst s3  }
0xc: {  	[smem:$0x3F97] =	sst s4  }
0xd: {  	[smem:$0x3F98] =	sst s5  }
0xe: {  	[smem:$0x3F99] =	sst s6  }
0xf: {  	[smem:$0x3F9A] =	sst s7  }
0x10: {  	[smem:$0x3F9B] =	sst s8  }
0x11: {  	[smem:$0x3F9C] =	sst s9;
	s0 =	simm.s32 @!p0 $0x0  }
0x12: {  	s1 =	sld [smem:$0x3F82];
	s0 =	simm.s32 @p0 $0x1  }
0x13: {  	[smem:$0x3F9D] =	sst s0;
	s0 =	simm.s32 @!p1 $0x0  }
0x14: {  	s2 =	sld [smem:$0x3F81];
	s0 =	simm.s32 @p1 $0x1  }
0x15: {  	[smem:$0x3F9E] =	sst s0;
	s0 =	simm.s32 @!p2 $0x0  }
0x16: {  	s3 =	sld [smem:$0x3FDB];
	s0 =	simm.s32 @p2 $0x1  }
0x17: {  	s4 =	simm.s32 $0x1BF5;
	[smem:$0x3FA0] =	sst s0  }
0x18: {  	s0 =	sld [smem:$0x3F83];
	_ =	swait.ge [sflag:s4], $0x0  }
0x19: {  	s7 =	sld [smem:$0x3F84]  }
0x1a: {  	s8 =	sadd.s32 $0xFFFFE003, lr  }
0x1b: {  	s9 =	sadd.s32 $0xFFFFFEF7, lr;
	s5 =	simm.s32 $0xFFFFFFFF;
	p2 =	slt.u32 s8, $0xFFFFF086  }
0x1c: {  	p1 =	slt.u32 s9, $0xF7A;
	s5 =	simm.s32 @!p2 $0x0  }
0x1d: {  	s5 =	simm.s32 @p1 $0x1;
	p0 =	seq.s32 s7, s2  }
0x1e: {  	s7 =	smul.u32 @!p0 $0xF7A, s2;
	p2 =	seq.s32 @!p0 s5, $0x0  }
0x1f: {  	s9 =	smul.u32 $0xF7A, s1;
	s8 =	simm.s32 @!p0 $0x1BF5;
	p2 =	por !p2, p0  }
0x20: {  	[sflag:s8] =	ssyncset.s32 @!p0 $0xFFFFF086;
	s6 =	sadd.s32 @!p0 s3, s7;
	s7 =	simm.s32 @!p0 $0x108  }
0x21: {  	s3 =	sadd.s32 s3, s9;
	s6 =	sadd.s32 @!p0 $0x88, s6;
	s7 =	simm.s32 @p2 $0x1082  }
0x22: {  	[simem:s7], [sflag:s8] =	dma.local @!p0 [hbm:s6], $0xF7A  }
0x23: {  	s9 =	sor.u32 $0xD0000000, s2;
	s6 =	simm.s32 $0x108;
	_ =	swait.ge @!p0 [sflag:s8], $0x0  }
0x24: {  	s3 =	sadd.s32 $0x88, s3;
	s6 =	simm.s32 @!p1 $0x1082;
	[sflag:s4] =	ssyncset.s32 $0xFFFFF086  }
0x25: {  	[simem:s6], [sflag:s4] =	dma.local [hbm:s3], $0xF7A  }
0x26: {  	[smem:$0x3F84] =	sst s1;
	(tag) =	ssettag s2;
	_ =	strace s9  }
0x27: {  	s1 =	sld [smem:$0x3F94]  }
0x28: {  	s2 =	sld [smem:$0x3F95]  }
0x29: {  	s4 =	sld [smem:$0x3F97]  }
0x2a: {  	p0 =	seq.s32 s5, $0x0;
	s5 =	sld [smem:$0x3F98]  }
0x2b: {  	s6 =	sld [smem:$0x3F99]  }
0x2c: {  	s7 =	sld [smem:$0x3F9A]  }
0x2d: {  	s3 =	simm.s32 $0x108;
	s8 =	sld [smem:$0x3F9B]  }
0x2e: {  	s3 =	simm.s32 @!p0 $0x1082;
	s9 =	sld [smem:$0x3F9C]  }
0x2f: {  	lr =	sadd.s32 s0, s3;
	s0 =	sld [smem:$0x3F93]  }
0x30: {  	s3 =	sld [smem:$0x3F96]  }
0x31: {  	[smem:$0x3F9F] =	sst s10  }
0x32: {  	s10 =	sld [smem:$0x3F9D];
	_ =	sdelay $0x3  }
0x33: {  	p0 =	seq.s32 s10, $0x1;
	s10 =	sld [smem:$0x3F9F];
	_ =	sdelay $0x3  }
0x34: {  	[smem:$0x3F9F] =	sst s10  }
0x35: {  	s10 =	sld [smem:$0x3F9E];
	_ =	sdelay $0x3  }
0x36: {  	p1 =	seq.s32 s10, $0x1;
	s10 =	sld [smem:$0x3F9F];
	_ =	sdelay $0x3  }
0x37: {  	[smem:$0x3F9F] =	sst s10  }
0x38: {  	s10 =	sld [smem:$0x3FA0]  }
0x39: {  	_ = 	snop;
	(pc) =	sbr.ind lr, $3  }
0x3a: {  	_ = 	snop  }
0x3b: {  	_ = 	snop  }
0x3c: {  	p2 =	seq.s32 s10, $0x1;
	s10 =	sld [smem:$0x3F9F]  }
0x3d: {  	_ =	shalt  }
0x3e: {  	_ =	shalt  }
0x3f: {  	_ =	shalt  }
0x40: {  	_ =	shalt  }
0x41: {  	_ =	shalt  }
0x42: {  	_ =	shalt  }
0x43: {  	_ =	shalt  }
0x44: {  	_ =	shalt  }
0x45: {  	_ =	shalt  }
0x46: {  	_ =	shalt  }
0x47: {  	_ =	shalt  }
0x48: {  	_ =	shalt  }
0x49: {  	_ =	shalt  }
0x4a: {  	_ =	shalt  }
0x4b: {  	_ =	shalt  }
0x4c: {  	_ =	shalt  }
0x4d: {  	_ =	shalt  }
0x4e: {  	_ =	shalt  }
0x4f: {  	_ =	shalt  }
0x50: {  	_ =	shalt  }
0x51: {  	_ =	shalt  }
0x52: {  	_ =	shalt  }
0x53: {  	_ =	shalt  }
0x54: {  	_ =	shalt  }
0x55: {  	_ =	shalt  }
0x56: {  	_ =	shalt  }
0x57: {  	_ =	shalt  }
0x58: {  	_ =	shalt  }
0x59: {  	_ =	shalt  }
0x5a: {  	_ =	shalt  }
0x5b: {  	_ =	shalt  }
0x5c: {  	_ =	shalt  }
0x5d: {  	_ =	shalt  }
0x5e: {  	_ =	shalt  }
0x5f: {  	_ =	shalt  }
0x60: {  	_ =	shalt  }
0x61: {  	_ =	shalt  }
0x62: {  	_ =	shalt  }
0x63: {  	_ =	shalt  }
0x64: {  	_ =	shalt  }
0x65: {  	_ =	shalt  }
0x66: {  	_ =	shalt  }
0x67: {  	_ =	shalt  }
0x68: {  	_ =	shalt  }
0x69: {  	_ =	shalt  }
0x6a: {  	_ =	shalt  }
0x6b: {  	_ =	shalt  }
0x6c: {  	_ =	shalt  }
0x6d: {  	_ =	shalt  }
0x6e: {  	_ =	shalt  }
0x6f: {  	_ =	shalt  }
0x70: {  	_ =	shalt  }
0x71: {  	_ =	shalt  }
0x72: {  	_ =	shalt  }
0x73: {  	_ =	shalt  }
0x74: {  	_ =	shalt  }
0x75: {  	_ =	shalt  }
0x76: {  	_ =	shalt  }
0x77: {  	_ =	shalt  }
0x78: {  	_ =	shalt  }
0x79: {  	_ =	shalt  }
0x7a: {  	_ =	shalt  }
0x7b: {  	_ =	shalt  }
0x7c: {  	_ =	shalt  }
0x7d: {  	_ =	shalt  }
0x7e: {  	_ =	shalt  }
0x7f: {  	_ =	shalt  }
0x80: {  	_ =	shalt  }
0x81: {  	_ =	shalt  }
0x82: {  	_ =	shalt  }
0x83: {  	_ =	shalt  }
0x84: {  	_ =	shalt  }
0x85: {  	_ =	shalt  }
0x86: {  	_ =	shalt  }
0x87: {  	_ =	shalt  }
.Lfunc_end0:
.L_simem_size_0:
called_computation.7_lowered:
.L_overlay_start_0:
0x88: {  	s2 =	sld [smem:$0x3FD9]  }
0x89: {  	s3 =	sld [smem:$0x3FFE];
	_ =	sdelay $0x1  }
0x8a: {  	s1 =	srdreg.scid  }
0x8b: {  	s0 =	sand.u32 $0x1, s1  }
0x8c: {  	s17 =	sshll.u32 s0, $0xA;
	s2 =	sadd.s32 s3, s2  }
0x8d: {  	s2 =	sadd.s32 s2, s17  }
0x8e: {  	[smem:$0x3FAB] =	sst s2  }
0x8f: {  	_ = 	snop  }
0x90: {  	(tm) =	ssettm $0x1  }
0x91: {  	s18 =	sld [smem:$0x3FFB];
	_ =	sdelay $0x3  }
0x92: {  	_ =	strace s18  }
0x93: {  	s2 =	sld [smem:$0x3FFC];
	_ =	sdelay $0x3  }
0x94: {  	_ =	strace s2  }
0x95: {  	s2 =	sld [smem:$0x3FFD];
	_ =	sdelay $0x3  }
0x96: {  	_ =	strace s2  }
0x97: {  	_ =	strace $0x8FFFFFFF  }
0x98: {  	s19 =	sld [smem:$0x3FDB];
	_ =	sdelay $0x1  }
0x99: {  	s20 =	simm.s32 $_scs_section_size  }
0x9a: {  	s4 =	simm.s32 $_size__tile_overlayer_lowered;
	s5 =	simm.s32 $_tile_overlayer_lowered  }
0x9b: {  	s6 =	simm.s32 $0x1BFF;
	s21 =	sshll.u32 s5, $0x1;
	s3 =	sadd.s32 s20, s19  }
0x9c: {  	s22 =	simm.s32 $0x0;
	s4 =	sshll.u32 s4, $0x1;
	s5 =	sadd.s32 s21, s3  }
0x9d: {  	[timem:s22], [sflag:s6] =	dma.local [hbm:s5], s4  }
0x9e: {  	_ =	swait.ge [sflag:s6], s4  }
0x9f: {  	s4 =	ssub.s32 $0x0, s4;
	[sflag:s6] =	ssyncset.done $0x0  }
0xa0: {  	[sflag:s6] =	ssyncadd.s32 s4;
	_ =	sdelay $0x1  }
0xa1: {  	s23 =	simm.s32 $0x1B8B  }
0xa2: {  	_ =	swait.ge [sflag:s23], $0x1  }
0xa3: {  	[sflag:s23] =	ssyncset.done $0x0  }
0xa4: {  	[sflag:s23] =	ssyncadd.s32 $0xFFFFFFFF  }
0xa5: {  	s4 =	sld [smem:$0x0]  }
0xa6: {  	s5 =	sand.u32 $0xFFFFFFFE, s1  }
0xa7: {  	p0 =	sne.s32 s1, s5  }
0xa8: {  	s5 =	sshll.u32 @p0 s5, $0xE  }
0xa9: {  	s5 =	sadd.s32 @p0 $0x11B8D, s5;
	s6 =	sshll.u32 @p0 s4, $0x11  }
0xaa: {  	s5 =	sor.u32 @p0 s6, s5  }
0xab: {  	[sflag:s5] =	ssyncadd.remote.s32 @p0 $0x1;
	_ =	sdelay $0x1  }
0xac: {  	s5 =	simm.s32 @p0 $0x1B8D  }
0xad: {  	_ =	swait.eq @p0 [sflag:s5], $0x1  }
0xae: {  	[sflag:s5] =	ssyncadd.s32 @p0 $0xFFFFFFFF  }
0xaf: {  	s6 =	sshll.u32 @!p0 s1, $0xE  }
0xb0: {  	s6 =	sor.u32 @!p0 $0x4000, s6;
	s5 =	simm.s32 @!p0 $0x1B8D  }
0xb1: {  	s4 =	sshll.u32 @!p0 s4, $0x11;
	s6 =	sadd.s32 @!p0 $0x11B8D, s6;
	_ =	swait.eq @!p0 [sflag:s5], $0x1  }
0xb2: {  	s4 =	sor.u32 @!p0 s4, s6;
	[sflag:s5] =	ssyncadd.s32 @!p0 $0xFFFFFFFF  }
0xb3: {  	s25 =	simm.s32 $0x1B8E;
	s24 =	sld [smem:$0x3FFE];
	[sflag:s4] =	ssyncadd.remote.s32 @!p0 $0x1  }
0xb4: {  	s26 =	simm.s32 $execute0_lowered;
	[smem:$0x3FD2] =	sst s25  }
0xb5: {  	s5 =	sshll.u32 s26, $0x1;
	_ =	strace $0x8000005B;
	[dreg:$0x1] =	wrdreg $0xFFFFFFFF  }
0xb6: {  	s28 =	simm.s32 $_size_execute0_lowered;
	s3 =	sadd.s32 s3, s5;
	[dreg:$0x0] =	wrdreg $0x0  }
0xb7: {  	s5 =	sshll.u32 s28, $0x1;
	[dreg:$0x2] =	wrdreg s3  }
0xb8: {  	[dreg:$0x3] =	wrdreg s5  }
0xb9: {  	[dreg:$0x4] =	wrdreg $0xC0  }
0xba: {  	_ =	task [dreg:s22], $0x5FFFF  }
0xbb: {  	[dreg:$0x1] =	wrdreg $0xFFFFFFFF  }
0xbc: {  	[dreg:$0x0] =	wrdreg $0x60  }
0xbd: {  	[dreg:$0x2] =	wrdreg s24  }
0xbe: {  	[dreg:$0x3] =	wrdreg $0xAD000  }
0xbf: {  	[dreg:$0x4] =	wrdreg $0xB  }
0xc0: {  	_ =	task.clear_ibuf [dreg:s22], $0x5FFFF;
	_ =	strace $0x9000005B  }
0xc1: {  	s29 =	simm.s32 $0xB;
	_ =	strace $0x8000005D  }
0xc2: {  	_ =	swait.ge [sflag:s29], $0x1  }
0xc3: {  	[sflag:s29] =	ssyncadd.s32 $0xFFFFFFFF  }
0xc4: {  	_ =	strace $0x9000005D  }
0xc5: {  	_ =	sfence  }
0xc6: {  	s30 =	sld [smem:$0x0];
	_ =	sdelay $0x2  }
0xc7: {  	s31 =	sshll.u32 s1, $0xD;
	s1 =	sshrl.u32 s1, $0x2  }
0xc8: {  	s4 =	sand.u32 $0x4000, s31;
	s1 =	sadd.s32 s1, s30  }
0xc9: {  	s0 =	sor.u32 s4, s0;
	s1 =	sshll.u32 s1, $0x11  }
0xca: {  	s0 =	sor.u32 s1, s0  }
0xcb: {  	s0 =	sadd.s32 $0x8F2B, s0  }
0xcc: {  	[sflag:s0] =	ssyncadd.remote.s32 $0x1  }
0xcd: {  	_ =	sfence.sel $0xFFFF  }
0xce: {  	[dreg:$0x0] =	wrdreg $0xFFFFFFFF;
	(pc) =	sbr.abs _section_cstart, $3  }
0xcf: {  	[dreg:$0x1] =	wrdreg $0xFFFFFFFF  }
0xd0: {  	_ =	task.clear_ibuf [dreg:s22], $0x2FFFF;
	_ =	strace $0x9FFFFFFF  }
0xd1: {  	(tm) =	ssettm $0x7FFFFFFF  }
tec
execute0_lowered:
.L_overlay_start_1:
0x0: {  	(tag) =	ssettag $0x1  }
0x1: {  	s5 =	rddreg [dreg:$0x0];
	s0 =	srdreg.scid  }
0x2: {  	s2 =	rddreg [dreg:$0x1];
	s1 =	stileid.u32;
	s3 =	simm.s32 $0x0  }
0x3: {  	s15 =	simm.s32 $0x2C00;
	s16 =	simm.s32 $0x2C80;
	s17 =	simm.s32 $0x80  }
0x4: {  	s18 =	simm.s32 $0x2D00;
	s19 =	simm.s32 $0x6D00;
	s8 =	smul.u32 $0x2C00, s1  }
0x5: {  	s20 =	simm.s32 $0x1;
	s21 =	simm.s32 $0x2;
	s9 =	smul.u32 $0x13C00, s1  }
0x6: {  	s22 =	simm.s32 $0x3;
	s23 =	simm.s32 $0x4;
	s26 =	smul.u32 $0x4F000, s1  }
0x7: {  	s6 =	sand.u32 $0x1, s0;
	s0 =	rddreg [dreg:$0x2];
	s13 =	smul.u32 $0x2900, s1  }
0x8: {  	s24 =	simm.s32 $0x0;
	[smem:$0x7FF] =	sst s3;
	s30 =	smul.u32 $0x520, s1  }
0x9: {  	s4 =	sadd.s32 $0xF0200, s5;
	s11 =	sadd.s32 $0xB8800, s5;
	s7 =	smul.u32 $0x2C000, s6  }
0xa: {  	s31 =	sshll.u32 s1, $0x6;
	s10 =	smul.u32 $0x13C000, s6;
	s6 =	ssub.s32 $0x2, s6  }
0xb: {  	_ =	strace $0x8000005C;
	s25 =	sshrl.u32 s9, $0x3;
	s12 =	sshrl.u32 s6, $0x1  }
0xc: {  	s28 =	sshrl.u32 s26, $0x2;
	s29 =	sshrl.u32 s13, $0x3;
	s13 =	sor.u32 $0x1C05, s31  }
0xd: {  	s7 =	sadd.s32 s8, s7;
	s8 =	sadd.s32 s25, s5;
	s9 =	sadd.s32 s9, s10  }
0xe: {  	s12 =	ssub.s32 s6, s12;
	s14 =	sadd.s32 s28, s2;
	s7 =	sshrl.u32 s7, $0x3  }
0xf: {  	s9 =	sshrl.u32 s9, $0x3;
	s6 =	sadd.s32 $0x1A000, s8;
	s10 =	smax.u32 s12, $0x1  }
0x10: {  	s12 =	simm.s32 $0x5;
	s14 =	sshrl.u32 s14, $0x3;
	s7 =	sadd.s32 s7, s5  }
0x11: {  	s9 =	sadd.s32 s9, s5;
	s5 =	sadd.s32 $0xE5200, s7;
	s7 =	sadd.s32 s11, s29  }
0x12: {  	s9 =	sadd.s32 $0x41800, s9;
	s11 =	sadd.s32 s30, s11;
	s8 =	sadd.s32 $0x10, s7  }
.LBB2_1:
0x13: {  	[tilespmem:s3], [sflag:$0x5] =	stream.linear.gather [hbm4b:s5+s3], $0x2900, $0x38;
	[tilespmem:$0x1E900] =	vst v63  }
0x14: {  	_ =	swait.ge [sflag:s12], $0x2900  }
0x15: {  	[sflag:s12] =	ssyncset.done $0x0  }
0x16: {  	[sflag:s12] =	ssyncadd.s32 $0xFFFFD700  }
0x17: {  	[spmem:s14], [sflag:s13] =	dma.local [hbm:s6], $0x2780  }
0x18: {  	_ =	swait.ge [sflag:s12], $0x2780  }
0x19: {  	[sflag:s12] =	ssyncset.done $0x0  }
0x1a: {  	[sflag:s12] =	ssyncadd.s32 $0xFFFFD880  }
0x1b: {  	[bflag:$0x0] =	sbarrier.arrive $0xFFFF  }
0x1c: {  	[tilespmem:s15], [sflag:$0x2] =	stream.linear.gather [hbm4b:s7+s3], $0x80, $0x38;
	[tilespmem:$0x1E900] =	vst v63  }
0x1d: {  	_ = 	snop  }
0x1e: {  	[tilespmem:s16], [sflag:$0x4] =	stream.linear.gather [hbm4b:s8+s3], $0x80, $0x38;
	[tilespmem:$0x1E900] =	vst v63  }
0x1f: {  	_ = 	snop  }
0x20: {  	[tilespmem:s18], [sflag:$0x1] =	stream.indirect.gather [hbm4b:s4+s17], $0x80, s3, s17, $0xb8;
	[tilespmem:$0x1E900] =	vst v63  }
0x21: {  	_ = 	snop  }
0x22: {  	[tilespmem:s19], [sflag:$0x3] =	stream.indirect.gather [hbm4b:s4+s17], $0x80, s17, s17, $0xb8;
	[tilespmem:$0x1E900] =	vst v63  }
0x23: {  	_ =	swait.ge [sflag:s20], $0x4000  }
0x24: {  	[sflag:s20] =	ssyncset.done $0x0  }
0x25: {  	[sflag:s20] =	ssyncadd.s32 $0xFFFFC000  }
0x26: {  	_ =	swait.ge [sflag:s21], $0x80  }
0x27: {  	[sflag:s21] =	ssyncset.done $0x0  }
0x28: {  	[sflag:s21] =	ssyncadd.s32 $0xFFFFFF80  }
0x29: {  	[spmem:s2] =	stream.indirect.scatter.add.f32 [tilespmem:s18], [sflag:$0x5], $0x80, s15, s17, $0xb8;
	[tilespmem:$0x1E900] =	vst v63  }
0x2a: {  	_ =	swait.ge [sflag:s12], $0x4000  }
0x2b: {  	[sflag:s12] =	ssyncset.done $0x0  }
0x2c: {  	s25 =	simm.s32 $0x100;
	s26 =	sadd.s32 $0xFFFFFB00, s11;
	[sflag:s12] =	ssyncadd.s32 $0xFFFFC000  }
0x2d: {  	[tilespmem:s18], [sflag:$0x1] =	stream.indirect.gather [hbm4b:s4+s17], $0x80, s25, s17, $0xb8;
	[tilespmem:$0x1E900] =	vst v63  }
0x2e: {  	s30 =	sadd.s32 $0x520, s26  }
0x2f: {  	[tilespmem:s15], [sflag:$0x2] =	stream.linear.gather [hbm4b:s30+s3], $0x80, $0x38;
	[tilespmem:$0x1E900] =	vst v63  }
0x30: {  	_ =	swait.ge [sflag:s22], $0x4000  }
0x31: {  	[sflag:s22] =	ssyncset.done $0x0  }
0x32: {  	[sflag:s22] =	ssyncadd.s32 $0xFFFFC000  }
0x33: {  	_ =	swait.ge [sflag:s23], $0x80  }
0x34: {  	[sflag:s23] =	ssyncset.done $0x0  }
0x35: {  	[sflag:s23] =	ssyncadd.s32 $0xFFFFFF80  }
0x36: {  	[spmem:s2] =	stream.indirect.scatter.add.f32 [tilespmem:s19], [sflag:$0x5], $0x80, s16, s17, $0xb8;
	[tilespmem:$0x1E900] =	vst v63  }
0x37: {  	_ =	swait.ge [sflag:s12], $0x4000  }
0x38: {  	s31 =	simm.s32 $0x180;
	s28 =	sadd.s32 $0x530, s26;
	[sflag:s12] =	ssyncset.done $0x0  }
0x39: {  	s26 =	simm.s32 $0x280;
	s25 =	simm.s32 $0xFFFFFB20;
	[sflag:s12] =	ssyncadd.s32 $0xFFFFC000  }
0x3a: {  	[tilespmem:s19], [sflag:$0x3] =	stream.indirect.gather [hbm4b:s4+s17], $0x80, s31, s17, $0xb8;
	[tilespmem:$0x1E900] =	vst v63  }
.LBB2_2:
0x3b: {  	[tilespmem:s16], [sflag:$0x4] =	stream.linear.gather [hbm4b:s28+s3], $0x80, $0x38;
	[tilespmem:$0x1E900] =	vst v63  }
0x3c: {  	s28 =	smov.u32 s25  }
0x3d: {  	p0 =	sne.s32 s25, $0xFFFFFFE0;
	s25 =	sadd.s32 $0x20, s25;
	_ =	swait.ge [sflag:s20], $0x4000  }
0x3e: {  	[sflag:s20] =	ssyncset.done $0x0  }
0x3f: {  	[sflag:s20] =	ssyncadd.s32 $0xFFFFC000  }
0x40: {  	_ =	swait.ge [sflag:s21], $0x80  }
0x41: {  	[sflag:s21] =	ssyncset.done $0x0  }
0x42: {  	[sflag:s21] =	ssyncadd.s32 $0xFFFFFF80  }
0x43: {  	[spmem:s2] =	stream.indirect.scatter.add.f32 [tilespmem:s18], [sflag:$0x5], $0x80, s15, s17, $0xb8;
	[tilespmem:$0x1E900] =	vst v63  }
0x44: {  	_ =	swait.ge [sflag:s12], $0x4000  }
0x45: {  	[sflag:s12] =	ssyncset.done $0x0  }
0x46: {  	s29 =	sadd.s32 $0xFFFFFF80, s26;
	s28 =	sadd.s32 s28, s11;
	[sflag:s12] =	ssyncadd.s32 $0xFFFFC000  }
0x47: {  	[tilespmem:s18], [sflag:$0x1] =	stream.indirect.gather [hbm4b:s4+s17], $0x80, s29, s17, $0xb8;
	[tilespmem:$0x1E900] =	vst v63  }
0x48: {  	s29 =	sadd.s32 $0x520, s28  }
0x49: {  	[tilespmem:s15], [sflag:$0x2] =	stream.linear.gather [hbm4b:s29+s3], $0x80, $0x38;
	[tilespmem:$0x1E900] =	vst v63  }
0x4a: {  	_ =	swait.ge [sflag:s22], $0x4000  }
0x4b: {  	[sflag:s22] =	ssyncset.done $0x0  }
0x4c: {  	[sflag:s22] =	ssyncadd.s32 $0xFFFFC000  }
0x4d: {  	_ =	swait.ge [sflag:s23], $0x80  }
0x4e: {  	[sflag:s23] =	ssyncset.done $0x0  }
0x4f: {  	[sflag:s23] =	ssyncadd.s32 $0xFFFFFF80  }
0x50: {  	[spmem:s2] =	stream.indirect.scatter.add.f32 [tilespmem:s19], [sflag:$0x5], $0x80, s16, s17, $0xb8;
	[tilespmem:$0x1E900] =	vst v63  }
.Ltmp0:
0x51: {  	_ =	swait.ge [sflag:s12], $0x4000;
	(pc) =	sbr.rel @p0 .LBB2_2-.Ltmp0, $4  }
0x52: {  	[sflag:s12] =	ssyncset.done $0x0  }
0x53: {  	[sflag:s12] =	ssyncadd.s32 $0xFFFFC000  }
0x54: {  	[tilespmem:s19], [sflag:$0x3] =	stream.indirect.gather [hbm4b:s4+s17], $0x80, s26, s17, $0xb8;
	[tilespmem:$0x1E900] =	vst v63  }
0x55: {  	s28 =	sadd.s32 $0x530, s28;
	s26 =	sadd.s32 $0x100, s26  }
0x56: {  	[tilespmem:s16], [sflag:$0x4] =	stream.linear.gather [hbm4b:s28+s3], $0x80, $0x38;
	[tilespmem:$0x1E900] =	vst v63  }
0x57: {  	_ =	swait.ge [sflag:s20], $0x4000  }
0x58: {  	[sflag:s20] =	ssyncset.done $0x0  }
0x59: {  	[sflag:s20] =	ssyncadd.s32 $0xFFFFC000  }
0x5a: {  	_ =	swait.ge [sflag:s22], $0x4000  }
0x5b: {  	[sflag:s22] =	ssyncset.done $0x0  }
0x5c: {  	[sflag:s22] =	ssyncadd.s32 $0xFFFFC000  }
0x5d: {  	_ =	swait.ge [sflag:s21], $0x80  }
0x5e: {  	[sflag:s21] =	ssyncset.done $0x0  }
0x5f: {  	[sflag:s21] =	ssyncadd.s32 $0xFFFFFF80  }
0x60: {  	_ =	swait.ge [sflag:s23], $0x80  }
0x61: {  	s24 =	sadd.s32 $0x1, s24;
	[sflag:s23] =	ssyncset.done $0x0  }
0x62: {  	p0 =	sne.s32 s24, s10;
	[sflag:s23] =	ssyncadd.s32 $0xFFFFFF80  }
.Ltmp1:
0x63: {  	[bflag:$0x0] =	sbarrier.arrive $0xFFFF;
	(pc) =	sbr.rel @p0 .LBB2_1-.Ltmp1, $4  }
0x64: {  	[hbm:s9], [sflag:s13] =	dma.local [spmem:s14], $0x2780  }
0x65: {  	_ =	swait.ge [sflag:s12], $0x2780  }
0x66: {  	[sflag:s12] =	ssyncset.done $0x0  }
0x67: {  	[sflag:s12] =	ssyncadd.s32 $0xFFFFD880  }
0x68: {  	_ =	sfence.sel $0x180000  }
0x69: {  	[bflag:$0x0] =	sbarrier.arrive $0xFFFF  }
0x6a: {  	p0 =	sne.s32 s1, $0x0;
	_ =	strace $0x9000005C  }
0x6b: {  	s0 =	sadd.s32 @!p0 $0x100000, s0;
	[bflag:$0x2] =	sbarrier.arrive $0xFFFF  }
0x6c: {  	[sflag:s0] =	ssyncadd.tile.s32 @!p0 $0x1;
	_ =	shalt  }
.Lfunc_end2:
_tile_overlayer_lowered:
.L_overlay_start_2:
0x6d: {  	(tag) =	ssettag $0x2  }
0x6e: {  	s0 =	rddreg [dreg:$0x0];
	s2 =	stileid.u32  }
0x6f: {  	s1 =	rddreg [dreg:$0x1];
	p0 =	sne.s32 s2, $0x0  }
0x70: {  	s3 =	rddreg [dreg:$0x2];
	[bflag:$0x3] =	sbarrier.arrive $0xFFFF;
	s2 =	simm.s32 @!p0 $0x1C05  }
0x71: {  	[timem:s3], [sflag:s2] =	dma.local @!p0 [hbm:s0], s1  }
0x72: {  	s0 =	simm.s32 @!p0 $0x5  }
0x73: {  	_ =	swait.ge @!p0 [sflag:s0], s1  }
0x74: {  	s1 =	ssub.s32 @!p0 $0x0, s1;
	[sflag:s0] =	ssyncset.done @!p0 $0x0  }
0x75: {  	[sflag:s0] =	ssyncadd.s32 @!p0 s1  }
0x76: {  	[bflag:$0x3] =	sbarrier.arrive $0xFFFF  }
0x77: {  	_ =	shalt  }

// kernel: kernel.54.cloned.1.call-start
scs
__scs_entry_jumppad:
0x0: {  	(pc) =	sbr.rel $0x88, $3  }
0x1: {  	(tag) =	ssettag $0x0;
	lr =	simm.s32 $0x1  }
0x2: {  	[smem:$0x3F84] =	sst lr;
	_ =	strace $0xD0000000  }
0x3: {  	_ = 	snop  }
0x4: {  	_ = 	snop  }
0x5: {  	_ = 	snop  }
0x6: {  	_ = 	snop  }
0x7: {  	_ = 	snop  }
__scs_overlays_trampoline_lowered:
0x8: {  	[smem:$0x3F93] =	sst s0  }
0x9: {  	[smem:$0x3F94] =	sst s1  }
0xa: {  	[smem:$0x3F95] =	sst s2  }
0xb: {  	[smem:$0x3F96] =	sst s3  }
0xc: {  	[smem:$0x3F97] =	sst s4  }
0xd: {  	[smem:$0x3F98] =	sst s5  }
0xe: {  	[smem:$0x3F99] =	sst s6  }
0xf: {  	[smem:$0x3F9A] =	sst s7  }
0x10: {  	[smem:$0x3F9B] =	sst s8  }
0x11: {  	[smem:$0x3F9C] =	sst s9;
	s0 =	simm.s32 @!p0 $0x0  }
0x12: {  	s1 =	sld [smem:$0x3F82];
	s0 =	simm.s32 @p0 $0x1  }
0x13: {  	[smem:$0x3F9D] =	sst s0;
	s0 =	simm.s32 @!p1 $0x0  }
0x14: {  	s2 =	sld [smem:$0x3F81];
	s0 =	simm.s32 @p1 $0x1  }
0x15: {  	[smem:$0x3F9E] =	sst s0;
	s0 =	simm.s32 @!p2 $0x0  }
0x16: {  	s3 =	sld [smem:$0x3FDB];
	s0 =	simm.s32 @p2 $0x1  }
0x17: {  	s4 =	simm.s32 $0x1BF5;
	[smem:$0x3FA0] =	sst s0  }
0x18: {  	s0 =	sld [smem:$0x3F83];
	_ =	swait.ge [sflag:s4], $0x0  }
0x19: {  	s7 =	sld [smem:$0x3F84]  }
0x1a: {  	s8 =	sadd.s32 $0xFFFFE003, lr  }
0x1b: {  	s9 =	sadd.s32 $0xFFFFFEF7, lr;
	s5 =	simm.s32 $0xFFFFFFFF;
	p2 =	slt.u32 s8, $0xFFFFF086  }
0x1c: {  	p1 =	slt.u32 s9, $0xF7A;
	s5 =	simm.s32 @!p2 $0x0  }
0x1d: {  	s5 =	simm.s32 @p1 $0x1;
	p0 =	seq.s32 s7, s2  }
0x1e: {  	s7 =	smul.u32 @!p0 $0xF7A, s2;
	p2 =	seq.s32 @!p0 s5, $0x0  }
0x1f: {  	s9 =	smul.u32 $0xF7A, s1;
	s8 =	simm.s32 @!p0 $0x1BF5;
	p2 =	por !p2, p0  }
0x20: {  	[sflag:s8] =	ssyncset.s32 @!p0 $0xFFFFF086;
	s6 =	sadd.s32 @!p0 s3, s7;
	s7 =	simm.s32 @!p0 $0x108  }
0x21: {  	s3 =	sadd.s32 s3, s9;
	s6 =	sadd.s32 @!p0 $0x88, s6;
	s7 =	simm.s32 @p2 $0x1082  }
0x22: {  	[simem:s7], [sflag:s8] =	dma.local @!p0 [hbm:s6], $0xF7A  }
0x23: {  	s9 =	sor.u32 $0xD0000000, s2;
	s6 =	simm.s32 $0x108;
	_ =	swait.ge @!p0 [sflag:s8], $0x0  }
0x24: {  	s3 =	sadd.s32 $0x88, s3;
	s6 =	simm.s32 @!p1 $0x1082;
	[sflag:s4] =	ssyncset.s32 $0xFFFFF086  }
0x25: {  	[simem:s6], [sflag:s4] =	dma.local [hbm:s3], $0xF7A  }
0x26: {  	[smem:$0x3F84] =	sst s1;
	(tag) =	ssettag s2;
	_ =	strace s9  }
0x27: {  	s1 =	sld [smem:$0x3F94]  }
0x28: {  	s2 =	sld [smem:$0x3F95]  }
0x29: {  	s4 =	sld [smem:$0x3F97]  }
0x2a: {  	p0 =	seq.s32 s5, $0x0;
	s5 =	sld [smem:$0x3F98]  }
0x2b: {  	s6 =	sld [smem:$0x3F99]  }
0x2c: {  	s7 =	sld [smem:$0x3F9A]  }
0x2d: {  	s3 =	simm.s32 $0x108;
	s8 =	sld [smem:$0x3F9B]  }
0x2e: {  	s3 =	simm.s32 @!p0 $0x1082;
	s9 =	sld [smem:$0x3F9C]  }
0x2f: {  	lr =	sadd.s32 s0, s3;
	s0 =	sld [smem:$0x3F93]  }
0x30: {  	s3 =	sld [smem:$0x3F96]  }
0x31: {  	[smem:$0x3F9F] =	sst s10  }
0x32: {  	s10 =	sld [smem:$0x3F9D];
	_ =	sdelay $0x3  }
0x33: {  	p0 =	seq.s32 s10, $0x1;
	s10 =	sld [smem:$0x3F9F];
	_ =	sdelay $0x3  }
0x34: {  	[smem:$0x3F9F] =	sst s10  }
0x35: {  	s10 =	sld [smem:$0x3F9E];
	_ =	sdelay $0x3  }
0x36: {  	p1 =	seq.s32 s10, $0x1;
	s10 =	sld [smem:$0x3F9F];
	_ =	sdelay $0x3  }
0x37: {  	[smem:$0x3F9F] =	sst s10  }
0x38: {  	s10 =	sld [smem:$0x3FA0]  }
0x39: {  	_ = 	snop;
	(pc) =	sbr.ind lr, $3  }
0x3a: {  	_ = 	snop  }
0x3b: {  	_ = 	snop  }
0x3c: {  	p2 =	seq.s32 s10, $0x1;
	s10 =	sld [smem:$0x3F9F]  }
0x3d: {  	_ =	shalt  }
0x3e: {  	_ =	shalt  }
0x3f: {  	_ =	shalt  }
0x40: {  	_ =	shalt  }
0x41: {  	_ =	shalt  }
0x42: {  	_ =	shalt  }
0x43: {  	_ =	shalt  }
0x44: {  	_ =	shalt  }
0x45: {  	_ =	shalt  }
0x46: {  	_ =	shalt  }
0x47: {  	_ =	shalt  }
0x48: {  	_ =	shalt  }
0x49: {  	_ =	shalt  }
0x4a: {  	_ =	shalt  }
0x4b: {  	_ =	shalt  }
0x4c: {  	_ =	shalt  }
0x4d: {  	_ =	shalt  }
0x4e: {  	_ =	shalt  }
0x4f: {  	_ =	shalt  }
0x50: {  	_ =	shalt  }
0x51: {  	_ =	shalt  }
0x52: {  	_ =	shalt  }
0x53: {  	_ =	shalt  }
0x54: {  	_ =	shalt  }
0x55: {  	_ =	shalt  }
0x56: {  	_ =	shalt  }
0x57: {  	_ =	shalt  }
0x58: {  	_ =	shalt  }
0x59: {  	_ =	shalt  }
0x5a: {  	_ =	shalt  }
0x5b: {  	_ =	shalt  }
0x5c: {  	_ =	shalt  }
0x5d: {  	_ =	shalt  }
0x5e: {  	_ =	shalt  }
0x5f: {  	_ =	shalt  }
0x60: {  	_ =	shalt  }
0x61: {  	_ =	shalt  }
0x62: {  	_ =	shalt  }
0x63: {  	_ =	shalt  }
0x64: {  	_ =	shalt  }
0x65: {  	_ =	shalt  }
0x66: {  	_ =	shalt  }
0x67: {  	_ =	shalt  }
0x68: {  	_ =	shalt  }
0x69: {  	_ =	shalt  }
0x6a: {  	_ =	shalt  }
0x6b: {  	_ =	shalt  }
0x6c: {  	_ =	shalt  }
0x6d: {  	_ =	shalt  }
0x6e: {  	_ =	shalt  }
0x6f: {  	_ =	shalt  }
0x70: {  	_ =	shalt  }
0x71: {  	_ =	shalt  }
0x72: {  	_ =	shalt  }
0x73: {  	_ =	shalt  }
0x74: {  	_ =	shalt  }
0x75: {  	_ =	shalt  }
0x76: {  	_ =	shalt  }
0x77: {  	_ =	shalt  }
0x78: {  	_ =	shalt  }
0x79: {  	_ =	shalt  }
0x7a: {  	_ =	shalt  }
0x7b: {  	_ =	shalt  }
0x7c: {  	_ =	shalt  }
0x7d: {  	_ =	shalt  }
0x7e: {  	_ =	shalt  }
0x7f: {  	_ =	shalt  }
0x80: {  	_ =	shalt  }
0x81: {  	_ =	shalt  }
0x82: {  	_ =	shalt  }
0x83: {  	_ =	shalt  }
0x84: {  	_ =	shalt  }
0x85: {  	_ =	shalt  }
0x86: {  	_ =	shalt  }
0x87: {  	_ =	shalt  }
.Lfunc_end0:
.L_simem_size_0:
called_computation.8_lowered:
.L_overlay_start_0:
0x88: {  	s2 =	sld [smem:$0x3FD9]  }
0x89: {  	s3 =	sld [smem:$0x3FFE];
	_ =	sdelay $0x1  }
0x8a: {  	s1 =	srdreg.scid  }
0x8b: {  	s0 =	sand.u32 $0x1, s1  }
0x8c: {  	s17 =	sshll.u32 s0, $0xA;
	s2 =	sadd.s32 s3, s2  }
0x8d: {  	s2 =	sadd.s32 s2, s17  }
0x8e: {  	[smem:$0x3FAB] =	sst s2  }
0x8f: {  	_ = 	snop  }
0x90: {  	(tm) =	ssettm $0x1  }
0x91: {  	s18 =	sld [smem:$0x3FFB];
	_ =	sdelay $0x3  }
0x92: {  	_ =	strace s18  }
0x93: {  	s2 =	sld [smem:$0x3FFC];
	_ =	sdelay $0x3  }
0x94: {  	_ =	strace s2  }
0x95: {  	s2 =	sld [smem:$0x3FFD];
	_ =	sdelay $0x3  }
0x96: {  	_ =	strace s2  }
0x97: {  	_ =	strace $0x8FFFFFFF  }
0x98: {  	s19 =	sld [smem:$0x3FDB];
	_ =	sdelay $0x1  }
0x99: {  	s20 =	simm.s32 $_scs_section_size  }
0x9a: {  	s4 =	simm.s32 $_size__tile_overlayer_lowered;
	s5 =	simm.s32 $_tile_overlayer_lowered  }
0x9b: {  	s6 =	simm.s32 $0x1BFF;
	s21 =	sshll.u32 s5, $0x1;
	s3 =	sadd.s32 s20, s19  }
0x9c: {  	s22 =	simm.s32 $0x0;
	s4 =	sshll.u32 s4, $0x1;
	s5 =	sadd.s32 s21, s3  }
0x9d: {  	[timem:s22], [sflag:s6] =	dma.local [hbm:s5], s4  }
0x9e: {  	_ =	swait.ge [sflag:s6], s4  }
0x9f: {  	s4 =	ssub.s32 $0x0, s4;
	[sflag:s6] =	ssyncset.done $0x0  }
0xa0: {  	[sflag:s6] =	ssyncadd.s32 s4;
	_ =	sdelay $0x1  }
0xa1: {  	s23 =	simm.s32 $0x1B8B  }
0xa2: {  	_ =	swait.ge [sflag:s23], $0x1  }
0xa3: {  	[sflag:s23] =	ssyncset.done $0x0  }
0xa4: {  	[sflag:s23] =	ssyncadd.s32 $0xFFFFFFFF  }
0xa5: {  	s4 =	sld [smem:$0x0]  }
0xa6: {  	s5 =	sand.u32 $0xFFFFFFFE, s1  }
0xa7: {  	p0 =	sne.s32 s1, s5  }
0xa8: {  	s5 =	sshll.u32 @p0 s5, $0xE  }
0xa9: {  	s5 =	sadd.s32 @p0 $0x11B8D, s5;
	s6 =	sshll.u32 @p0 s4, $0x11  }
0xaa: {  	s5 =	sor.u32 @p0 s6, s5  }
0xab: {  	[sflag:s5] =	ssyncadd.remote.s32 @p0 $0x1;
	_ =	sdelay $0x1  }
0xac: {  	s5 =	simm.s32 @p0 $0x1B8D  }
0xad: {  	_ =	swait.eq @p0 [sflag:s5], $0x1  }
0xae: {  	[sflag:s5] =	ssyncadd.s32 @p0 $0xFFFFFFFF  }
0xaf: {  	s6 =	sshll.u32 @!p0 s1, $0xE  }
0xb0: {  	s6 =	sor.u32 @!p0 $0x4000, s6;
	s5 =	simm.s32 @!p0 $0x1B8D  }
0xb1: {  	s4 =	sshll.u32 @!p0 s4, $0x11;
	s6 =	sadd.s32 @!p0 $0x11B8D, s6;
	_ =	swait.eq @!p0 [sflag:s5], $0x1  }
0xb2: {  	s4 =	sor.u32 @!p0 s4, s6;
	[sflag:s5] =	ssyncadd.s32 @!p0 $0xFFFFFFFF  }
0xb3: {  	s25 =	simm.s32 $0x1B8E;
	s24 =	sld [smem:$0x3FFE];
	[sflag:s4] =	ssyncadd.remote.s32 @!p0 $0x1  }
0xb4: {  	s26 =	simm.s32 $execute0_lowered;
	[smem:$0x3FD2] =	sst s25  }
0xb5: {  	s5 =	sshll.u32 s26, $0x1;
	_ =	strace $0x80000064;
	[dreg:$0x1] =	wrdreg $0xFFFFFFFF  }
0xb6: {  	s28 =	simm.s32 $_size_execute0_lowered;
	s3 =	sadd.s32 s3, s5;
	[dreg:$0x0] =	wrdreg $0x0  }
0xb7: {  	s5 =	sshll.u32 s28, $0x1;
	[dreg:$0x2] =	wrdreg s3  }
0xb8: {  	[dreg:$0x3] =	wrdreg s5  }
0xb9: {  	[dreg:$0x4] =	wrdreg $0xC0  }
0xba: {  	_ =	task [dreg:s22], $0x5FFFF  }
0xbb: {  	[dreg:$0x1] =	wrdreg $0xFFFFFFFF  }
0xbc: {  	[dreg:$0x0] =	wrdreg $0x60  }
0xbd: {  	[dreg:$0x2] =	wrdreg s24  }
0xbe: {  	[dreg:$0x3] =	wrdreg $0xAD000  }
0xbf: {  	[dreg:$0x4] =	wrdreg $0xB  }
0xc0: {  	_ =	task.clear_ibuf [dreg:s22], $0x5FFFF;
	_ =	strace $0x90000064  }
0xc1: {  	s29 =	simm.s32 $0xB;
	_ =	strace $0x80000066  }
0xc2: {  	_ =	swait.ge [sflag:s29], $0x1  }
0xc3: {  	[sflag:s29] =	ssyncadd.s32 $0xFFFFFFFF  }
0xc4: {  	_ =	strace $0x90000066  }
0xc5: {  	_ =	sfence  }
0xc6: {  	s30 =	sld [smem:$0x0];
	_ =	sdelay $0x2  }
0xc7: {  	s31 =	sshll.u32 s1, $0xD;
	s1 =	sshrl.u32 s1, $0x2  }
0xc8: {  	s4 =	sand.u32 $0x4000, s31;
	s1 =	sadd.s32 s1, s30  }
0xc9: {  	s0 =	sor.u32 s4, s0;
	s1 =	sshll.u32 s1, $0x11  }
0xca: {  	s0 =	sor.u32 s1, s0  }
0xcb: {  	s0 =	sadd.s32 $0x8F2B, s0  }
0xcc: {  	[sflag:s0] =	ssyncadd.remote.s32 $0x1  }
0xcd: {  	_ =	sfence.sel $0xFFFF  }
0xce: {  	[dreg:$0x0] =	wrdreg $0xFFFFFFFF;
	(pc) =	sbr.abs _section_cstart, $3  }
0xcf: {  	[dreg:$0x1] =	wrdreg $0xFFFFFFFF  }
0xd0: {  	_ =	task.clear_ibuf [dreg:s22], $0x2FFFF;
	_ =	strace $0x9FFFFFFF  }
0xd1: {  	(tm) =	ssettm $0x7FFFFFFF  }
tec
execute0_lowered:
.L_overlay_start_1:
0x0: {  	(tag) =	ssettag $0x1  }
0x1: {  	s5 =	rddreg [dreg:$0x0];
	s0 =	srdreg.scid  }
0x2: {  	s2 =	rddreg [dreg:$0x1];
	s1 =	stileid.u32;
	s3 =	simm.s32 $0x0  }
0x3: {  	s15 =	simm.s32 $0x2C00;
	s16 =	simm.s32 $0x2C80;
	s17 =	simm.s32 $0x80  }
0x4: {  	s18 =	simm.s32 $0x2D00;
	s19 =	simm.s32 $0x6D00;
	s8 =	smul.u32 $0x2C00, s1  }
0x5: {  	s20 =	simm.s32 $0x1;
	s21 =	simm.s32 $0x2;
	s9 =	smul.u32 $0x13C00, s1  }
0x6: {  	s22 =	simm.s32 $0x3;
	s23 =	simm.s32 $0x4;
	s26 =	smul.u32 $0x4F000, s1  }
0x7: {  	s6 =	sand.u32 $0x1, s0;
	s0 =	rddreg [dreg:$0x2];
	s13 =	smul.u32 $0x2900, s1  }
0x8: {  	s24 =	simm.s32 $0x0;
	[smem:$0x7FF] =	sst s3;
	s30 =	smul.u32 $0x520, s1  }
0x9: {  	s4 =	sadd.s32 $0x41800, s5;
	s11 =	sadd.s32 $0x9E00, s5;
	s7 =	smul.u32 $0x2C000, s6  }
0xa: {  	s31 =	sshll.u32 s1, $0x6;
	s10 =	smul.u32 $0x13C000, s6;
	s6 =	ssub.s32 $0x2, s6  }
0xb: {  	_ =	strace $0x80000065;
	s25 =	sshrl.u32 s9, $0x3;
	s12 =	sshrl.u32 s6, $0x1  }
0xc: {  	s28 =	sshrl.u32 s26, $0x2;
	s29 =	sshrl.u32 s13, $0x3;
	s13 =	sor.u32 $0x1C05, s31  }
0xd: {  	s7 =	sadd.s32 s8, s7;
	s8 =	sadd.s32 s25, s5;
	s9 =	sadd.s32 s9, s10  }
0xe: {  	s12 =	ssub.s32 s6, s12;
	s14 =	sadd.s32 s28, s2;
	s7 =	sshrl.u32 s7, $0x3  }
0xf: {  	s9 =	sshrl.u32 s9, $0x3;
	s6 =	sadd.s32 $0x1A000, s8;
	s10 =	smax.u32 s12, $0x1  }
0x10: {  	s12 =	simm.s32 $0x5;
	s14 =	sshrl.u32 s14, $0x3;
	s7 =	sadd.s32 s7, s5  }
0x11: {  	s9 =	sadd.s32 s9, s5;
	s5 =	sadd.s32 $0xF000, s7;
	s7 =	sadd.s32 s11, s29  }
0x12: {  	s9 =	sadd.s32 $0xF0200, s9;
	s11 =	sadd.s32 s30, s11;
	s8 =	sadd.s32 $0x10, s7  }
.LBB2_1:
0x13: {  	[tilespmem:s3], [sflag:$0x5] =	stream.linear.gather [hbm4b:s5+s3], $0x2900, $0x38;
	[tilespmem:$0x1E900] =	vst v63  }
0x14: {  	_ =	swait.ge [sflag:s12], $0x2900  }
0x15: {  	[sflag:s12] =	ssyncset.done $0x0  }
0x16: {  	[sflag:s12] =	ssyncadd.s32 $0xFFFFD700  }
0x17: {  	[spmem:s14], [sflag:s13] =	dma.local [hbm:s6], $0x2780  }
0x18: {  	_ =	swait.ge [sflag:s12], $0x2780  }
0x19: {  	[sflag:s12] =	ssyncset.done $0x0  }
0x1a: {  	[sflag:s12] =	ssyncadd.s32 $0xFFFFD880  }
0x1b: {  	[bflag:$0x0] =	sbarrier.arrive $0xFFFF  }
0x1c: {  	[tilespmem:s15], [sflag:$0x2] =	stream.linear.gather [hbm4b:s7+s3], $0x80, $0x38;
	[tilespmem:$0x1E900] =	vst v63  }
0x1d: {  	_ = 	snop  }
0x1e: {  	[tilespmem:s16], [sflag:$0x4] =	stream.linear.gather [hbm4b:s8+s3], $0x80, $0x38;
	[tilespmem:$0x1E900] =	vst v63  }
0x1f: {  	_ = 	snop  }
0x20: {  	[tilespmem:s18], [sflag:$0x1] =	stream.indirect.gather [hbm4b:s4+s17], $0x80, s3, s17, $0xb8;
	[tilespmem:$0x1E900] =	vst v63  }
0x21: {  	_ = 	snop  }
0x22: {  	[tilespmem:s19], [sflag:$0x3] =	stream.indirect.gather [hbm4b:s4+s17], $0x80, s17, s17, $0xb8;
	[tilespmem:$0x1E900] =	vst v63  }
0x23: {  	_ =	swait.ge [sflag:s20], $0x4000  }
0x24: {  	[sflag:s20] =	ssyncset.done $0x0  }
0x25: {  	[sflag:s20] =	ssyncadd.s32 $0xFFFFC000  }
0x26: {  	_ =	swait.ge [sflag:s21], $0x80  }
0x27: {  	[sflag:s21] =	ssyncset.done $0x0  }
0x28: {  	[sflag:s21] =	ssyncadd.s32 $0xFFFFFF80  }
0x29: {  	[spmem:s2] =	stream.indirect.scatter.add.f32 [tilespmem:s18], [sflag:$0x5], $0x80, s15, s17, $0xb8;
	[tilespmem:$0x1E900] =	vst v63  }
0x2a: {  	_ =	swait.ge [sflag:s12], $0x4000  }
0x2b: {  	[sflag:s12] =	ssyncset.done $0x0  }
0x2c: {  	s25 =	simm.s32 $0x100;
	s26 =	sadd.s32 $0xFFFFFB00, s11;
	[sflag:s12] =	ssyncadd.s32 $0xFFFFC000  }
0x2d: {  	[tilespmem:s18], [sflag:$0x1] =	stream.indirect.gather [hbm4b:s4+s17], $0x80, s25, s17, $0xb8;
	[tilespmem:$0x1E900] =	vst v63  }
0x2e: {  	s30 =	sadd.s32 $0x520, s26  }
0x2f: {  	[tilespmem:s15], [sflag:$0x2] =	stream.linear.gather [hbm4b:s30+s3], $0x80, $0x38;
	[tilespmem:$0x1E900] =	vst v63  }
0x30: {  	_ =	swait.ge [sflag:s22], $0x4000  }
0x31: {  	[sflag:s22] =	ssyncset.done $0x0  }
0x32: {  	[sflag:s22] =	ssyncadd.s32 $0xFFFFC000  }
0x33: {  	_ =	swait.ge [sflag:s23], $0x80  }
0x34: {  	[sflag:s23] =	ssyncset.done $0x0  }
0x35: {  	[sflag:s23] =	ssyncadd.s32 $0xFFFFFF80  }
0x36: {  	[spmem:s2] =	stream.indirect.scatter.add.f32 [tilespmem:s19], [sflag:$0x5], $0x80, s16, s17, $0xb8;
	[tilespmem:$0x1E900] =	vst v63  }
0x37: {  	_ =	swait.ge [sflag:s12], $0x4000  }
0x38: {  	s31 =	simm.s32 $0x180;
	s28 =	sadd.s32 $0x530, s26;
	[sflag:s12] =	ssyncset.done $0x0  }
0x39: {  	s26 =	simm.s32 $0x280;
	s25 =	simm.s32 $0xFFFFFB20;
	[sflag:s12] =	ssyncadd.s32 $0xFFFFC000  }
0x3a: {  	[tilespmem:s19], [sflag:$0x3] =	stream.indirect.gather [hbm4b:s4+s17], $0x80, s31, s17, $0xb8;
	[tilespmem:$0x1E900] =	vst v63  }
.LBB2_2:
0x3b: {  	[tilespmem:s16], [sflag:$0x4] =	stream.linear.gather [hbm4b:s28+s3], $0x80, $0x38;
	[tilespmem:$0x1E900] =	vst v63  }
0x3c: {  	s28 =	smov.u32 s25  }
0x3d: {  	p0 =	sne.s32 s25, $0xFFFFFFE0;
	s25 =	sadd.s32 $0x20, s25;
	_ =	swait.ge [sflag:s20], $0x4000  }
0x3e: {  	[sflag:s20] =	ssyncset.done $0x0  }
0x3f: {  	[sflag:s20] =	ssyncadd.s32 $0xFFFFC000  }
0x40: {  	_ =	swait.ge [sflag:s21], $0x80  }
0x41: {  	[sflag:s21] =	ssyncset.done $0x0  }
0x42: {  	[sflag:s21] =	ssyncadd.s32 $0xFFFFFF80  }
0x43: {  	[spmem:s2] =	stream.indirect.scatter.add.f32 [tilespmem:s18], [sflag:$0x5], $0x80, s15, s17, $0xb8;
	[tilespmem:$0x1E900] =	vst v63  }
0x44: {  	_ =	swait.ge [sflag:s12], $0x4000  }
0x45: {  	[sflag:s12] =	ssyncset.done $0x0  }
0x46: {  	s29 =	sadd.s32 $0xFFFFFF80, s26;
	s28 =	sadd.s32 s28, s11;
	[sflag:s12] =	ssyncadd.s32 $0xFFFFC000  }
0x47: {  	[tilespmem:s18], [sflag:$0x1] =	stream.indirect.gather [hbm4b:s4+s17], $0x80, s29, s17, $0xb8;
	[tilespmem:$0x1E900] =	vst v63  }
0x48: {  	s29 =	sadd.s32 $0x520, s28  }
0x49: {  	[tilespmem:s15], [sflag:$0x2] =	stream.linear.gather [hbm4b:s29+s3], $0x80, $0x38;
	[tilespmem:$0x1E900] =	vst v63  }
0x4a: {  	_ =	swait.ge [sflag:s22], $0x4000  }
0x4b: {  	[sflag:s22] =	ssyncset.done $0x0  }
0x4c: {  	[sflag:s22] =	ssyncadd.s32 $0xFFFFC000  }
0x4d: {  	_ =	swait.ge [sflag:s23], $0x80  }
0x4e: {  	[sflag:s23] =	ssyncset.done $0x0  }
0x4f: {  	[sflag:s23] =	ssyncadd.s32 $0xFFFFFF80  }
0x50: {  	[spmem:s2] =	stream.indirect.scatter.add.f32 [tilespmem:s19], [sflag:$0x5], $0x80, s16, s17, $0xb8;
	[tilespmem:$0x1E900] =	vst v63  }
.Ltmp0:
0x51: {  	_ =	swait.ge [sflag:s12], $0x4000;
	(pc) =	sbr.rel @p0 .LBB2_2-.Ltmp0, $4  }
0x52: {  	[sflag:s12] =	ssyncset.done $0x0  }
0x53: {  	[sflag:s12] =	ssyncadd.s32 $0xFFFFC000  }
0x54: {  	[tilespmem:s19], [sflag:$0x3] =	stream.indirect.gather [hbm4b:s4+s17], $0x80, s26, s17, $0xb8;
	[tilespmem:$0x1E900] =	vst v63  }
0x55: {  	s28 =	sadd.s32 $0x530, s28;
	s26 =	sadd.s32 $0x100, s26  }
0x56: {  	[tilespmem:s16], [sflag:$0x4] =	stream.linear.gather [hbm4b:s28+s3], $0x80, $0x38;
	[tilespmem:$0x1E900] =	vst v63  }
0x57: {  	_ =	swait.ge [sflag:s20], $0x4000  }
0x58: {  	[sflag:s20] =	ssyncset.done $0x0  }
0x59: {  	[sflag:s20] =	ssyncadd.s32 $0xFFFFC000  }
0x5a: {  	_ =	swait.ge [sflag:s22], $0x4000  }
0x5b: {  	[sflag:s22] =	ssyncset.done $0x0  }
0x5c: {  	[sflag:s22] =	ssyncadd.s32 $0xFFFFC000  }
0x5d: {  	_ =	swait.ge [sflag:s21], $0x80  }
0x5e: {  	[sflag:s21] =	ssyncset.done $0x0  }
0x5f: {  	[sflag:s21] =	ssyncadd.s32 $0xFFFFFF80  }
0x60: {  	_ =	swait.ge [sflag:s23], $0x80  }
0x61: {  	s24 =	sadd.s32 $0x1, s24;
	[sflag:s23] =	ssyncset.done $0x0  }
0x62: {  	p0 =	sne.s32 s24, s10;
	[sflag:s23] =	ssyncadd.s32 $0xFFFFFF80  }
.Ltmp1:
0x63: {  	[bflag:$0x0] =	sbarrier.arrive $0xFFFF;
	(pc) =	sbr.rel @p0 .LBB2_1-.Ltmp1, $4  }
0x64: {  	[hbm:s9], [sflag:s13] =	dma.local [spmem:s14], $0x2780  }
0x65: {  	_ =	swait.ge [sflag:s12], $0x2780  }
0x66: {  	[sflag:s12] =	ssyncset.done $0x0  }
0x67: {  	[sflag:s12] =	ssyncadd.s32 $0xFFFFD880  }
0x68: {  	_ =	sfence.sel $0x180000  }
0x69: {  	[bflag:$0x0] =	sbarrier.arrive $0xFFFF  }
0x6a: {  	p0 =	sne.s32 s1, $0x0;
	_ =	strace $0x90000065  }
0x6b: {  	s0 =	sadd.s32 @!p0 $0x100000, s0;
	[bflag:$0x2] =	sbarrier.arrive $0xFFFF  }
0x6c: {  	[sflag:s0] =	ssyncadd.tile.s32 @!p0 $0x1;
	_ =	shalt  }
.Lfunc_end2:
_tile_overlayer_lowered:
.L_overlay_start_2:
0x6d: {  	(tag) =	ssettag $0x2  }
0x6e: {  	s0 =	rddreg [dreg:$0x0];
	s2 =	stileid.u32  }
0x6f: {  	s1 =	rddreg [dreg:$0x1];
	p0 =	sne.s32 s2, $0x0  }
0x70: {  	s3 =	rddreg [dreg:$0x2];
	[bflag:$0x3] =	sbarrier.arrive $0xFFFF;
	s2 =	simm.s32 @!p0 $0x1C05  }
0x71: {  	[timem:s3], [sflag:s2] =	dma.local @!p0 [hbm:s0], s1  }
0x72: {  	s0 =	simm.s32 @!p0 $0x5  }
0x73: {  	_ =	swait.ge @!p0 [sflag:s0], s1  }
0x74: {  	s1 =	ssub.s32 @!p0 $0x0, s1;
	[sflag:s0] =	ssyncset.done @!p0 $0x0  }
0x75: {  	[sflag:s0] =	ssyncadd.s32 @!p0 s1  }
0x76: {  	[bflag:$0x3] =	sbarrier.arrive $0xFFFF  }
0x77: {  	_ =	shalt  }

// kernel: kernel.57.cloned.1.call-start
scs
__scs_entry_jumppad:
0x0: {  	(pc) =	sbr.rel $0x88, $3  }
0x1: {  	(tag) =	ssettag $0x0;
	lr =	simm.s32 $0x1  }
0x2: {  	[smem:$0x3F84] =	sst lr;
	_ =	strace $0xD0000000  }
0x3: {  	_ = 	snop  }
0x4: {  	_ = 	snop  }
0x5: {  	_ = 	snop  }
0x6: {  	_ = 	snop  }
0x7: {  	_ = 	snop  }
__scs_overlays_trampoline_lowered:
0x8: {  	[smem:$0x3F93] =	sst s0  }
0x9: {  	[smem:$0x3F94] =	sst s1  }
0xa: {  	[smem:$0x3F95] =	sst s2  }
0xb: {  	[smem:$0x3F96] =	sst s3  }
0xc: {  	[smem:$0x3F97] =	sst s4  }
0xd: {  	[smem:$0x3F98] =	sst s5  }
0xe: {  	[smem:$0x3F99] =	sst s6  }
0xf: {  	[smem:$0x3F9A] =	sst s7  }
0x10: {  	[smem:$0x3F9B] =	sst s8  }
0x11: {  	[smem:$0x3F9C] =	sst s9;
	s0 =	simm.s32 @!p0 $0x0  }
0x12: {  	s1 =	sld [smem:$0x3F82];
	s0 =	simm.s32 @p0 $0x1  }
0x13: {  	[smem:$0x3F9D] =	sst s0;
	s0 =	simm.s32 @!p1 $0x0  }
0x14: {  	s2 =	sld [smem:$0x3F81];
	s0 =	simm.s32 @p1 $0x1  }
0x15: {  	[smem:$0x3F9E] =	sst s0;
	s0 =	simm.s32 @!p2 $0x0  }
0x16: {  	s3 =	sld [smem:$0x3FDB];
	s0 =	simm.s32 @p2 $0x1  }
0x17: {  	s4 =	simm.s32 $0x1BF5;
	[smem:$0x3FA0] =	sst s0  }
0x18: {  	s0 =	sld [smem:$0x3F83];
	_ =	swait.ge [sflag:s4], $0x0  }
0x19: {  	s7 =	sld [smem:$0x3F84]  }
0x1a: {  	s8 =	sadd.s32 $0xFFFFE003, lr  }
0x1b: {  	s9 =	sadd.s32 $0xFFFFFEF7, lr;
	s5 =	simm.s32 $0xFFFFFFFF;
	p2 =	slt.u32 s8, $0xFFFFF086  }
0x1c: {  	p1 =	slt.u32 s9, $0xF7A;
	s5 =	simm.s32 @!p2 $0x0  }
0x1d: {  	s5 =	simm.s32 @p1 $0x1;
	p0 =	seq.s32 s7, s2  }
0x1e: {  	s7 =	smul.u32 @!p0 $0xF7A, s2;
	p2 =	seq.s32 @!p0 s5, $0x0  }
0x1f: {  	s9 =	smul.u32 $0xF7A, s1;
	s8 =	simm.s32 @!p0 $0x1BF5;
	p2 =	por !p2, p0  }
0x20: {  	[sflag:s8] =	ssyncset.s32 @!p0 $0xFFFFF086;
	s6 =	sadd.s32 @!p0 s3, s7;
	s7 =	simm.s32 @!p0 $0x108  }
0x21: {  	s3 =	sadd.s32 s3, s9;
	s6 =	sadd.s32 @!p0 $0x88, s6;
	s7 =	simm.s32 @p2 $0x1082  }
0x22: {  	[simem:s7], [sflag:s8] =	dma.local @!p0 [hbm:s6], $0xF7A  }
0x23: {  	s9 =	sor.u32 $0xD0000000, s2;
	s6 =	simm.s32 $0x108;
	_ =	swait.ge @!p0 [sflag:s8], $0x0  }
0x24: {  	s3 =	sadd.s32 $0x88, s3;
	s6 =	simm.s32 @!p1 $0x1082;
	[sflag:s4] =	ssyncset.s32 $0xFFFFF086  }
0x25: {  	[simem:s6], [sflag:s4] =	dma.local [hbm:s3], $0xF7A  }
0x26: {  	[smem:$0x3F84] =	sst s1;
	(tag) =	ssettag s2;
	_ =	strace s9  }
0x27: {  	s1 =	sld [smem:$0x3F94]  }
0x28: {  	s2 =	sld [smem:$0x3F95]  }
0x29: {  	s4 =	sld [smem:$0x3F97]  }
0x2a: {  	p0 =	seq.s32 s5, $0x0;
	s5 =	sld [smem:$0x3F98]  }
0x2b: {  	s6 =	sld [smem:$0x3F99]  }
0x2c: {  	s7 =	sld [smem:$0x3F9A]  }
0x2d: {  	s3 =	simm.s32 $0x108;
	s8 =	sld [smem:$0x3F9B]  }
0x2e: {  	s3 =	simm.s32 @!p0 $0x1082;
	s9 =	sld [smem:$0x3F9C]  }
0x2f: {  	lr =	sadd.s32 s0, s3;
	s0 =	sld [smem:$0x3F93]  }
0x30: {  	s3 =	sld [smem:$0x3F96]  }
0x31: {  	[smem:$0x3F9F] =	sst s10  }
0x32: {  	s10 =	sld [smem:$0x3F9D];
	_ =	sdelay $0x3  }
0x33: {  	p0 =	seq.s32 s10, $0x1;
	s10 =	sld [smem:$0x3F9F];
	_ =	sdelay $0x3  }
0x34: {  	[smem:$0x3F9F] =	sst s10  }
0x35: {  	s10 =	sld [smem:$0x3F9E];
	_ =	sdelay $0x3  }
0x36: {  	p1 =	seq.s32 s10, $0x1;
	s10 =	sld [smem:$0x3F9F];
	_ =	sdelay $0x3  }
0x37: {  	[smem:$0x3F9F] =	sst s10  }
0x38: {  	s10 =	sld [smem:$0x3FA0]  }
0x39: {  	_ = 	snop;
	(pc) =	sbr.ind lr, $3  }
0x3a: {  	_ = 	snop  }
0x3b: {  	_ = 	snop  }
0x3c: {  	p2 =	seq.s32 s10, $0x1;
	s10 =	sld [smem:$0x3F9F]  }
0x3d: {  	_ =	shalt  }
0x3e: {  	_ =	shalt  }
0x3f: {  	_ =	shalt  }
0x40: {  	_ =	shalt  }
0x41: {  	_ =	shalt  }
0x42: {  	_ =	shalt  }
0x43: {  	_ =	shalt  }
0x44: {  	_ =	shalt  }
0x45: {  	_ =	shalt  }
0x46: {  	_ =	shalt  }
0x47: {  	_ =	shalt  }
0x48: {  	_ =	shalt  }
0x49: {  	_ =	shalt  }
0x4a: {  	_ =	shalt  }
0x4b: {  	_ =	shalt  }
0x4c: {  	_ =	shalt  }
0x4d: {  	_ =	shalt  }
0x4e: {  	_ =	shalt  }
0x4f: {  	_ =	shalt  }
0x50: {  	_ =	shalt  }
0x51: {  	_ =	shalt  }
0x52: {  	_ =	shalt  }
0x53: {  	_ =	shalt  }
0x54: {  	_ =	shalt  }
0x55: {  	_ =	shalt  }
0x56: {  	_ =	shalt  }
0x57: {  	_ =	shalt  }
0x58: {  	_ =	shalt  }
0x59: {  	_ =	shalt  }
0x5a: {  	_ =	shalt  }
0x5b: {  	_ =	shalt  }
0x5c: {  	_ =	shalt  }
0x5d: {  	_ =	shalt  }
0x5e: {  	_ =	shalt  }
0x5f: {  	_ =	shalt  }
0x60: {  	_ =	shalt  }
0x61: {  	_ =	shalt  }
0x62: {  	_ =	shalt  }
0x63: {  	_ =	shalt  }
0x64: {  	_ =	shalt  }
0x65: {  	_ =	shalt  }
0x66: {  	_ =	shalt  }
0x67: {  	_ =	shalt  }
0x68: {  	_ =	shalt  }
0x69: {  	_ =	shalt  }
0x6a: {  	_ =	shalt  }
0x6b: {  	_ =	shalt  }
0x6c: {  	_ =	shalt  }
0x6d: {  	_ =	shalt  }
0x6e: {  	_ =	shalt  }
0x6f: {  	_ =	shalt  }
0x70: {  	_ =	shalt  }
0x71: {  	_ =	shalt  }
0x72: {  	_ =	shalt  }
0x73: {  	_ =	shalt  }
0x74: {  	_ =	shalt  }
0x75: {  	_ =	shalt  }
0x76: {  	_ =	shalt  }
0x77: {  	_ =	shalt  }
0x78: {  	_ =	shalt  }
0x79: {  	_ =	shalt  }
0x7a: {  	_ =	shalt  }
0x7b: {  	_ =	shalt  }
0x7c: {  	_ =	shalt  }
0x7d: {  	_ =	shalt  }
0x7e: {  	_ =	shalt  }
0x7f: {  	_ =	shalt  }
0x80: {  	_ =	shalt  }
0x81: {  	_ =	shalt  }
0x82: {  	_ =	shalt  }
0x83: {  	_ =	shalt  }
0x84: {  	_ =	shalt  }
0x85: {  	_ =	shalt  }
0x86: {  	_ =	shalt  }
0x87: {  	_ =	shalt  }
.Lfunc_end0:
.L_simem_size_0:
called_computation.9_lowered:
.L_overlay_start_0:
0x88: {  	s2 =	sld [smem:$0x3FD9]  }
0x89: {  	s3 =	sld [smem:$0x3FFE];
	_ =	sdelay $0x1  }
0x8a: {  	s1 =	srdreg.scid  }
0x8b: {  	s0 =	sand.u32 $0x1, s1  }
0x8c: {  	s15 =	sshll.u32 s0, $0xA;
	s2 =	sadd.s32 s3, s2  }
0x8d: {  	s2 =	sadd.s32 s2, s15  }
0x8e: {  	[smem:$0x3FAB] =	sst s2  }
0x8f: {  	_ = 	snop  }
0x90: {  	s2 =	sld [smem:$0x3FD0];
	_ =	sdelay $0x2  }
0x91: {  	s16 =	simm.s32 $0xD;
	s4 =	simm.s32 $0x10  }
0x92: {  	[smem:s4], [sflag:s16] =	dma.local [hbm:s2], $0x1  }
0x93: {  	_ =	swait.eq [sflag:s16], $0x1  }
0x94: {  	[sflag:s16] =	ssyncset.done $0x0  }
0x95: {  	[sflag:s16] =	ssyncadd.s32 $0xFFFFFFFF  }
0x96: {  	s17 =	sld [smem:$0x13];
	(tm) =	ssettm $0x1  }
0x97: {  	s18 =	sld [smem:$0x3FFB];
	_ =	sdelay $0x3  }
0x98: {  	_ =	strace s18  }
0x99: {  	s2 =	sld [smem:$0x3FFC];
	_ =	sdelay $0x3  }
0x9a: {  	_ =	strace s2  }
0x9b: {  	s2 =	sld [smem:$0x3FFD];
	_ =	sdelay $0x3  }
0x9c: {  	_ =	strace s2  }
0x9d: {  	_ =	strace $0x8FFFFFFF  }
0x9e: {  	s19 =	sld [smem:$0x3FDB];
	_ =	sdelay $0x1  }
0x9f: {  	s20 =	simm.s32 $_scs_section_size  }
0xa0: {  	s5 =	simm.s32 $_size__tile_overlayer_lowered;
	s6 =	simm.s32 $_tile_overlayer_lowered  }
0xa1: {  	s7 =	simm.s32 $0x1BFF;
	s21 =	sshll.u32 s6, $0x1;
	s4 =	sadd.s32 s20, s19  }
0xa2: {  	s22 =	simm.s32 $0x0;
	s5 =	sshll.u32 s5, $0x1;
	s6 =	sadd.s32 s21, s4  }
0xa3: {  	[timem:s22], [sflag:s7] =	dma.local [hbm:s6], s5  }
0xa4: {  	_ =	swait.ge [sflag:s7], s5  }
0xa5: {  	s5 =	ssub.s32 $0x0, s5;
	[sflag:s7] =	ssyncset.done $0x0  }
0xa6: {  	[sflag:s7] =	ssyncadd.s32 s5;
	_ =	sdelay $0x1  }
0xa7: {  	s23 =	simm.s32 $0x1B8B  }
0xa8: {  	_ =	swait.ge [sflag:s23], $0x1  }
0xa9: {  	[sflag:s23] =	ssyncset.done $0x0  }
0xaa: {  	[sflag:s23] =	ssyncadd.s32 $0xFFFFFFFF  }
0xab: {  	s5 =	sld [smem:$0x0]  }
0xac: {  	s6 =	sand.u32 $0xFFFFFFFE, s1  }
0xad: {  	p0 =	sne.s32 s1, s6  }
0xae: {  	s6 =	sshll.u32 @p0 s6, $0xE  }
0xaf: {  	s6 =	sadd.s32 @p0 $0x11B8D, s6;
	s7 =	sshll.u32 @p0 s5, $0x11  }
0xb0: {  	s6 =	sor.u32 @p0 s7, s6  }
0xb1: {  	[sflag:s6] =	ssyncadd.remote.s32 @p0 $0x1;
	_ =	sdelay $0x1  }
0xb2: {  	s6 =	simm.s32 @p0 $0x1B8D  }
0xb3: {  	_ =	swait.eq @p0 [sflag:s6], $0x1  }
0xb4: {  	[sflag:s6] =	ssyncadd.s32 @p0 $0xFFFFFFFF  }
0xb5: {  	s7 =	sshll.u32 @!p0 s1, $0xE  }
0xb6: {  	s7 =	sor.u32 @!p0 $0x4000, s7;
	s6 =	simm.s32 @!p0 $0x1B8D  }
0xb7: {  	s5 =	sshll.u32 @!p0 s5, $0x11;
	s7 =	sadd.s32 @!p0 $0x11B8D, s7;
	_ =	swait.eq @!p0 [sflag:s6], $0x1  }
0xb8: {  	s5 =	sor.u32 @!p0 s5, s7;
	[sflag:s6] =	ssyncadd.s32 @!p0 $0xFFFFFFFF  }
0xb9: {  	s25 =	simm.s32 $0x1B8E;
	s24 =	sld [smem:$0x3FFE];
	[sflag:s5] =	ssyncadd.remote.s32 @!p0 $0x1  }
0xba: {  	s26 =	simm.s32 $execute0_lowered;
	[smem:$0x3FD2] =	sst s25  }
0xbb: {  	s6 =	sshll.u32 s26, $0x1;
	_ =	strace $0x80000061;
	[dreg:$0x1] =	wrdreg $0xFFFFFFFF  }
0xbc: {  	s28 =	simm.s32 $_size_execute0_lowered;
	s4 =	sadd.s32 s4, s6;
	[dreg:$0x0] =	wrdreg $0x0  }
0xbd: {  	s6 =	sshll.u32 s28, $0x1;
	[dreg:$0x2] =	wrdreg s4  }
0xbe: {  	[dreg:$0x3] =	wrdreg s6  }
0xbf: {  	[dreg:$0x4] =	wrdreg $0xC0  }
0xc0: {  	_ =	task [dreg:s22], $0x5FFFF  }
0xc1: {  	[dreg:$0x1] =	wrdreg $0xFFFFFFFF  }
0xc2: {  	[dreg:$0x0] =	wrdreg $0x60  }
0xc3: {  	[dreg:$0x2] =	wrdreg s17  }
0xc4: {  	[dreg:$0x3] =	wrdreg s24  }
0xc5: {  	[dreg:$0x4] =	wrdreg $0xAD000  }
0xc6: {  	[dreg:$0x5] =	wrdreg $0xA  }
0xc7: {  	_ =	task.clear_ibuf [dreg:s22], $0x6FFFF;
	_ =	strace $0x90000061  }
0xc8: {  	s29 =	simm.s32 $0xA;
	_ =	strace $0x80000063  }
0xc9: {  	_ =	swait.ge [sflag:s29], $0x1  }
0xca: {  	[sflag:s29] =	ssyncadd.s32 $0xFFFFFFFF  }
0xcb: {  	_ =	strace $0x90000063  }
0xcc: {  	_ =	sfence  }
0xcd: {  	s30 =	sld [smem:$0x0];
	_ =	sdelay $0x2  }
0xce: {  	s31 =	sshll.u32 s1, $0xD;
	s1 =	sshrl.u32 s1, $0x2  }
0xcf: {  	s4 =	sand.u32 $0x4000, s31;
	s1 =	sadd.s32 s1, s30  }
0xd0: {  	s0 =	sor.u32 s4, s0;
	s1 =	sshll.u32 s1, $0x11  }
0xd1: {  	s0 =	sor.u32 s1, s0  }
0xd2: {  	s0 =	sadd.s32 $0x8F2B, s0  }
0xd3: {  	[sflag:s0] =	ssyncadd.remote.s32 $0x1  }
0xd4: {  	_ =	sfence.sel $0xFFFF  }
0xd5: {  	[dreg:$0x0] =	wrdreg $0xFFFFFFFF;
	(pc) =	sbr.abs _section_cstart, $3  }
0xd6: {  	[dreg:$0x1] =	wrdreg $0xFFFFFFFF  }
0xd7: {  	_ =	task.clear_ibuf [dreg:s22], $0x2FFFF;
	_ =	strace $0x9FFFFFFF  }
0xd8: {  	(tm) =	ssettm $0x7FFFFFFF  }
0xd9: {  	_ =	shalt  }
tec
execute0_lowered:
.L_overlay_start_1:
0x0: {  	(tag) =	ssettag $0x1  }
0x1: {  	s0 =	rddreg [dreg:$0x0]  }
0x2: {  	s5 =	rddreg [dreg:$0x1];
	s1 =	srdreg.scid  }
0x3: {  	s3 =	rddreg [dreg:$0x2];
	s2 =	stileid.u32  }
0x4: {  	s4 =	simm.s32 $0x0;
	s15 =	simm.s32 $0x2C00;
	s16 =	simm.s32 $0x2C80  }
0x5: {  	s17 =	simm.s32 $0x80;
	s18 =	simm.s32 $0x2D00;
	s8 =	smul.u32 $0x2C00, s2  }
0x6: {  	s19 =	simm.s32 $0x6D00;
	s20 =	simm.s32 $0x1;
	s9 =	smul.u32 $0x13C00, s2  }
0x7: {  	s21 =	simm.s32 $0x2;
	s22 =	simm.s32 $0x3;
	s26 =	smul.u32 $0x4F000, s2  }
0x8: {  	s23 =	simm.s32 $0x4;
	s24 =	simm.s32 $0x0;
	s13 =	smul.u32 $0x2900, s2  }
0x9: {  	s6 =	sand.u32 $0x1, s1;
	s1 =	rddreg [dreg:$0x3];
	s30 =	smul.u32 $0x520, s2  }
0xa: {  	[smem:$0x7FF] =	sst s4;
	s11 =	sadd.s32 $0xB8800, s5;
	s7 =	smul.u32 $0x2C000, s6  }
0xb: {  	s31 =	sshll.u32 s2, $0x6;
	s10 =	smul.u32 $0x13C000, s6;
	s6 =	ssub.s32 $0x2, s6  }
0xc: {  	_ =	strace $0x80000062;
	s25 =	sshrl.u32 s9, $0x3;
	s12 =	sshrl.u32 s6, $0x1  }
0xd: {  	s28 =	sshrl.u32 s26, $0x2;
	s29 =	sshrl.u32 s13, $0x3;
	s13 =	sor.u32 $0x1C05, s31  }
0xe: {  	s7 =	sadd.s32 s8, s7;
	s8 =	sadd.s32 s25, s5;
	s9 =	sadd.s32 s9, s10  }
0xf: {  	s12 =	ssub.s32 s6, s12;
	s14 =	sadd.s32 s28, s3;
	s7 =	sshrl.u32 s7, $0x3  }
0x10: {  	s9 =	sshrl.u32 s9, $0x3;
	s6 =	sadd.s32 $0x1A000, s8;
	s10 =	smax.u32 s12, $0x1  }
0x11: {  	s12 =	simm.s32 $0x5;
	s14 =	sshrl.u32 s14, $0x3;
	s7 =	sadd.s32 s7, s5  }
0x12: {  	s9 =	sadd.s32 s9, s5;
	s5 =	sadd.s32 $0xE5200, s7;
	s7 =	sadd.s32 s11, s29  }
0x13: {  	s9 =	sadd.s32 $0x1DB600, s9;
	s11 =	sadd.s32 s30, s11;
	s8 =	sadd.s32 $0x10, s7  }
.LBB2_1:
0x14: {  	[tilespmem:s4], [sflag:$0x5] =	stream.linear.gather [hbm4b:s5+s4], $0x2900, $0x38;
	[tilespmem:$0x1E900] =	vst v63  }
0x15: {  	_ =	swait.ge [sflag:s12], $0x2900  }
0x16: {  	[sflag:s12] =	ssyncset.done $0x0  }
0x17: {  	[sflag:s12] =	ssyncadd.s32 $0xFFFFD700  }
0x18: {  	[spmem:s14], [sflag:s13] =	dma.local [hbm:s6], $0x2780  }
0x19: {  	_ =	swait.ge [sflag:s12], $0x2780  }
0x1a: {  	[sflag:s12] =	ssyncset.done $0x0  }
0x1b: {  	[sflag:s12] =	ssyncadd.s32 $0xFFFFD880  }
0x1c: {  	[bflag:$0x0] =	sbarrier.arrive $0xFFFF  }
0x1d: {  	[tilespmem:s15], [sflag:$0x2] =	stream.linear.gather [hbm4b:s7+s4], $0x80, $0x38;
	[tilespmem:$0x1E900] =	vst v63  }
0x1e: {  	_ = 	snop  }
0x1f: {  	[tilespmem:s16], [sflag:$0x4] =	stream.linear.gather [hbm4b:s8+s4], $0x80, $0x38;
	[tilespmem:$0x1E900] =	vst v63  }
0x20: {  	_ = 	snop  }
0x21: {  	[tilespmem:s18], [sflag:$0x1] =	stream.indirect.gather [hbm4b:s0+s17], $0x80, s4, s17, $0xb8;
	[tilespmem:$0x1E900] =	vst v63  }
0x22: {  	_ = 	snop  }
0x23: {  	[tilespmem:s19], [sflag:$0x3] =	stream.indirect.gather [hbm4b:s0+s17], $0x80, s17, s17, $0xb8;
	[tilespmem:$0x1E900] =	vst v63  }
0x24: {  	_ =	swait.ge [sflag:s20], $0x4000  }
0x25: {  	[sflag:s20] =	ssyncset.done $0x0  }
0x26: {  	[sflag:s20] =	ssyncadd.s32 $0xFFFFC000  }
0x27: {  	_ =	swait.ge [sflag:s21], $0x80  }
0x28: {  	[sflag:s21] =	ssyncset.done $0x0  }
0x29: {  	[sflag:s21] =	ssyncadd.s32 $0xFFFFFF80  }
0x2a: {  	[spmem:s3] =	stream.indirect.scatter.add.f32 [tilespmem:s18], [sflag:$0x5], $0x80, s15, s17, $0xb8;
	[tilespmem:$0x1E900] =	vst v63  }
0x2b: {  	_ =	swait.ge [sflag:s12], $0x4000  }
0x2c: {  	[sflag:s12] =	ssyncset.done $0x0  }
0x2d: {  	s25 =	simm.s32 $0x100;
	s26 =	sadd.s32 $0xFFFFFB00, s11;
	[sflag:s12] =	ssyncadd.s32 $0xFFFFC000  }
0x2e: {  	[tilespmem:s18], [sflag:$0x1] =	stream.indirect.gather [hbm4b:s0+s17], $0x80, s25, s17, $0xb8;
	[tilespmem:$0x1E900] =	vst v63  }
0x2f: {  	s30 =	sadd.s32 $0x520, s26  }
0x30: {  	[tilespmem:s15], [sflag:$0x2] =	stream.linear.gather [hbm4b:s30+s4], $0x80, $0x38;
	[tilespmem:$0x1E900] =	vst v63  }
0x31: {  	_ =	swait.ge [sflag:s22], $0x4000  }
0x32: {  	[sflag:s22] =	ssyncset.done $0x0  }
0x33: {  	[sflag:s22] =	ssyncadd.s32 $0xFFFFC000  }
0x34: {  	_ =	swait.ge [sflag:s23], $0x80  }
0x35: {  	[sflag:s23] =	ssyncset.done $0x0  }
0x36: {  	[sflag:s23] =	ssyncadd.s32 $0xFFFFFF80  }
0x37: {  	[spmem:s3] =	stream.indirect.scatter.add.f32 [tilespmem:s19], [sflag:$0x5], $0x80, s16, s17, $0xb8;
	[tilespmem:$0x1E900] =	vst v63  }
0x38: {  	_ =	swait.ge [sflag:s12], $0x4000  }
0x39: {  	s31 =	simm.s32 $0x180;
	s28 =	sadd.s32 $0x530, s26;
	[sflag:s12] =	ssyncset.done $0x0  }
0x3a: {  	s26 =	simm.s32 $0x280;
	s25 =	simm.s32 $0xFFFFFB20;
	[sflag:s12] =	ssyncadd.s32 $0xFFFFC000  }
0x3b: {  	[tilespmem:s19], [sflag:$0x3] =	stream.indirect.gather [hbm4b:s0+s17], $0x80, s31, s17, $0xb8;
	[tilespmem:$0x1E900] =	vst v63  }
.LBB2_2:
0x3c: {  	[tilespmem:s16], [sflag:$0x4] =	stream.linear.gather [hbm4b:s28+s4], $0x80, $0x38;
	[tilespmem:$0x1E900] =	vst v63  }
0x3d: {  	s28 =	smov.u32 s25  }
0x3e: {  	p0 =	sne.s32 s25, $0xFFFFFFE0;
	s25 =	sadd.s32 $0x20, s25;
	_ =	swait.ge [sflag:s20], $0x4000  }
0x3f: {  	[sflag:s20] =	ssyncset.done $0x0  }
0x40: {  	[sflag:s20] =	ssyncadd.s32 $0xFFFFC000  }
0x41: {  	_ =	swait.ge [sflag:s21], $0x80  }
0x42: {  	[sflag:s21] =	ssyncset.done $0x0  }
0x43: {  	[sflag:s21] =	ssyncadd.s32 $0xFFFFFF80  }
0x44: {  	[spmem:s3] =	stream.indirect.scatter.add.f32 [tilespmem:s18], [sflag:$0x5], $0x80, s15, s17, $0xb8;
	[tilespmem:$0x1E900] =	vst v63  }
0x45: {  	_ =	swait.ge [sflag:s12], $0x4000  }
0x46: {  	[sflag:s12] =	ssyncset.done $0x0  }
0x47: {  	s29 =	sadd.s32 $0xFFFFFF80, s26;
	s28 =	sadd.s32 s28, s11;
	[sflag:s12] =	ssyncadd.s32 $0xFFFFC000  }
0x48: {  	[tilespmem:s18], [sflag:$0x1] =	stream.indirect.gather [hbm4b:s0+s17], $0x80, s29, s17, $0xb8;
	[tilespmem:$0x1E900] =	vst v63  }
0x49: {  	s29 =	sadd.s32 $0x520, s28  }
0x4a: {  	[tilespmem:s15], [sflag:$0x2] =	stream.linear.gather [hbm4b:s29+s4], $0x80, $0x38;
	[tilespmem:$0x1E900] =	vst v63  }
0x4b: {  	_ =	swait.ge [sflag:s22], $0x4000  }
0x4c: {  	[sflag:s22] =	ssyncset.done $0x0  }
0x4d: {  	[sflag:s22] =	ssyncadd.s32 $0xFFFFC000  }
0x4e: {  	_ =	swait.ge [sflag:s23], $0x80  }
0x4f: {  	[sflag:s23] =	ssyncset.done $0x0  }
0x50: {  	[sflag:s23] =	ssyncadd.s32 $0xFFFFFF80  }
0x51: {  	[spmem:s3] =	stream.indirect.scatter.add.f32 [tilespmem:s19], [sflag:$0x5], $0x80, s16, s17, $0xb8;
	[tilespmem:$0x1E900] =	vst v63  }
.Ltmp0:
0x52: {  	_ =	swait.ge [sflag:s12], $0x4000;
	(pc) =	sbr.rel @p0 .LBB2_2-.Ltmp0, $4  }
0x53: {  	[sflag:s12] =	ssyncset.done $0x0  }
0x54: {  	[sflag:s12] =	ssyncadd.s32 $0xFFFFC000  }
0x55: {  	[tilespmem:s19], [sflag:$0x3] =	stream.indirect.gather [hbm4b:s0+s17], $0x80, s26, s17, $0xb8;
	[tilespmem:$0x1E900] =	vst v63  }
0x56: {  	s28 =	sadd.s32 $0x530, s28;
	s26 =	sadd.s32 $0x100, s26  }
0x57: {  	[tilespmem:s16], [sflag:$0x4] =	stream.linear.gather [hbm4b:s28+s4], $0x80, $0x38;
	[tilespmem:$0x1E900] =	vst v63  }
0x58: {  	_ =	swait.ge [sflag:s20], $0x4000  }
0x59: {  	[sflag:s20] =	ssyncset.done $0x0  }
0x5a: {  	[sflag:s20] =	ssyncadd.s32 $0xFFFFC000  }
0x5b: {  	_ =	swait.ge [sflag:s22], $0x4000  }
0x5c: {  	[sflag:s22] =	ssyncset.done $0x0  }
0x5d: {  	[sflag:s22] =	ssyncadd.s32 $0xFFFFC000  }
0x5e: {  	_ =	swait.ge [sflag:s21], $0x80  }
0x5f: {  	[sflag:s21] =	ssyncset.done $0x0  }
0x60: {  	[sflag:s21] =	ssyncadd.s32 $0xFFFFFF80  }
0x61: {  	_ =	swait.ge [sflag:s23], $0x80  }
0x62: {  	s24 =	sadd.s32 $0x1, s24;
	[sflag:s23] =	ssyncset.done $0x0  }
0x63: {  	p0 =	sne.s32 s24, s10;
	[sflag:s23] =	ssyncadd.s32 $0xFFFFFF80  }
.Ltmp1:
0x64: {  	[bflag:$0x0] =	sbarrier.arrive $0xFFFF;
	(pc) =	sbr.rel @p0 .LBB2_1-.Ltmp1, $4  }
0x65: {  	[hbm:s9], [sflag:s13] =	dma.local [spmem:s14], $0x2780  }
0x66: {  	_ =	swait.ge [sflag:s12], $0x2780  }
0x67: {  	[sflag:s12] =	ssyncset.done $0x0  }
0x68: {  	[sflag:s12] =	ssyncadd.s32 $0xFFFFD880  }
0x69: {  	_ =	sfence.sel $0x180000  }
0x6a: {  	[bflag:$0x0] =	sbarrier.arrive $0xFFFF  }
0x6b: {  	p0 =	sne.s32 s2, $0x0;
	_ =	strace $0x90000062  }
0x6c: {  	s0 =	sadd.s32 @!p0 $0x100000, s1;
	[bflag:$0x2] =	sbarrier.arrive $0xFFFF  }
0x6d: {  	[sflag:s0] =	ssyncadd.tile.s32 @!p0 $0x1;
	_ =	shalt  }
.Lfunc_end2:
_tile_overlayer_lowered:
.L_overlay_start_2:
0x6e: {  	(tag) =	ssettag $0x2  }
0x6f: {  	s0 =	rddreg [dreg:$0x0];
	s2 =	stileid.u32  }
0x70: {  	s1 =	rddreg [dreg:$0x1];
	p0 =	sne.s32 s2, $0x0  }
0x71: {  	s3 =	rddreg [dreg:$0x2];
	[bflag:$0x3] =	sbarrier.arrive $0xFFFF;
	s2 =	simm.s32 @!p0 $0x1C05  }
0x72: {  	[timem:s3], [sflag:s2] =	dma.local @!p0 [hbm:s0], s1  }
0x73: {  	s0 =	simm.s32 @!p0 $0x5  }
0x74: {  	_ =	swait.ge @!p0 [sflag:s0], s1  }
0x75: {  	s1 =	ssub.s32 @!p0 $0x0, s1;
	[sflag:s0] =	ssyncset.done @!p0 $0x0  }
0x76: {  	[sflag:s0] =	ssyncadd.s32 @!p0 s1  }
0x77: {  	[bflag:$0x3] =	sbarrier.arrive $0xFFFF  }
0x78: {  	_ =	shalt  }

// kernel: kernel.60.cloned.1.call-start
scs
__scs_entry_jumppad:
0x0: {  	(pc) =	sbr.rel $0x88, $3  }
0x1: {  	(tag) =	ssettag $0x0;
	lr =	simm.s32 $0x1  }
0x2: {  	[smem:$0x3F84] =	sst lr;
	_ =	strace $0xD0000000  }
0x3: {  	_ = 	snop  }
0x4: {  	_ = 	snop  }
0x5: {  	_ = 	snop  }
0x6: {  	_ = 	snop  }
0x7: {  	_ = 	snop  }
__scs_overlays_trampoline_lowered:
0x8: {  	[smem:$0x3F93] =	sst s0  }
0x9: {  	[smem:$0x3F94] =	sst s1  }
0xa: {  	[smem:$0x3F95] =	sst s2  }
0xb: {  	[smem:$0x3F96] =	sst s3  }
0xc: {  	[smem:$0x3F97] =	sst s4  }
0xd: {  	[smem:$0x3F98] =	sst s5  }
0xe: {  	[smem:$0x3F99] =	sst s6  }
0xf: {  	[smem:$0x3F9A] =	sst s7  }
0x10: {  	[smem:$0x3F9B] =	sst s8  }
0x11: {  	[smem:$0x3F9C] =	sst s9;
	s0 =	simm.s32 @!p0 $0x0  }
0x12: {  	s1 =	sld [smem:$0x3F82];
	s0 =	simm.s32 @p0 $0x1  }
0x13: {  	[smem:$0x3F9D] =	sst s0;
	s0 =	simm.s32 @!p1 $0x0  }
0x14: {  	s2 =	sld [smem:$0x3F81];
	s0 =	simm.s32 @p1 $0x1  }
0x15: {  	[smem:$0x3F9E] =	sst s0;
	s0 =	simm.s32 @!p2 $0x0  }
0x16: {  	s3 =	sld [smem:$0x3FDB];
	s0 =	simm.s32 @p2 $0x1  }
0x17: {  	s4 =	simm.s32 $0x1BF5;
	[smem:$0x3FA0] =	sst s0  }
0x18: {  	s0 =	sld [smem:$0x3F83];
	_ =	swait.ge [sflag:s4], $0x0  }
0x19: {  	s7 =	sld [smem:$0x3F84]  }
0x1a: {  	s8 =	sadd.s32 $0xFFFFE003, lr  }
0x1b: {  	s9 =	sadd.s32 $0xFFFFFEF7, lr;
	s5 =	simm.s32 $0xFFFFFFFF;
	p2 =	slt.u32 s8, $0xFFFFF086  }
0x1c: {  	p1 =	slt.u32 s9, $0xF7A;
	s5 =	simm.s32 @!p2 $0x0  }
0x1d: {  	s5 =	simm.s32 @p1 $0x1;
	p0 =	seq.s32 s7, s2  }
0x1e: {  	s7 =	smul.u32 @!p0 $0xF7A, s2;
	p2 =	seq.s32 @!p0 s5, $0x0  }
0x1f: {  	s9 =	smul.u32 $0xF7A, s1;
	s8 =	simm.s32 @!p0 $0x1BF5;
	p2 =	por !p2, p0  }
0x20: {  	[sflag:s8] =	ssyncset.s32 @!p0 $0xFFFFF086;
	s6 =	sadd.s32 @!p0 s3, s7;
	s7 =	simm.s32 @!p0 $0x108  }
0x21: {  	s3 =	sadd.s32 s3, s9;
	s6 =	sadd.s32 @!p0 $0x88, s6;
	s7 =	simm.s32 @p2 $0x1082  }
0x22: {  	[simem:s7], [sflag:s8] =	dma.local @!p0 [hbm:s6], $0xF7A  }
0x23: {  	s9 =	sor.u32 $0xD0000000, s2;
	s6 =	simm.s32 $0x108;
	_ =	swait.ge @!p0 [sflag:s8], $0x0  }
0x24: {  	s3 =	sadd.s32 $0x88, s3;
	s6 =	simm.s32 @!p1 $0x1082;
	[sflag:s4] =	ssyncset.s32 $0xFFFFF086  }
0x25: {  	[simem:s6], [sflag:s4] =	dma.local [hbm:s3], $0xF7A  }
0x26: {  	[smem:$0x3F84] =	sst s1;
	(tag) =	ssettag s2;
	_ =	strace s9  }
0x27: {  	s1 =	sld [smem:$0x3F94]  }
0x28: {  	s2 =	sld [smem:$0x3F95]  }
0x29: {  	s4 =	sld [smem:$0x3F97]  }
0x2a: {  	p0 =	seq.s32 s5, $0x0;
	s5 =	sld [smem:$0x3F98]  }
0x2b: {  	s6 =	sld [smem:$0x3F99]  }
0x2c: {  	s7 =	sld [smem:$0x3F9A]  }
0x2d: {  	s3 =	simm.s32 $0x108;
	s8 =	sld [smem:$0x3F9B]  }
0x2e: {  	s3 =	simm.s32 @!p0 $0x1082;
	s9 =	sld [smem:$0x3F9C]  }
0x2f: {  	lr =	sadd.s32 s0, s3;
	s0 =	sld [smem:$0x3F93]  }
0x30: {  	s3 =	sld [smem:$0x3F96]  }
0x31: {  	[smem:$0x3F9F] =	sst s10  }
0x32: {  	s10 =	sld [smem:$0x3F9D];
	_ =	sdelay $0x3  }
0x33: {  	p0 =	seq.s32 s10, $0x1;
	s10 =	sld [smem:$0x3F9F];
	_ =	sdelay $0x3  }
0x34: {  	[smem:$0x3F9F] =	sst s10  }
0x35: {  	s10 =	sld [smem:$0x3F9E];
	_ =	sdelay $0x3  }
0x36: {  	p1 =	seq.s32 s10, $0x1;
	s10 =	sld [smem:$0x3F9F];
	_ =	sdelay $0x3  }
0x37: {  	[smem:$0x3F9F] =	sst s10  }
0x38: {  	s10 =	sld [smem:$0x3FA0]  }
0x39: {  	_ = 	snop;
	(pc) =	sbr.ind lr, $3  }
0x3a: {  	_ = 	snop  }
0x3b: {  	_ = 	snop  }
0x3c: {  	p2 =	seq.s32 s10, $0x1;
	s10 =	sld [smem:$0x3F9F]  }
0x3d: {  	_ =	shalt  }
0x3e: {  	_ =	shalt  }
0x3f: {  	_ =	shalt  }
0x40: {  	_ =	shalt  }
0x41: {  	_ =	shalt  }
0x42: {  	_ =	shalt  }
0x43: {  	_ =	shalt  }
0x44: {  	_ =	shalt  }
0x45: {  	_ =	shalt  }
0x46: {  	_ =	shalt  }
0x47: {  	_ =	shalt  }
0x48: {  	_ =	shalt  }
0x49: {  	_ =	shalt  }
0x4a: {  	_ =	shalt  }
0x4b: {  	_ =	shalt  }
0x4c: {  	_ =	shalt  }
0x4d: {  	_ =	shalt  }
0x4e: {  	_ =	shalt  }
0x4f: {  	_ =	shalt  }
0x50: {  	_ =	shalt  }
0x51: {  	_ =	shalt  }
0x52: {  	_ =	shalt  }
0x53: {  	_ =	shalt  }
0x54: {  	_ =	shalt  }
0x55: {  	_ =	shalt  }
0x56: {  	_ =	shalt  }
0x57: {  	_ =	shalt  }
0x58: {  	_ =	shalt  }
0x59: {  	_ =	shalt  }
0x5a: {  	_ =	shalt  }
0x5b: {  	_ =	shalt  }
0x5c: {  	_ =	shalt  }
0x5d: {  	_ =	shalt  }
0x5e: {  	_ =	shalt  }
0x5f: {  	_ =	shalt  }
0x60: {  	_ =	shalt  }
0x61: {  	_ =	shalt  }
0x62: {  	_ =	shalt  }
0x63: {  	_ =	shalt  }
0x64: {  	_ =	shalt  }
0x65: {  	_ =	shalt  }
0x66: {  	_ =	shalt  }
0x67: {  	_ =	shalt  }
0x68: {  	_ =	shalt  }
0x69: {  	_ =	shalt  }
0x6a: {  	_ =	shalt  }
0x6b: {  	_ =	shalt  }
0x6c: {  	_ =	shalt  }
0x6d: {  	_ =	shalt  }
0x6e: {  	_ =	shalt  }
0x6f: {  	_ =	shalt  }
0x70: {  	_ =	shalt  }
0x71: {  	_ =	shalt  }
0x72: {  	_ =	shalt  }
0x73: {  	_ =	shalt  }
0x74: {  	_ =	shalt  }
0x75: {  	_ =	shalt  }
0x76: {  	_ =	shalt  }
0x77: {  	_ =	shalt  }
0x78: {  	_ =	shalt  }
0x79: {  	_ =	shalt  }
0x7a: {  	_ =	shalt  }
0x7b: {  	_ =	shalt  }
0x7c: {  	_ =	shalt  }
0x7d: {  	_ =	shalt  }
0x7e: {  	_ =	shalt  }
0x7f: {  	_ =	shalt  }
0x80: {  	_ =	shalt  }
0x81: {  	_ =	shalt  }
0x82: {  	_ =	shalt  }
0x83: {  	_ =	shalt  }
0x84: {  	_ =	shalt  }
0x85: {  	_ =	shalt  }
0x86: {  	_ =	shalt  }
0x87: {  	_ =	shalt  }
.Lfunc_end0:
.L_simem_size_0:
called_computation.10_lowered:
.L_overlay_start_0:
0x88: {  	s2 =	sld [smem:$0x3FD9]  }
0x89: {  	s3 =	sld [smem:$0x3FFE];
	_ =	sdelay $0x1  }
0x8a: {  	s1 =	srdreg.scid  }
0x8b: {  	s0 =	sand.u32 $0x1, s1  }
0x8c: {  	s15 =	sshll.u32 s0, $0xA;
	s2 =	sadd.s32 s3, s2  }
0x8d: {  	s2 =	sadd.s32 s2, s15  }
0x8e: {  	[smem:$0x3FAB] =	sst s2  }
0x8f: {  	_ = 	snop  }
0x90: {  	s16 =	sld [smem:$0x3FD0];
	_ =	sdelay $0x2  }
0x91: {  	s5 =	simm.s32 $0xD;
	s4 =	simm.s32 $0x10;
	s2 =	sld [smem:$0x3FC5]  }
0x92: {  	[smem:s4], [sflag:s5] =	dma.local [hbm:s16], $0x1  }
0x93: {  	_ =	swait.eq [sflag:s5], $0x1  }
0x94: {  	[sflag:s5] =	ssyncset.done $0x0  }
0x95: {  	s17 =	sld [smem:$0x10];
	[sflag:s5] =	ssyncadd.s32 $0xFFFFFFFF  }
0x96: {  	s18 =	sld [smem:$0x11];
	(tm) =	ssettm $0x1  }
0x97: {  	s19 =	sld [smem:$0x3FFB];
	_ =	sdelay $0x3  }
0x98: {  	_ =	strace s19  }
0x99: {  	s3 =	sld [smem:$0x3FFC];
	_ =	sdelay $0x3  }
0x9a: {  	_ =	strace s3  }
0x9b: {  	s3 =	sld [smem:$0x3FFD];
	_ =	sdelay $0x3  }
0x9c: {  	_ =	strace s3  }
0x9d: {  	_ =	strace $0x8FFFFFFF  }
0x9e: {  	s20 =	sld [smem:$0x3FDB];
	_ =	sdelay $0x1  }
0x9f: {  	s6 =	simm.s32 $_scs_section_size  }
0xa0: {  	s7 =	simm.s32 $_size__tile_overlayer_lowered;
	s8 =	simm.s32 $_tile_overlayer_lowered  }
0xa1: {  	s9 =	simm.s32 $0x1BFF;
	s21 =	sshll.u32 s8, $0x1;
	s6 =	sadd.s32 s6, s20  }
0xa2: {  	s22 =	simm.s32 $0x0;
	s7 =	sshll.u32 s7, $0x1;
	s8 =	sadd.s32 s21, s6  }
0xa3: {  	[timem:s22], [sflag:s9] =	dma.local [hbm:s8], s7  }
0xa4: {  	_ =	swait.ge [sflag:s9], s7  }
0xa5: {  	s7 =	ssub.s32 $0x0, s7;
	[sflag:s9] =	ssyncset.done $0x0  }
0xa6: {  	[sflag:s9] =	ssyncadd.s32 s7;
	_ =	sdelay $0x1  }
0xa7: {  	s23 =	simm.s32 $0x1B8B  }
0xa8: {  	_ =	swait.ge [sflag:s23], $0x1  }
0xa9: {  	[sflag:s23] =	ssyncset.done $0x0  }
0xaa: {  	[sflag:s23] =	ssyncadd.s32 $0xFFFFFFFF  }
0xab: {  	s7 =	sld [smem:$0x0]  }
0xac: {  	s8 =	sand.u32 $0xFFFFFFFE, s1  }
0xad: {  	p0 =	sne.s32 s1, s8  }
0xae: {  	s8 =	sshll.u32 @p0 s8, $0xE  }
0xaf: {  	s8 =	sadd.s32 @p0 $0x11B8D, s8;
	s9 =	sshll.u32 @p0 s7, $0x11  }
0xb0: {  	s8 =	sor.u32 @p0 s9, s8  }
0xb1: {  	[sflag:s8] =	ssyncadd.remote.s32 @p0 $0x1;
	_ =	sdelay $0x1  }
0xb2: {  	s8 =	simm.s32 @p0 $0x1B8D  }
0xb3: {  	_ =	swait.eq @p0 [sflag:s8], $0x1  }
0xb4: {  	[sflag:s8] =	ssyncadd.s32 @p0 $0xFFFFFFFF  }
0xb5: {  	s9 =	sshll.u32 @!p0 s1, $0xE  }
0xb6: {  	s9 =	sor.u32 @!p0 $0x4000, s9;
	s8 =	simm.s32 @!p0 $0x1B8D  }
0xb7: {  	s7 =	sshll.u32 @!p0 s7, $0x11;
	s9 =	sadd.s32 @!p0 $0x11B8D, s9;
	_ =	swait.eq @!p0 [sflag:s8], $0x1  }
0xb8: {  	s7 =	sor.u32 @!p0 s7, s9;
	[sflag:s8] =	ssyncadd.s32 @!p0 $0xFFFFFFFF  }
0xb9: {  	s25 =	simm.s32 $0x1B8E;
	s24 =	sld [smem:$0x3FFE];
	[sflag:s7] =	ssyncadd.remote.s32 @!p0 $0x1  }
0xba: {  	s26 =	simm.s32 $execute0_lowered;
	[smem:$0x3FD2] =	sst s25  }
0xbb: {  	s8 =	sshll.u32 s26, $0x1;
	_ =	strace $0x8000005E;
	[dreg:$0x1] =	wrdreg $0xFFFFFFFF  }
0xbc: {  	s28 =	simm.s32 $_size_execute0_lowered;
	s6 =	sadd.s32 s6, s8;
	[dreg:$0x0] =	wrdreg $0x0  }
0xbd: {  	s8 =	sshll.u32 s28, $0x1;
	[dreg:$0x2] =	wrdreg s6  }
0xbe: {  	[dreg:$0x3] =	wrdreg s8  }
0xbf: {  	[dreg:$0x4] =	wrdreg $0xC0  }
0xc0: {  	_ =	task [dreg:s22], $0x5FFFF  }
0xc1: {  	[dreg:$0x1] =	wrdreg $0xFFFFFFFF  }
0xc2: {  	[dreg:$0x0] =	wrdreg $0x60  }
0xc3: {  	[dreg:$0x2] =	wrdreg s17  }
0xc4: {  	[dreg:$0x3] =	wrdreg s18  }
0xc5: {  	[dreg:$0x4] =	wrdreg s2  }
0xc6: {  	[dreg:$0x5] =	wrdreg s24  }
0xc7: {  	[dreg:$0x6] =	wrdreg $0x9  }
0xc8: {  	_ =	task.clear_ibuf [dreg:s22], $0x7FFFF;
	_ =	strace $0x9000005E  }
0xc9: {  	s29 =	simm.s32 $0x9;
	_ =	strace $0x80000060  }
0xca: {  	_ =	swait.ge [sflag:s29], $0x1  }
0xcb: {  	[sflag:s29] =	ssyncadd.s32 $0xFFFFFFFF  }
0xcc: {  	_ =	strace $0x90000060  }
0xcd: {  	_ =	sfence  }
0xce: {  	s30 =	sld [smem:$0x0];
	_ =	sdelay $0x2  }
0xcf: {  	s31 =	sshll.u32 s1, $0xD;
	s1 =	sshrl.u32 s1, $0x2  }
0xd0: {  	s4 =	sand.u32 $0x4000, s31;
	s1 =	sadd.s32 s1, s30  }
0xd1: {  	s0 =	sor.u32 s4, s0;
	s1 =	sshll.u32 s1, $0x11  }
0xd2: {  	s0 =	sor.u32 s1, s0  }
0xd3: {  	s0 =	sadd.s32 $0x8F2B, s0  }
0xd4: {  	[sflag:s0] =	ssyncadd.remote.s32 $0x1  }
0xd5: {  	_ =	sfence.sel $0xFFFF  }
0xd6: {  	[dreg:$0x0] =	wrdreg $0xFFFFFFFF;
	(pc) =	sbr.abs _section_cstart, $3  }
0xd7: {  	[dreg:$0x1] =	wrdreg $0xFFFFFFFF  }
0xd8: {  	_ =	task.clear_ibuf [dreg:s22], $0x2FFFF;
	_ =	strace $0x9FFFFFFF  }
0xd9: {  	(tm) =	ssettm $0x7FFFFFFF  }
tec
execute0_lowered:
.L_overlay_start_1:
0x0: {  	(tag) =	ssettag $0x1  }
0x1: {  	s1 =	rddreg [dreg:$0x0]  }
0x2: {  	s3 =	srdreg.scid;
	s2 =	rddreg [dreg:$0x1]  }
0x3: {  	s0 =	stileid.u32;
	s5 =	rddreg [dreg:$0x2]  }
0x4: {  	s7 =	rddreg [dreg:$0x3];
	s16 =	simm.s32 $0x80;
	s17 =	simm.s32 $0x900  }
0x5: {  	s18 =	simm.s32 $0x1100;
	s19 =	simm.s32 $0x1900;
	s20 =	simm.s32 $0x2100  }
0x6: {  	s22 =	simm.s32 $0x2900;
	s23 =	simm.s32 $0x3100;
	s3 =	sand.u32 $0x1, s3  }
0x7: {  	s24 =	simm.s32 $0x3900;
	s4 =	sshll.u32 s0, $0x8;
	s6 =	sshll.u32 s3, $0x7  }
0x8: {  	s25 =	simm.s32 $0x4100;
	s6 =	sor.u32 s6, s4;
	s4 =	simm.s32 $0x0  }
0x9: {  	s26 =	simm.s32 $0x4900;
	s10 =	simm.s32 $0x5900;
	[smem:$0x7FF] =	sst s4  }
0xa: {  	s11 =	simm.s32 $0x6100;
	_ =	strace $0x8000005F;
	[dreg:$0x8] =	wrdreg s16  }
0xb: {  	s12 =	simm.s32 $0x6900;
	s13 =	simm.s32 $0x7100;
	[dreg:$0x9] =	wrdreg s17  }
0xc: {  	s28 =	simm.s32 $0xD900;
	s29 =	simm.s32 $0xE100;
	[dreg:$0xa] =	wrdreg s18  }
0xd: {  	s30 =	simm.s32 $0xE900;
	s3 =	ssub.s32 $0x2, s3;
	[dreg:$0xb] =	wrdreg s19  }
0xe: {  	s31 =	simm.s32 $0xF100;
	s21 =	sshrl.u32 s3, $0x1;
	[dreg:$0xc] =	wrdreg s20  }
0xf: {  	s8 =	sshrl.u32 s6, $0x2;
	s6 =	sshll.u32 s6, $0x5;
	[dreg:$0xd] =	wrdreg s22  }
0x10: {  	s3 =	ssub.s32 s3, s21;
	s21 =	simm.s32 $0xA900;
	[dreg:$0xe] =	wrdreg s23  }
0x11: {  	s5 =	sadd.s32 s5, s8;
	s6 =	sadd.s32 s6, s7;
	[dreg:$0xf] =	wrdreg s24  }
0x12: {  	s7 =	simm.s32 $0x2;
	s8 =	simm.s32 $0x100;
	[dreg:$0x10] =	wrdreg s25  }
0x13: {  	[dreg:$0x11] =	wrdreg s26;
	s16 =	simm.s32 $0x8100;
	s17 =	simm.s32 $0x8900  }
0x14: {  	s18 =	simm.s32 $0x9100;
	s19 =	simm.s32 $0x9900;
	s20 =	simm.s32 $0xA100  }
0x15: {  	s22 =	simm.s32 $0xB100;
	s23 =	simm.s32 $0xB900;
	s14 =	sadd.s32 $0x10, s5  }
0x16: {  	s24 =	simm.s32 $0xC100;
	s15 =	sadd.s32 $0xBDA00, s6;
	[dreg:$0x5] =	wrdreg s14  }
0x17: {  	v2 =	vlaneseq.u32;
	s25 =	simm.s32 $0xC900;
	s6 =	sadd.s32 $0x90800, s6;
	[dreg:$0x6] =	wrdreg s15  }
0x18: {  	vm0 =	vmmov $0xffff;
	v1 =	vshrl.u32 v2, $0x3;
	s26 =	simm.s32 $0xD100;
	[dreg:$0x7] =	wrdreg s6;
	s6 =	smax.u32 s3, $0x1  }
0x19: {  	v0 =	vand.u32 $0x7, v2;
	v2 =	vor.u32 $0x8, v2;
	v1 =	vmul.u32 $0x8, v1;
	s14 =	simm.s32 $0x7900;
	s15 =	simm.s32 $0x1;
	s3 =	simm.s32 $0xF900  }
.LBB2_1:
0x1a: {  	[tilespmem:s4], [sflag:$0x2] =	stream.linear.gather [hbm4b:s5+s4], $0x80, $0x38;
	[tilespmem:$0x10100] =	vst v63  }
0x1b: {  	_ =	swait.ge [sflag:s7], $0x80  }
0x1c: {  	s0 =	rddreg [dreg:$0x5];
	[sflag:s7] =	ssyncset.done $0x0  }
0x1d: {  	s9 =	rddreg [dreg:$0x8];
	[sflag:s7] =	ssyncadd.s32 $0xFFFFFF80  }
0x1e: {  	[tilespmem:s9], [sflag:$0x2] =	stream.linear.gather [hbm4b:s0+s4], $0x80, $0x38;
	[tilespmem:$0x10100] =	vst v63  }
0x1f: {  	_ =	swait.ge [sflag:s7], $0x80  }
0x20: {  	[sflag:s7] =	ssyncset.done $0x0  }
0x21: {  	[sflag:s7] =	ssyncadd.s32 $0xFFFFFF80  }
0x22: {  	v3 =	vld [tilespmem:$0x0];
	_ =	sdelay $0x4  }
0x23: {  	v4 =	vshll.u32 v3, $0x1  }
0x24: {  	v3 =	vand.u32 $0x7, v3;
	v4 =	vand.u32 $0xFFFFFFF0, v4  }
0x25: {  	v3 =	vor.u32 v3, v4  }
0x26: {  	v4 =	vperm.xlane v3, v0;
	_ =	sdelay $0x1  }
0x27: {  	v3 =	vperm.xlane v3, v2;
	v4 =	vadd.s32 v1, v4;
	_ =	sdelay $0x1  }
0x28: {  	v3 =	vadd.s32 v1, v3;
	_ =	sdelay $0x2  }
0x29: {  	[tilespmem:s8], [sflag:$0x1] =	stream.indirect_vreg.gather [hbm4b:s1+s4], $0x80, v4, vm0, $0xb8;
	[tilespmem:$0x10100] =	vst v63  }
0x2a: {  	s9 =	rddreg [dreg:$0x9]  }
0x2b: {  	[tilespmem:s9], [sflag:$0x1] =	stream.indirect_vreg.gather [hbm4b:s1+s4], $0x80, v3, vm0, $0xb8;
	[tilespmem:$0x10100] =	vst v63  }
0x2c: {  	v3 =	vld [tilespmem:$0x10];
	_ =	sdelay $0x4  }
0x2d: {  	v49 =	vshll.u32 v3, $0x1  }
0x2e: {  	v3 =	vand.u32 $0x7, v3;
	v4 =	vand.u32 $0xFFFFFFF0, v49  }
0x2f: {  	v3 =	vor.u32 v3, v4  }
0x30: {  	v4 =	vperm.xlane v3, v0;
	_ =	sdelay $0x1  }
0x31: {  	v3 =	vperm.xlane v3, v2;
	v4 =	vadd.s32 v1, v4;
	_ =	sdelay $0x1  }
0x32: {  	v3 =	vadd.s32 v1, v3;
	_ =	sdelay $0x1  }
0x33: {  	s0 =	rddreg [dreg:$0xa]  }
0x34: {  	[tilespmem:s0], [sflag:$0x1] =	stream.indirect_vreg.gather [hbm4b:s1+s4], $0x80, v4, vm0, $0xb8;
	[tilespmem:$0x10100] =	vst v63  }
0x35: {  	s9 =	rddreg [dreg:$0xb]  }
0x36: {  	[tilespmem:s9], [sflag:$0x1] =	stream.indirect_vreg.gather [hbm4b:s1+s4], $0x80, v3, vm0, $0xb8;
	[tilespmem:$0x10100] =	vst v63  }
0x37: {  	v3 =	vld [tilespmem:$0x20];
	_ =	sdelay $0x4  }
0x38: {  	v50 =	vshll.u32 v3, $0x1  }
0x39: {  	v3 =	vand.u32 $0x7, v3;
	v4 =	vand.u32 $0xFFFFFFF0, v50  }
0x3a: {  	v3 =	vor.u32 v3, v4  }
0x3b: {  	v4 =	vperm.xlane v3, v0;
	_ =	sdelay $0x1  }
0x3c: {  	v3 =	vperm.xlane v3, v2;
	v4 =	vadd.s32 v1, v4;
	_ =	sdelay $0x1  }
0x3d: {  	v3 =	vadd.s32 v1, v3;
	_ =	sdelay $0x1  }
0x3e: {  	s0 =	rddreg [dreg:$0xc]  }
0x3f: {  	[tilespmem:s0], [sflag:$0x1] =	stream.indirect_vreg.gather [hbm4b:s1+s4], $0x80, v4, vm0, $0xb8;
	[tilespmem:$0x10100] =	vst v63  }
0x40: {  	s9 =	rddreg [dreg:$0xd]  }
0x41: {  	[tilespmem:s9], [sflag:$0x1] =	stream.indirect_vreg.gather [hbm4b:s1+s4], $0x80, v3, vm0, $0xb8;
	[tilespmem:$0x10100] =	vst v63  }
0x42: {  	v3 =	vld [tilespmem:$0x30];
	_ =	sdelay $0x4  }
0x43: {  	v51 =	vshll.u32 v3, $0x1  }
0x44: {  	v3 =	vand.u32 $0x7, v3;
	v4 =	vand.u32 $0xFFFFFFF0, v51  }
0x45: {  	v3 =	vor.u32 v3, v4  }
0x46: {  	v4 =	vperm.xlane v3, v0;
	_ =	sdelay $0x1  }
0x47: {  	v3 =	vperm.xlane v3, v2;
	v4 =	vadd.s32 v1, v4;
	_ =	sdelay $0x1  }
0x48: {  	v3 =	vadd.s32 v1, v3;
	_ =	sdelay $0x1  }
0x49: {  	s0 =	rddreg [dreg:$0xe]  }
0x4a: {  	[tilespmem:s0], [sflag:$0x1] =	stream.indirect_vreg.gather [hbm4b:s1+s4], $0x80, v4, vm0, $0xb8;
	[tilespmem:$0x10100] =	vst v63  }
0x4b: {  	s9 =	rddreg [dreg:$0xf]  }
0x4c: {  	[tilespmem:s9], [sflag:$0x1] =	stream.indirect_vreg.gather [hbm4b:s1+s4], $0x80, v3, vm0, $0xb8;
	[tilespmem:$0x10100] =	vst v63  }
0x4d: {  	v3 =	vld [tilespmem:$0x40];
	_ =	sdelay $0x4  }
0x4e: {  	v52 =	vshll.u32 v3, $0x1  }
0x4f: {  	v3 =	vand.u32 $0x7, v3;
	v4 =	vand.u32 $0xFFFFFFF0, v52  }
0x50: {  	v3 =	vor.u32 v3, v4  }
0x51: {  	v4 =	vperm.xlane v3, v0;
	_ =	sdelay $0x1  }
0x52: {  	v3 =	vperm.xlane v3, v2;
	v4 =	vadd.s32 v1, v4;
	_ =	sdelay $0x1  }
0x53: {  	v3 =	vadd.s32 v1, v3;
	_ =	sdelay $0x1  }
0x54: {  	s0 =	rddreg [dreg:$0x10]  }
0x55: {  	[tilespmem:s0], [sflag:$0x1] =	stream.indirect_vreg.gather [hbm4b:s1+s4], $0x80, v4, vm0, $0xb8;
	[tilespmem:$0x10100] =	vst v63  }
0x56: {  	s9 =	rddreg [dreg:$0x11]  }
0x57: {  	[tilespmem:s9], [sflag:$0x1] =	stream.indirect_vreg.gather [hbm4b:s1+s4], $0x80, v3, vm0, $0xb8;
	[tilespmem:$0x10100] =	vst v63  }
0x58: {  	v3 =	vld [tilespmem:$0x50];
	_ =	sdelay $0x4  }
0x59: {  	v53 =	vshll.u32 v3, $0x1  }
0x5a: {  	v3 =	vand.u32 $0x7, v3;
	v4 =	vand.u32 $0xFFFFFFF0, v53  }
0x5b: {  	v3 =	vor.u32 v3, v4  }
0x5c: {  	v4 =	vperm.xlane v3, v0;
	_ =	sdelay $0x1  }
0x5d: {  	v3 =	vperm.xlane v3, v2;
	v4 =	vadd.s32 v1, v4;
	_ =	sdelay $0x1  }
0x5e: {  	v3 =	vadd.s32 v1, v3;
	_ =	sdelay $0x1  }
0x5f: {  	s9 =	simm.s32 $0x5100  }
0x60: {  	[tilespmem:s9], [sflag:$0x1] =	stream.indirect_vreg.gather [hbm4b:s1+s4], $0x80, v4, vm0, $0xb8;
	[tilespmem:$0x10100] =	vst v63  }
0x61: {  	_ = 	snop  }
0x62: {  	[tilespmem:s10], [sflag:$0x1] =	stream.indirect_vreg.gather [hbm4b:s1+s4], $0x80, v3, vm0, $0xb8;
	[tilespmem:$0x10100] =	vst v63  }
0x63: {  	v3 =	vld [tilespmem:$0x60];
	_ =	sdelay $0x4  }
0x64: {  	v54 =	vshll.u32 v3, $0x1  }
0x65: {  	v3 =	vand.u32 $0x7, v3;
	v4 =	vand.u32 $0xFFFFFFF0, v54  }
0x66: {  	v3 =	vor.u32 v3, v4  }
0x67: {  	v4 =	vperm.xlane v3, v0;
	_ =	sdelay $0x1  }
0x68: {  	v3 =	vperm.xlane v3, v2;
	v4 =	vadd.s32 v1, v4;
	_ =	sdelay $0x1  }
0x69: {  	v3 =	vadd.s32 v1, v3;
	_ =	sdelay $0x2  }
0x6a: {  	[tilespmem:s11], [sflag:$0x1] =	stream.indirect_vreg.gather [hbm4b:s1+s4], $0x80, v4, vm0, $0xb8;
	[tilespmem:$0x10100] =	vst v63  }
0x6b: {  	_ = 	snop  }
0x6c: {  	[tilespmem:s12], [sflag:$0x1] =	stream.indirect_vreg.gather [hbm4b:s1+s4], $0x80, v3, vm0, $0xb8;
	[tilespmem:$0x10100] =	vst v63  }
0x6d: {  	v3 =	vld [tilespmem:$0x70];
	_ =	sdelay $0x4  }
0x6e: {  	v55 =	vshll.u32 v3, $0x1  }
0x6f: {  	v3 =	vand.u32 $0x7, v3;
	v4 =	vand.u32 $0xFFFFFFF0, v55  }
0x70: {  	v3 =	vor.u32 v3, v4  }
0x71: {  	v4 =	vperm.xlane v3, v0;
	_ =	sdelay $0x1  }
0x72: {  	v3 =	vperm.xlane v3, v2;
	v4 =	vadd.s32 v1, v4;
	_ =	sdelay $0x1  }
0x73: {  	v3 =	vadd.s32 v1, v3;
	_ =	sdelay $0x2  }
0x74: {  	[tilespmem:s13], [sflag:$0x1] =	stream.indirect_vreg.gather [hbm4b:s1+s4], $0x80, v4, vm0, $0xb8;
	[tilespmem:$0x10100] =	vst v63  }
0x75: {  	_ = 	snop  }
0x76: {  	[tilespmem:s14], [sflag:$0x1] =	stream.indirect_vreg.gather [hbm4b:s1+s4], $0x80, v3, vm0, $0xb8;
	[tilespmem:$0x10100] =	vst v63  }
0x77: {  	_ =	swait.ge [sflag:s15], $0x8000  }
0x78: {  	[sflag:s15] =	ssyncset.done $0x0  }
0x79: {  	[sflag:s15] =	ssyncadd.s32 $0xFFFF8000  }
0x7a: {  	v3 =	vld [tilespmem:$0x80];
	_ =	sdelay $0x4  }
0x7b: {  	v56 =	vshll.u32 v3, $0x1  }
0x7c: {  	v3 =	vand.u32 $0x7, v3;
	v4 =	vand.u32 $0xFFFFFFF0, v56  }
0x7d: {  	v3 =	vor.u32 v3, v4  }
0x7e: {  	v4 =	vperm.xlane v3, v0;
	_ =	sdelay $0x1  }
0x7f: {  	v3 =	vperm.xlane v3, v2;
	v4 =	vadd.s32 v1, v4;
	_ =	sdelay $0x1  }
0x80: {  	v3 =	vadd.s32 v1, v3;
	_ =	sdelay $0x2  }
0x81: {  	[tilespmem:s16], [sflag:$0x1] =	stream.indirect_vreg.gather [hbm4b:s2+s4], $0x80, v4, vm0, $0xb8;
	[tilespmem:$0x10100] =	vst v63  }
0x82: {  	_ = 	snop  }
0x83: {  	[tilespmem:s17], [sflag:$0x1] =	stream.indirect_vreg.gather [hbm4b:s2+s4], $0x80, v3, vm0, $0xb8;
	[tilespmem:$0x10100] =	vst v63  }
0x84: {  	v3 =	vld [tilespmem:$0x90];
	_ =	sdelay $0x4  }
0x85: {  	v57 =	vshll.u32 v3, $0x1  }
0x86: {  	v3 =	vand.u32 $0x7, v3;
	v4 =	vand.u32 $0xFFFFFFF0, v57  }
0x87: {  	v3 =	vor.u32 v3, v4  }
0x88: {  	v4 =	vperm.xlane v3, v0;
	_ =	sdelay $0x1  }
0x89: {  	v3 =	vperm.xlane v3, v2;
	v4 =	vadd.s32 v1, v4;
	_ =	sdelay $0x1  }
0x8a: {  	v3 =	vadd.s32 v1, v3;
	_ =	sdelay $0x2  }
0x8b: {  	[tilespmem:s18], [sflag:$0x1] =	stream.indirect_vreg.gather [hbm4b:s2+s4], $0x80, v4, vm0, $0xb8;
	[tilespmem:$0x10100] =	vst v63  }
0x8c: {  	_ = 	snop  }
0x8d: {  	[tilespmem:s19], [sflag:$0x1] =	stream.indirect_vreg.gather [hbm4b:s2+s4], $0x80, v3, vm0, $0xb8;
	[tilespmem:$0x10100] =	vst v63  }
0x8e: {  	v3 =	vld [tilespmem:$0xA0];
	_ =	sdelay $0x4  }
0x8f: {  	v58 =	vshll.u32 v3, $0x1  }
0x90: {  	v3 =	vand.u32 $0x7, v3;
	v4 =	vand.u32 $0xFFFFFFF0, v58  }
0x91: {  	v3 =	vor.u32 v3, v4  }
0x92: {  	v4 =	vperm.xlane v3, v0;
	_ =	sdelay $0x1  }
0x93: {  	v3 =	vperm.xlane v3, v2;
	v4 =	vadd.s32 v1, v4;
	_ =	sdelay $0x1  }
0x94: {  	v3 =	vadd.s32 v1, v3;
	_ =	sdelay $0x2  }
0x95: {  	[tilespmem:s20], [sflag:$0x1] =	stream.indirect_vreg.gather [hbm4b:s2+s4], $0x80, v4, vm0, $0xb8;
	[tilespmem:$0x10100] =	vst v63  }
0x96: {  	_ = 	snop  }
0x97: {  	[tilespmem:s21], [sflag:$0x1] =	stream.indirect_vreg.gather [hbm4b:s2+s4], $0x80, v3, vm0, $0xb8;
	[tilespmem:$0x10100] =	vst v63  }
0x98: {  	v3 =	vld [tilespmem:$0xB0];
	_ =	sdelay $0x4  }
0x99: {  	v59 =	vshll.u32 v3, $0x1  }
0x9a: {  	v3 =	vand.u32 $0x7, v3;
	v4 =	vand.u32 $0xFFFFFFF0, v59  }
0x9b: {  	v3 =	vor.u32 v3, v4  }
0x9c: {  	v4 =	vperm.xlane v3, v0;
	_ =	sdelay $0x1  }
0x9d: {  	v3 =	vperm.xlane v3, v2;
	v4 =	vadd.s32 v1, v4;
	_ =	sdelay $0x1  }
0x9e: {  	v3 =	vadd.s32 v1, v3;
	_ =	sdelay $0x2  }
0x9f: {  	[tilespmem:s22], [sflag:$0x1] =	stream.indirect_vreg.gather [hbm4b:s2+s4], $0x80, v4, vm0, $0xb8;
	[tilespmem:$0x10100] =	vst v63  }
0xa0: {  	_ = 	snop  }
0xa1: {  	[tilespmem:s23], [sflag:$0x1] =	stream.indirect_vreg.gather [hbm4b:s2+s4], $0x80, v3, vm0, $0xb8;
	[tilespmem:$0x10100] =	vst v63  }
0xa2: {  	v3 =	vld [tilespmem:$0xC0];
	_ =	sdelay $0x4  }
0xa3: {  	v60 =	vshll.u32 v3, $0x1  }
0xa4: {  	v3 =	vand.u32 $0x7, v3;
	v4 =	vand.u32 $0xFFFFFFF0, v60  }
0xa5: {  	v3 =	vor.u32 v3, v4  }
0xa6: {  	v4 =	vperm.xlane v3, v0;
	_ =	sdelay $0x1  }
0xa7: {  	v3 =	vperm.xlane v3, v2;
	v4 =	vadd.s32 v1, v4;
	_ =	sdelay $0x1  }
0xa8: {  	v3 =	vadd.s32 v1, v3;
	_ =	sdelay $0x2  }
0xa9: {  	[tilespmem:s24], [sflag:$0x1] =	stream.indirect_vreg.gather [hbm4b:s2+s4], $0x80, v4, vm0, $0xb8;
	[tilespmem:$0x10100] =	vst v63  }
0xaa: {  	_ = 	snop  }
0xab: {  	[tilespmem:s25], [sflag:$0x1] =	stream.indirect_vreg.gather [hbm4b:s2+s4], $0x80, v3, vm0, $0xb8;
	[tilespmem:$0x10100] =	vst v63  }
0xac: {  	v3 =	vld [tilespmem:$0xD0];
	_ =	sdelay $0x4  }
0xad: {  	v61 =	vshll.u32 v3, $0x1  }
0xae: {  	v3 =	vand.u32 $0x7, v3;
	v4 =	vand.u32 $0xFFFFFFF0, v61  }
0xaf: {  	v3 =	vor.u32 v3, v4  }
0xb0: {  	v4 =	vperm.xlane v3, v0;
	_ =	sdelay $0x1  }
0xb1: {  	v3 =	vperm.xlane v3, v2;
	v4 =	vadd.s32 v1, v4;
	_ =	sdelay $0x1  }
0xb2: {  	v3 =	vadd.s32 v1, v3;
	_ =	sdelay $0x2  }
0xb3: {  	[tilespmem:s26], [sflag:$0x1] =	stream.indirect_vreg.gather [hbm4b:s2+s4], $0x80, v4, vm0, $0xb8;
	[tilespmem:$0x10100] =	vst v63  }
0xb4: {  	_ = 	snop  }
0xb5: {  	[tilespmem:s28], [sflag:$0x1] =	stream.indirect_vreg.gather [hbm4b:s2+s4], $0x80, v3, vm0, $0xb8;
	[tilespmem:$0x10100] =	vst v63  }
0xb6: {  	v3 =	vld [tilespmem:$0xE0];
	_ =	sdelay $0x4  }
0xb7: {  	v62 =	vshll.u32 v3, $0x1  }
0xb8: {  	v3 =	vand.u32 $0x7, v3;
	v4 =	vand.u32 $0xFFFFFFF0, v62  }
0xb9: {  	v3 =	vor.u32 v3, v4  }
0xba: {  	v4 =	vperm.xlane v3, v0;
	_ =	sdelay $0x1  }
0xbb: {  	v3 =	vperm.xlane v3, v2;
	v4 =	vadd.s32 v1, v4;
	_ =	sdelay $0x1  }
0xbc: {  	v3 =	vadd.s32 v1, v3;
	_ =	sdelay $0x2  }
0xbd: {  	[tilespmem:s29], [sflag:$0x1] =	stream.indirect_vreg.gather [hbm4b:s2+s4], $0x80, v4, vm0, $0xb8;
	[tilespmem:$0x10100] =	vst v63  }
0xbe: {  	_ = 	snop  }
0xbf: {  	[tilespmem:s30], [sflag:$0x1] =	stream.indirect_vreg.gather [hbm4b:s2+s4], $0x80, v3, vm0, $0xb8;
	[tilespmem:$0x10100] =	vst v63  }
0xc0: {  	v3 =	vld [tilespmem:$0xF0];
	_ =	sdelay $0x4  }
0xc1: {  	v63 =	vshll.u32 v3, $0x1  }
0xc2: {  	v3 =	vand.u32 $0x7, v3;
	v4 =	vand.u32 $0xFFFFFFF0, v63  }
0xc3: {  	v3 =	vor.u32 v3, v4  }
0xc4: {  	v4 =	vperm.xlane v3, v0;
	_ =	sdelay $0x1  }
0xc5: {  	v3 =	vperm.xlane v3, v2;
	v4 =	vadd.s32 v1, v4;
	_ =	sdelay $0x1  }
0xc6: {  	v3 =	vadd.s32 v1, v3;
	_ =	sdelay $0x2  }
0xc7: {  	[tilespmem:s31], [sflag:$0x1] =	stream.indirect_vreg.gather [hbm4b:s2+s4], $0x80, v4, vm0, $0xb8;
	[tilespmem:$0x10100] =	vst v63  }
0xc8: {  	_ = 	snop  }
0xc9: {  	[tilespmem:s3], [sflag:$0x1] =	stream.indirect_vreg.gather [hbm4b:s2+s4], $0x80, v3, vm0, $0xb8;
	[tilespmem:$0x10100] =	vst v63  }
0xca: {  	_ =	swait.ge [sflag:s15], $0x8000  }
0xcb: {  	[sflag:s15] =	ssyncset.done $0x0  }
0xcc: {  	s9 =	rddreg [dreg:$0x6];
	[sflag:s15] =	ssyncadd.s32 $0xFFFF8000  }
0xcd: {  	[hbm4b:s9+s4] =	stream.linear.scatter [tilespmem:s8], [sflag:$0x2], $0x8000, $0x38;
	[tilespmem:$0x10100] =	vst v63  }
0xce: {  	_ =	swait.ge [sflag:s7], $0x8000  }
0xcf: {  	p0 =	sne.s32 s6, $0x1;
	[sflag:s7] =	ssyncset.done $0x0  }
.Ltmp0:
0xd0: {  	s9 =	rddreg [dreg:$0x7];
	[sflag:s7] =	ssyncadd.s32 $0xFFFF8000;
	(pc) =	sbr.rel @p0 .LBB2_1-.Ltmp0, $4  }
0xd1: {  	[hbm4b:s9+s4] =	stream.linear.scatter [tilespmem:s16], [sflag:$0x2], $0x8000, $0x38;
	[tilespmem:$0x10100] =	vst v63  }
0xd2: {  	_ =	swait.ge [sflag:s7], $0x8000  }
0xd3: {  	[sflag:s7] =	ssyncset.done $0x0  }
0xd4: {  	s6 =	sadd.s32 $0xFFFFFFFF, s6;
	[sflag:s7] =	ssyncadd.s32 $0xFFFF8000  }
0xd5: {  	_ =	sfence.sel $0x180000  }
0xd6: {  	[bflag:$0x0] =	sbarrier.arrive $0xFFFF  }
0xd7: {  	_ =	strace $0x9000005F  }
0xd8: {  	s0 =	stileid.u32;
	[bflag:$0x2] =	sbarrier.arrive $0xFFFF  }
0xd9: {  	p0 =	sne.s32 s0, $0x0;
	s0 =	rddreg [dreg:$0x4]  }
0xda: {  	s0 =	sadd.s32 @!p0 $0x100000, s0  }
0xdb: {  	[sflag:s0] =	ssyncadd.tile.s32 @!p0 $0x1;
	_ =	shalt  }
.Lfunc_end2:
_tile_overlayer_lowered:
.L_overlay_start_2:
0xdc: {  	(tag) =	ssettag $0x2  }
0xdd: {  	s0 =	rddreg [dreg:$0x0];
	s2 =	stileid.u32  }
0xde: {  	s1 =	rddreg [dreg:$0x1];
	p0 =	sne.s32 s2, $0x0  }
0xdf: {  	s3 =	rddreg [dreg:$0x2];
	[bflag:$0x3] =	sbarrier.arrive $0xFFFF;
	s2 =	simm.s32 @!p0 $0x1C02  }
0xe0: {  	[timem:s3], [sflag:s2] =	dma.local @!p0 [hbm:s0], s1  }
0xe1: {  	s0 =	simm.s32 @!p0 $0x2  }
0xe2: {  	_ =	swait.ge @!p0 [sflag:s0], s1  }
0xe3: {  	s1 =	ssub.s32 @!p0 $0x0, s1;
	[sflag:s0] =	ssyncset.done @!p0 $0x0  }
0xe4: {  	[sflag:s0] =	ssyncadd.s32 @!p0 s1  }
0xe5: {  	[bflag:$0x3] =	sbarrier.arrive $0xFFFF  }
0xe6: {  	_ =	shalt  }

</sc_bundles>
